<compile_context>
chip_gen: v7x
topology: tpu7x:2x2x1
jax: 0.10.2.dev20260603
libtpu: 0.0.44.dev20260713+nightly
codegen_flags: <defaults>
</compile_context>

<pallas_src>
import functools

import jax
import jax.numpy as jnp
from jax import lax
from jax.experimental import pallas as pl
from jax.experimental.pallas import tpu as pltpu
from jax.experimental.pallas import tpu_sc as plsc

B = 64
N = 50000
E = 800000
D_F = 128
D_E = 16
D_G = 128
D_OUT = 128

NC = 2
NS = 16
NW = NC * NS

EW = 128 // D_E
EROWS = E // EW

S = 640
NODE_CHUNKS = -(-N // S)
EDGE_CHUNKS = -(-EROWS // S)
NODE_TAIL = N - (NODE_CHUNKS - 1) * S
EDGE_TAIL = EROWS - (EDGE_CHUNKS - 1) * S
NODE_PAD = NODE_CHUNKS * S
EDGE_PAD = EDGE_CHUNKS * S * EW
ACC_ROWS = B + 1

_mesh = plsc.VectorSubcoreMesh(
    core_axis_name="c", subcore_axis_name="s", num_cores=NC, num_subcores=NS
)


@functools.partial(
    pl.kernel,
    out_type=(
        jax.ShapeDtypeStruct((NW, B, D_F), jnp.float32),
        jax.ShapeDtypeStruct((NW, B, D_E), jnp.float32),
    ),
    mesh=_mesh,
    compiler_params=pltpu.CompilerParams(needs_layout_passes=False),
    scratch_types=[
        pltpu.VMEM((S, 128), jnp.float32),
        pltpu.VMEM((S,), jnp.int32),
        pltpu.VMEM((S * EW,), jnp.int32),
        pltpu.VMEM((ACC_ROWS, D_F), jnp.float32),
        pltpu.VMEM((ACC_ROWS, D_E), jnp.float32),
    ],
)
def _sc_segsum(
    node_hbm, nidx_hbm, edge_hbm, eidx_hbm,
    npart_hbm, epart_hbm,
    rows_v, nidx_v, eidx_v, nacc_v, eacc_v,
):
    cid = lax.axis_index("c")
    sid = lax.axis_index("s")
    wid = cid * NS + sid

    fzero = jnp.zeros((16,), jnp.float32)
    iota = lax.iota(jnp.int32, 16)

    def zrow(r, carry):
        for g in range(D_F // 16):
            nacc_v[r, pl.ds(g * 16, 16)] = fzero
        eacc_v[r, pl.ds(0, 16)] = fzero
        return carry

    lax.fori_loop(0, ACC_ROWS, zrow, 0)

    def bcast_lane(v, lane):
        return jnp.sum(jnp.where(iota == lane, v, 0))

    def node_group(t, carry):
        idxv = nidx_v[pl.ds(t * 16, 16)]
        lo = jnp.min(idxv)
        hi = jnp.max(idxv)

        @pl.when(lo == hi)
        def _():
            rowi = jnp.full((16,), lo, jnp.int32)
            for g in range(D_F // 16):
                vals = [rows_v[t * 16 + r, pl.ds(g * 16, 16)]
                        for r in range(16)]
                while len(vals) > 1:
                    vals = [vals[i] + vals[i + 1]
                            for i in range(0, len(vals) - 1, 2)] + (
                        [vals[-1]] if len(vals) % 2 else [])
                plsc.addupdate_scatter(nacc_v, [rowi, g * 16 + iota], vals[0])

        @pl.when(lo != hi)
        def _():
            for r in range(16):
                seg = bcast_lane(idxv, r)
                rowi = jnp.full((16,), seg, jnp.int32)
                for g in range(D_F // 16):
                    plsc.addupdate_scatter(
                        nacc_v, [rowi, g * 16 + iota],
                        rows_v[t * 16 + r, pl.ds(g * 16, 16)])

        return carry

    def edge_group(t, carry):
        idxv = eidx_v[pl.ds(t * 16, 16)]
        lo = jnp.min(idxv)
        hi = jnp.max(idxv)

        @pl.when(lo == hi)
        def _():
            vals = [rows_v[t * 2 + j // 8, pl.ds((j % 8) * 16, 16)]
                    for j in range(16)]
            while len(vals) > 1:
                vals = [vals[i] + vals[i + 1]
                        for i in range(0, len(vals) - 1, 2)] + (
                    [vals[-1]] if len(vals) % 2 else [])
            plsc.addupdate_scatter(
                eacc_v, [jnp.full((16,), lo, jnp.int32), iota], vals[0])

        @pl.when(lo != hi)
        def _():
            for j in range(16):
                seg = bcast_lane(idxv, j)
                plsc.addupdate_scatter(
                    eacc_v, [jnp.full((16,), seg, jnp.int32), iota],
                    rows_v[t * 2 + j // 8, pl.ds((j % 8) * 16, 16)])

        return carry

    def seg_loop(attr_hbm, idx_hbm, idx_v, ids_per_row, group_fn,
                 nchunks, tail):
        def body(k, carry):
            c = wid + k * NW

            @pl.when(c < nchunks)
            def _():
                pltpu.sync_copy(
                    idx_hbm.at[pl.ds(c * S * ids_per_row, S * ids_per_row)],
                    idx_v)
                if tail == S:
                    pltpu.sync_copy(attr_hbm.at[pl.ds(c * S, S)], rows_v)
                else:
                    @pl.when(c < nchunks - 1)
                    def _():
                        pltpu.sync_copy(attr_hbm.at[pl.ds(c * S, S)], rows_v)

                    @pl.when(c == nchunks - 1)
                    def _():
                        pltpu.sync_copy(
                            attr_hbm.at[pl.ds(c * S, tail)],
                            rows_v.at[pl.ds(0, tail)])

                lax.fori_loop(0, S * ids_per_row // 16, group_fn, 0)

            return carry

        lax.fori_loop(0, -(-nchunks // NW), body, 0)

    seg_loop(node_hbm, nidx_hbm, nidx_v, 1, node_group,
             NODE_CHUNKS, NODE_TAIL)
    seg_loop(edge_hbm, eidx_hbm, eidx_v, EW, edge_group,
             EDGE_CHUNKS, EDGE_TAIL)

    pltpu.sync_copy(nacc_v.at[pl.ds(0, B)], npart_hbm.at[wid])
    pltpu.sync_copy(eacc_v.at[pl.ds(0, B)], epart_hbm.at[wid])


def _finish_body(g_ref, np_ref, ep_ref, w_ref, b_ref, o_ref):
    nacc = jnp.sum(np_ref[...], axis=0)
    eacc = jnp.sum(ep_ref[...], axis=0)
    out = jnp.dot(g_ref[...], w_ref[pl.ds(0, D_G), :],
                  preferred_element_type=jnp.float32)
    out += jnp.dot(nacc, w_ref[pl.ds(D_G, D_F), :],
                   preferred_element_type=jnp.float32)
    out += jnp.dot(eacc, w_ref[pl.ds(D_G + D_F, D_E), :],
                   preferred_element_type=jnp.float32)
    o_ref[...] = out + b_ref[...]


_finish = pl.pallas_call(
    _finish_body,
    out_shape=jax.ShapeDtypeStruct((B, D_OUT), jnp.float32),
)


def kernel(global_attr, node_attr, edge_attr, edges, node_idx, edge_idx, W, b):
    del edges
    nidx = node_idx.astype(jnp.int32)
    eidx = edge_idx.astype(jnp.int32)
    nidx_p = jnp.concatenate([nidx, jnp.full((NODE_PAD - N,), B, jnp.int32)])
    eidx_p = jnp.concatenate([eidx, jnp.full((EDGE_PAD - E,), B, jnp.int32)])
    edge_wide = edge_attr.reshape(EROWS, 128)

    npart, epart = _sc_segsum(node_attr, nidx_p, edge_wide, eidx_p)
    return _finish(global_attr, npart, epart, W, b.reshape(1, D_OUT))

# --- scband reference (transcript-rebuilt; emitter-appended) ---
"""Pipeline reference for scband-aggregating-global-block-35991825940626 (READ-ONLY COPY).

The authoritative reference and input builder live on the scoring server;
editing this copy changes nothing except your own understanding.
"""

import jax, jax.numpy as jnp
import numpy as np

B = 64
N = 50000
E = 800000
D_G = 128
D_F = 128
D_E = 16
D_IN = D_G + D_F + D_E  # 272
D_OUT = 128


def setup_inputs(seed: int = 0) -> dict:
    key = jax.random.key(seed)
    k1, k2, k3, k4, k5, k6, k7 = jax.random.split(key, 7)
    global_attr = jax.random.normal(k1, (B, D_G), dtype=jnp.float32)
    node_attr = jax.random.normal(k2, (N, D_F), dtype=jnp.float32)
    edge_attr = jax.random.normal(k3, (E, D_E), dtype=jnp.float32)
    edges = jax.random.randint(k4, (2, E), 0, N, dtype=jnp.int64)
    node_idx = jnp.sort(jax.random.randint(k5, (N,), 0, B, dtype=jnp.int64))
    edge_idx = jnp.sort(jax.random.randint(k6, (E,), 0, B, dtype=jnp.int64))
    # MLP parameters (single Linear: 272 -> 128)
    W = jax.random.normal(k7, (D_IN, D_OUT), dtype=jnp.float32) * 0.05
    b = jnp.zeros((D_OUT,), dtype=jnp.float32)
    return {
        "global_attr": global_attr,
        "node_attr": node_attr,
        "edge_attr": edge_attr,
        "edges": edges,
        "node_idx": node_idx,
        "edge_idx": edge_idx,
        "W": W,
        "b": b,
    }


def reference(global_attr, node_attr, edge_attr, edges, node_idx, edge_idx, W, b):
    num_graphs = global_attr.shape[0]
    # node_aggregator: scatter-add of node features into per-graph slots
    node_agg = jax.ops.segment_sum(node_attr, node_idx, num_segments=num_graphs)
    # edge_aggregator: scatter-add of edge features into per-graph slots
    edge_agg = jax.ops.segment_sum(edge_attr, edge_idx, num_segments=num_graphs)
    # concat [global, node_agg, edge_agg] then MLP
    out = jnp.concatenate([global_attr, node_agg, edge_agg], axis=1)
    return out @ W + b

if __name__ == "__main__":
    import jax
    _d = setup_inputs()
    print(jax.jit(kernel)(*tuple(_d.values())))

</pallas_src>

<mosaic_0001>
#map = affine_map<(d0, d1) -> (0, 0)>
#map1 = affine_map<(d0, d1) -> (0)>
#map2 = affine_map<(d0, d1) -> (0, 0, 0)>
module attributes {stable_mosaic.version = 14 : i64} {
  func.func @_sc_segsum(%arg0: i32, %arg1: i32, %arg2: memref<50000x128xf32, #tpu.memory_space<hbm>>, %arg3: memref<50560xi32, #tpu.memory_space<hbm>>, %arg4: memref<100000x128xf32, #tpu.memory_space<hbm>>, %arg5: memref<803840xi32, #tpu.memory_space<hbm>>, %arg6: memref<32x64x128xf32, #tpu.memory_space<hbm>>, %arg7: memref<32x64x16xf32, #tpu.memory_space<hbm>>, %arg8: memref<640x128xf32, #tpu.memory_space<vmem>>, %arg9: memref<640xi32, #tpu.memory_space<vmem>>, %arg10: memref<5120xi32, #tpu.memory_space<vmem>>, %arg11: memref<65x128xf32, #tpu.memory_space<vmem>>, %arg12: memref<65x16xf32, #tpu.memory_space<vmem>>) attributes {dimension_semantics = [#tpu.dimension_semantics<core_parallel>, #tpu.dimension_semantics<subcore_parallel>], iteration_bounds = array<i64: 2, 16>, scalar_prefetch = 0 : i64, scratch_operands = 5 : i64, tpu.core_type = #tpu.core_type<sc_vector_subcore>, window_params = [{transform_indices = #map}, {transform_indices = #map1}, {transform_indices = #map}, {transform_indices = #map1}, {transform_indices = #map2}, {transform_indices = #map2}]} {
    %mul3A = arith.constant 16 : i32
    %mul3A_0 = arith.muli %arg0, %mul3A : i32
    %add3A = arith.addi %mul3A_0, %arg1 : i32
    %broadcast_in_dim3A = arith.constant 0.000000e+00 : f32
    %broadcast_in_dim3A_1 = vector.broadcast %broadcast_in_dim3A : f32 to vector<16xf32>
    %iota3A = tpu.iota {dimensions = array<i32: 0>} : vector<16xi32>
    %scan3A = arith.constant 0 : i32
    %scan3A_2 = arith.constant 0 : i32
    %scan3A_3 = arith.constant 65 : i32
    %scan3A_4 = arith.addi %scan3A_2, %scan3A_3 : i32
    %scan3A_5 = arith.constant 1 : i32
    scf.for %scan3A_19 = %scan3A_2 to %scan3A_4 step %scan3A_5  : i32 {
      %swap3A = arith.index_cast %scan3A_19 : i32 to index
      %swap3A_20 = arith.constant 0 : index
      %swap3A_21 = tpu.vector_load %arg11[%swap3A, %swap3A_20] {strides = array<i32>} : memref<65x128xf32, #tpu.memory_space<vmem>>, vector<16xf32>,
      tpu.vector_store %arg11[%swap3A, %swap3A_20], %broadcast_in_dim3A_1 {strides = array<i32>} : memref<65x128xf32, #tpu.memory_space<vmem>>, vector<16xf32>,
      %swap3A_22 = arith.index_cast %scan3A_19 : i32 to index
      %swap3A_23 = arith.constant 16 : index
      %swap3A_24 = tpu.vector_load %arg11[%swap3A_22, %swap3A_23] {strides = array<i32>} : memref<65x128xf32, #tpu.memory_space<vmem>>, vector<16xf32>,
      tpu.vector_store %arg11[%swap3A_22, %swap3A_23], %broadcast_in_dim3A_1 {strides = array<i32>} : memref<65x128xf32, #tpu.memory_space<vmem>>, vector<16xf32>,
      %swap3A_25 = arith.index_cast %scan3A_19 : i32 to index
      %swap3A_26 = arith.constant 32 : index
      %swap3A_27 = tpu.vector_load %arg11[%swap3A_25, %swap3A_26] {strides = array<i32>} : memref<65x128xf32, #tpu.memory_space<vmem>>, vector<16xf32>,
      tpu.vector_store %arg11[%swap3A_25, %swap3A_26], %broadcast_in_dim3A_1 {strides = array<i32>} : memref<65x128xf32, #tpu.memory_space<vmem>>, vector<16xf32>,
      %swap3A_28 = arith.index_cast %scan3A_19 : i32 to index
      %swap3A_29 = arith.constant 48 : index
      %swap3A_30 = tpu.vector_load %arg11[%swap3A_28, %swap3A_29] {strides = array<i32>} : memref<65x128xf32, #tpu.memory_space<vmem>>, vector<16xf32>,
      tpu.vector_store %arg11[%swap3A_28, %swap3A_29], %broadcast_in_dim3A_1 {strides = array<i32>} : memref<65x128xf32, #tpu.memory_space<vmem>>, vector<16xf32>,
      %swap3A_31 = arith.index_cast %scan3A_19 : i32 to index
      %swap3A_32 = arith.constant 64 : index
      %swap3A_33 = tpu.vector_load %arg11[%swap3A_31, %swap3A_32] {strides = array<i32>} : memref<65x128xf32, #tpu.memory_space<vmem>>, vector<16xf32>,
      tpu.vector_store %arg11[%swap3A_31, %swap3A_32], %broadcast_in_dim3A_1 {strides = array<i32>} : memref<65x128xf32, #tpu.memory_space<vmem>>, vector<16xf32>,
      %swap3A_34 = arith.index_cast %scan3A_19 : i32 to index
      %swap3A_35 = arith.constant 80 : index
      %swap3A_36 = tpu.vector_load %arg11[%swap3A_34, %swap3A_35] {strides = array<i32>} : memref<65x128xf32, #tpu.memory_space<vmem>>, vector<16xf32>,
      tpu.vector_store %arg11[%swap3A_34, %swap3A_35], %broadcast_in_dim3A_1 {strides = array<i32>} : memref<65x128xf32, #tpu.memory_space<vmem>>, vector<16xf32>,
      %swap3A_37 = arith.index_cast %scan3A_19 : i32 to index
      %swap3A_38 = arith.constant 96 : index
      %swap3A_39 = tpu.vector_load %arg11[%swap3A_37, %swap3A_38] {strides = array<i32>} : memref<65x128xf32, #tpu.memory_space<vmem>>, vector<16xf32>,
      tpu.vector_store %arg11[%swap3A_37, %swap3A_38], %broadcast_in_dim3A_1 {strides = array<i32>} : memref<65x128xf32, #tpu.memory_space<vmem>>, vector<16xf32>,
      %swap3A_40 = arith.index_cast %scan3A_19 : i32 to index
      %swap3A_41 = arith.constant 112 : index
      %swap3A_42 = tpu.vector_load %arg11[%swap3A_40, %swap3A_41] {strides = array<i32>} : memref<65x128xf32, #tpu.memory_space<vmem>>, vector<16xf32>,
      tpu.vector_store %arg11[%swap3A_40, %swap3A_41], %broadcast_in_dim3A_1 {strides = array<i32>} : memref<65x128xf32, #tpu.memory_space<vmem>>, vector<16xf32>,
      %swap3A_43 = arith.index_cast %scan3A_19 : i32 to index
      %swap3A_44 = arith.constant 0 : index
      %swap3A_45 = tpu.vector_load %arg12[%swap3A_43, %swap3A_44] {strides = array<i32>} : memref<65x16xf32, #tpu.memory_space<vmem>>, vector<16xf32>,
      tpu.vector_store %arg12[%swap3A_43, %swap3A_44], %broadcast_in_dim3A_1 {strides = array<i32>} : memref<65x16xf32, #tpu.memory_space<vmem>>, vector<16xf32>,
    }
    %scan3A_6 = arith.constant 65 : i32
    %scan3A_7 = arith.constant 0 : i32
    %scan3A_8 = arith.constant 0 : i32
    %scan3A_9 = arith.constant 3 : i32
    %scan3A_10 = arith.addi %scan3A_8, %scan3A_9 : i32
    %scan3A_11 = arith.constant 1 : i32
    scf.for %scan3A_19 = %scan3A_8 to %scan3A_10 step %scan3A_11  : i32 {
      %mul3A_20 = arith.constant 32 : i32
      %mul3A_21 = arith.muli %scan3A_19, %mul3A_20 : i32
      %add3A_22 = arith.addi %add3A, %mul3A_21 : i32
      %lt3A = arith.constant 79 : i32
      %lt3A_23 = arith.cmpi slt, %add3A_22, %lt3A : i32
      %convert_element_type3A = arith.extui %lt3A_23 : i1 to i32
      %cond3A = arith.constant 0 : i32
      %cond3A_24 = arith.cmpi ne, %convert_element_type3A, %cond3A : i32
      scf.if %cond3A_24 {
        %mul3A_25 = arith.constant 640 : i32
        %mul3A_26 = arith.muli %add3A_22, %mul3A_25 : i32
        %mul3A_27 = arith.constant 1 : i32
        %mul3A_28 = arith.muli %mul3A_26, %mul3A_27 : i32
        "tpu.region"() ({
          %run_scoped3A = tpu.sem_alloc : memref<!tpu.dma_semaphore, #tpu.memory_space<semaphore_mem>>
          %dma_start3A = tpu.memref_slice %arg3[%mul3A_28] : memref<50560xi32, #tpu.memory_space<hbm>> -> memref<640xi32, #tpu.memory_space<hbm>>
          %dma_start3A_44 = tpu.memref_slice %arg3[%mul3A_28] : memref<50560xi32, #tpu.memory_space<hbm>> -> memref<640xi32, #tpu.memory_space<hbm>>
          tpu.enqueue_dma source(%dma_start3A_44 : memref<640xi32, #tpu.memory_space<hbm>>) target(%arg9 : memref<640xi32, #tpu.memory_space<vmem>>) target_semaphore(%run_scoped3A : memref<!tpu.dma_semaphore, #tpu.memory_space<semaphore_mem>>)
          %dma_wait3A = tpu.memref_slice %arg3[%mul3A_28] : memref<50560xi32, #tpu.memory_space<hbm>> -> memref<640xi32, #tpu.memory_space<hbm>>
          %dma_wait3A_45 = tpu.memref_slice %arg3[%mul3A_28] : memref<50560xi32, #tpu.memory_space<hbm>> -> memref<640xi32, #tpu.memory_space<hbm>>
          tpu.wait_dma2 semaphore(%run_scoped3A : memref<!tpu.dma_semaphore, #tpu.memory_space<semaphore_mem>>) src(%dma_wait3A_45 : memref<640xi32, #tpu.memory_space<hbm>>) dst(%arg9 : memref<640xi32, #tpu.memory_space<vmem>>)
          tpu.yield
        }) : () -> ()
        %lt3A_29 = arith.constant 78 : i32
        %lt3A_30 = arith.cmpi slt, %add3A_22, %lt3A_29 : i32
        %convert_element_type3A_31 = arith.extui %lt3A_30 : i1 to i32
        %cond3A_32 = arith.constant 0 : i32
        %cond3A_33 = arith.cmpi ne, %convert_element_type3A_31, %cond3A_32 : i32
        scf.if %cond3A_33 {
          %mul3A_44 = arith.constant 640 : i32
          %mul3A_45 = arith.muli %add3A_22, %mul3A_44 : i32
          "tpu.region"() ({
            %run_scoped3A = tpu.sem_alloc : memref<!tpu.dma_semaphore, #tpu.memory_space<semaphore_mem>>
            %dma_start3A = arith.constant 0 : i32
            %dma_start3A_46 = tpu.memref_slice %arg2[%mul3A_45, %dma_start3A] : memref<50000x128xf32, #tpu.memory_space<hbm>> -> memref<640x128xf32, #tpu.memory_space<hbm>>
            %dma_start3A_47 = arith.constant 0 : i32
            %dma_start3A_48 = tpu.memref_slice %arg2[%mul3A_45, %dma_start3A_47] : memref<50000x128xf32, #tpu.memory_space<hbm>> -> memref<640x128xf32, #tpu.memory_space<hbm>>
            tpu.enqueue_dma source(%dma_start3A_48 : memref<640x128xf32, #tpu.memory_space<hbm>>) target(%arg8 : memref<640x128xf32, #tpu.memory_space<vmem>>) target_semaphore(%run_scoped3A : memref<!tpu.dma_semaphore, #tpu.memory_space<semaphore_mem>>)
            %dma_wait3A = arith.constant 0 : i32
            %dma_wait3A_49 = tpu.memref_slice %arg2[%mul3A_45, %dma_wait3A] : memref<50000x128xf32, #tpu.memory_space<hbm>> -> memref<640x128xf32, #tpu.memory_space<hbm>>
            %dma_wait3A_50 = arith.constant 0 : i32
            %dma_wait3A_51 = tpu.memref_slice %arg2[%mul3A_45, %dma_wait3A_50] : memref<50000x128xf32, #tpu.memory_space<hbm>> -> memref<640x128xf32, #tpu.memory_space<hbm>>
            tpu.wait_dma2 semaphore(%run_scoped3A : memref<!tpu.dma_semaphore, #tpu.memory_space<semaphore_mem>>) src(%dma_wait3A_51 : memref<640x128xf32, #tpu.memory_space<hbm>>) dst(%arg8 : memref<640x128xf32, #tpu.memory_space<vmem>>)
            tpu.yield
          }) : () -> ()
        } else {
        }
        %eq3A = arith.constant 78 : i32
        %eq3A_34 = arith.cmpi eq, %add3A_22, %eq3A : i32
        %convert_element_type3A_35 = arith.extui %eq3A_34 : i1 to i32
        %cond3A_36 = arith.constant 0 : i32
        %cond3A_37 = arith.cmpi ne, %convert_element_type3A_35, %cond3A_36 : i32
        scf.if %cond3A_37 {
          %mul3A_44 = arith.constant 640 : i32
          %mul3A_45 = arith.muli %add3A_22, %mul3A_44 : i32
          "tpu.region"() ({
            %run_scoped3A = tpu.sem_alloc : memref<!tpu.dma_semaphore, #tpu.memory_space<semaphore_mem>>
            %dma_start3A = arith.constant 0 : i32
            %dma_start3A_46 = arith.constant 0 : i32
            %dma_start3A_47 = tpu.memref_slice %arg8[%dma_start3A, %dma_start3A_46] : memref<640x128xf32, #tpu.memory_space<vmem>> -> memref<80x128xf32, #tpu.memory_space<vmem>>
            %dma_start3A_48 = arith.constant 0 : i32
            %dma_start3A_49 = tpu.memref_slice %arg2[%mul3A_45, %dma_start3A_48] : memref<50000x128xf32, #tpu.memory_space<hbm>> -> memref<80x128xf32, #tpu.memory_space<hbm>>
            %dma_start3A_50 = arith.constant 0 : i32
            %dma_start3A_51 = arith.constant 0 : i32
            %dma_start3A_52 = tpu.memref_slice %arg8[%dma_start3A_50, %dma_start3A_51] : memref<640x128xf32, #tpu.memory_space<vmem>> -> memref<80x128xf32, #tpu.memory_space<vmem>>
            %dma_start3A_53 = arith.constant 0 : i32
            %dma_start3A_54 = tpu.memref_slice %arg2[%mul3A_45, %dma_start3A_53] : memref<50000x128xf32, #tpu.memory_space<hbm>> -> memref<80x128xf32, #tpu.memory_space<hbm>>
            tpu.enqueue_dma source(%dma_start3A_54 : memref<80x128xf32, #tpu.memory_space<hbm>>) target(%dma_start3A_52 : memref<80x128xf32, #tpu.memory_space<vmem>>) target_semaphore(%run_scoped3A : memref<!tpu.dma_semaphore, #tpu.memory_space<semaphore_mem>>)
            %dma_wait3A = arith.constant 0 : i32
            %dma_wait3A_55 = arith.constant 0 : i32
            %dma_wait3A_56 = tpu.memref_slice %arg8[%dma_wait3A, %dma_wait3A_55] : memref<640x128xf32, #tpu.memory_space<vmem>> -> memref<80x128xf32, #tpu.memory_space<vmem>>
            %dma_wait3A_57 = arith.constant 0 : i32
            %dma_wait3A_58 = tpu.memref_slice %arg2[%mul3A_45, %dma_wait3A_57] : memref<50000x128xf32, #tpu.memory_space<hbm>> -> memref<80x128xf32, #tpu.memory_space<hbm>>
            %dma_wait3A_59 = arith.constant 0 : i32
            %dma_wait3A_60 = arith.constant 0 : i32
            %dma_wait3A_61 = tpu.memref_slice %arg8[%dma_wait3A_59, %dma_wait3A_60] : memref<640x128xf32, #tpu.memory_space<vmem>> -> memref<80x128xf32, #tpu.memory_space<vmem>>
            %dma_wait3A_62 = arith.constant 0 : i32
            %dma_wait3A_63 = tpu.memref_slice %arg2[%mul3A_45, %dma_wait3A_62] : memref<50000x128xf32, #tpu.memory_space<hbm>> -> memref<80x128xf32, #tpu.memory_space<hbm>>
            tpu.wait_dma2 semaphore(%run_scoped3A : memref<!tpu.dma_semaphore, #tpu.memory_space<semaphore_mem>>) src(%dma_wait3A_63 : memref<80x128xf32, #tpu.memory_space<hbm>>) dst(%dma_wait3A_61 : memref<80x128xf32, #tpu.memory_space<vmem>>)
            tpu.yield
          }) : () -> ()
        } else {
        }
        %scan3A_38 = arith.constant 0 : i32
        %scan3A_39 = arith.constant 0 : i32
        %scan3A_40 = arith.constant 40 : i32
        %scan3A_41 = arith.addi %scan3A_39, %scan3A_40 : i32
        %scan3A_42 = arith.constant 1 : i32
        scf.for %scan3A_44 = %scan3A_39 to %scan3A_41 step %scan3A_42  : i32 {
          %mul3A_45 = arith.constant 16 : i32
          %mul3A_46 = arith.muli %scan3A_44, %mul3A_45 : i32
          %get3A = arith.index_cast %mul3A_46 : i32 to index
          %get3A_47 = tpu.vector_load %arg9[%get3A] {strides = array<i32>} : memref<640xi32, #tpu.memory_space<vmem>>, vector<16xi32>,
          %reduce_min3A = arith.constant true
          %reduce_min3A_48 = vector.broadcast %reduce_min3A : i1 to vector<16xi1>
          %reduce_min3A_49 = arith.constant -2147483648 : i32
          %reduce_min3A_50 = vector.broadcast %reduce_min3A_49 : i32 to vector<16xi32>
          %reduce_min3A_51 = arith.xori %get3A_47, %reduce_min3A_50 : vector<16xi32>
          %reduce_min3A_52 = tpu.scan <min>, %reduce_min3A_51 masked %reduce_min3A_48 : vector<16xi32>, vector<16xi1> -> vector<16xi32>
          %reduce_min3A_53 = arith.xori %reduce_min3A_52, %reduce_min3A_50 : vector<16xi32>
          %reduce_min3A_54 = vector.extract %reduce_min3A_53[15] : i32 from vector<16xi32>
          %reduce_max3A = arith.constant true
          %reduce_max3A_55 = vector.broadcast %reduce_max3A : i1 to vector<16xi1>
          %reduce_max3A_56 = arith.constant -2147483648 : i32
          %reduce_max3A_57 = vector.broadcast %reduce_max3A_56 : i32 to vector<16xi32>
          %reduce_max3A_58 = arith.xori %get3A_47, %reduce_max3A_57 : vector<16xi32>
          %reduce_max3A_59 = tpu.scan <max>, %reduce_max3A_58 masked %reduce_max3A_55 : vector<16xi32>, vector<16xi1> -> vector<16xi32>
          %reduce_max3A_60 = arith.xori %reduce_max3A_59, %reduce_max3A_57 : vector<16xi32>
          %reduce_max3A_61 = vector.extract %reduce_max3A_60[15] : i32 from vector<16xi32>
          %eq3A_62 = arith.cmpi eq, %reduce_min3A_54, %reduce_max3A_61 : i32
          %convert_element_type3A_63 = arith.extui %eq3A_62 : i1 to i32
          %cond3A_64 = arith.constant 0 : i32
          %cond3A_65 = arith.cmpi ne, %convert_element_type3A_63, %cond3A_64 : i32
          scf.if %cond3A_65 {
            %broadcast_in_dim3A_69 = vector.broadcast %reduce_min3A_54 : i32 to vector<16xi32>
            %mul3A_70 = arith.constant 16 : i32
            %mul3A_71 = arith.muli %scan3A_44, %mul3A_70 : i32
            %add3A_72 = arith.constant 0 : i32
            %add3A_73 = arith.addi %mul3A_71, %add3A_72 : i32
            %get3A_74 = arith.index_cast %add3A_73 : i32 to index
            %get3A_75 = arith.constant 0 : index
            %get3A_76 = tpu.vector_load %arg8[%get3A_74, %get3A_75] {strides = array<i32>} : memref<640x128xf32, #tpu.memory_space<vmem>>, vector<16xf32>,
            %mul3A_77 = arith.constant 16 : i32
            %mul3A_78 = arith.muli %scan3A_44, %mul3A_77 : i32
            %add3A_79 = arith.constant 1 : i32
            %add3A_80 = arith.addi %mul3A_78, %add3A_79 : i32
            %get3A_81 = arith.index_cast %add3A_80 : i32 to index
            %get3A_82 = arith.constant 0 : index
            %get3A_83 = tpu.vector_load %arg8[%get3A_81, %get3A_82] {strides = array<i32>} : memref<640x128xf32, #tpu.memory_space<vmem>>, vector<16xf32>,
            %mul3A_84 = arith.constant 16 : i32
            %mul3A_85 = arith.muli %scan3A_44, %mul3A_84 : i32
            %add3A_86 = arith.constant 2 : i32
            %add3A_87 = arith.addi %mul3A_85, %add3A_86 : i32
            %get3A_88 = arith.index_cast %add3A_87 : i32 to index
            %get3A_89 = arith.constant 0 : index
            %get3A_90 = tpu.vector_load %arg8[%get3A_88, %get3A_89] {strides = array<i32>} : memref<640x128xf32, #tpu.memory_space<vmem>>, vector<16xf32>,
            %mul3A_91 = arith.constant 16 : i32
            %mul3A_92 = arith.muli %scan3A_44, %mul3A_91 : i32
            %add3A_93 = arith.constant 3 : i32
            %add3A_94 = arith.addi %mul3A_92, %add3A_93 : i32
            %get3A_95 = arith.index_cast %add3A_94 : i32 to index
            %get3A_96 = arith.constant 0 : index
            %get3A_97 = tpu.vector_load %arg8[%get3A_95, %get3A_96] {strides = array<i32>} : memref<640x128xf32, #tpu.memory_space<vmem>>, vector<16xf32>,
            %mul3A_98 = arith.constant 16 : i32
            %mul3A_99 = arith.muli %scan3A_44, %mul3A_98 : i32
            %add3A_100 = arith.constant 4 : i32
            %add3A_101 = arith.addi %mul3A_99, %add3A_100 : i32
            %get3A_102 = arith.index_cast %add3A_101 : i32 to index
            %get3A_103 = arith.constant 0 : index
            %get3A_104 = tpu.vector_load %arg8[%get3A_102, %get3A_103] {strides = array<i32>} : memref<640x128xf32, #tpu.memory_space<vmem>>, vector<16xf32>,
            %mul3A_105 = arith.constant 16 : i32
            %mul3A_106 = arith.muli %scan3A_44, %mul3A_105 : i32
            %add3A_107 = arith.constant 5 : i32
            %add3A_108 = arith.addi %mul3A_106, %add3A_107 : i32
            %get3A_109 = arith.index_cast %add3A_108 : i32 to index
            %get3A_110 = arith.constant 0 : index
            %get3A_111 = tpu.vector_load %arg8[%get3A_109, %get3A_110] {strides = array<i32>} : memref<640x128xf32, #tpu.memory_space<vmem>>, vector<16xf32>,
            %mul3A_112 = arith.constant 16 : i32
            %mul3A_113 = arith.muli %scan3A_44, %mul3A_112 : i32
            %add3A_114 = arith.constant 6 : i32
            %add3A_115 = arith.addi %mul3A_113, %add3A_114 : i32
            %get3A_116 = arith.index_cast %add3A_115 : i32 to index
            %get3A_117 = arith.constant 0 : index
            %get3A_118 = tpu.vector_load %arg8[%get3A_116, %get3A_117] {strides = array<i32>} : memref<640x128xf32, #tpu.memory_space<vmem>>, vector<16xf32>,
            %mul3A_119 = arith.constant 16 : i32
            %mul3A_120 = arith.muli %scan3A_44, %mul3A_119 : i32
            %add3A_121 = arith.constant 7 : i32
            %add3A_122 = arith.addi %mul3A_120, %add3A_121 : i32
            %get3A_123 = arith.index_cast %add3A_122 : i32 to index
            %get3A_124 = arith.constant 0 : index
            %get3A_125 = tpu.vector_load %arg8[%get3A_123, %get3A_124] {strides = array<i32>} : memref<640x128xf32, #tpu.memory_space<vmem>>, vector<16xf32>,
            %mul3A_126 = arith.constant 16 : i32
            %mul3A_127 = arith.muli %scan3A_44, %mul3A_126 : i32
            %add3A_128 = arith.constant 8 : i32
            %add3A_129 = arith.addi %mul3A_127, %add3A_128 : i32
            %get3A_130 = arith.index_cast %add3A_129 : i32 to index
            %get3A_131 = arith.constant 0 : index
            %get3A_132 = tpu.vector_load %arg8[%get3A_130, %get3A_131] {strides = array<i32>} : memref<640x128xf32, #tpu.memory_space<vmem>>, vector<16xf32>,
            %mul3A_133 = arith.constant 16 : i32
            %mul3A_134 = arith.muli %scan3A_44, %mul3A_133 : i32
            %add3A_135 = arith.constant 9 : i32
            %add3A_136 = arith.addi %mul3A_134, %add3A_135 : i32
            %get3A_137 = arith.index_cast %add3A_136 : i32 to index
            %get3A_138 = arith.constant 0 : index
            %get3A_139 = tpu.vector_load %arg8[%get3A_137, %get3A_138] {strides = array<i32>} : memref<640x128xf32, #tpu.memory_space<vmem>>, vector<16xf32>,
            %mul3A_140 = arith.constant 16 : i32
            %mul3A_141 = arith.muli %scan3A_44, %mul3A_140 : i32
            %add3A_142 = arith.constant 10 : i32
            %add3A_143 = arith.addi %mul3A_141, %add3A_142 : i32
            %get3A_144 = arith.index_cast %add3A_143 : i32 to index
            %get3A_145 = arith.constant 0 : index
            %get3A_146 = tpu.vector_load %arg8[%get3A_144, %get3A_145] {strides = array<i32>} : memref<640x128xf32, #tpu.memory_space<vmem>>, vector<16xf32>,
            %mul3A_147 = arith.constant 16 : i32
            %mul3A_148 = arith.muli %scan3A_44, %mul3A_147 : i32
            %add3A_149 = arith.constant 11 : i32
            %add3A_150 = arith.addi %mul3A_148, %add3A_149 : i32
            %get3A_151 = arith.index_cast %add3A_150 : i32 to index
            %get3A_152 = arith.constant 0 : index
            %get3A_153 = tpu.vector_load %arg8[%get3A_151, %get3A_152] {strides = array<i32>} : memref<640x128xf32, #tpu.memory_space<vmem>>, vector<16xf32>,
            %mul3A_154 = arith.constant 16 : i32
            %mul3A_155 = arith.muli %scan3A_44, %mul3A_154 : i32
            %add3A_156 = arith.constant 12 : i32
            %add3A_157 = arith.addi %mul3A_155, %add3A_156 : i32
            %get3A_158 = arith.index_cast %add3A_157 : i32 to index
            %get3A_159 = arith.constant 0 : index
            %get3A_160 = tpu.vector_load %arg8[%get3A_158, %get3A_159] {strides = array<i32>} : memref<640x128xf32, #tpu.memory_space<vmem>>, vector<16xf32>,
            %mul3A_161 = arith.constant 16 : i32
            %mul3A_162 = arith.muli %scan3A_44, %mul3A_161 : i32
            %add3A_163 = arith.constant 13 : i32
            %add3A_164 = arith.addi %mul3A_162, %add3A_163 : i32
            %get3A_165 = arith.index_cast %add3A_164 : i32 to index
            %get3A_166 = arith.constant 0 : index
            %get3A_167 = tpu.vector_load %arg8[%get3A_165, %get3A_166] {strides = array<i32>} : memref<640x128xf32, #tpu.memory_space<vmem>>, vector<16xf32>,
            %mul3A_168 = arith.constant 16 : i32
            %mul3A_169 = arith.muli %scan3A_44, %mul3A_168 : i32
            %add3A_170 = arith.constant 14 : i32
            %add3A_171 = arith.addi %mul3A_169, %add3A_170 : i32
            %get3A_172 = arith.index_cast %add3A_171 : i32 to index
            %get3A_173 = arith.constant 0 : index
            %get3A_174 = tpu.vector_load %arg8[%get3A_172, %get3A_173] {strides = array<i32>} : memref<640x128xf32, #tpu.memory_space<vmem>>, vector<16xf32>,
            %mul3A_175 = arith.constant 16 : i32
            %mul3A_176 = arith.muli %scan3A_44, %mul3A_175 : i32
            %add3A_177 = arith.constant 15 : i32
            %add3A_178 = arith.addi %mul3A_176, %add3A_177 : i32
            %get3A_179 = arith.index_cast %add3A_178 : i32 to index
            %get3A_180 = arith.constant 0 : index
            %get3A_181 = tpu.vector_load %arg8[%get3A_179, %get3A_180] {strides = array<i32>} : memref<640x128xf32, #tpu.memory_space<vmem>>, vector<16xf32>,
            %add3A_182 = arith.addf %get3A_76, %get3A_83 : vector<16xf32>
            %add3A_183 = arith.addf %get3A_90, %get3A_97 : vector<16xf32>
            %add3A_184 = arith.addf %get3A_104, %get3A_111 : vector<16xf32>
            %add3A_185 = arith.addf %get3A_118, %get3A_125 : vector<16xf32>
            %add3A_186 = arith.addf %get3A_132, %get3A_139 : vector<16xf32>
            %add3A_187 = arith.addf %get3A_146, %get3A_153 : vector<16xf32>
            %add3A_188 = arith.addf %get3A_160, %get3A_167 : vector<16xf32>
            %add3A_189 = arith.addf %get3A_174, %get3A_181 : vector<16xf32>
            %add3A_190 = arith.addf %add3A_182, %add3A_183 : vector<16xf32>
            %add3A_191 = arith.addf %add3A_184, %add3A_185 : vector<16xf32>
            %add3A_192 = arith.addf %add3A_186, %add3A_187 : vector<16xf32>
            %add3A_193 = arith.addf %add3A_188, %add3A_189 : vector<16xf32>
            %add3A_194 = arith.addf %add3A_190, %add3A_191 : vector<16xf32>
            %add3A_195 = arith.addf %add3A_192, %add3A_193 : vector<16xf32>
            %add3A_196 = arith.addf %add3A_194, %add3A_195 : vector<16xf32>
            %add3A_197 = arith.constant 0 : i32
            %add3A_198 = vector.broadcast %add3A_197 : i32 to vector<16xi32>
            %add3A_199 = arith.addi %add3A_198, %iota3A : vector<16xi32>
            tpu.vector_store_idx %arg11[%broadcast_in_dim3A_69, %add3A_199], %add3A_196 {add = true} : memref<65x128xf32, #tpu.memory_space<vmem>>[vector<16xi32>, vector<16xi32>], vector<16xf32>,
            %mul3A_200 = arith.constant 16 : i32
            %mul3A_201 = arith.muli %scan3A_44, %mul3A_200 : i32
            %add3A_202 = arith.constant 0 : i32
            %add3A_203 = arith.addi %mul3A_201, %add3A_202 : i32
            %get3A_204 = arith.index_cast %add3A_203 : i32 to index
            %get3A_205 = arith.constant 16 : index
            %get3A_206 = tpu.vector_load %arg8[%get3A_204, %get3A_205] {strides = array<i32>} : memref<640x128xf32, #tpu.memory_space<vmem>>, vector<16xf32>,
            %mul3A_207 = arith.constant 16 : i32
            %mul3A_208 = arith.muli %scan3A_44, %mul3A_207 : i32
            %add3A_209 = arith.constant 1 : i32
            %add3A_210 = arith.addi %mul3A_208, %add3A_209 : i32
            %get3A_211 = arith.index_cast %add3A_210 : i32 to index
            %get3A_212 = arith.constant 16 : index
            %get3A_213 = tpu.vector_load %arg8[%get3A_211, %get3A_212] {strides = array<i32>} : memref<640x128xf32, #tpu.memory_space<vmem>>, vector<16xf32>,
            %mul3A_214 = arith.constant 16 : i32
            %mul3A_215 = arith.muli %scan3A_44, %mul3A_214 : i32
            %add3A_216 = arith.constant 2 : i32
            %add3A_217 = arith.addi %mul3A_215, %add3A_216 : i32
            %get3A_218 = arith.index_cast %add3A_217 : i32 to index
            %get3A_219 = arith.constant 16 : index
            %get3A_220 = tpu.vector_load %arg8[%get3A_218, %get3A_219] {strides = array<i32>} : memref<640x128xf32, #tpu.memory_space<vmem>>, vector<16xf32>,
            %mul3A_221 = arith.constant 16 : i32
            %mul3A_222 = arith.muli %scan3A_44, %mul3A_221 : i32
            %add3A_223 = arith.constant 3 : i32
            %add3A_224 = arith.addi %mul3A_222, %add3A_223 : i32
            %get3A_225 = arith.index_cast %add3A_224 : i32 to index
            %get3A_226 = arith.constant 16 : index
            %get3A_227 = tpu.vector_load %arg8[%get3A_225, %get3A_226] {strides = array<i32>} : memref<640x128xf32, #tpu.memory_space<vmem>>, vector<16xf32>,
            %mul3A_228 = arith.constant 16 : i32
            %mul3A_229 = arith.muli %scan3A_44, %mul3A_228 : i32
            %add3A_230 = arith.constant 4 : i32
            %add3A_231 = arith.addi %mul3A_229, %add3A_230 : i32
            %get3A_232 = arith.index_cast %add3A_231 : i32 to index
            %get3A_233 = arith.constant 16 : index
            %get3A_234 = tpu.vector_load %arg8[%get3A_232, %get3A_233] {strides = array<i32>} : memref<640x128xf32, #tpu.memory_space<vmem>>, vector<16xf32>,
            %mul3A_235 = arith.constant 16 : i32
            %mul3A_236 = arith.muli %scan3A_44, %mul3A_235 : i32
            %add3A_237 = arith.constant 5 : i32
            %add3A_238 = arith.addi %mul3A_236, %add3A_237 : i32
            %get3A_239 = arith.index_cast %add3A_238 : i32 to index
            %get3A_240 = arith.constant 16 : index
            %get3A_241 = tpu.vector_load %arg8[%get3A_239, %get3A_240] {strides = array<i32>} : memref<640x128xf32, #tpu.memory_space<vmem>>, vector<16xf32>,
            %mul3A_242 = arith.constant 16 : i32
            %mul3A_243 = arith.muli %scan3A_44, %mul3A_242 : i32
            %add3A_244 = arith.constant 6 : i32
            %add3A_245 = arith.addi %mul3A_243, %add3A_244 : i32
            %get3A_246 = arith.index_cast %add3A_245 : i32 to index
            %get3A_247 = arith.constant 16 : index
            %get3A_248 = tpu.vector_load %arg8[%get3A_246, %get3A_247] {strides = array<i32>} : memref<640x128xf32, #tpu.memory_space<vmem>>, vector<16xf32>,
            %mul3A_249 = arith.constant 16 : i32
            %mul3A_250 = arith.muli %scan3A_44, %mul3A_249 : i32
            %add3A_251 = arith.constant 7 : i32
            %add3A_252 = arith.addi %mul3A_250, %add3A_251 : i32
            %get3A_253 = arith.index_cast %add3A_252 : i32 to index
            %get3A_254 = arith.constant 16 : index
            %get3A_255 = tpu.vector_load %arg8[%get3A_253, %get3A_254] {strides = array<i32>} : memref<640x128xf32, #tpu.memory_space<vmem>>, vector<16xf32>,
            %mul3A_256 = arith.constant 16 : i32
            %mul3A_257 = arith.muli %scan3A_44, %mul3A_256 : i32
            %add3A_258 = arith.constant 8 : i32
            %add3A_259 = arith.addi %mul3A_257, %add3A_258 : i32
            %get3A_260 = arith.index_cast %add3A_259 : i32 to index
            %get3A_261 = arith.constant 16 : index
            %get3A_262 = tpu.vector_load %arg8[%get3A_260, %get3A_261] {strides = array<i32>} : memref<640x128xf32, #tpu.memory_space<vmem>>, vector<16xf32>,
            %mul3A_263 = arith.constant 16 : i32
            %mul3A_264 = arith.muli %scan3A_44, %mul3A_263 : i32
            %add3A_265 = arith.constant 9 : i32
            %add3A_266 = arith.addi %mul3A_264, %add3A_265 : i32
            %get3A_267 = arith.index_cast %add3A_266 : i32 to index
            %get3A_268 = arith.constant 16 : index
            %get3A_269 = tpu.vector_load %arg8[%get3A_267, %get3A_268] {strides = array<i32>} : memref<640x128xf32, #tpu.memory_space<vmem>>, vector<16xf32>,
            %mul3A_270 = arith.constant 16 : i32
            %mul3A_271 = arith.muli %scan3A_44, %mul3A_270 : i32
            %add3A_272 = arith.constant 10 : i32
            %add3A_273 = arith.addi %mul3A_271, %add3A_272 : i32
            %get3A_274 = arith.index_cast %add3A_273 : i32 to index
            %get3A_275 = arith.constant 16 : index
            %get3A_276 = tpu.vector_load %arg8[%get3A_274, %get3A_275] {strides = array<i32>} : memref<640x128xf32, #tpu.memory_space<vmem>>, vector<16xf32>,
            %mul3A_277 = arith.constant 16 : i32
            %mul3A_278 = arith.muli %scan3A_44, %mul3A_277 : i32
            %add3A_279 = arith.constant 11 : i32
            %add3A_280 = arith.addi %mul3A_278, %add3A_279 : i32
            %get3A_281 = arith.index_cast %add3A_280 : i32 to index
            %get3A_282 = arith.constant 16 : index
            %get3A_283 = tpu.vector_load %arg8[%get3A_281, %get3A_282] {strides = array<i32>} : memref<640x128xf32, #tpu.memory_space<vmem>>, vector<16xf32>,
            %mul3A_284 = arith.constant 16 : i32
            %mul3A_285 = arith.muli %scan3A_44, %mul3A_284 : i32
            %add3A_286 = arith.constant 12 : i32
            %add3A_287 = arith.addi %mul3A_285, %add3A_286 : i32
            %get3A_288 = arith.index_cast %add3A_287 : i32 to index
            %get3A_289 = arith.constant 16 : index
            %get3A_290 = tpu.vector_load %arg8[%get3A_288, %get3A_289] {strides = array<i32>} : memref<640x128xf32, #tpu.memory_space<vmem>>, vector<16xf32>,
            %mul3A_291 = arith.constant 16 : i32
            %mul3A_292 = arith.muli %scan3A_44, %mul3A_291 : i32
            %add3A_293 = arith.constant 13 : i32
            %add3A_294 = arith.addi %mul3A_292, %add3A_293 : i32
            %get3A_295 = arith.index_cast %add3A_294 : i32 to index
            %get3A_296 = arith.constant 16 : index
            %get3A_297 = tpu.vector_load %arg8[%get3A_295, %get3A_296] {strides = array<i32>} : memref<640x128xf32, #tpu.memory_space<vmem>>, vector<16xf32>,
            %mul3A_298 = arith.constant 16 : i32
            %mul3A_299 = arith.muli %scan3A_44, %mul3A_298 : i32
            %add3A_300 = arith.constant 14 : i32
            %add3A_301 = arith.addi %mul3A_299, %add3A_300 : i32
            %get3A_302 = arith.index_cast %add3A_301 : i32 to index
            %get3A_303 = arith.constant 16 : index
            %get3A_304 = tpu.vector_load %arg8[%get3A_302, %get3A_303] {strides = array<i32>} : memref<640x128xf32, #tpu.memory_space<vmem>>, vector<16xf32>,
            %mul3A_305 = arith.constant 16 : i32
            %mul3A_306 = arith.muli %scan3A_44, %mul3A_305 : i32
            %add3A_307 = arith.constant 15 : i32
            %add3A_308 = arith.addi %mul3A_306, %add3A_307 : i32
            %get3A_309 = arith.index_cast %add3A_308 : i32 to index
            %get3A_310 = arith.constant 16 : index
            %get3A_311 = tpu.vector_load %arg8[%get3A_309, %get3A_310] {strides = array<i32>} : memref<640x128xf32, #tpu.memory_space<vmem>>, vector<16xf32>,
            %add3A_312 = arith.addf %get3A_206, %get3A_213 : vector<16xf32>
            %add3A_313 = arith.addf %get3A_220, %get3A_227 : vector<16xf32>
            %add3A_314 = arith.addf %get3A_234, %get3A_241 : vector<16xf32>
            %add3A_315 = arith.addf %get3A_248, %get3A_255 : vector<16xf32>
            %add3A_316 = arith.addf %get3A_262, %get3A_269 : vector<16xf32>
            %add3A_317 = arith.addf %get3A_276, %get3A_283 : vector<16xf32>
            %add3A_318 = arith.addf %get3A_290, %get3A_297 : vector<16xf32>
            %add3A_319 = arith.addf %get3A_304, %get3A_311 : vector<16xf32>
            %add3A_320 = arith.addf %add3A_312, %add3A_313 : vector<16xf32>
            %add3A_321 = arith.addf %add3A_314, %add3A_315 : vector<16xf32>
            %add3A_322 = arith.addf %add3A_316, %add3A_317 : vector<16xf32>
            %add3A_323 = arith.addf %add3A_318, %add3A_319 : vector<16xf32>
            %add3A_324 = arith.addf %add3A_320, %add3A_321 : vector<16xf32>
            %add3A_325 = arith.addf %add3A_322, %add3A_323 : vector<16xf32>
            %add3A_326 = arith.addf %add3A_324, %add3A_325 : vector<16xf32>
            %add3A_327 = arith.constant 16 : i32
            %add3A_328 = vector.broadcast %add3A_327 : i32 to vector<16xi32>
            %add3A_329 = arith.addi %add3A_328, %iota3A : vector<16xi32>
            tpu.vector_store_idx %arg11[%broadcast_in_dim3A_69, %add3A_329], %add3A_326 {add = true} : memref<65x128xf32, #tpu.memory_space<vmem>>[vector<16xi32>, vector<16xi32>], vector<16xf32>,
            %mul3A_330 = arith.constant 16 : i32
            %mul3A_331 = arith.muli %scan3A_44, %mul3A_330 : i32
            %add3A_332 = arith.constant 0 : i32
            %add3A_333 = arith.addi %mul3A_331, %add3A_332 : i32
            %get3A_334 = arith.index_cast %add3A_333 : i32 to index
            %get3A_335 = arith.constant 32 : index
            %get3A_336 = tpu.vector_load %arg8[%get3A_334, %get3A_335] {strides = array<i32>} : memref<640x128xf32, #tpu.memory_space<vmem>>, vector<16xf32>,
            %mul3A_337 = arith.constant 16 : i32
            %mul3A_338 = arith.muli %scan3A_44, %mul3A_337 : i32
            %add3A_339 = arith.constant 1 : i32
            %add3A_340 = arith.addi %mul3A_338, %add3A_339 : i32
            %get3A_341 = arith.index_cast %add3A_340 : i32 to index
            %get3A_342 = arith.constant 32 : index
            %get3A_343 = tpu.vector_load %arg8[%get3A_341, %get3A_342] {strides = array<i32>} : memref<640x128xf32, #tpu.memory_space<vmem>>, vector<16xf32>,
            %mul3A_344 = arith.constant 16 : i32
            %mul3A_345 = arith.muli %scan3A_44, %mul3A_344 : i32
            %add3A_346 = arith.constant 2 : i32
            %add3A_347 = arith.addi %mul3A_345, %add3A_346 : i32
            %get3A_348 = arith.index_cast %add3A_347 : i32 to index
            %get3A_349 = arith.constant 32 : index
            %get3A_350 = tpu.vector_load %arg8[%get3A_348, %get3A_349] {strides = array<i32>} : memref<640x128xf32, #tpu.memory_space<vmem>>, vector<16xf32>,
            %mul3A_351 = arith.constant 16 : i32
            %mul3A_352 = arith.muli %scan3A_44, %mul3A_351 : i32
            %add3A_353 = arith.constant 3 : i32
            %add3A_354 = arith.addi %mul3A_352, %add3A_353 : i32
            %get3A_355 = arith.index_cast %add3A_354 : i32 to index
            %get3A_356 = arith.constant 32 : index
            %get3A_357 = tpu.vector_load %arg8[%get3A_355, %get3A_356] {strides = array<i32>} : memref<640x128xf32, #tpu.memory_space<vmem>>, vector<16xf32>,
            %mul3A_358 = arith.constant 16 : i32
            %mul3A_359 = arith.muli %scan3A_44, %mul3A_358 : i32
            %add3A_360 = arith.constant 4 : i32
            %add3A_361 = arith.addi %mul3A_359, %add3A_360 : i32
            %get3A_362 = arith.index_cast %add3A_361 : i32 to index
            %get3A_363 = arith.constant 32 : index
            %get3A_364 = tpu.vector_load %arg8[%get3A_362, %get3A_363] {strides = array<i32>} : memref<640x128xf32, #tpu.memory_space<vmem>>, vector<16xf32>,
            %mul3A_365 = arith.constant 16 : i32
            %mul3A_366 = arith.muli %scan3A_44, %mul3A_365 : i32
            %add3A_367 = arith.constant 5 : i32
            %add3A_368 = arith.addi %mul3A_366, %add3A_367 : i32
            %get3A_369 = arith.index_cast %add3A_368 : i32 to index
            %get3A_370 = arith.constant 32 : index
            %get3A_371 = tpu.vector_load %arg8[%get3A_369, %get3A_370] {strides = array<i32>} : memref<640x128xf32, #tpu.memory_space<vmem>>, vector<16xf32>,
            %mul3A_372 = arith.constant 16 : i32
            %mul3A_373 = arith.muli %scan3A_44, %mul3A_372 : i32
            %add3A_374 = arith.constant 6 : i32
            %add3A_375 = arith.addi %mul3A_373, %add3A_374 : i32
            %get3A_376 = arith.index_cast %add3A_375 : i32 to index
            %get3A_377 = arith.constant 32 : index
            %get3A_378 = tpu.vector_load %arg8[%get3A_376, %get3A_377] {strides = array<i32>} : memref<640x128xf32, #tpu.memory_space<vmem>>, vector<16xf32>,
            %mul3A_379 = arith.constant 16 : i32
            %mul3A_380 = arith.muli %scan3A_44, %mul3A_379 : i32
            %add3A_381 = arith.constant 7 : i32
            %add3A_382 = arith.addi %mul3A_380, %add3A_381 : i32
            %get3A_383 = arith.index_cast %add3A_382 : i32 to index
            %get3A_384 = arith.constant 32 : index
            %get3A_385 = tpu.vector_load %arg8[%get3A_383, %get3A_384] {strides = array<i32>} : memref<640x128xf32, #tpu.memory_space<vmem>>, vector<16xf32>,
            %mul3A_386 = arith.constant 16 : i32
            %mul3A_387 = arith.muli %scan3A_44, %mul3A_386 : i32
            %add3A_388 = arith.constant 8 : i32
            %add3A_389 = arith.addi %mul3A_387, %add3A_388 : i32
            %get3A_390 = arith.index_cast %add3A_389 : i32 to index
            %get3A_391 = arith.constant 32 : index
            %get3A_392 = tpu.vector_load %arg8[%get3A_390, %get3A_391] {strides = array<i32>} : memref<640x128xf32, #tpu.memory_space<vmem>>, vector<16xf32>,
            %mul3A_393 = arith.constant 16 : i32
            %mul3A_394 = arith.muli %scan3A_44, %mul3A_393 : i32
            %add3A_395 = arith.constant 9 : i32
            %add3A_396 = arith.addi %mul3A_394, %add3A_395 : i32
            %get3A_397 = arith.index_cast %add3A_396 : i32 to index
            %get3A_398 = arith.constant 32 : index
            %get3A_399 = tpu.vector_load %arg8[%get3A_397, %get3A_398] {strides = array<i32>} : memref<640x128xf32, #tpu.memory_space<vmem>>, vector<16xf32>,
            %mul3A_400 = arith.constant 16 : i32
            %mul3A_401 = arith.muli %scan3A_44, %mul3A_400 : i32
            %add3A_402 = arith.constant 10 : i32
            %add3A_403 = arith.addi %mul3A_401, %add3A_402 : i32
            %get3A_404 = arith.index_cast %add3A_403 : i32 to index
            %get3A_405 = arith.constant 32 : index
            %get3A_406 = tpu.vector_load %arg8[%get3A_404, %get3A_405] {strides = array<i32>} : memref<640x128xf32, #tpu.memory_space<vmem>>, vector<16xf32>,
            %mul3A_407 = arith.constant 16 : i32
            %mul3A_408 = arith.muli %scan3A_44, %mul3A_407 : i32
            %add3A_409 = arith.constant 11 : i32
            %add3A_410 = arith.addi %mul3A_408, %add3A_409 : i32
            %get3A_411 = arith.index_cast %add3A_410 : i32 to index
            %get3A_412 = arith.constant 32 : index
            %get3A_413 = tpu.vector_load %arg8[%get3A_411, %get3A_412] {strides = array<i32>} : memref<640x128xf32, #tpu.memory_space<vmem>>, vector<16xf32>,
            %mul3A_414 = arith.constant 16 : i32
            %mul3A_415 = arith.muli %scan3A_44, %mul3A_414 : i32
            %add3A_416 = arith.constant 12 : i32
            %add3A_417 = arith.addi %mul3A_415, %add3A_416 : i32
            %get3A_418 = arith.index_cast %add3A_417 : i32 to index
            %get3A_419 = arith.constant 32 : index
            %get3A_420 = tpu.vector_load %arg8[%get3A_418, %get3A_419] {strides = array<i32>} : memref<640x128xf32, #tpu.memory_space<vmem>>, vector<16xf32>,
            %mul3A_421 = arith.constant 16 : i32
            %mul3A_422 = arith.muli %scan3A_44, %mul3A_421 : i32
            %add3A_423 = arith.constant 13 : i32
            %add3A_424 = arith.addi %mul3A_422, %add3A_423 : i32
            %get3A_425 = arith.index_cast %add3A_424 : i32 to index
            %get3A_426 = arith.constant 32 : index
            %get3A_427 = tpu.vector_load %arg8[%get3A_425, %get3A_426] {strides = array<i32>} : memref<640x128xf32, #tpu.memory_space<vmem>>, vector<16xf32>,
            %mul3A_428 = arith.constant 16 : i32
            %mul3A_429 = arith.muli %scan3A_44, %mul3A_428 : i32
            %add3A_430 = arith.constant 14 : i32
            %add3A_431 = arith.addi %mul3A_429, %add3A_430 : i32
            %get3A_432 = arith.index_cast %add3A_431 : i32 to index
            %get3A_433 = arith.constant 32 : index
            %get3A_434 = tpu.vector_load %arg8[%get3A_432, %get3A_433] {strides = array<i32>} : memref<640x128xf32, #tpu.memory_space<vmem>>, vector<16xf32>,
            %mul3A_435 = arith.constant 16 : i32
            %mul3A_436 = arith.muli %scan3A_44, %mul3A_435 : i32
            %add3A_437 = arith.constant 15 : i32
            %add3A_438 = arith.addi %mul3A_436, %add3A_437 : i32
            %get3A_439 = arith.index_cast %add3A_438 : i32 to index
            %get3A_440 = arith.constant 32 : index
            %get3A_441 = tpu.vector_load %arg8[%get3A_439, %get3A_440] {strides = array<i32>} : memref<640x128xf32, #tpu.memory_space<vmem>>, vector<16xf32>,
            %add3A_442 = arith.addf %get3A_336, %get3A_343 : vector<16xf32>
            %add3A_443 = arith.addf %get3A_350, %get3A_357 : vector<16xf32>
            %add3A_444 = arith.addf %get3A_364, %get3A_371 : vector<16xf32>
            %add3A_445 = arith.addf %get3A_378, %get3A_385 : vector<16xf32>
            %add3A_446 = arith.addf %get3A_392, %get3A_399 : vector<16xf32>
            %add3A_447 = arith.addf %get3A_406, %get3A_413 : vector<16xf32>
            %add3A_448 = arith.addf %get3A_420, %get3A_427 : vector<16xf32>
            %add3A_449 = arith.addf %get3A_434, %get3A_441 : vector<16xf32>
            %add3A_450 = arith.addf %add3A_442, %add3A_443 : vector<16xf32>
            %add3A_451 = arith.addf %add3A_444, %add3A_445 : vector<16xf32>
            %add3A_452 = arith.addf %add3A_446, %add3A_447 : vector<16xf32>
            %add3A_453 = arith.addf %add3A_448, %add3A_449 : vector<16xf32>
            %add3A_454 = arith.addf %add3A_450, %add3A_451 : vector<16xf32>
            %add3A_455 = arith.addf %add3A_452, %add3A_453 : vector<16xf32>
            %add3A_456 = arith.addf %add3A_454, %add3A_455 : vector<16xf32>
            %add3A_457 = arith.constant 32 : i32
            %add3A_458 = vector.broadcast %add3A_457 : i32 to vector<16xi32>
            %add3A_459 = arith.addi %add3A_458, %iota3A : vector<16xi32>
            tpu.vector_store_idx %arg11[%broadcast_in_dim3A_69, %add3A_459], %add3A_456 {add = true} : memref<65x128xf32, #tpu.memory_space<vmem>>[vector<16xi32>, vector<16xi32>], vector<16xf32>,
            %mul3A_460 = arith.constant 16 : i32
            %mul3A_461 = arith.muli %scan3A_44, %mul3A_460 : i32
            %add3A_462 = arith.constant 0 : i32
            %add3A_463 = arith.addi %mul3A_461, %add3A_462 : i32
            %get3A_464 = arith.index_cast %add3A_463 : i32 to index
            %get3A_465 = arith.constant 48 : index
            %get3A_466 = tpu.vector_load %arg8[%get3A_464, %get3A_465] {strides = array<i32>} : memref<640x128xf32, #tpu.memory_space<vmem>>, vector<16xf32>,
            %mul3A_467 = arith.constant 16 : i32
            %mul3A_468 = arith.muli %scan3A_44, %mul3A_467 : i32
            %add3A_469 = arith.constant 1 : i32
            %add3A_470 = arith.addi %mul3A_468, %add3A_469 : i32
            %get3A_471 = arith.index_cast %add3A_470 : i32 to index
            %get3A_472 = arith.constant 48 : index
            %get3A_473 = tpu.vector_load %arg8[%get3A_471, %get3A_472] {strides = array<i32>} : memref<640x128xf32, #tpu.memory_space<vmem>>, vector<16xf32>,
            %mul3A_474 = arith.constant 16 : i32
            %mul3A_475 = arith.muli %scan3A_44, %mul3A_474 : i32
            %add3A_476 = arith.constant 2 : i32
            %add3A_477 = arith.addi %mul3A_475, %add3A_476 : i32
            %get3A_478 = arith.index_cast %add3A_477 : i32 to index
            %get3A_479 = arith.constant 48 : index
            %get3A_480 = tpu.vector_load %arg8[%get3A_478, %get3A_479] {strides = array<i32>} : memref<640x128xf32, #tpu.memory_space<vmem>>, vector<16xf32>,
            %mul3A_481 = arith.constant 16 : i32
            %mul3A_482 = arith.muli %scan3A_44, %mul3A_481 : i32
            %add3A_483 = arith.constant 3 : i32
            %add3A_484 = arith.addi %mul3A_482, %add3A_483 : i32
            %get3A_485 = arith.index_cast %add3A_484 : i32 to index
            %get3A_486 = arith.constant 48 : index
            %get3A_487 = tpu.vector_load %arg8[%get3A_485, %get3A_486] {strides = array<i32>} : memref<640x128xf32, #tpu.memory_space<vmem>>, vector<16xf32>,
            %mul3A_488 = arith.constant 16 : i32
            %mul3A_489 = arith.muli %scan3A_44, %mul3A_488 : i32
            %add3A_490 = arith.constant 4 : i32
            %add3A_491 = arith.addi %mul3A_489, %add3A_490 : i32
            %get3A_492 = arith.index_cast %add3A_491 : i32 to index
            %get3A_493 = arith.constant 48 : index
            %get3A_494 = tpu.vector_load %arg8[%get3A_492, %get3A_493] {strides = array<i32>} : memref<640x128xf32, #tpu.memory_space<vmem>>, vector<16xf32>,
            %mul3A_495 = arith.constant 16 : i32
            %mul3A_496 = arith.muli %scan3A_44, %mul3A_495 : i32
            %add3A_497 = arith.constant 5 : i32
            %add3A_498 = arith.addi %mul3A_496, %add3A_497 : i32
            %get3A_499 = arith.index_cast %add3A_498 : i32 to index
            %get3A_500 = arith.constant 48 : index
            %get3A_501 = tpu.vector_load %arg8[%get3A_499, %get3A_500] {strides = array<i32>} : memref<640x128xf32, #tpu.memory_space<vmem>>, vector<16xf32>,
            %mul3A_502 = arith.constant 16 : i32
            %mul3A_503 = arith.muli %scan3A_44, %mul3A_502 : i32
            %add3A_504 = arith.constant 6 : i32
            %add3A_505 = arith.addi %mul3A_503, %add3A_504 : i32
            %get3A_506 = arith.index_cast %add3A_505 : i32 to index
            %get3A_507 = arith.constant 48 : index
            %get3A_508 = tpu.vector_load %arg8[%get3A_506, %get3A_507] {strides = array<i32>} : memref<640x128xf32, #tpu.memory_space<vmem>>, vector<16xf32>,
            %mul3A_509 = arith.constant 16 : i32
            %mul3A_510 = arith.muli %scan3A_44, %mul3A_509 : i32
            %add3A_511 = arith.constant 7 : i32
            %add3A_512 = arith.addi %mul3A_510, %add3A_511 : i32
            %get3A_513 = arith.index_cast %add3A_512 : i32 to index
            %get3A_514 = arith.constant 48 : index
            %get3A_515 = tpu.vector_load %arg8[%get3A_513, %get3A_514] {strides = array<i32>} : memref<640x128xf32, #tpu.memory_space<vmem>>, vector<16xf32>,
            %mul3A_516 = arith.constant 16 : i32
            %mul3A_517 = arith.muli %scan3A_44, %mul3A_516 : i32
            %add3A_518 = arith.constant 8 : i32
            %add3A_519 = arith.addi %mul3A_517, %add3A_518 : i32
            %get3A_520 = arith.index_cast %add3A_519 : i32 to index
            %get3A_521 = arith.constant 48 : index
            %get3A_522 = tpu.vector_load %arg8[%get3A_520, %get3A_521] {strides = array<i32>} : memref<640x128xf32, #tpu.memory_space<vmem>>, vector<16xf32>,
            %mul3A_523 = arith.constant 16 : i32
            %mul3A_524 = arith.muli %scan3A_44, %mul3A_523 : i32
            %add3A_525 = arith.constant 9 : i32
            %add3A_526 = arith.addi %mul3A_524, %add3A_525 : i32
            %get3A_527 = arith.index_cast %add3A_526 : i32 to index
            %get3A_528 = arith.constant 48 : index
            %get3A_529 = tpu.vector_load %arg8[%get3A_527, %get3A_528] {strides = array<i32>} : memref<640x128xf32, #tpu.memory_space<vmem>>, vector<16xf32>,
            %mul3A_530 = arith.constant 16 : i32
            %mul3A_531 = arith.muli %scan3A_44, %mul3A_530 : i32
            %add3A_532 = arith.constant 10 : i32
            %add3A_533 = arith.addi %mul3A_531, %add3A_532 : i32
            %get3A_534 = arith.index_cast %add3A_533 : i32 to index
            %get3A_535 = arith.constant 48 : index
            %get3A_536 = tpu.vector_load %arg8[%get3A_534, %get3A_535] {strides = array<i32>} : memref<640x128xf32, #tpu.memory_space<vmem>>, vector<16xf32>,
            %mul3A_537 = arith.constant 16 : i32
            %mul3A_538 = arith.muli %scan3A_44, %mul3A_537 : i32
            %add3A_539 = arith.constant 11 : i32
            %add3A_540 = arith.addi %mul3A_538, %add3A_539 : i32
            %get3A_541 = arith.index_cast %add3A_540 : i32 to index
            %get3A_542 = arith.constant 48 : index
            %get3A_543 = tpu.vector_load %arg8[%get3A_541, %get3A_542] {strides = array<i32>} : memref<640x128xf32, #tpu.memory_space<vmem>>, vector<16xf32>,
            %mul3A_544 = arith.constant 16 : i32
            %mul3A_545 = arith.muli %scan3A_44, %mul3A_544 : i32
            %add3A_546 = arith.constant 12 : i32
            %add3A_547 = arith.addi %mul3A_545, %add3A_546 : i32
            %get3A_548 = arith.index_cast %add3A_547 : i32 to index
            %get3A_549 = arith.constant 48 : index
            %get3A_550 = tpu.vector_load %arg8[%get3A_548, %get3A_549] {strides = array<i32>} : memref<640x128xf32, #tpu.memory_space<vmem>>, vector<16xf32>,
            %mul3A_551 = arith.constant 16 : i32
            %mul3A_552 = arith.muli %scan3A_44, %mul3A_551 : i32
            %add3A_553 = arith.constant 13 : i32
            %add3A_554 = arith.addi %mul3A_552, %add3A_553 : i32
            %get3A_555 = arith.index_cast %add3A_554 : i32 to index
            %get3A_556 = arith.constant 48 : index
            %get3A_557 = tpu.vector_load %arg8[%get3A_555, %get3A_556] {strides = array<i32>} : memref<640x128xf32, #tpu.memory_space<vmem>>, vector<16xf32>,
            %mul3A_558 = arith.constant 16 : i32
            %mul3A_559 = arith.muli %scan3A_44, %mul3A_558 : i32
            %add3A_560 = arith.constant 14 : i32
            %add3A_561 = arith.addi %mul3A_559, %add3A_560 : i32
            %get3A_562 = arith.index_cast %add3A_561 : i32 to index
            %get3A_563 = arith.constant 48 : index
            %get3A_564 = tpu.vector_load %arg8[%get3A_562, %get3A_563] {strides = array<i32>} : memref<640x128xf32, #tpu.memory_space<vmem>>, vector<16xf32>,
            %mul3A_565 = arith.constant 16 : i32
            %mul3A_566 = arith.muli %scan3A_44, %mul3A_565 : i32
            %add3A_567 = arith.constant 15 : i32
            %add3A_568 = arith.addi %mul3A_566, %add3A_567 : i32
            %get3A_569 = arith.index_cast %add3A_568 : i32 to index
            %get3A_570 = arith.constant 48 : index
            %get3A_571 = tpu.vector_load %arg8[%get3A_569, %get3A_570] {strides = array<i32>} : memref<640x128xf32, #tpu.memory_space<vmem>>, vector<16xf32>,
            %add3A_572 = arith.addf %get3A_466, %get3A_473 : vector<16xf32>
            %add3A_573 = arith.addf %get3A_480, %get3A_487 : vector<16xf32>
            %add3A_574 = arith.addf %get3A_494, %get3A_501 : vector<16xf32>
            %add3A_575 = arith.addf %get3A_508, %get3A_515 : vector<16xf32>
            %add3A_576 = arith.addf %get3A_522, %get3A_529 : vector<16xf32>
            %add3A_577 = arith.addf %get3A_536, %get3A_543 : vector<16xf32>
            %add3A_578 = arith.addf %get3A_550, %get3A_557 : vector<16xf32>
            %add3A_579 = arith.addf %get3A_564, %get3A_571 : vector<16xf32>
            %add3A_580 = arith.addf %add3A_572, %add3A_573 : vector<16xf32>
            %add3A_581 = arith.addf %add3A_574, %add3A_575 : vector<16xf32>
            %add3A_582 = arith.addf %add3A_576, %add3A_577 : vector<16xf32>
            %add3A_583 = arith.addf %add3A_578, %add3A_579 : vector<16xf32>
            %add3A_584 = arith.addf %add3A_580, %add3A_581 : vector<16xf32>
            %add3A_585 = arith.addf %add3A_582, %add3A_583 : vector<16xf32>
            %add3A_586 = arith.addf %add3A_584, %add3A_585 : vector<16xf32>
            %add3A_587 = arith.constant 48 : i32
            %add3A_588 = vector.broadcast %add3A_587 : i32 to vector<16xi32>
            %add3A_589 = arith.addi %add3A_588, %iota3A : vector<16xi32>
            tpu.vector_store_idx %arg11[%broadcast_in_dim3A_69, %add3A_589], %add3A_586 {add = true} : memref<65x128xf32, #tpu.memory_space<vmem>>[vector<16xi32>, vector<16xi32>], vector<16xf32>,
            %mul3A_590 = arith.constant 16 : i32
            %mul3A_591 = arith.muli %scan3A_44, %mul3A_590 : i32
            %add3A_592 = arith.constant 0 : i32
            %add3A_593 = arith.addi %mul3A_591, %add3A_592 : i32
            %get3A_594 = arith.index_cast %add3A_593 : i32 to index
            %get3A_595 = arith.constant 64 : index
            %get3A_596 = tpu.vector_load %arg8[%get3A_594, %get3A_595] {strides = array<i32>} : memref<640x128xf32, #tpu.memory_space<vmem>>, vector<16xf32>,
            %mul3A_597 = arith.constant 16 : i32
            %mul3A_598 = arith.muli %scan3A_44, %mul3A_597 : i32
            %add3A_599 = arith.constant 1 : i32
            %add3A_600 = arith.addi %mul3A_598, %add3A_599 : i32
            %get3A_601 = arith.index_cast %add3A_600 : i32 to index
            %get3A_602 = arith.constant 64 : index
            %get3A_603 = tpu.vector_load %arg8[%get3A_601, %get3A_602] {strides = array<i32>} : memref<640x128xf32, #tpu.memory_space<vmem>>, vector<16xf32>,
            %mul3A_604 = arith.constant 16 : i32
            %mul3A_605 = arith.muli %scan3A_44, %mul3A_604 : i32
            %add3A_606 = arith.constant 2 : i32
            %add3A_607 = arith.addi %mul3A_605, %add3A_606 : i32
            %get3A_608 = arith.index_cast %add3A_607 : i32 to index
            %get3A_609 = arith.constant 64 : index
            %get3A_610 = tpu.vector_load %arg8[%get3A_608, %get3A_609] {strides = array<i32>} : memref<640x128xf32, #tpu.memory_space<vmem>>, vector<16xf32>,
            %mul3A_611 = arith.constant 16 : i32
            %mul3A_612 = arith.muli %scan3A_44, %mul3A_611 : i32
            %add3A_613 = arith.constant 3 : i32
            %add3A_614 = arith.addi %mul3A_612, %add3A_613 : i32
            %get3A_615 = arith.index_cast %add3A_614 : i32 to index
            %get3A_616 = arith.constant 64 : index
            %get3A_617 = tpu.vector_load %arg8[%get3A_615, %get3A_616] {strides = array<i32>} : memref<640x128xf32, #tpu.memory_space<vmem>>, vector<16xf32>,
            %mul3A_618 = arith.constant 16 : i32
            %mul3A_619 = arith.muli %scan3A_44, %mul3A_618 : i32
            %add3A_620 = arith.constant 4 : i32
            %add3A_621 = arith.addi %mul3A_619, %add3A_620 : i32
            %get3A_622 = arith.index_cast %add3A_621 : i32 to index
            %get3A_623 = arith.constant 64 : index
            %get3A_624 = tpu.vector_load %arg8[%get3A_622, %get3A_623] {strides = array<i32>} : memref<640x128xf32, #tpu.memory_space<vmem>>, vector<16xf32>,
            %mul3A_625 = arith.constant 16 : i32
            %mul3A_626 = arith.muli %scan3A_44, %mul3A_625 : i32
            %add3A_627 = arith.constant 5 : i32
            %add3A_628 = arith.addi %mul3A_626, %add3A_627 : i32
            %get3A_629 = arith.index_cast %add3A_628 : i32 to index
            %get3A_630 = arith.constant 64 : index
            %get3A_631 = tpu.vector_load %arg8[%get3A_629, %get3A_630] {strides = array<i32>} : memref<640x128xf32, #tpu.memory_space<vmem>>, vector<16xf32>,
            %mul3A_632 = arith.constant 16 : i32
            %mul3A_633 = arith.muli %scan3A_44, %mul3A_632 : i32
            %add3A_634 = arith.constant 6 : i32
            %add3A_635 = arith.addi %mul3A_633, %add3A_634 : i32
            %get3A_636 = arith.index_cast %add3A_635 : i32 to index
            %get3A_637 = arith.constant 64 : index
            %get3A_638 = tpu.vector_load %arg8[%get3A_636, %get3A_637] {strides = array<i32>} : memref<640x128xf32, #tpu.memory_space<vmem>>, vector<16xf32>,
            %mul3A_639 = arith.constant 16 : i32
            %mul3A_640 = arith.muli %scan3A_44, %mul3A_639 : i32
            %add3A_641 = arith.constant 7 : i32
            %add3A_642 = arith.addi %mul3A_640, %add3A_641 : i32
            %get3A_643 = arith.index_cast %add3A_642 : i32 to index
            %get3A_644 = arith.constant 64 : index
            %get3A_645 = tpu.vector_load %arg8[%get3A_643, %get3A_644] {strides = array<i32>} : memref<640x128xf32, #tpu.memory_space<vmem>>, vector<16xf32>,
            %mul3A_646 = arith.constant 16 : i32
            %mul3A_647 = arith.muli %scan3A_44, %mul3A_646 : i32
            %add3A_648 = arith.constant 8 : i32
            %add3A_649 = arith.addi %mul3A_647, %add3A_648 : i32
            %get3A_650 = arith.index_cast %add3A_649 : i32 to index
            %get3A_651 = arith.constant 64 : index
            %get3A_652 = tpu.vector_load %arg8[%get3A_650, %get3A_651] {strides = array<i32>} : memref<640x128xf32, #tpu.memory_space<vmem>>, vector<16xf32>,
            %mul3A_653 = arith.constant 16 : i32
            %mul3A_654 = arith.muli %scan3A_44, %mul3A_653 : i32
            %add3A_655 = arith.constant 9 : i32
            %add3A_656 = arith.addi %mul3A_654, %add3A_655 : i32
            %get3A_657 = arith.index_cast %add3A_656 : i32 to index
            %get3A_658 = arith.constant 64 : index
            %get3A_659 = tpu.vector_load %arg8[%get3A_657, %get3A_658] {strides = array<i32>} : memref<640x128xf32, #tpu.memory_space<vmem>>, vector<16xf32>,
            %mul3A_660 = arith.constant 16 : i32
            %mul3A_661 = arith.muli %scan3A_44, %mul3A_660 : i32
            %add3A_662 = arith.constant 10 : i32
            %add3A_663 = arith.addi %mul3A_661, %add3A_662 : i32
            %get3A_664 = arith.index_cast %add3A_663 : i32 to index
            %get3A_665 = arith.constant 64 : index
            %get3A_666 = tpu.vector_load %arg8[%get3A_664, %get3A_665] {strides = array<i32>} : memref<640x128xf32, #tpu.memory_space<vmem>>, vector<16xf32>,
            %mul3A_667 = arith.constant 16 : i32
            %mul3A_668 = arith.muli %scan3A_44, %mul3A_667 : i32
            %add3A_669 = arith.constant 11 : i32
            %add3A_670 = arith.addi %mul3A_668, %add3A_669 : i32
            %get3A_671 = arith.index_cast %add3A_670 : i32 to index
            %get3A_672 = arith.constant 64 : index
            %get3A_673 = tpu.vector_load %arg8[%get3A_671, %get3A_672] {strides = array<i32>} : memref<640x128xf32, #tpu.memory_space<vmem>>, vector<16xf32>,
            %mul3A_674 = arith.constant 16 : i32
            %mul3A_675 = arith.muli %scan3A_44, %mul3A_674 : i32
            %add3A_676 = arith.constant 12 : i32
            %add3A_677 = arith.addi %mul3A_675, %add3A_676 : i32
            %get3A_678 = arith.index_cast %add3A_677 : i32 to index
            %get3A_679 = arith.constant 64 : index
            %get3A_680 = tpu.vector_load %arg8[%get3A_678, %get3A_679] {strides = array<i32>} : memref<640x128xf32, #tpu.memory_space<vmem>>, vector<16xf32>,
            %mul3A_681 = arith.constant 16 : i32
            %mul3A_682 = arith.muli %scan3A_44, %mul3A_681 : i32
            %add3A_683 = arith.constant 13 : i32
            %add3A_684 = arith.addi %mul3A_682, %add3A_683 : i32
            %get3A_685 = arith.index_cast %add3A_684 : i32 to index
            %get3A_686 = arith.constant 64 : index
            %get3A_687 = tpu.vector_load %arg8[%get3A_685, %get3A_686] {strides = array<i32>} : memref<640x128xf32, #tpu.memory_space<vmem>>, vector<16xf32>,
            %mul3A_688 = arith.constant 16 : i32
            %mul3A_689 = arith.muli %scan3A_44, %mul3A_688 : i32
            %add3A_690 = arith.constant 14 : i32
            %add3A_691 = arith.addi %mul3A_689, %add3A_690 : i32
            %get3A_692 = arith.index_cast %add3A_691 : i32 to index
            %get3A_693 = arith.constant 64 : index
            %get3A_694 = tpu.vector_load %arg8[%get3A_692, %get3A_693] {strides = array<i32>} : memref<640x128xf32, #tpu.memory_space<vmem>>, vector<16xf32>,
            %mul3A_695 = arith.constant 16 : i32
            %mul3A_696 = arith.muli %scan3A_44, %mul3A_695 : i32
            %add3A_697 = arith.constant 15 : i32
            %add3A_698 = arith.addi %mul3A_696, %add3A_697 : i32
            %get3A_699 = arith.index_cast %add3A_698 : i32 to index
            %get3A_700 = arith.constant 64 : index
            %get3A_701 = tpu.vector_load %arg8[%get3A_699, %get3A_700] {strides = array<i32>} : memref<640x128xf32, #tpu.memory_space<vmem>>, vector<16xf32>,
            %add3A_702 = arith.addf %get3A_596, %get3A_603 : vector<16xf32>
            %add3A_703 = arith.addf %get3A_610, %get3A_617 : vector<16xf32>
            %add3A_704 = arith.addf %get3A_624, %get3A_631 : vector<16xf32>
            %add3A_705 = arith.addf %get3A_638, %get3A_645 : vector<16xf32>
            %add3A_706 = arith.addf %get3A_652, %get3A_659 : vector<16xf32>
            %add3A_707 = arith.addf %get3A_666, %get3A_673 : vector<16xf32>
            %add3A_708 = arith.addf %get3A_680, %get3A_687 : vector<16xf32>
            %add3A_709 = arith.addf %get3A_694, %get3A_701 : vector<16xf32>
            %add3A_710 = arith.addf %add3A_702, %add3A_703 : vector<16xf32>
            %add3A_711 = arith.addf %add3A_704, %add3A_705 : vector<16xf32>
            %add3A_712 = arith.addf %add3A_706, %add3A_707 : vector<16xf32>
            %add3A_713 = arith.addf %add3A_708, %add3A_709 : vector<16xf32>
            %add3A_714 = arith.addf %add3A_710, %add3A_711 : vector<16xf32>
            %add3A_715 = arith.addf %add3A_712, %add3A_713 : vector<16xf32>
            %add3A_716 = arith.addf %add3A_714, %add3A_715 : vector<16xf32>
            %add3A_717 = arith.constant 64 : i32
            %add3A_718 = vector.broadcast %add3A_717 : i32 to vector<16xi32>
            %add3A_719 = arith.addi %add3A_718, %iota3A : vector<16xi32>
            tpu.vector_store_idx %arg11[%broadcast_in_dim3A_69, %add3A_719], %add3A_716 {add = true} : memref<65x128xf32, #tpu.memory_space<vmem>>[vector<16xi32>, vector<16xi32>], vector<16xf32>,
            %mul3A_720 = arith.constant 16 : i32
            %mul3A_721 = arith.muli %scan3A_44, %mul3A_720 : i32
            %add3A_722 = arith.constant 0 : i32
            %add3A_723 = arith.addi %mul3A_721, %add3A_722 : i32
            %get3A_724 = arith.index_cast %add3A_723 : i32 to index
            %get3A_725 = arith.constant 80 : index
            %get3A_726 = tpu.vector_load %arg8[%get3A_724, %get3A_725] {strides = array<i32>} : memref<640x128xf32, #tpu.memory_space<vmem>>, vector<16xf32>,
            %mul3A_727 = arith.constant 16 : i32
            %mul3A_728 = arith.muli %scan3A_44, %mul3A_727 : i32
            %add3A_729 = arith.constant 1 : i32
            %add3A_730 = arith.addi %mul3A_728, %add3A_729 : i32
            %get3A_731 = arith.index_cast %add3A_730 : i32 to index
            %get3A_732 = arith.constant 80 : index
            %get3A_733 = tpu.vector_load %arg8[%get3A_731, %get3A_732] {strides = array<i32>} : memref<640x128xf32, #tpu.memory_space<vmem>>, vector<16xf32>,
            %mul3A_734 = arith.constant 16 : i32
            %mul3A_735 = arith.muli %scan3A_44, %mul3A_734 : i32
            %add3A_736 = arith.constant 2 : i32
            %add3A_737 = arith.addi %mul3A_735, %add3A_736 : i32
            %get3A_738 = arith.index_cast %add3A_737 : i32 to index
            %get3A_739 = arith.constant 80 : index
            %get3A_740 = tpu.vector_load %arg8[%get3A_738, %get3A_739] {strides = array<i32>} : memref<640x128xf32, #tpu.memory_space<vmem>>, vector<16xf32>,
            %mul3A_741 = arith.constant 16 : i32
            %mul3A_742 = arith.muli %scan3A_44, %mul3A_741 : i32
            %add3A_743 = arith.constant 3 : i32
            %add3A_744 = arith.addi %mul3A_742, %add3A_743 : i32
            %get3A_745 = arith.index_cast %add3A_744 : i32 to index
            %get3A_746 = arith.constant 80 : index
            %get3A_747 = tpu.vector_load %arg8[%get3A_745, %get3A_746] {strides = array<i32>} : memref<640x128xf32, #tpu.memory_space<vmem>>, vector<16xf32>,
            %mul3A_748 = arith.constant 16 : i32
            %mul3A_749 = arith.muli %scan3A_44, %mul3A_748 : i32
            %add3A_750 = arith.constant 4 : i32
            %add3A_751 = arith.addi %mul3A_749, %add3A_750 : i32
            %get3A_752 = arith.index_cast %add3A_751 : i32 to index
            %get3A_753 = arith.constant 80 : index
            %get3A_754 = tpu.vector_load %arg8[%get3A_752, %get3A_753] {strides = array<i32>} : memref<640x128xf32, #tpu.memory_space<vmem>>, vector<16xf32>,
            %mul3A_755 = arith.constant 16 : i32
            %mul3A_756 = arith.muli %scan3A_44, %mul3A_755 : i32
            %add3A_757 = arith.constant 5 : i32
            %add3A_758 = arith.addi %mul3A_756, %add3A_757 : i32
            %get3A_759 = arith.index_cast %add3A_758 : i32 to index
            %get3A_760 = arith.constant 80 : index
            %get3A_761 = tpu.vector_load %arg8[%get3A_759, %get3A_760] {strides = array<i32>} : memref<640x128xf32, #tpu.memory_space<vmem>>, vector<16xf32>,
            %mul3A_762 = arith.constant 16 : i32
            %mul3A_763 = arith.muli %scan3A_44, %mul3A_762 : i32
            %add3A_764 = arith.constant 6 : i32
            %add3A_765 = arith.addi %mul3A_763, %add3A_764 : i32
            %get3A_766 = arith.index_cast %add3A_765 : i32 to index
            %get3A_767 = arith.constant 80 : index
            %get3A_768 = tpu.vector_load %arg8[%get3A_766, %get3A_767] {strides = array<i32>} : memref<640x128xf32, #tpu.memory_space<vmem>>, vector<16xf32>,
            %mul3A_769 = arith.constant 16 : i32
            %mul3A_770 = arith.muli %scan3A_44, %mul3A_769 : i32
            %add3A_771 = arith.constant 7 : i32
            %add3A_772 = arith.addi %mul3A_770, %add3A_771 : i32
            %get3A_773 = arith.index_cast %add3A_772 : i32 to index
            %get3A_774 = arith.constant 80 : index
            %get3A_775 = tpu.vector_load %arg8[%get3A_773, %get3A_774] {strides = array<i32>} : memref<640x128xf32, #tpu.memory_space<vmem>>, vector<16xf32>,
            %mul3A_776 = arith.constant 16 : i32
            %mul3A_777 = arith.muli %scan3A_44, %mul3A_776 : i32
            %add3A_778 = arith.constant 8 : i32
            %add3A_779 = arith.addi %mul3A_777, %add3A_778 : i32
            %get3A_780 = arith.index_cast %add3A_779 : i32 to index
            %get3A_781 = arith.constant 80 : index
            %get3A_782 = tpu.vector_load %arg8[%get3A_780, %get3A_781] {strides = array<i32>} : memref<640x128xf32, #tpu.memory_space<vmem>>, vector<16xf32>,
            %mul3A_783 = arith.constant 16 : i32
            %mul3A_784 = arith.muli %scan3A_44, %mul3A_783 : i32
            %add3A_785 = arith.constant 9 : i32
            %add3A_786 = arith.addi %mul3A_784, %add3A_785 : i32
            %get3A_787 = arith.index_cast %add3A_786 : i32 to index
            %get3A_788 = arith.constant 80 : index
            %get3A_789 = tpu.vector_load %arg8[%get3A_787, %get3A_788] {strides = array<i32>} : memref<640x128xf32, #tpu.memory_space<vmem>>, vector<16xf32>,
            %mul3A_790 = arith.constant 16 : i32
            %mul3A_791 = arith.muli %scan3A_44, %mul3A_790 : i32
            %add3A_792 = arith.constant 10 : i32
            %add3A_793 = arith.addi %mul3A_791, %add3A_792 : i32
            %get3A_794 = arith.index_cast %add3A_793 : i32 to index
            %get3A_795 = arith.constant 80 : index
            %get3A_796 = tpu.vector_load %arg8[%get3A_794, %get3A_795] {strides = array<i32>} : memref<640x128xf32, #tpu.memory_space<vmem>>, vector<16xf32>,
            %mul3A_797 = arith.constant 16 : i32
            %mul3A_798 = arith.muli %scan3A_44, %mul3A_797 : i32
            %add3A_799 = arith.constant 11 : i32
            %add3A_800 = arith.addi %mul3A_798, %add3A_799 : i32
            %get3A_801 = arith.index_cast %add3A_800 : i32 to index
            %get3A_802 = arith.constant 80 : index
            %get3A_803 = tpu.vector_load %arg8[%get3A_801, %get3A_802] {strides = array<i32>} : memref<640x128xf32, #tpu.memory_space<vmem>>, vector<16xf32>,
            %mul3A_804 = arith.constant 16 : i32
            %mul3A_805 = arith.muli %scan3A_44, %mul3A_804 : i32
            %add3A_806 = arith.constant 12 : i32
            %add3A_807 = arith.addi %mul3A_805, %add3A_806 : i32
            %get3A_808 = arith.index_cast %add3A_807 : i32 to index
            %get3A_809 = arith.constant 80 : index
            %get3A_810 = tpu.vector_load %arg8[%get3A_808, %get3A_809] {strides = array<i32>} : memref<640x128xf32, #tpu.memory_space<vmem>>, vector<16xf32>,
            %mul3A_811 = arith.constant 16 : i32
            %mul3A_812 = arith.muli %scan3A_44, %mul3A_811 : i32
            %add3A_813 = arith.constant 13 : i32
            %add3A_814 = arith.addi %mul3A_812, %add3A_813 : i32
            %get3A_815 = arith.index_cast %add3A_814 : i32 to index
            %get3A_816 = arith.constant 80 : index
            %get3A_817 = tpu.vector_load %arg8[%get3A_815, %get3A_816] {strides = array<i32>} : memref<640x128xf32, #tpu.memory_space<vmem>>, vector<16xf32>,
            %mul3A_818 = arith.constant 16 : i32
            %mul3A_819 = arith.muli %scan3A_44, %mul3A_818 : i32
            %add3A_820 = arith.constant 14 : i32
            %add3A_821 = arith.addi %mul3A_819, %add3A_820 : i32
            %get3A_822 = arith.index_cast %add3A_821 : i32 to index
            %get3A_823 = arith.constant 80 : index
            %get3A_824 = tpu.vector_load %arg8[%get3A_822, %get3A_823] {strides = array<i32>} : memref<640x128xf32, #tpu.memory_space<vmem>>, vector<16xf32>,
            %mul3A_825 = arith.constant 16 : i32
            %mul3A_826 = arith.muli %scan3A_44, %mul3A_825 : i32
            %add3A_827 = arith.constant 15 : i32
            %add3A_828 = arith.addi %mul3A_826, %add3A_827 : i32
            %get3A_829 = arith.index_cast %add3A_828 : i32 to index
            %get3A_830 = arith.constant 80 : index
            %get3A_831 = tpu.vector_load %arg8[%get3A_829, %get3A_830] {strides = array<i32>} : memref<640x128xf32, #tpu.memory_space<vmem>>, vector<16xf32>,
            %add3A_832 = arith.addf %get3A_726, %get3A_733 : vector<16xf32>
            %add3A_833 = arith.addf %get3A_740, %get3A_747 : vector<16xf32>
            %add3A_834 = arith.addf %get3A_754, %get3A_761 : vector<16xf32>
            %add3A_835 = arith.addf %get3A_768, %get3A_775 : vector<16xf32>
            %add3A_836 = arith.addf %get3A_782, %get3A_789 : vector<16xf32>
            %add3A_837 = arith.addf %get3A_796, %get3A_803 : vector<16xf32>
            %add3A_838 = arith.addf %get3A_810, %get3A_817 : vector<16xf32>
            %add3A_839 = arith.addf %get3A_824, %get3A_831 : vector<16xf32>
            %add3A_840 = arith.addf %add3A_832, %add3A_833 : vector<16xf32>
            %add3A_841 = arith.addf %add3A_834, %add3A_835 : vector<16xf32>
            %add3A_842 = arith.addf %add3A_836, %add3A_837 : vector<16xf32>
            %add3A_843 = arith.addf %add3A_838, %add3A_839 : vector<16xf32>
            %add3A_844 = arith.addf %add3A_840, %add3A_841 : vector<16xf32>
            %add3A_845 = arith.addf %add3A_842, %add3A_843 : vector<16xf32>
            %add3A_846 = arith.addf %add3A_844, %add3A_845 : vector<16xf32>
            %add3A_847 = arith.constant 80 : i32
            %add3A_848 = vector.broadcast %add3A_847 : i32 to vector<16xi32>
            %add3A_849 = arith.addi %add3A_848, %iota3A : vector<16xi32>
            tpu.vector_store_idx %arg11[%broadcast_in_dim3A_69, %add3A_849], %add3A_846 {add = true} : memref<65x128xf32, #tpu.memory_space<vmem>>[vector<16xi32>, vector<16xi32>], vector<16xf32>,
            %mul3A_850 = arith.constant 16 : i32
            %mul3A_851 = arith.muli %scan3A_44, %mul3A_850 : i32
            %add3A_852 = arith.constant 0 : i32
            %add3A_853 = arith.addi %mul3A_851, %add3A_852 : i32
            %get3A_854 = arith.index_cast %add3A_853 : i32 to index
            %get3A_855 = arith.constant 96 : index
            %get3A_856 = tpu.vector_load %arg8[%get3A_854, %get3A_855] {strides = array<i32>} : memref<640x128xf32, #tpu.memory_space<vmem>>, vector<16xf32>,
            %mul3A_857 = arith.constant 16 : i32
            %mul3A_858 = arith.muli %scan3A_44, %mul3A_857 : i32
            %add3A_859 = arith.constant 1 : i32
            %add3A_860 = arith.addi %mul3A_858, %add3A_859 : i32
            %get3A_861 = arith.index_cast %add3A_860 : i32 to index
            %get3A_862 = arith.constant 96 : index
            %get3A_863 = tpu.vector_load %arg8[%get3A_861, %get3A_862] {strides = array<i32>} : memref<640x128xf32, #tpu.memory_space<vmem>>, vector<16xf32>,
            %mul3A_864 = arith.constant 16 : i32
            %mul3A_865 = arith.muli %scan3A_44, %mul3A_864 : i32
            %add3A_866 = arith.constant 2 : i32
            %add3A_867 = arith.addi %mul3A_865, %add3A_866 : i32
            %get3A_868 = arith.index_cast %add3A_867 : i32 to index
            %get3A_869 = arith.constant 96 : index
            %get3A_870 = tpu.vector_load %arg8[%get3A_868, %get3A_869] {strides = array<i32>} : memref<640x128xf32, #tpu.memory_space<vmem>>, vector<16xf32>,
            %mul3A_871 = arith.constant 16 : i32
            %mul3A_872 = arith.muli %scan3A_44, %mul3A_871 : i32
            %add3A_873 = arith.constant 3 : i32
            %add3A_874 = arith.addi %mul3A_872, %add3A_873 : i32
            %get3A_875 = arith.index_cast %add3A_874 : i32 to index
            %get3A_876 = arith.constant 96 : index
            %get3A_877 = tpu.vector_load %arg8[%get3A_875, %get3A_876] {strides = array<i32>} : memref<640x128xf32, #tpu.memory_space<vmem>>, vector<16xf32>,
            %mul3A_878 = arith.constant 16 : i32
            %mul3A_879 = arith.muli %scan3A_44, %mul3A_878 : i32
            %add3A_880 = arith.constant 4 : i32
            %add3A_881 = arith.addi %mul3A_879, %add3A_880 : i32
            %get3A_882 = arith.index_cast %add3A_881 : i32 to index
            %get3A_883 = arith.constant 96 : index
            %get3A_884 = tpu.vector_load %arg8[%get3A_882, %get3A_883] {strides = array<i32>} : memref<640x128xf32, #tpu.memory_space<vmem>>, vector<16xf32>,
            %mul3A_885 = arith.constant 16 : i32
            %mul3A_886 = arith.muli %scan3A_44, %mul3A_885 : i32
            %add3A_887 = arith.constant 5 : i32
            %add3A_888 = arith.addi %mul3A_886, %add3A_887 : i32
            %get3A_889 = arith.index_cast %add3A_888 : i32 to index
            %get3A_890 = arith.constant 96 : index
            %get3A_891 = tpu.vector_load %arg8[%get3A_889, %get3A_890] {strides = array<i32>} : memref<640x128xf32, #tpu.memory_space<vmem>>, vector<16xf32>,
            %mul3A_892 = arith.constant 16 : i32
            %mul3A_893 = arith.muli %scan3A_44, %mul3A_892 : i32
            %add3A_894 = arith.constant 6 : i32
            %add3A_895 = arith.addi %mul3A_893, %add3A_894 : i32
            %get3A_896 = arith.index_cast %add3A_895 : i32 to index
            %get3A_897 = arith.constant 96 : index
            %get3A_898 = tpu.vector_load %arg8[%get3A_896, %get3A_897] {strides = array<i32>} : memref<640x128xf32, #tpu.memory_space<vmem>>, vector<16xf32>,
            %mul3A_899 = arith.constant 16 : i32
            %mul3A_900 = arith.muli %scan3A_44, %mul3A_899 : i32
            %add3A_901 = arith.constant 7 : i32
            %add3A_902 = arith.addi %mul3A_900, %add3A_901 : i32
            %get3A_903 = arith.index_cast %add3A_902 : i32 to index
            %get3A_904 = arith.constant 96 : index
            %get3A_905 = tpu.vector_load %arg8[%get3A_903, %get3A_904] {strides = array<i32>} : memref<640x128xf32, #tpu.memory_space<vmem>>, vector<16xf32>,
            %mul3A_906 = arith.constant 16 : i32
            %mul3A_907 = arith.muli %scan3A_44, %mul3A_906 : i32
            %add3A_908 = arith.constant 8 : i32
            %add3A_909 = arith.addi %mul3A_907, %add3A_908 : i32
            %get3A_910 = arith.index_cast %add3A_909 : i32 to index
            %get3A_911 = arith.constant 96 : index
            %get3A_912 = tpu.vector_load %arg8[%get3A_910, %get3A_911] {strides = array<i32>} : memref<640x128xf32, #tpu.memory_space<vmem>>, vector<16xf32>,
            %mul3A_913 = arith.constant 16 : i32
            %mul3A_914 = arith.muli %scan3A_44, %mul3A_913 : i32
            %add3A_915 = arith.constant 9 : i32
            %add3A_916 = arith.addi %mul3A_914, %add3A_915 : i32
            %get3A_917 = arith.index_cast %add3A_916 : i32 to index
            %get3A_918 = arith.constant 96 : index
            %get3A_919 = tpu.vector_load %arg8[%get3A_917, %get3A_918] {strides = array<i32>} : memref<640x128xf32, #tpu.memory_space<vmem>>, vector<16xf32>,
            %mul3A_920 = arith.constant 16 : i32
            %mul3A_921 = arith.muli %scan3A_44, %mul3A_920 : i32
            %add3A_922 = arith.constant 10 : i32
            %add3A_923 = arith.addi %mul3A_921, %add3A_922 : i32
            %get3A_924 = arith.index_cast %add3A_923 : i32 to index
            %get3A_925 = arith.constant 96 : index
            %get3A_926 = tpu.vector_load %arg8[%get3A_924, %get3A_925] {strides = array<i32>} : memref<640x128xf32, #tpu.memory_space<vmem>>, vector<16xf32>,
            %mul3A_927 = arith.constant 16 : i32
            %mul3A_928 = arith.muli %scan3A_44, %mul3A_927 : i32
            %add3A_929 = arith.constant 11 : i32
            %add3A_930 = arith.addi %mul3A_928, %add3A_929 : i32
            %get3A_931 = arith.index_cast %add3A_930 : i32 to index
            %get3A_932 = arith.constant 96 : index
            %get3A_933 = tpu.vector_load %arg8[%get3A_931, %get3A_932] {strides = array<i32>} : memref<640x128xf32, #tpu.memory_space<vmem>>, vector<16xf32>,
            %mul3A_934 = arith.constant 16 : i32
            %mul3A_935 = arith.muli %scan3A_44, %mul3A_934 : i32
            %add3A_936 = arith.constant 12 : i32
            %add3A_937 = arith.addi %mul3A_935, %add3A_936 : i32
            %get3A_938 = arith.index_cast %add3A_937 : i32 to index
            %get3A_939 = arith.constant 96 : index
            %get3A_940 = tpu.vector_load %arg8[%get3A_938, %get3A_939] {strides = array<i32>} : memref<640x128xf32, #tpu.memory_space<vmem>>, vector<16xf32>,
            %mul3A_941 = arith.constant 16 : i32
            %mul3A_942 = arith.muli %scan3A_44, %mul3A_941 : i32
            %add3A_943 = arith.constant 13 : i32
            %add3A_944 = arith.addi %mul3A_942, %add3A_943 : i32
            %get3A_945 = arith.index_cast %add3A_944 : i32 to index
            %get3A_946 = arith.constant 96 : index
            %get3A_947 = tpu.vector_load %arg8[%get3A_945, %get3A_946] {strides = array<i32>} : memref<640x128xf32, #tpu.memory_space<vmem>>, vector<16xf32>,
            %mul3A_948 = arith.constant 16 : i32
            %mul3A_949 = arith.muli %scan3A_44, %mul3A_948 : i32
            %add3A_950 = arith.constant 14 : i32
            %add3A_951 = arith.addi %mul3A_949, %add3A_950 : i32
            %get3A_952 = arith.index_cast %add3A_951 : i32 to index
            %get3A_953 = arith.constant 96 : index
            %get3A_954 = tpu.vector_load %arg8[%get3A_952, %get3A_953] {strides = array<i32>} : memref<640x128xf32, #tpu.memory_space<vmem>>, vector<16xf32>,
            %mul3A_955 = arith.constant 16 : i32
            %mul3A_956 = arith.muli %scan3A_44, %mul3A_955 : i32
            %add3A_957 = arith.constant 15 : i32
            %add3A_958 = arith.addi %mul3A_956, %add3A_957 : i32
            %get3A_959 = arith.index_cast %add3A_958 : i32 to index
            %get3A_960 = arith.constant 96 : index
            %get3A_961 = tpu.vector_load %arg8[%get3A_959, %get3A_960] {strides = array<i32>} : memref<640x128xf32, #tpu.memory_space<vmem>>, vector<16xf32>,
            %add3A_962 = arith.addf %get3A_856, %get3A_863 : vector<16xf32>
            %add3A_963 = arith.addf %get3A_870, %get3A_877 : vector<16xf32>
            %add3A_964 = arith.addf %get3A_884, %get3A_891 : vector<16xf32>
            %add3A_965 = arith.addf %get3A_898, %get3A_905 : vector<16xf32>
            %add3A_966 = arith.addf %get3A_912, %get3A_919 : vector<16xf32>
            %add3A_967 = arith.addf %get3A_926, %get3A_933 : vector<16xf32>
            %add3A_968 = arith.addf %get3A_940, %get3A_947 : vector<16xf32>
            %add3A_969 = arith.addf %get3A_954, %get3A_961 : vector<16xf32>
            %add3A_970 = arith.addf %add3A_962, %add3A_963 : vector<16xf32>
            %add3A_971 = arith.addf %add3A_964, %add3A_965 : vector<16xf32>
            %add3A_972 = arith.addf %add3A_966, %add3A_967 : vector<16xf32>
            %add3A_973 = arith.addf %add3A_968, %add3A_969 : vector<16xf32>
            %add3A_974 = arith.addf %add3A_970, %add3A_971 : vector<16xf32>
            %add3A_975 = arith.addf %add3A_972, %add3A_973 : vector<16xf32>
            %add3A_976 = arith.addf %add3A_974, %add3A_975 : vector<16xf32>
            %add3A_977 = arith.constant 96 : i32
            %add3A_978 = vector.broadcast %add3A_977 : i32 to vector<16xi32>
            %add3A_979 = arith.addi %add3A_978, %iota3A : vector<16xi32>
            tpu.vector_store_idx %arg11[%broadcast_in_dim3A_69, %add3A_979], %add3A_976 {add = true} : memref<65x128xf32, #tpu.memory_space<vmem>>[vector<16xi32>, vector<16xi32>], vector<16xf32>,
            %mul3A_980 = arith.constant 16 : i32
            %mul3A_981 = arith.muli %scan3A_44, %mul3A_980 : i32
            %add3A_982 = arith.constant 0 : i32
            %add3A_983 = arith.addi %mul3A_981, %add3A_982 : i32
            %get3A_984 = arith.index_cast %add3A_983 : i32 to index
            %get3A_985 = arith.constant 112 : index
            %get3A_986 = tpu.vector_load %arg8[%get3A_984, %get3A_985] {strides = array<i32>} : memref<640x128xf32, #tpu.memory_space<vmem>>, vector<16xf32>,
            %mul3A_987 = arith.constant 16 : i32
            %mul3A_988 = arith.muli %scan3A_44, %mul3A_987 : i32
            %add3A_989 = arith.constant 1 : i32
            %add3A_990 = arith.addi %mul3A_988, %add3A_989 : i32
            %get3A_991 = arith.index_cast %add3A_990 : i32 to index
            %get3A_992 = arith.constant 112 : index
            %get3A_993 = tpu.vector_load %arg8[%get3A_991, %get3A_992] {strides = array<i32>} : memref<640x128xf32, #tpu.memory_space<vmem>>, vector<16xf32>,
            %mul3A_994 = arith.constant 16 : i32
            %mul3A_995 = arith.muli %scan3A_44, %mul3A_994 : i32
            %add3A_996 = arith.constant 2 : i32
            %add3A_997 = arith.addi %mul3A_995, %add3A_996 : i32
            %get3A_998 = arith.index_cast %add3A_997 : i32 to index
            %get3A_999 = arith.constant 112 : index
            %get3A_1000 = tpu.vector_load %arg8[%get3A_998, %get3A_999] {strides = array<i32>} : memref<640x128xf32, #tpu.memory_space<vmem>>, vector<16xf32>,
            %mul3A_1001 = arith.constant 16 : i32
            %mul3A_1002 = arith.muli %scan3A_44, %mul3A_1001 : i32
            %add3A_1003 = arith.constant 3 : i32
            %add3A_1004 = arith.addi %mul3A_1002, %add3A_1003 : i32
            %get3A_1005 = arith.index_cast %add3A_1004 : i32 to index
            %get3A_1006 = arith.constant 112 : index
            %get3A_1007 = tpu.vector_load %arg8[%get3A_1005, %get3A_1006] {strides = array<i32>} : memref<640x128xf32, #tpu.memory_space<vmem>>, vector<16xf32>,
            %mul3A_1008 = arith.constant 16 : i32
            %mul3A_1009 = arith.muli %scan3A_44, %mul3A_1008 : i32
            %add3A_1010 = arith.constant 4 : i32
            %add3A_1011 = arith.addi %mul3A_1009, %add3A_1010 : i32
            %get3A_1012 = arith.index_cast %add3A_1011 : i32 to index
            %get3A_1013 = arith.constant 112 : index
            %get3A_1014 = tpu.vector_load %arg8[%get3A_1012, %get3A_1013] {strides = array<i32>} : memref<640x128xf32, #tpu.memory_space<vmem>>, vector<16xf32>,
            %mul3A_1015 = arith.constant 16 : i32
            %mul3A_1016 = arith.muli %scan3A_44, %mul3A_1015 : i32
            %add3A_1017 = arith.constant 5 : i32
            %add3A_1018 = arith.addi %mul3A_1016, %add3A_1017 : i32
            %get3A_1019 = arith.index_cast %add3A_1018 : i32 to index
            %get3A_1020 = arith.constant 112 : index
            %get3A_1021 = tpu.vector_load %arg8[%get3A_1019, %get3A_1020] {strides = array<i32>} : memref<640x128xf32, #tpu.memory_space<vmem>>, vector<16xf32>,
            %mul3A_1022 = arith.constant 16 : i32
            %mul3A_1023 = arith.muli %scan3A_44, %mul3A_1022 : i32
            %add3A_1024 = arith.constant 6 : i32
            %add3A_1025 = arith.addi %mul3A_1023, %add3A_1024 : i32
            %get3A_1026 = arith.index_cast %add3A_1025 : i32 to index
            %get3A_1027 = arith.constant 112 : index
            %get3A_1028 = tpu.vector_load %arg8[%get3A_1026, %get3A_1027] {strides = array<i32>} : memref<640x128xf32, #tpu.memory_space<vmem>>, vector<16xf32>,
            %mul3A_1029 = arith.constant 16 : i32
            %mul3A_1030 = arith.muli %scan3A_44, %mul3A_1029 : i32
            %add3A_1031 = arith.constant 7 : i32
            %add3A_1032 = arith.addi %mul3A_1030, %add3A_1031 : i32
            %get3A_1033 = arith.index_cast %add3A_1032 : i32 to index
            %get3A_1034 = arith.constant 112 : index
            %get3A_1035 = tpu.vector_load %arg8[%get3A_1033, %get3A_1034] {strides = array<i32>} : memref<640x128xf32, #tpu.memory_space<vmem>>, vector<16xf32>,
            %mul3A_1036 = arith.constant 16 : i32
            %mul3A_1037 = arith.muli %scan3A_44, %mul3A_1036 : i32
            %add3A_1038 = arith.constant 8 : i32
            %add3A_1039 = arith.addi %mul3A_1037, %add3A_1038 : i32
            %get3A_1040 = arith.index_cast %add3A_1039 : i32 to index
            %get3A_1041 = arith.constant 112 : index
            %get3A_1042 = tpu.vector_load %arg8[%get3A_1040, %get3A_1041] {strides = array<i32>} : memref<640x128xf32, #tpu.memory_space<vmem>>, vector<16xf32>,
            %mul3A_1043 = arith.constant 16 : i32
            %mul3A_1044 = arith.muli %scan3A_44, %mul3A_1043 : i32
            %add3A_1045 = arith.constant 9 : i32
            %add3A_1046 = arith.addi %mul3A_1044, %add3A_1045 : i32
            %get3A_1047 = arith.index_cast %add3A_1046 : i32 to index
            %get3A_1048 = arith.constant 112 : index
            %get3A_1049 = tpu.vector_load %arg8[%get3A_1047, %get3A_1048] {strides = array<i32>} : memref<640x128xf32, #tpu.memory_space<vmem>>, vector<16xf32>,
            %mul3A_1050 = arith.constant 16 : i32
            %mul3A_1051 = arith.muli %scan3A_44, %mul3A_1050 : i32
            %add3A_1052 = arith.constant 10 : i32
            %add3A_1053 = arith.addi %mul3A_1051, %add3A_1052 : i32
            %get3A_1054 = arith.index_cast %add3A_1053 : i32 to index
            %get3A_1055 = arith.constant 112 : index
            %get3A_1056 = tpu.vector_load %arg8[%get3A_1054, %get3A_1055] {strides = array<i32>} : memref<640x128xf32, #tpu.memory_space<vmem>>, vector<16xf32>,
            %mul3A_1057 = arith.constant 16 : i32
            %mul3A_1058 = arith.muli %scan3A_44, %mul3A_1057 : i32
            %add3A_1059 = arith.constant 11 : i32
            %add3A_1060 = arith.addi %mul3A_1058, %add3A_1059 : i32
            %get3A_1061 = arith.index_cast %add3A_1060 : i32 to index
            %get3A_1062 = arith.constant 112 : index
            %get3A_1063 = tpu.vector_load %arg8[%get3A_1061, %get3A_1062] {strides = array<i32>} : memref<640x128xf32, #tpu.memory_space<vmem>>, vector<16xf32>,
            %mul3A_1064 = arith.constant 16 : i32
            %mul3A_1065 = arith.muli %scan3A_44, %mul3A_1064 : i32
            %add3A_1066 = arith.constant 12 : i32
            %add3A_1067 = arith.addi %mul3A_1065, %add3A_1066 : i32
            %get3A_1068 = arith.index_cast %add3A_1067 : i32 to index
            %get3A_1069 = arith.constant 112 : index
            %get3A_1070 = tpu.vector_load %arg8[%get3A_1068, %get3A_1069] {strides = array<i32>} : memref<640x128xf32, #tpu.memory_space<vmem>>, vector<16xf32>,
            %mul3A_1071 = arith.constant 16 : i32
            %mul3A_1072 = arith.muli %scan3A_44, %mul3A_1071 : i32
            %add3A_1073 = arith.constant 13 : i32
            %add3A_1074 = arith.addi %mul3A_1072, %add3A_1073 : i32
            %get3A_1075 = arith.index_cast %add3A_1074 : i32 to index
            %get3A_1076 = arith.constant 112 : index
            %get3A_1077 = tpu.vector_load %arg8[%get3A_1075, %get3A_1076] {strides = array<i32>} : memref<640x128xf32, #tpu.memory_space<vmem>>, vector<16xf32>,
            %mul3A_1078 = arith.constant 16 : i32
            %mul3A_1079 = arith.muli %scan3A_44, %mul3A_1078 : i32
            %add3A_1080 = arith.constant 14 : i32
            %add3A_1081 = arith.addi %mul3A_1079, %add3A_1080 : i32
            %get3A_1082 = arith.index_cast %add3A_1081 : i32 to index
            %get3A_1083 = arith.constant 112 : index
            %get3A_1084 = tpu.vector_load %arg8[%get3A_1082, %get3A_1083] {strides = array<i32>} : memref<640x128xf32, #tpu.memory_space<vmem>>, vector<16xf32>,
            %mul3A_1085 = arith.constant 16 : i32
            %mul3A_1086 = arith.muli %scan3A_44, %mul3A_1085 : i32
            %add3A_1087 = arith.constant 15 : i32
            %add3A_1088 = arith.addi %mul3A_1086, %add3A_1087 : i32
            %get3A_1089 = arith.index_cast %add3A_1088 : i32 to index
            %get3A_1090 = arith.constant 112 : index
            %get3A_1091 = tpu.vector_load %arg8[%get3A_1089, %get3A_1090] {strides = array<i32>} : memref<640x128xf32, #tpu.memory_space<vmem>>, vector<16xf32>,
            %add3A_1092 = arith.addf %get3A_986, %get3A_993 : vector<16xf32>
            %add3A_1093 = arith.addf %get3A_1000, %get3A_1007 : vector<16xf32>
            %add3A_1094 = arith.addf %get3A_1014, %get3A_1021 : vector<16xf32>
            %add3A_1095 = arith.addf %get3A_1028, %get3A_1035 : vector<16xf32>
            %add3A_1096 = arith.addf %get3A_1042, %get3A_1049 : vector<16xf32>
            %add3A_1097 = arith.addf %get3A_1056, %get3A_1063 : vector<16xf32>
            %add3A_1098 = arith.addf %get3A_1070, %get3A_1077 : vector<16xf32>
            %add3A_1099 = arith.addf %get3A_1084, %get3A_1091 : vector<16xf32>
            %add3A_1100 = arith.addf %add3A_1092, %add3A_1093 : vector<16xf32>
            %add3A_1101 = arith.addf %add3A_1094, %add3A_1095 : vector<16xf32>
            %add3A_1102 = arith.addf %add3A_1096, %add3A_1097 : vector<16xf32>
            %add3A_1103 = arith.addf %add3A_1098, %add3A_1099 : vector<16xf32>
            %add3A_1104 = arith.addf %add3A_1100, %add3A_1101 : vector<16xf32>
            %add3A_1105 = arith.addf %add3A_1102, %add3A_1103 : vector<16xf32>
            %add3A_1106 = arith.addf %add3A_1104, %add3A_1105 : vector<16xf32>
            %add3A_1107 = arith.constant 112 : i32
            %add3A_1108 = vector.broadcast %add3A_1107 : i32 to vector<16xi32>
            %add3A_1109 = arith.addi %add3A_1108, %iota3A : vector<16xi32>
            tpu.vector_store_idx %arg11[%broadcast_in_dim3A_69, %add3A_1109], %add3A_1106 {add = true} : memref<65x128xf32, #tpu.memory_space<vmem>>[vector<16xi32>, vector<16xi32>], vector<16xf32>,
          } else {
          }
          %ne3A = arith.cmpi ne, %reduce_min3A_54, %reduce_max3A_61 : i32
          %convert_element_type3A_66 = arith.extui %ne3A : i1 to i32
          %cond3A_67 = arith.constant 0 : i32
          %cond3A_68 = arith.cmpi ne, %convert_element_type3A_66, %cond3A_67 : i32
          scf.if %cond3A_68 {
            %eq3A_69 = arith.constant 0 : i32
            %eq3A_70 = vector.broadcast %eq3A_69 : i32 to vector<16xi32>
            %eq3A_71 = arith.cmpi eq, %iota3A, %eq3A_70 : vector<16xi32>
            %jit3A = arith.constant 0 : i32
            %broadcast_in_dim3A_72 = vector.broadcast %jit3A : i32 to vector<16xi32>
            %select_n3A = arith.select %eq3A_71, %get3A_47, %broadcast_in_dim3A_72 : vector<16xi1>, vector<16xi32>
            %reduce_sum3A = arith.constant true
            %reduce_sum3A_73 = vector.broadcast %reduce_sum3A : i1 to vector<16xi1>
            %reduce_sum3A_74 = tpu.scan <sum>, %select_n3A masked %reduce_sum3A_73 : vector<16xi32>, vector<16xi1> -> vector<16xi32>
            %reduce_sum3A_75 = vector.extract %reduce_sum3A_74[15] : i32 from vector<16xi32>
            %broadcast_in_dim3A_76 = vector.broadcast %reduce_sum3A_75 : i32 to vector<16xi32>
            %add3A_77 = arith.constant 0 : i32
            %add3A_78 = vector.broadcast %add3A_77 : i32 to vector<16xi32>
            %add3A_79 = arith.addi %add3A_78, %iota3A : vector<16xi32>
            %mul3A_80 = arith.constant 16 : i32
            %mul3A_81 = arith.muli %scan3A_44, %mul3A_80 : i32
            %add3A_82 = arith.constant 0 : i32
            %add3A_83 = arith.addi %mul3A_81, %add3A_82 : i32
            %get3A_84 = arith.index_cast %add3A_83 : i32 to index
            %get3A_85 = arith.constant 0 : index
            %get3A_86 = tpu.vector_load %arg8[%get3A_84, %get3A_85] {strides = array<i32>} : memref<640x128xf32, #tpu.memory_space<vmem>>, vector<16xf32>,
            tpu.vector_store_idx %arg11[%broadcast_in_dim3A_76, %add3A_79], %get3A_86 {add = true} : memref<65x128xf32, #tpu.memory_space<vmem>>[vector<16xi32>, vector<16xi32>], vector<16xf32>,
            %add3A_87 = arith.constant 16 : i32
            %add3A_88 = vector.broadcast %add3A_87 : i32 to vector<16xi32>
            %add3A_89 = arith.addi %add3A_88, %iota3A : vector<16xi32>
            %mul3A_90 = arith.constant 16 : i32
            %mul3A_91 = arith.muli %scan3A_44, %mul3A_90 : i32
            %add3A_92 = arith.constant 0 : i32
            %add3A_93 = arith.addi %mul3A_91, %add3A_92 : i32
            %get3A_94 = arith.index_cast %add3A_93 : i32 to index
            %get3A_95 = arith.constant 16 : index
            %get3A_96 = tpu.vector_load %arg8[%get3A_94, %get3A_95] {strides = array<i32>} : memref<640x128xf32, #tpu.memory_space<vmem>>, vector<16xf32>,
            tpu.vector_store_idx %arg11[%broadcast_in_dim3A_76, %add3A_89], %get3A_96 {add = true} : memref<65x128xf32, #tpu.memory_space<vmem>>[vector<16xi32>, vector<16xi32>], vector<16xf32>,
            %add3A_97 = arith.constant 32 : i32
            %add3A_98 = vector.broadcast %add3A_97 : i32 to vector<16xi32>
            %add3A_99 = arith.addi %add3A_98, %iota3A : vector<16xi32>
            %mul3A_100 = arith.constant 16 : i32
            %mul3A_101 = arith.muli %scan3A_44, %mul3A_100 : i32
            %add3A_102 = arith.constant 0 : i32
            %add3A_103 = arith.addi %mul3A_101, %add3A_102 : i32
            %get3A_104 = arith.index_cast %add3A_103 : i32 to index
            %get3A_105 = arith.constant 32 : index
            %get3A_106 = tpu.vector_load %arg8[%get3A_104, %get3A_105] {strides = array<i32>} : memref<640x128xf32, #tpu.memory_space<vmem>>, vector<16xf32>,
            tpu.vector_store_idx %arg11[%broadcast_in_dim3A_76, %add3A_99], %get3A_106 {add = true} : memref<65x128xf32, #tpu.memory_space<vmem>>[vector<16xi32>, vector<16xi32>], vector<16xf32>,
            %add3A_107 = arith.constant 48 : i32
            %add3A_108 = vector.broadcast %add3A_107 : i32 to vector<16xi32>
            %add3A_109 = arith.addi %add3A_108, %iota3A : vector<16xi32>
            %mul3A_110 = arith.constant 16 : i32
            %mul3A_111 = arith.muli %scan3A_44, %mul3A_110 : i32
            %add3A_112 = arith.constant 0 : i32
            %add3A_113 = arith.addi %mul3A_111, %add3A_112 : i32
            %get3A_114 = arith.index_cast %add3A_113 : i32 to index
            %get3A_115 = arith.constant 48 : index
            %get3A_116 = tpu.vector_load %arg8[%get3A_114, %get3A_115] {strides = array<i32>} : memref<640x128xf32, #tpu.memory_space<vmem>>, vector<16xf32>,
            tpu.vector_store_idx %arg11[%broadcast_in_dim3A_76, %add3A_109], %get3A_116 {add = true} : memref<65x128xf32, #tpu.memory_space<vmem>>[vector<16xi32>, vector<16xi32>], vector<16xf32>,
            %add3A_117 = arith.constant 64 : i32
            %add3A_118 = vector.broadcast %add3A_117 : i32 to vector<16xi32>
            %add3A_119 = arith.addi %add3A_118, %iota3A : vector<16xi32>
            %mul3A_120 = arith.constant 16 : i32
            %mul3A_121 = arith.muli %scan3A_44, %mul3A_120 : i32
            %add3A_122 = arith.constant 0 : i32
            %add3A_123 = arith.addi %mul3A_121, %add3A_122 : i32
            %get3A_124 = arith.index_cast %add3A_123 : i32 to index
            %get3A_125 = arith.constant 64 : index
            %get3A_126 = tpu.vector_load %arg8[%get3A_124, %get3A_125] {strides = array<i32>} : memref<640x128xf32, #tpu.memory_space<vmem>>, vector<16xf32>,
            tpu.vector_store_idx %arg11[%broadcast_in_dim3A_76, %add3A_119], %get3A_126 {add = true} : memref<65x128xf32, #tpu.memory_space<vmem>>[vector<16xi32>, vector<16xi32>], vector<16xf32>,
            %add3A_127 = arith.constant 80 : i32
            %add3A_128 = vector.broadcast %add3A_127 : i32 to vector<16xi32>
            %add3A_129 = arith.addi %add3A_128, %iota3A : vector<16xi32>
            %mul3A_130 = arith.constant 16 : i32
            %mul3A_131 = arith.muli %scan3A_44, %mul3A_130 : i32
            %add3A_132 = arith.constant 0 : i32
            %add3A_133 = arith.addi %mul3A_131, %add3A_132 : i32
            %get3A_134 = arith.index_cast %add3A_133 : i32 to index
            %get3A_135 = arith.constant 80 : index
            %get3A_136 = tpu.vector_load %arg8[%get3A_134, %get3A_135] {strides = array<i32>} : memref<640x128xf32, #tpu.memory_space<vmem>>, vector<16xf32>,
            tpu.vector_store_idx %arg11[%broadcast_in_dim3A_76, %add3A_129], %get3A_136 {add = true} : memref<65x128xf32, #tpu.memory_space<vmem>>[vector<16xi32>, vector<16xi32>], vector<16xf32>,
            %add3A_137 = arith.constant 96 : i32
            %add3A_138 = vector.broadcast %add3A_137 : i32 to vector<16xi32>
            %add3A_139 = arith.addi %add3A_138, %iota3A : vector<16xi32>
            %mul3A_140 = arith.constant 16 : i32
            %mul3A_141 = arith.muli %scan3A_44, %mul3A_140 : i32
            %add3A_142 = arith.constant 0 : i32
            %add3A_143 = arith.addi %mul3A_141, %add3A_142 : i32
            %get3A_144 = arith.index_cast %add3A_143 : i32 to index
            %get3A_145 = arith.constant 96 : index
            %get3A_146 = tpu.vector_load %arg8[%get3A_144, %get3A_145] {strides = array<i32>} : memref<640x128xf32, #tpu.memory_space<vmem>>, vector<16xf32>,
            tpu.vector_store_idx %arg11[%broadcast_in_dim3A_76, %add3A_139], %get3A_146 {add = true} : memref<65x128xf32, #tpu.memory_space<vmem>>[vector<16xi32>, vector<16xi32>], vector<16xf32>,
            %add3A_147 = arith.constant 112 : i32
            %add3A_148 = vector.broadcast %add3A_147 : i32 to vector<16xi32>
            %add3A_149 = arith.addi %add3A_148, %iota3A : vector<16xi32>
            %mul3A_150 = arith.constant 16 : i32
            %mul3A_151 = arith.muli %scan3A_44, %mul3A_150 : i32
            %add3A_152 = arith.constant 0 : i32
            %add3A_153 = arith.addi %mul3A_151, %add3A_152 : i32
            %get3A_154 = arith.index_cast %add3A_153 : i32 to index
            %get3A_155 = arith.constant 112 : index
            %get3A_156 = tpu.vector_load %arg8[%get3A_154, %get3A_155] {strides = array<i32>} : memref<640x128xf32, #tpu.memory_space<vmem>>, vector<16xf32>,
            tpu.vector_store_idx %arg11[%broadcast_in_dim3A_76, %add3A_149], %get3A_156 {add = true} : memref<65x128xf32, #tpu.memory_space<vmem>>[vector<16xi32>, vector<16xi32>], vector<16xf32>,
            %eq3A_157 = arith.constant 1 : i32
            %eq3A_158 = vector.broadcast %eq3A_157 : i32 to vector<16xi32>
            %eq3A_159 = arith.cmpi eq, %iota3A, %eq3A_158 : vector<16xi32>
            %jit3A_160 = arith.constant 0 : i32
            %broadcast_in_dim3A_161 = vector.broadcast %jit3A_160 : i32 to vector<16xi32>
            %select_n3A_162 = arith.select %eq3A_159, %get3A_47, %broadcast_in_dim3A_161 : vector<16xi1>, vector<16xi32>
            %reduce_sum3A_163 = arith.constant true
            %reduce_sum3A_164 = vector.broadcast %reduce_sum3A_163 : i1 to vector<16xi1>
            %reduce_sum3A_165 = tpu.scan <sum>, %select_n3A_162 masked %reduce_sum3A_164 : vector<16xi32>, vector<16xi1> -> vector<16xi32>
            %reduce_sum3A_166 = vector.extract %reduce_sum3A_165[15] : i32 from vector<16xi32>
            %broadcast_in_dim3A_167 = vector.broadcast %reduce_sum3A_166 : i32 to vector<16xi32>
            %add3A_168 = arith.constant 0 : i32
            %add3A_169 = vector.broadcast %add3A_168 : i32 to vector<16xi32>
            %add3A_170 = arith.addi %add3A_169, %iota3A : vector<16xi32>
            %mul3A_171 = arith.constant 16 : i32
            %mul3A_172 = arith.muli %scan3A_44, %mul3A_171 : i32
            %add3A_173 = arith.constant 1 : i32
            %add3A_174 = arith.addi %mul3A_172, %add3A_173 : i32
            %get3A_175 = arith.index_cast %add3A_174 : i32 to index
            %get3A_176 = arith.constant 0 : index
            %get3A_177 = tpu.vector_load %arg8[%get3A_175, %get3A_176] {strides = array<i32>} : memref<640x128xf32, #tpu.memory_space<vmem>>, vector<16xf32>,
            tpu.vector_store_idx %arg11[%broadcast_in_dim3A_167, %add3A_170], %get3A_177 {add = true} : memref<65x128xf32, #tpu.memory_space<vmem>>[vector<16xi32>, vector<16xi32>], vector<16xf32>,
            %add3A_178 = arith.constant 16 : i32
            %add3A_179 = vector.broadcast %add3A_178 : i32 to vector<16xi32>
            %add3A_180 = arith.addi %add3A_179, %iota3A : vector<16xi32>
            %mul3A_181 = arith.constant 16 : i32
            %mul3A_182 = arith.muli %scan3A_44, %mul3A_181 : i32
            %add3A_183 = arith.constant 1 : i32
            %add3A_184 = arith.addi %mul3A_182, %add3A_183 : i32
            %get3A_185 = arith.index_cast %add3A_184 : i32 to index
            %get3A_186 = arith.constant 16 : index
            %get3A_187 = tpu.vector_load %arg8[%get3A_185, %get3A_186] {strides = array<i32>} : memref<640x128xf32, #tpu.memory_space<vmem>>, vector<16xf32>,
            tpu.vector_store_idx %arg11[%broadcast_in_dim3A_167, %add3A_180], %get3A_187 {add = true} : memref<65x128xf32, #tpu.memory_space<vmem>>[vector<16xi32>, vector<16xi32>], vector<16xf32>,
            %add3A_188 = arith.constant 32 : i32
            %add3A_189 = vector.broadcast %add3A_188 : i32 to vector<16xi32>
            %add3A_190 = arith.addi %add3A_189, %iota3A : vector<16xi32>
            %mul3A_191 = arith.constant 16 : i32
            %mul3A_192 = arith.muli %scan3A_44, %mul3A_191 : i32
            %add3A_193 = arith.constant 1 : i32
            %add3A_194 = arith.addi %mul3A_192, %add3A_193 : i32
            %get3A_195 = arith.index_cast %add3A_194 : i32 to index
            %get3A_196 = arith.constant 32 : index
            %get3A_197 = tpu.vector_load %arg8[%get3A_195, %get3A_196] {strides = array<i32>} : memref<640x128xf32, #tpu.memory_space<vmem>>, vector<16xf32>,
            tpu.vector_store_idx %arg11[%broadcast_in_dim3A_167, %add3A_190], %get3A_197 {add = true} : memref<65x128xf32, #tpu.memory_space<vmem>>[vector<16xi32>, vector<16xi32>], vector<16xf32>,
            %add3A_198 = arith.constant 48 : i32
            %add3A_199 = vector.broadcast %add3A_198 : i32 to vector<16xi32>
            %add3A_200 = arith.addi %add3A_199, %iota3A : vector<16xi32>
            %mul3A_201 = arith.constant 16 : i32
            %mul3A_202 = arith.muli %scan3A_44, %mul3A_201 : i32
            %add3A_203 = arith.constant 1 : i32
            %add3A_204 = arith.addi %mul3A_202, %add3A_203 : i32
            %get3A_205 = arith.index_cast %add3A_204 : i32 to index
            %get3A_206 = arith.constant 48 : index
            %get3A_207 = tpu.vector_load %arg8[%get3A_205, %get3A_206] {strides = array<i32>} : memref<640x128xf32, #tpu.memory_space<vmem>>, vector<16xf32>,
            tpu.vector_store_idx %arg11[%broadcast_in_dim3A_167, %add3A_200], %get3A_207 {add = true} : memref<65x128xf32, #tpu.memory_space<vmem>>[vector<16xi32>, vector<16xi32>], vector<16xf32>,
            %add3A_208 = arith.constant 64 : i32
            %add3A_209 = vector.broadcast %add3A_208 : i32 to vector<16xi32>
            %add3A_210 = arith.addi %add3A_209, %iota3A : vector<16xi32>
            %mul3A_211 = arith.constant 16 : i32
            %mul3A_212 = arith.muli %scan3A_44, %mul3A_211 : i32
            %add3A_213 = arith.constant 1 : i32
            %add3A_214 = arith.addi %mul3A_212, %add3A_213 : i32
            %get3A_215 = arith.index_cast %add3A_214 : i32 to index
            %get3A_216 = arith.constant 64 : index
            %get3A_217 = tpu.vector_load %arg8[%get3A_215, %get3A_216] {strides = array<i32>} : memref<640x128xf32, #tpu.memory_space<vmem>>, vector<16xf32>,
            tpu.vector_store_idx %arg11[%broadcast_in_dim3A_167, %add3A_210], %get3A_217 {add = true} : memref<65x128xf32, #tpu.memory_space<vmem>>[vector<16xi32>, vector<16xi32>], vector<16xf32>,
            %add3A_218 = arith.constant 80 : i32
            %add3A_219 = vector.broadcast %add3A_218 : i32 to vector<16xi32>
            %add3A_220 = arith.addi %add3A_219, %iota3A : vector<16xi32>
            %mul3A_221 = arith.constant 16 : i32
            %mul3A_222 = arith.muli %scan3A_44, %mul3A_221 : i32
            %add3A_223 = arith.constant 1 : i32
            %add3A_224 = arith.addi %mul3A_222, %add3A_223 : i32
            %get3A_225 = arith.index_cast %add3A_224 : i32 to index
            %get3A_226 = arith.constant 80 : index
            %get3A_227 = tpu.vector_load %arg8[%get3A_225, %get3A_226] {strides = array<i32>} : memref<640x128xf32, #tpu.memory_space<vmem>>, vector<16xf32>,
            tpu.vector_store_idx %arg11[%broadcast_in_dim3A_167, %add3A_220], %get3A_227 {add = true} : memref<65x128xf32, #tpu.memory_space<vmem>>[vector<16xi32>, vector<16xi32>], vector<16xf32>,
            %add3A_228 = arith.constant 96 : i32
            %add3A_229 = vector.broadcast %add3A_228 : i32 to vector<16xi32>
            %add3A_230 = arith.addi %add3A_229, %iota3A : vector<16xi32>
            %mul3A_231 = arith.constant 16 : i32
            %mul3A_232 = arith.muli %scan3A_44, %mul3A_231 : i32
            %add3A_233 = arith.constant 1 : i32
            %add3A_234 = arith.addi %mul3A_232, %add3A_233 : i32
            %get3A_235 = arith.index_cast %add3A_234 : i32 to index
            %get3A_236 = arith.constant 96 : index
            %get3A_237 = tpu.vector_load %arg8[%get3A_235, %get3A_236] {strides = array<i32>} : memref<640x128xf32, #tpu.memory_space<vmem>>, vector<16xf32>,
            tpu.vector_store_idx %arg11[%broadcast_in_dim3A_167, %add3A_230], %get3A_237 {add = true} : memref<65x128xf32, #tpu.memory_space<vmem>>[vector<16xi32>, vector<16xi32>], vector<16xf32>,
            %add3A_238 = arith.constant 112 : i32
            %add3A_239 = vector.broadcast %add3A_238 : i32 to vector<16xi32>
            %add3A_240 = arith.addi %add3A_239, %iota3A : vector<16xi32>
            %mul3A_241 = arith.constant 16 : i32
            %mul3A_242 = arith.muli %scan3A_44, %mul3A_241 : i32
            %add3A_243 = arith.constant 1 : i32
            %add3A_244 = arith.addi %mul3A_242, %add3A_243 : i32
            %get3A_245 = arith.index_cast %add3A_244 : i32 to index
            %get3A_246 = arith.constant 112 : index
            %get3A_247 = tpu.vector_load %arg8[%get3A_245, %get3A_246] {strides = array<i32>} : memref<640x128xf32, #tpu.memory_space<vmem>>, vector<16xf32>,
            tpu.vector_store_idx %arg11[%broadcast_in_dim3A_167, %add3A_240], %get3A_247 {add = true} : memref<65x128xf32, #tpu.memory_space<vmem>>[vector<16xi32>, vector<16xi32>], vector<16xf32>,
            %eq3A_248 = arith.constant 2 : i32
            %eq3A_249 = vector.broadcast %eq3A_248 : i32 to vector<16xi32>
            %eq3A_250 = arith.cmpi eq, %iota3A, %eq3A_249 : vector<16xi32>
            %jit3A_251 = arith.constant 0 : i32
            %broadcast_in_dim3A_252 = vector.broadcast %jit3A_251 : i32 to vector<16xi32>
            %select_n3A_253 = arith.select %eq3A_250, %get3A_47, %broadcast_in_dim3A_252 : vector<16xi1>, vector<16xi32>
            %reduce_sum3A_254 = arith.constant true
            %reduce_sum3A_255 = vector.broadcast %reduce_sum3A_254 : i1 to vector<16xi1>
            %reduce_sum3A_256 = tpu.scan <sum>, %select_n3A_253 masked %reduce_sum3A_255 : vector<16xi32>, vector<16xi1> -> vector<16xi32>
            %reduce_sum3A_257 = vector.extract %reduce_sum3A_256[15] : i32 from vector<16xi32>
            %broadcast_in_dim3A_258 = vector.broadcast %reduce_sum3A_257 : i32 to vector<16xi32>
            %add3A_259 = arith.constant 0 : i32
            %add3A_260 = vector.broadcast %add3A_259 : i32 to vector<16xi32>
            %add3A_261 = arith.addi %add3A_260, %iota3A : vector<16xi32>
            %mul3A_262 = arith.constant 16 : i32
            %mul3A_263 = arith.muli %scan3A_44, %mul3A_262 : i32
            %add3A_264 = arith.constant 2 : i32
            %add3A_265 = arith.addi %mul3A_263, %add3A_264 : i32
            %get3A_266 = arith.index_cast %add3A_265 : i32 to index
            %get3A_267 = arith.constant 0 : index
            %get3A_268 = tpu.vector_load %arg8[%get3A_266, %get3A_267] {strides = array<i32>} : memref<640x128xf32, #tpu.memory_space<vmem>>, vector<16xf32>,
            tpu.vector_store_idx %arg11[%broadcast_in_dim3A_258, %add3A_261], %get3A_268 {add = true} : memref<65x128xf32, #tpu.memory_space<vmem>>[vector<16xi32>, vector<16xi32>], vector<16xf32>,
            %add3A_269 = arith.constant 16 : i32
            %add3A_270 = vector.broadcast %add3A_269 : i32 to vector<16xi32>
            %add3A_271 = arith.addi %add3A_270, %iota3A : vector<16xi32>
            %mul3A_272 = arith.constant 16 : i32
            %mul3A_273 = arith.muli %scan3A_44, %mul3A_272 : i32
            %add3A_274 = arith.constant 2 : i32
            %add3A_275 = arith.addi %mul3A_273, %add3A_274 : i32
            %get3A_276 = arith.index_cast %add3A_275 : i32 to index
            %get3A_277 = arith.constant 16 : index
            %get3A_278 = tpu.vector_load %arg8[%get3A_276, %get3A_277] {strides = array<i32>} : memref<640x128xf32, #tpu.memory_space<vmem>>, vector<16xf32>,
            tpu.vector_store_idx %arg11[%broadcast_in_dim3A_258, %add3A_271], %get3A_278 {add = true} : memref<65x128xf32, #tpu.memory_space<vmem>>[vector<16xi32>, vector<16xi32>], vector<16xf32>,
            %add3A_279 = arith.constant 32 : i32
            %add3A_280 = vector.broadcast %add3A_279 : i32 to vector<16xi32>
            %add3A_281 = arith.addi %add3A_280, %iota3A : vector<16xi32>
            %mul3A_282 = arith.constant 16 : i32
            %mul3A_283 = arith.muli %scan3A_44, %mul3A_282 : i32
            %add3A_284 = arith.constant 2 : i32
            %add3A_285 = arith.addi %mul3A_283, %add3A_284 : i32
            %get3A_286 = arith.index_cast %add3A_285 : i32 to index
            %get3A_287 = arith.constant 32 : index
            %get3A_288 = tpu.vector_load %arg8[%get3A_286, %get3A_287] {strides = array<i32>} : memref<640x128xf32, #tpu.memory_space<vmem>>, vector<16xf32>,
            tpu.vector_store_idx %arg11[%broadcast_in_dim3A_258, %add3A_281], %get3A_288 {add = true} : memref<65x128xf32, #tpu.memory_space<vmem>>[vector<16xi32>, vector<16xi32>], vector<16xf32>,
            %add3A_289 = arith.constant 48 : i32
            %add3A_290 = vector.broadcast %add3A_289 : i32 to vector<16xi32>
            %add3A_291 = arith.addi %add3A_290, %iota3A : vector<16xi32>
            %mul3A_292 = arith.constant 16 : i32
            %mul3A_293 = arith.muli %scan3A_44, %mul3A_292 : i32
            %add3A_294 = arith.constant 2 : i32
            %add3A_295 = arith.addi %mul3A_293, %add3A_294 : i32
            %get3A_296 = arith.index_cast %add3A_295 : i32 to index
            %get3A_297 = arith.constant 48 : index
            %get3A_298 = tpu.vector_load %arg8[%get3A_296, %get3A_297] {strides = array<i32>} : memref<640x128xf32, #tpu.memory_space<vmem>>, vector<16xf32>,
            tpu.vector_store_idx %arg11[%broadcast_in_dim3A_258, %add3A_291], %get3A_298 {add = true} : memref<65x128xf32, #tpu.memory_space<vmem>>[vector<16xi32>, vector<16xi32>], vector<16xf32>,
            %add3A_299 = arith.constant 64 : i32
            %add3A_300 = vector.broadcast %add3A_299 : i32 to vector<16xi32>
            %add3A_301 = arith.addi %add3A_300, %iota3A : vector<16xi32>
            %mul3A_302 = arith.constant 16 : i32
            %mul3A_303 = arith.muli %scan3A_44, %mul3A_302 : i32
            %add3A_304 = arith.constant 2 : i32
            %add3A_305 = arith.addi %mul3A_303, %add3A_304 : i32
            %get3A_306 = arith.index_cast %add3A_305 : i32 to index
            %get3A_307 = arith.constant 64 : index
            %get3A_308 = tpu.vector_load %arg8[%get3A_306, %get3A_307] {strides = array<i32>} : memref<640x128xf32, #tpu.memory_space<vmem>>, vector<16xf32>,
            tpu.vector_store_idx %arg11[%broadcast_in_dim3A_258, %add3A_301], %get3A_308 {add = true} : memref<65x128xf32, #tpu.memory_space<vmem>>[vector<16xi32>, vector<16xi32>], vector<16xf32>,
            %add3A_309 = arith.constant 80 : i32
            %add3A_310 = vector.broadcast %add3A_309 : i32 to vector<16xi32>
            %add3A_311 = arith.addi %add3A_310, %iota3A : vector<16xi32>
            %mul3A_312 = arith.constant 16 : i32
            %mul3A_313 = arith.muli %scan3A_44, %mul3A_312 : i32
            %add3A_314 = arith.constant 2 : i32
            %add3A_315 = arith.addi %mul3A_313, %add3A_314 : i32
            %get3A_316 = arith.index_cast %add3A_315 : i32 to index
            %get3A_317 = arith.constant 80 : index
            %get3A_318 = tpu.vector_load %arg8[%get3A_316, %get3A_317] {strides = array<i32>} : memref<640x128xf32, #tpu.memory_space<vmem>>, vector<16xf32>,
            tpu.vector_store_idx %arg11[%broadcast_in_dim3A_258, %add3A_311], %get3A_318 {add = true} : memref<65x128xf32, #tpu.memory_space<vmem>>[vector<16xi32>, vector<16xi32>], vector<16xf32>,
            %add3A_319 = arith.constant 96 : i32
            %add3A_320 = vector.broadcast %add3A_319 : i32 to vector<16xi32>
            %add3A_321 = arith.addi %add3A_320, %iota3A : vector<16xi32>
            %mul3A_322 = arith.constant 16 : i32
            %mul3A_323 = arith.muli %scan3A_44, %mul3A_322 : i32
            %add3A_324 = arith.constant 2 : i32
            %add3A_325 = arith.addi %mul3A_323, %add3A_324 : i32
            %get3A_326 = arith.index_cast %add3A_325 : i32 to index
            %get3A_327 = arith.constant 96 : index
            %get3A_328 = tpu.vector_load %arg8[%get3A_326, %get3A_327] {strides = array<i32>} : memref<640x128xf32, #tpu.memory_space<vmem>>, vector<16xf32>,
            tpu.vector_store_idx %arg11[%broadcast_in_dim3A_258, %add3A_321], %get3A_328 {add = true} : memref<65x128xf32, #tpu.memory_space<vmem>>[vector<16xi32>, vector<16xi32>], vector<16xf32>,
            %add3A_329 = arith.constant 112 : i32
            %add3A_330 = vector.broadcast %add3A_329 : i32 to vector<16xi32>
            %add3A_331 = arith.addi %add3A_330, %iota3A : vector<16xi32>
            %mul3A_332 = arith.constant 16 : i32
            %mul3A_333 = arith.muli %scan3A_44, %mul3A_332 : i32
            %add3A_334 = arith.constant 2 : i32
            %add3A_335 = arith.addi %mul3A_333, %add3A_334 : i32
            %get3A_336 = arith.index_cast %add3A_335 : i32 to index
            %get3A_337 = arith.constant 112 : index
            %get3A_338 = tpu.vector_load %arg8[%get3A_336, %get3A_337] {strides = array<i32>} : memref<640x128xf32, #tpu.memory_space<vmem>>, vector<16xf32>,
            tpu.vector_store_idx %arg11[%broadcast_in_dim3A_258, %add3A_331], %get3A_338 {add = true} : memref<65x128xf32, #tpu.memory_space<vmem>>[vector<16xi32>, vector<16xi32>], vector<16xf32>,
            %eq3A_339 = arith.constant 3 : i32
            %eq3A_340 = vector.broadcast %eq3A_339 : i32 to vector<16xi32>
            %eq3A_341 = arith.cmpi eq, %iota3A, %eq3A_340 : vector<16xi32>
            %jit3A_342 = arith.constant 0 : i32
            %broadcast_in_dim3A_343 = vector.broadcast %jit3A_342 : i32 to vector<16xi32>
            %select_n3A_344 = arith.select %eq3A_341, %get3A_47, %broadcast_in_dim3A_343 : vector<16xi1>, vector<16xi32>
            %reduce_sum3A_345 = arith.constant true
            %reduce_sum3A_346 = vector.broadcast %reduce_sum3A_345 : i1 to vector<16xi1>
            %reduce_sum3A_347 = tpu.scan <sum>, %select_n3A_344 masked %reduce_sum3A_346 : vector<16xi32>, vector<16xi1> -> vector<16xi32>
            %reduce_sum3A_348 = vector.extract %reduce_sum3A_347[15] : i32 from vector<16xi32>
            %broadcast_in_dim3A_349 = vector.broadcast %reduce_sum3A_348 : i32 to vector<16xi32>
            %add3A_350 = arith.constant 0 : i32
            %add3A_351 = vector.broadcast %add3A_350 : i32 to vector<16xi32>
            %add3A_352 = arith.addi %add3A_351, %iota3A : vector<16xi32>
            %mul3A_353 = arith.constant 16 : i32
            %mul3A_354 = arith.muli %scan3A_44, %mul3A_353 : i32
            %add3A_355 = arith.constant 3 : i32
            %add3A_356 = arith.addi %mul3A_354, %add3A_355 : i32
            %get3A_357 = arith.index_cast %add3A_356 : i32 to index
            %get3A_358 = arith.constant 0 : index
            %get3A_359 = tpu.vector_load %arg8[%get3A_357, %get3A_358] {strides = array<i32>} : memref<640x128xf32, #tpu.memory_space<vmem>>, vector<16xf32>,
            tpu.vector_store_idx %arg11[%broadcast_in_dim3A_349, %add3A_352], %get3A_359 {add = true} : memref<65x128xf32, #tpu.memory_space<vmem>>[vector<16xi32>, vector<16xi32>], vector<16xf32>,
            %add3A_360 = arith.constant 16 : i32
            %add3A_361 = vector.broadcast %add3A_360 : i32 to vector<16xi32>
            %add3A_362 = arith.addi %add3A_361, %iota3A : vector<16xi32>
            %mul3A_363 = arith.constant 16 : i32
            %mul3A_364 = arith.muli %scan3A_44, %mul3A_363 : i32
            %add3A_365 = arith.constant 3 : i32
            %add3A_366 = arith.addi %mul3A_364, %add3A_365 : i32
            %get3A_367 = arith.index_cast %add3A_366 : i32 to index
            %get3A_368 = arith.constant 16 : index
            %get3A_369 = tpu.vector_load %arg8[%get3A_367, %get3A_368] {strides = array<i32>} : memref<640x128xf32, #tpu.memory_space<vmem>>, vector<16xf32>,
            tpu.vector_store_idx %arg11[%broadcast_in_dim3A_349, %add3A_362], %get3A_369 {add = true} : memref<65x128xf32, #tpu.memory_space<vmem>>[vector<16xi32>, vector<16xi32>], vector<16xf32>,
            %add3A_370 = arith.constant 32 : i32
            %add3A_371 = vector.broadcast %add3A_370 : i32 to vector<16xi32>
            %add3A_372 = arith.addi %add3A_371, %iota3A : vector<16xi32>
            %mul3A_373 = arith.constant 16 : i32
            %mul3A_374 = arith.muli %scan3A_44, %mul3A_373 : i32
            %add3A_375 = arith.constant 3 : i32
            %add3A_376 = arith.addi %mul3A_374, %add3A_375 : i32
            %get3A_377 = arith.index_cast %add3A_376 : i32 to index
            %get3A_378 = arith.constant 32 : index
            %get3A_379 = tpu.vector_load %arg8[%get3A_377, %get3A_378] {strides = array<i32>} : memref<640x128xf32, #tpu.memory_space<vmem>>, vector<16xf32>,
            tpu.vector_store_idx %arg11[%broadcast_in_dim3A_349, %add3A_372], %get3A_379 {add = true} : memref<65x128xf32, #tpu.memory_space<vmem>>[vector<16xi32>, vector<16xi32>], vector<16xf32>,
            %add3A_380 = arith.constant 48 : i32
            %add3A_381 = vector.broadcast %add3A_380 : i32 to vector<16xi32>
            %add3A_382 = arith.addi %add3A_381, %iota3A : vector<16xi32>
            %mul3A_383 = arith.constant 16 : i32
            %mul3A_384 = arith.muli %scan3A_44, %mul3A_383 : i32
            %add3A_385 = arith.constant 3 : i32
            %add3A_386 = arith.addi %mul3A_384, %add3A_385 : i32
            %get3A_387 = arith.index_cast %add3A_386 : i32 to index
            %get3A_388 = arith.constant 48 : index
            %get3A_389 = tpu.vector_load %arg8[%get3A_387, %get3A_388] {strides = array<i32>} : memref<640x128xf32, #tpu.memory_space<vmem>>, vector<16xf32>,
            tpu.vector_store_idx %arg11[%broadcast_in_dim3A_349, %add3A_382], %get3A_389 {add = true} : memref<65x128xf32, #tpu.memory_space<vmem>>[vector<16xi32>, vector<16xi32>], vector<16xf32>,
            %add3A_390 = arith.constant 64 : i32
            %add3A_391 = vector.broadcast %add3A_390 : i32 to vector<16xi32>
            %add3A_392 = arith.addi %add3A_391, %iota3A : vector<16xi32>
            %mul3A_393 = arith.constant 16 : i32
            %mul3A_394 = arith.muli %scan3A_44, %mul3A_393 : i32
            %add3A_395 = arith.constant 3 : i32
            %add3A_396 = arith.addi %mul3A_394, %add3A_395 : i32
            %get3A_397 = arith.index_cast %add3A_396 : i32 to index
            %get3A_398 = arith.constant 64 : index
            %get3A_399 = tpu.vector_load %arg8[%get3A_397, %get3A_398] {strides = array<i32>} : memref<640x128xf32, #tpu.memory_space<vmem>>, vector<16xf32>,
            tpu.vector_store_idx %arg11[%broadcast_in_dim3A_349, %add3A_392], %get3A_399 {add = true} : memref<65x128xf32, #tpu.memory_space<vmem>>[vector<16xi32>, vector<16xi32>], vector<16xf32>,
            %add3A_400 = arith.constant 80 : i32
            %add3A_401 = vector.broadcast %add3A_400 : i32 to vector<16xi32>
            %add3A_402 = arith.addi %add3A_401, %iota3A : vector<16xi32>
            %mul3A_403 = arith.constant 16 : i32
            %mul3A_404 = arith.muli %scan3A_44, %mul3A_403 : i32
            %add3A_405 = arith.constant 3 : i32
            %add3A_406 = arith.addi %mul3A_404, %add3A_405 : i32
            %get3A_407 = arith.index_cast %add3A_406 : i32 to index
            %get3A_408 = arith.constant 80 : index
            %get3A_409 = tpu.vector_load %arg8[%get3A_407, %get3A_408] {strides = array<i32>} : memref<640x128xf32, #tpu.memory_space<vmem>>, vector<16xf32>,
            tpu.vector_store_idx %arg11[%broadcast_in_dim3A_349, %add3A_402], %get3A_409 {add = true} : memref<65x128xf32, #tpu.memory_space<vmem>>[vector<16xi32>, vector<16xi32>], vector<16xf32>,
            %add3A_410 = arith.constant 96 : i32
            %add3A_411 = vector.broadcast %add3A_410 : i32 to vector<16xi32>
            %add3A_412 = arith.addi %add3A_411, %iota3A : vector<16xi32>
            %mul3A_413 = arith.constant 16 : i32
            %mul3A_414 = arith.muli %scan3A_44, %mul3A_413 : i32
            %add3A_415 = arith.constant 3 : i32
            %add3A_416 = arith.addi %mul3A_414, %add3A_415 : i32
            %get3A_417 = arith.index_cast %add3A_416 : i32 to index
            %get3A_418 = arith.constant 96 : index
            %get3A_419 = tpu.vector_load %arg8[%get3A_417, %get3A_418] {strides = array<i32>} : memref<640x128xf32, #tpu.memory_space<vmem>>, vector<16xf32>,
            tpu.vector_store_idx %arg11[%broadcast_in_dim3A_349, %add3A_412], %get3A_419 {add = true} : memref<65x128xf32, #tpu.memory_space<vmem>>[vector<16xi32>, vector<16xi32>], vector<16xf32>,
            %add3A_420 = arith.constant 112 : i32
            %add3A_421 = vector.broadcast %add3A_420 : i32 to vector<16xi32>
            %add3A_422 = arith.addi %add3A_421, %iota3A : vector<16xi32>
            %mul3A_423 = arith.constant 16 : i32
            %mul3A_424 = arith.muli %scan3A_44, %mul3A_423 : i32
            %add3A_425 = arith.constant 3 : i32
            %add3A_426 = arith.addi %mul3A_424, %add3A_425 : i32
            %get3A_427 = arith.index_cast %add3A_426 : i32 to index
            %get3A_428 = arith.constant 112 : index
            %get3A_429 = tpu.vector_load %arg8[%get3A_427, %get3A_428] {strides = array<i32>} : memref<640x128xf32, #tpu.memory_space<vmem>>, vector<16xf32>,
            tpu.vector_store_idx %arg11[%broadcast_in_dim3A_349, %add3A_422], %get3A_429 {add = true} : memref<65x128xf32, #tpu.memory_space<vmem>>[vector<16xi32>, vector<16xi32>], vector<16xf32>,
            %eq3A_430 = arith.constant 4 : i32
            %eq3A_431 = vector.broadcast %eq3A_430 : i32 to vector<16xi32>
            %eq3A_432 = arith.cmpi eq, %iota3A, %eq3A_431 : vector<16xi32>
            %jit3A_433 = arith.constant 0 : i32
            %broadcast_in_dim3A_434 = vector.broadcast %jit3A_433 : i32 to vector<16xi32>
            %select_n3A_435 = arith.select %eq3A_432, %get3A_47, %broadcast_in_dim3A_434 : vector<16xi1>, vector<16xi32>
            %reduce_sum3A_436 = arith.constant true
            %reduce_sum3A_437 = vector.broadcast %reduce_sum3A_436 : i1 to vector<16xi1>
            %reduce_sum3A_438 = tpu.scan <sum>, %select_n3A_435 masked %reduce_sum3A_437 : vector<16xi32>, vector<16xi1> -> vector<16xi32>
            %reduce_sum3A_439 = vector.extract %reduce_sum3A_438[15] : i32 from vector<16xi32>
            %broadcast_in_dim3A_440 = vector.broadcast %reduce_sum3A_439 : i32 to vector<16xi32>
            %add3A_441 = arith.constant 0 : i32
            %add3A_442 = vector.broadcast %add3A_441 : i32 to vector<16xi32>
            %add3A_443 = arith.addi %add3A_442, %iota3A : vector<16xi32>
            %mul3A_444 = arith.constant 16 : i32
            %mul3A_445 = arith.muli %scan3A_44, %mul3A_444 : i32
            %add3A_446 = arith.constant 4 : i32
            %add3A_447 = arith.addi %mul3A_445, %add3A_446 : i32
            %get3A_448 = arith.index_cast %add3A_447 : i32 to index
            %get3A_449 = arith.constant 0 : index
            %get3A_450 = tpu.vector_load %arg8[%get3A_448, %get3A_449] {strides = array<i32>} : memref<640x128xf32, #tpu.memory_space<vmem>>, vector<16xf32>,
            tpu.vector_store_idx %arg11[%broadcast_in_dim3A_440, %add3A_443], %get3A_450 {add = true} : memref<65x128xf32, #tpu.memory_space<vmem>>[vector<16xi32>, vector<16xi32>], vector<16xf32>,
            %add3A_451 = arith.constant 16 : i32
            %add3A_452 = vector.broadcast %add3A_451 : i32 to vector<16xi32>
            %add3A_453 = arith.addi %add3A_452, %iota3A : vector<16xi32>
            %mul3A_454 = arith.constant 16 : i32
            %mul3A_455 = arith.muli %scan3A_44, %mul3A_454 : i32
            %add3A_456 = arith.constant 4 : i32
            %add3A_457 = arith.addi %mul3A_455, %add3A_456 : i32
            %get3A_458 = arith.index_cast %add3A_457 : i32 to index
            %get3A_459 = arith.constant 16 : index
            %get3A_460 = tpu.vector_load %arg8[%get3A_458, %get3A_459] {strides = array<i32>} : memref<640x128xf32, #tpu.memory_space<vmem>>, vector<16xf32>,
            tpu.vector_store_idx %arg11[%broadcast_in_dim3A_440, %add3A_453], %get3A_460 {add = true} : memref<65x128xf32, #tpu.memory_space<vmem>>[vector<16xi32>, vector<16xi32>], vector<16xf32>,
            %add3A_461 = arith.constant 32 : i32
            %add3A_462 = vector.broadcast %add3A_461 : i32 to vector<16xi32>
            %add3A_463 = arith.addi %add3A_462, %iota3A : vector<16xi32>
            %mul3A_464 = arith.constant 16 : i32
            %mul3A_465 = arith.muli %scan3A_44, %mul3A_464 : i32
            %add3A_466 = arith.constant 4 : i32
            %add3A_467 = arith.addi %mul3A_465, %add3A_466 : i32
            %get3A_468 = arith.index_cast %add3A_467 : i32 to index
            %get3A_469 = arith.constant 32 : index
            %get3A_470 = tpu.vector_load %arg8[%get3A_468, %get3A_469] {strides = array<i32>} : memref<640x128xf32, #tpu.memory_space<vmem>>, vector<16xf32>,
            tpu.vector_store_idx %arg11[%broadcast_in_dim3A_440, %add3A_463], %get3A_470 {add = true} : memref<65x128xf32, #tpu.memory_space<vmem>>[vector<16xi32>, vector<16xi32>], vector<16xf32>,
            %add3A_471 = arith.constant 48 : i32
            %add3A_472 = vector.broadcast %add3A_471 : i32 to vector<16xi32>
            %add3A_473 = arith.addi %add3A_472, %iota3A : vector<16xi32>
            %mul3A_474 = arith.constant 16 : i32
            %mul3A_475 = arith.muli %scan3A_44, %mul3A_474 : i32
            %add3A_476 = arith.constant 4 : i32
            %add3A_477 = arith.addi %mul3A_475, %add3A_476 : i32
            %get3A_478 = arith.index_cast %add3A_477 : i32 to index
            %get3A_479 = arith.constant 48 : index
            %get3A_480 = tpu.vector_load %arg8[%get3A_478, %get3A_479] {strides = array<i32>} : memref<640x128xf32, #tpu.memory_space<vmem>>, vector<16xf32>,
            tpu.vector_store_idx %arg11[%broadcast_in_dim3A_440, %add3A_473], %get3A_480 {add = true} : memref<65x128xf32, #tpu.memory_space<vmem>>[vector<16xi32>, vector<16xi32>], vector<16xf32>,
            %add3A_481 = arith.constant 64 : i32
            %add3A_482 = vector.broadcast %add3A_481 : i32 to vector<16xi32>
            %add3A_483 = arith.addi %add3A_482, %iota3A : vector<16xi32>
            %mul3A_484 = arith.constant 16 : i32
            %mul3A_485 = arith.muli %scan3A_44, %mul3A_484 : i32
            %add3A_486 = arith.constant 4 : i32
            %add3A_487 = arith.addi %mul3A_485, %add3A_486 : i32
            %get3A_488 = arith.index_cast %add3A_487 : i32 to index
            %get3A_489 = arith.constant 64 : index
            %get3A_490 = tpu.vector_load %arg8[%get3A_488, %get3A_489] {strides = array<i32>} : memref<640x128xf32, #tpu.memory_space<vmem>>, vector<16xf32>,
            tpu.vector_store_idx %arg11[%broadcast_in_dim3A_440, %add3A_483], %get3A_490 {add = true} : memref<65x128xf32, #tpu.memory_space<vmem>>[vector<16xi32>, vector<16xi32>], vector<16xf32>,
            %add3A_491 = arith.constant 80 : i32
            %add3A_492 = vector.broadcast %add3A_491 : i32 to vector<16xi32>
            %add3A_493 = arith.addi %add3A_492, %iota3A : vector<16xi32>
            %mul3A_494 = arith.constant 16 : i32
            %mul3A_495 = arith.muli %scan3A_44, %mul3A_494 : i32
            %add3A_496 = arith.constant 4 : i32
            %add3A_497 = arith.addi %mul3A_495, %add3A_496 : i32
            %get3A_498 = arith.index_cast %add3A_497 : i32 to index
            %get3A_499 = arith.constant 80 : index
            %get3A_500 = tpu.vector_load %arg8[%get3A_498, %get3A_499] {strides = array<i32>} : memref<640x128xf32, #tpu.memory_space<vmem>>, vector<16xf32>,
            tpu.vector_store_idx %arg11[%broadcast_in_dim3A_440, %add3A_493], %get3A_500 {add = true} : memref<65x128xf32, #tpu.memory_space<vmem>>[vector<16xi32>, vector<16xi32>], vector<16xf32>,
            %add3A_501 = arith.constant 96 : i32
            %add3A_502 = vector.broadcast %add3A_501 : i32 to vector<16xi32>
            %add3A_503 = arith.addi %add3A_502, %iota3A : vector<16xi32>
            %mul3A_504 = arith.constant 16 : i32
            %mul3A_505 = arith.muli %scan3A_44, %mul3A_504 : i32
            %add3A_506 = arith.constant 4 : i32
            %add3A_507 = arith.addi %mul3A_505, %add3A_506 : i32
            %get3A_508 = arith.index_cast %add3A_507 : i32 to index
            %get3A_509 = arith.constant 96 : index
            %get3A_510 = tpu.vector_load %arg8[%get3A_508, %get3A_509] {strides = array<i32>} : memref<640x128xf32, #tpu.memory_space<vmem>>, vector<16xf32>,
            tpu.vector_store_idx %arg11[%broadcast_in_dim3A_440, %add3A_503], %get3A_510 {add = true} : memref<65x128xf32, #tpu.memory_space<vmem>>[vector<16xi32>, vector<16xi32>], vector<16xf32>,
            %add3A_511 = arith.constant 112 : i32
            %add3A_512 = vector.broadcast %add3A_511 : i32 to vector<16xi32>
            %add3A_513 = arith.addi %add3A_512, %iota3A : vector<16xi32>
            %mul3A_514 = arith.constant 16 : i32
            %mul3A_515 = arith.muli %scan3A_44, %mul3A_514 : i32
            %add3A_516 = arith.constant 4 : i32
            %add3A_517 = arith.addi %mul3A_515, %add3A_516 : i32
            %get3A_518 = arith.index_cast %add3A_517 : i32 to index
            %get3A_519 = arith.constant 112 : index
            %get3A_520 = tpu.vector_load %arg8[%get3A_518, %get3A_519] {strides = array<i32>} : memref<640x128xf32, #tpu.memory_space<vmem>>, vector<16xf32>,
            tpu.vector_store_idx %arg11[%broadcast_in_dim3A_440, %add3A_513], %get3A_520 {add = true} : memref<65x128xf32, #tpu.memory_space<vmem>>[vector<16xi32>, vector<16xi32>], vector<16xf32>,
            %eq3A_521 = arith.constant 5 : i32
            %eq3A_522 = vector.broadcast %eq3A_521 : i32 to vector<16xi32>
            %eq3A_523 = arith.cmpi eq, %iota3A, %eq3A_522 : vector<16xi32>
            %jit3A_524 = arith.constant 0 : i32
            %broadcast_in_dim3A_525 = vector.broadcast %jit3A_524 : i32 to vector<16xi32>
            %select_n3A_526 = arith.select %eq3A_523, %get3A_47, %broadcast_in_dim3A_525 : vector<16xi1>, vector<16xi32>
            %reduce_sum3A_527 = arith.constant true
            %reduce_sum3A_528 = vector.broadcast %reduce_sum3A_527 : i1 to vector<16xi1>
            %reduce_sum3A_529 = tpu.scan <sum>, %select_n3A_526 masked %reduce_sum3A_528 : vector<16xi32>, vector<16xi1> -> vector<16xi32>
            %reduce_sum3A_530 = vector.extract %reduce_sum3A_529[15] : i32 from vector<16xi32>
            %broadcast_in_dim3A_531 = vector.broadcast %reduce_sum3A_530 : i32 to vector<16xi32>
            %add3A_532 = arith.constant 0 : i32
            %add3A_533 = vector.broadcast %add3A_532 : i32 to vector<16xi32>
            %add3A_534 = arith.addi %add3A_533, %iota3A : vector<16xi32>
            %mul3A_535 = arith.constant 16 : i32
            %mul3A_536 = arith.muli %scan3A_44, %mul3A_535 : i32
            %add3A_537 = arith.constant 5 : i32
            %add3A_538 = arith.addi %mul3A_536, %add3A_537 : i32
            %get3A_539 = arith.index_cast %add3A_538 : i32 to index
            %get3A_540 = arith.constant 0 : index
            %get3A_541 = tpu.vector_load %arg8[%get3A_539, %get3A_540] {strides = array<i32>} : memref<640x128xf32, #tpu.memory_space<vmem>>, vector<16xf32>,
            tpu.vector_store_idx %arg11[%broadcast_in_dim3A_531, %add3A_534], %get3A_541 {add = true} : memref<65x128xf32, #tpu.memory_space<vmem>>[vector<16xi32>, vector<16xi32>], vector<16xf32>,
            %add3A_542 = arith.constant 16 : i32
            %add3A_543 = vector.broadcast %add3A_542 : i32 to vector<16xi32>
            %add3A_544 = arith.addi %add3A_543, %iota3A : vector<16xi32>
            %mul3A_545 = arith.constant 16 : i32
            %mul3A_546 = arith.muli %scan3A_44, %mul3A_545 : i32
            %add3A_547 = arith.constant 5 : i32
            %add3A_548 = arith.addi %mul3A_546, %add3A_547 : i32
            %get3A_549 = arith.index_cast %add3A_548 : i32 to index
            %get3A_550 = arith.constant 16 : index
            %get3A_551 = tpu.vector_load %arg8[%get3A_549, %get3A_550] {strides = array<i32>} : memref<640x128xf32, #tpu.memory_space<vmem>>, vector<16xf32>,
            tpu.vector_store_idx %arg11[%broadcast_in_dim3A_531, %add3A_544], %get3A_551 {add = true} : memref<65x128xf32, #tpu.memory_space<vmem>>[vector<16xi32>, vector<16xi32>], vector<16xf32>,
            %add3A_552 = arith.constant 32 : i32
            %add3A_553 = vector.broadcast %add3A_552 : i32 to vector<16xi32>
            %add3A_554 = arith.addi %add3A_553, %iota3A : vector<16xi32>
            %mul3A_555 = arith.constant 16 : i32
            %mul3A_556 = arith.muli %scan3A_44, %mul3A_555 : i32
            %add3A_557 = arith.constant 5 : i32
            %add3A_558 = arith.addi %mul3A_556, %add3A_557 : i32
            %get3A_559 = arith.index_cast %add3A_558 : i32 to index
            %get3A_560 = arith.constant 32 : index
            %get3A_561 = tpu.vector_load %arg8[%get3A_559, %get3A_560] {strides = array<i32>} : memref<640x128xf32, #tpu.memory_space<vmem>>, vector<16xf32>,
            tpu.vector_store_idx %arg11[%broadcast_in_dim3A_531, %add3A_554], %get3A_561 {add = true} : memref<65x128xf32, #tpu.memory_space<vmem>>[vector<16xi32>, vector<16xi32>], vector<16xf32>,
            %add3A_562 = arith.constant 48 : i32
            %add3A_563 = vector.broadcast %add3A_562 : i32 to vector<16xi32>
            %add3A_564 = arith.addi %add3A_563, %iota3A : vector<16xi32>
            %mul3A_565 = arith.constant 16 : i32
            %mul3A_566 = arith.muli %scan3A_44, %mul3A_565 : i32
            %add3A_567 = arith.constant 5 : i32
            %add3A_568 = arith.addi %mul3A_566, %add3A_567 : i32
            %get3A_569 = arith.index_cast %add3A_568 : i32 to index
            %get3A_570 = arith.constant 48 : index
            %get3A_571 = tpu.vector_load %arg8[%get3A_569, %get3A_570] {strides = array<i32>} : memref<640x128xf32, #tpu.memory_space<vmem>>, vector<16xf32>,
            tpu.vector_store_idx %arg11[%broadcast_in_dim3A_531, %add3A_564], %get3A_571 {add = true} : memref<65x128xf32, #tpu.memory_space<vmem>>[vector<16xi32>, vector<16xi32>], vector<16xf32>,
            %add3A_572 = arith.constant 64 : i32
            %add3A_573 = vector.broadcast %add3A_572 : i32 to vector<16xi32>
            %add3A_574 = arith.addi %add3A_573, %iota3A : vector<16xi32>
            %mul3A_575 = arith.constant 16 : i32
            %mul3A_576 = arith.muli %scan3A_44, %mul3A_575 : i32
            %add3A_577 = arith.constant 5 : i32
            %add3A_578 = arith.addi %mul3A_576, %add3A_577 : i32
            %get3A_579 = arith.index_cast %add3A_578 : i32 to index
            %get3A_580 = arith.constant 64 : index
            %get3A_581 = tpu.vector_load %arg8[%get3A_579, %get3A_580] {strides = array<i32>} : memref<640x128xf32, #tpu.memory_space<vmem>>, vector<16xf32>,
            tpu.vector_store_idx %arg11[%broadcast_in_dim3A_531, %add3A_574], %get3A_581 {add = true} : memref<65x128xf32, #tpu.memory_space<vmem>>[vector<16xi32>, vector<16xi32>], vector<16xf32>,
            %add3A_582 = arith.constant 80 : i32
            %add3A_583 = vector.broadcast %add3A_582 : i32 to vector<16xi32>
            %add3A_584 = arith.addi %add3A_583, %iota3A : vector<16xi32>
            %mul3A_585 = arith.constant 16 : i32
            %mul3A_586 = arith.muli %scan3A_44, %mul3A_585 : i32
            %add3A_587 = arith.constant 5 : i32
            %add3A_588 = arith.addi %mul3A_586, %add3A_587 : i32
            %get3A_589 = arith.index_cast %add3A_588 : i32 to index
            %get3A_590 = arith.constant 80 : index
            %get3A_591 = tpu.vector_load %arg8[%get3A_589, %get3A_590] {strides = array<i32>} : memref<640x128xf32, #tpu.memory_space<vmem>>, vector<16xf32>,
            tpu.vector_store_idx %arg11[%broadcast_in_dim3A_531, %add3A_584], %get3A_591 {add = true} : memref<65x128xf32, #tpu.memory_space<vmem>>[vector<16xi32>, vector<16xi32>], vector<16xf32>,
            %add3A_592 = arith.constant 96 : i32
            %add3A_593 = vector.broadcast %add3A_592 : i32 to vector<16xi32>
            %add3A_594 = arith.addi %add3A_593, %iota3A : vector<16xi32>
            %mul3A_595 = arith.constant 16 : i32
            %mul3A_596 = arith.muli %scan3A_44, %mul3A_595 : i32
            %add3A_597 = arith.constant 5 : i32
            %add3A_598 = arith.addi %mul3A_596, %add3A_597 : i32
            %get3A_599 = arith.index_cast %add3A_598 : i32 to index
            %get3A_600 = arith.constant 96 : index
            %get3A_601 = tpu.vector_load %arg8[%get3A_599, %get3A_600] {strides = array<i32>} : memref<640x128xf32, #tpu.memory_space<vmem>>, vector<16xf32>,
            tpu.vector_store_idx %arg11[%broadcast_in_dim3A_531, %add3A_594], %get3A_601 {add = true} : memref<65x128xf32, #tpu.memory_space<vmem>>[vector<16xi32>, vector<16xi32>], vector<16xf32>,
            %add3A_602 = arith.constant 112 : i32
            %add3A_603 = vector.broadcast %add3A_602 : i32 to vector<16xi32>
            %add3A_604 = arith.addi %add3A_603, %iota3A : vector<16xi32>
            %mul3A_605 = arith.constant 16 : i32
            %mul3A_606 = arith.muli %scan3A_44, %mul3A_605 : i32
            %add3A_607 = arith.constant 5 : i32
            %add3A_608 = arith.addi %mul3A_606, %add3A_607 : i32
            %get3A_609 = arith.index_cast %add3A_608 : i32 to index
            %get3A_610 = arith.constant 112 : index
            %get3A_611 = tpu.vector_load %arg8[%get3A_609, %get3A_610] {strides = array<i32>} : memref<640x128xf32, #tpu.memory_space<vmem>>, vector<16xf32>,
            tpu.vector_store_idx %arg11[%broadcast_in_dim3A_531, %add3A_604], %get3A_611 {add = true} : memref<65x128xf32, #tpu.memory_space<vmem>>[vector<16xi32>, vector<16xi32>], vector<16xf32>,
            %eq3A_612 = arith.constant 6 : i32
            %eq3A_613 = vector.broadcast %eq3A_612 : i32 to vector<16xi32>
            %eq3A_614 = arith.cmpi eq, %iota3A, %eq3A_613 : vector<16xi32>
            %jit3A_615 = arith.constant 0 : i32
            %broadcast_in_dim3A_616 = vector.broadcast %jit3A_615 : i32 to vector<16xi32>
            %select_n3A_617 = arith.select %eq3A_614, %get3A_47, %broadcast_in_dim3A_616 : vector<16xi1>, vector<16xi32>
            %reduce_sum3A_618 = arith.constant true
            %reduce_sum3A_619 = vector.broadcast %reduce_sum3A_618 : i1 to vector<16xi1>
            %reduce_sum3A_620 = tpu.scan <sum>, %select_n3A_617 masked %reduce_sum3A_619 : vector<16xi32>, vector<16xi1> -> vector<16xi32>
            %reduce_sum3A_621 = vector.extract %reduce_sum3A_620[15] : i32 from vector<16xi32>
            %broadcast_in_dim3A_622 = vector.broadcast %reduce_sum3A_621 : i32 to vector<16xi32>
            %add3A_623 = arith.constant 0 : i32
            %add3A_624 = vector.broadcast %add3A_623 : i32 to vector<16xi32>
            %add3A_625 = arith.addi %add3A_624, %iota3A : vector<16xi32>
            %mul3A_626 = arith.constant 16 : i32
            %mul3A_627 = arith.muli %scan3A_44, %mul3A_626 : i32
            %add3A_628 = arith.constant 6 : i32
            %add3A_629 = arith.addi %mul3A_627, %add3A_628 : i32
            %get3A_630 = arith.index_cast %add3A_629 : i32 to index
            %get3A_631 = arith.constant 0 : index
            %get3A_632 = tpu.vector_load %arg8[%get3A_630, %get3A_631] {strides = array<i32>} : memref<640x128xf32, #tpu.memory_space<vmem>>, vector<16xf32>,
            tpu.vector_store_idx %arg11[%broadcast_in_dim3A_622, %add3A_625], %get3A_632 {add = true} : memref<65x128xf32, #tpu.memory_space<vmem>>[vector<16xi32>, vector<16xi32>], vector<16xf32>,
            %add3A_633 = arith.constant 16 : i32
            %add3A_634 = vector.broadcast %add3A_633 : i32 to vector<16xi32>
            %add3A_635 = arith.addi %add3A_634, %iota3A : vector<16xi32>
            %mul3A_636 = arith.constant 16 : i32
            %mul3A_637 = arith.muli %scan3A_44, %mul3A_636 : i32
            %add3A_638 = arith.constant 6 : i32
            %add3A_639 = arith.addi %mul3A_637, %add3A_638 : i32
            %get3A_640 = arith.index_cast %add3A_639 : i32 to index
            %get3A_641 = arith.constant 16 : index
            %get3A_642 = tpu.vector_load %arg8[%get3A_640, %get3A_641] {strides = array<i32>} : memref<640x128xf32, #tpu.memory_space<vmem>>, vector<16xf32>,
            tpu.vector_store_idx %arg11[%broadcast_in_dim3A_622, %add3A_635], %get3A_642 {add = true} : memref<65x128xf32, #tpu.memory_space<vmem>>[vector<16xi32>, vector<16xi32>], vector<16xf32>,
            %add3A_643 = arith.constant 32 : i32
            %add3A_644 = vector.broadcast %add3A_643 : i32 to vector<16xi32>
            %add3A_645 = arith.addi %add3A_644, %iota3A : vector<16xi32>
            %mul3A_646 = arith.constant 16 : i32
            %mul3A_647 = arith.muli %scan3A_44, %mul3A_646 : i32
            %add3A_648 = arith.constant 6 : i32
            %add3A_649 = arith.addi %mul3A_647, %add3A_648 : i32
            %get3A_650 = arith.index_cast %add3A_649 : i32 to index
            %get3A_651 = arith.constant 32 : index
            %get3A_652 = tpu.vector_load %arg8[%get3A_650, %get3A_651] {strides = array<i32>} : memref<640x128xf32, #tpu.memory_space<vmem>>, vector<16xf32>,
            tpu.vector_store_idx %arg11[%broadcast_in_dim3A_622, %add3A_645], %get3A_652 {add = true} : memref<65x128xf32, #tpu.memory_space<vmem>>[vector<16xi32>, vector<16xi32>], vector<16xf32>,
            %add3A_653 = arith.constant 48 : i32
            %add3A_654 = vector.broadcast %add3A_653 : i32 to vector<16xi32>
            %add3A_655 = arith.addi %add3A_654, %iota3A : vector<16xi32>
            %mul3A_656 = arith.constant 16 : i32
            %mul3A_657 = arith.muli %scan3A_44, %mul3A_656 : i32
            %add3A_658 = arith.constant 6 : i32
            %add3A_659 = arith.addi %mul3A_657, %add3A_658 : i32
            %get3A_660 = arith.index_cast %add3A_659 : i32 to index
            %get3A_661 = arith.constant 48 : index
            %get3A_662 = tpu.vector_load %arg8[%get3A_660, %get3A_661] {strides = array<i32>} : memref<640x128xf32, #tpu.memory_space<vmem>>, vector<16xf32>,
            tpu.vector_store_idx %arg11[%broadcast_in_dim3A_622, %add3A_655], %get3A_662 {add = true} : memref<65x128xf32, #tpu.memory_space<vmem>>[vector<16xi32>, vector<16xi32>], vector<16xf32>,
            %add3A_663 = arith.constant 64 : i32
            %add3A_664 = vector.broadcast %add3A_663 : i32 to vector<16xi32>
            %add3A_665 = arith.addi %add3A_664, %iota3A : vector<16xi32>
            %mul3A_666 = arith.constant 16 : i32
            %mul3A_667 = arith.muli %scan3A_44, %mul3A_666 : i32
            %add3A_668 = arith.constant 6 : i32
            %add3A_669 = arith.addi %mul3A_667, %add3A_668 : i32
            %get3A_670 = arith.index_cast %add3A_669 : i32 to index
            %get3A_671 = arith.constant 64 : index
            %get3A_672 = tpu.vector_load %arg8[%get3A_670, %get3A_671] {strides = array<i32>} : memref<640x128xf32, #tpu.memory_space<vmem>>, vector<16xf32>,
            tpu.vector_store_idx %arg11[%broadcast_in_dim3A_622, %add3A_665], %get3A_672 {add = true} : memref<65x128xf32, #tpu.memory_space<vmem>>[vector<16xi32>, vector<16xi32>], vector<16xf32>,
            %add3A_673 = arith.constant 80 : i32
            %add3A_674 = vector.broadcast %add3A_673 : i32 to vector<16xi32>
            %add3A_675 = arith.addi %add3A_674, %iota3A : vector<16xi32>
            %mul3A_676 = arith.constant 16 : i32
            %mul3A_677 = arith.muli %scan3A_44, %mul3A_676 : i32
            %add3A_678 = arith.constant 6 : i32
            %add3A_679 = arith.addi %mul3A_677, %add3A_678 : i32
            %get3A_680 = arith.index_cast %add3A_679 : i32 to index
            %get3A_681 = arith.constant 80 : index
            %get3A_682 = tpu.vector_load %arg8[%get3A_680, %get3A_681] {strides = array<i32>} : memref<640x128xf32, #tpu.memory_space<vmem>>, vector<16xf32>,
            tpu.vector_store_idx %arg11[%broadcast_in_dim3A_622, %add3A_675], %get3A_682 {add = true} : memref<65x128xf32, #tpu.memory_space<vmem>>[vector<16xi32>, vector<16xi32>], vector<16xf32>,
            %add3A_683 = arith.constant 96 : i32
            %add3A_684 = vector.broadcast %add3A_683 : i32 to vector<16xi32>
            %add3A_685 = arith.addi %add3A_684, %iota3A : vector<16xi32>
            %mul3A_686 = arith.constant 16 : i32
            %mul3A_687 = arith.muli %scan3A_44, %mul3A_686 : i32
            %add3A_688 = arith.constant 6 : i32
            %add3A_689 = arith.addi %mul3A_687, %add3A_688 : i32
            %get3A_690 = arith.index_cast %add3A_689 : i32 to index
            %get3A_691 = arith.constant 96 : index
            %get3A_692 = tpu.vector_load %arg8[%get3A_690, %get3A_691] {strides = array<i32>} : memref<640x128xf32, #tpu.memory_space<vmem>>, vector<16xf32>,
            tpu.vector_store_idx %arg11[%broadcast_in_dim3A_622, %add3A_685], %get3A_692 {add = true} : memref<65x128xf32, #tpu.memory_space<vmem>>[vector<16xi32>, vector<16xi32>], vector<16xf32>,
            %add3A_693 = arith.constant 112 : i32
            %add3A_694 = vector.broadcast %add3A_693 : i32 to vector<16xi32>
            %add3A_695 = arith.addi %add3A_694, %iota3A : vector<16xi32>
            %mul3A_696 = arith.constant 16 : i32
            %mul3A_697 = arith.muli %scan3A_44, %mul3A_696 : i32
            %add3A_698 = arith.constant 6 : i32
            %add3A_699 = arith.addi %mul3A_697, %add3A_698 : i32
            %get3A_700 = arith.index_cast %add3A_699 : i32 to index
            %get3A_701 = arith.constant 112 : index
            %get3A_702 = tpu.vector_load %arg8[%get3A_700, %get3A_701] {strides = array<i32>} : memref<640x128xf32, #tpu.memory_space<vmem>>, vector<16xf32>,
            tpu.vector_store_idx %arg11[%broadcast_in_dim3A_622, %add3A_695], %get3A_702 {add = true} : memref<65x128xf32, #tpu.memory_space<vmem>>[vector<16xi32>, vector<16xi32>], vector<16xf32>,
            %eq3A_703 = arith.constant 7 : i32
            %eq3A_704 = vector.broadcast %eq3A_703 : i32 to vector<16xi32>
            %eq3A_705 = arith.cmpi eq, %iota3A, %eq3A_704 : vector<16xi32>
            %jit3A_706 = arith.constant 0 : i32
            %broadcast_in_dim3A_707 = vector.broadcast %jit3A_706 : i32 to vector<16xi32>
            %select_n3A_708 = arith.select %eq3A_705, %get3A_47, %broadcast_in_dim3A_707 : vector<16xi1>, vector<16xi32>
            %reduce_sum3A_709 = arith.constant true
            %reduce_sum3A_710 = vector.broadcast %reduce_sum3A_709 : i1 to vector<16xi1>
            %reduce_sum3A_711 = tpu.scan <sum>, %select_n3A_708 masked %reduce_sum3A_710 : vector<16xi32>, vector<16xi1> -> vector<16xi32>
            %reduce_sum3A_712 = vector.extract %reduce_sum3A_711[15] : i32 from vector<16xi32>
            %broadcast_in_dim3A_713 = vector.broadcast %reduce_sum3A_712 : i32 to vector<16xi32>
            %add3A_714 = arith.constant 0 : i32
            %add3A_715 = vector.broadcast %add3A_714 : i32 to vector<16xi32>
            %add3A_716 = arith.addi %add3A_715, %iota3A : vector<16xi32>
            %mul3A_717 = arith.constant 16 : i32
            %mul3A_718 = arith.muli %scan3A_44, %mul3A_717 : i32
            %add3A_719 = arith.constant 7 : i32
            %add3A_720 = arith.addi %mul3A_718, %add3A_719 : i32
            %get3A_721 = arith.index_cast %add3A_720 : i32 to index
            %get3A_722 = arith.constant 0 : index
            %get3A_723 = tpu.vector_load %arg8[%get3A_721, %get3A_722] {strides = array<i32>} : memref<640x128xf32, #tpu.memory_space<vmem>>, vector<16xf32>,
            tpu.vector_store_idx %arg11[%broadcast_in_dim3A_713, %add3A_716], %get3A_723 {add = true} : memref<65x128xf32, #tpu.memory_space<vmem>>[vector<16xi32>, vector<16xi32>], vector<16xf32>,
            %add3A_724 = arith.constant 16 : i32
            %add3A_725 = vector.broadcast %add3A_724 : i32 to vector<16xi32>
            %add3A_726 = arith.addi %add3A_725, %iota3A : vector<16xi32>
            %mul3A_727 = arith.constant 16 : i32
            %mul3A_728 = arith.muli %scan3A_44, %mul3A_727 : i32
            %add3A_729 = arith.constant 7 : i32
            %add3A_730 = arith.addi %mul3A_728, %add3A_729 : i32
            %get3A_731 = arith.index_cast %add3A_730 : i32 to index
            %get3A_732 = arith.constant 16 : index
            %get3A_733 = tpu.vector_load %arg8[%get3A_731, %get3A_732] {strides = array<i32>} : memref<640x128xf32, #tpu.memory_space<vmem>>, vector<16xf32>,
            tpu.vector_store_idx %arg11[%broadcast_in_dim3A_713, %add3A_726], %get3A_733 {add = true} : memref<65x128xf32, #tpu.memory_space<vmem>>[vector<16xi32>, vector<16xi32>], vector<16xf32>,
            %add3A_734 = arith.constant 32 : i32
            %add3A_735 = vector.broadcast %add3A_734 : i32 to vector<16xi32>
            %add3A_736 = arith.addi %add3A_735, %iota3A : vector<16xi32>
            %mul3A_737 = arith.constant 16 : i32
            %mul3A_738 = arith.muli %scan3A_44, %mul3A_737 : i32
            %add3A_739 = arith.constant 7 : i32
            %add3A_740 = arith.addi %mul3A_738, %add3A_739 : i32
            %get3A_741 = arith.index_cast %add3A_740 : i32 to index
            %get3A_742 = arith.constant 32 : index
            %get3A_743 = tpu.vector_load %arg8[%get3A_741, %get3A_742] {strides = array<i32>} : memref<640x128xf32, #tpu.memory_space<vmem>>, vector<16xf32>,
            tpu.vector_store_idx %arg11[%broadcast_in_dim3A_713, %add3A_736], %get3A_743 {add = true} : memref<65x128xf32, #tpu.memory_space<vmem>>[vector<16xi32>, vector<16xi32>], vector<16xf32>,
            %add3A_744 = arith.constant 48 : i32
            %add3A_745 = vector.broadcast %add3A_744 : i32 to vector<16xi32>
            %add3A_746 = arith.addi %add3A_745, %iota3A : vector<16xi32>
            %mul3A_747 = arith.constant 16 : i32
            %mul3A_748 = arith.muli %scan3A_44, %mul3A_747 : i32
            %add3A_749 = arith.constant 7 : i32
            %add3A_750 = arith.addi %mul3A_748, %add3A_749 : i32
            %get3A_751 = arith.index_cast %add3A_750 : i32 to index
            %get3A_752 = arith.constant 48 : index
            %get3A_753 = tpu.vector_load %arg8[%get3A_751, %get3A_752] {strides = array<i32>} : memref<640x128xf32, #tpu.memory_space<vmem>>, vector<16xf32>,
            tpu.vector_store_idx %arg11[%broadcast_in_dim3A_713, %add3A_746], %get3A_753 {add = true} : memref<65x128xf32, #tpu.memory_space<vmem>>[vector<16xi32>, vector<16xi32>], vector<16xf32>,
            %add3A_754 = arith.constant 64 : i32
            %add3A_755 = vector.broadcast %add3A_754 : i32 to vector<16xi32>
            %add3A_756 = arith.addi %add3A_755, %iota3A : vector<16xi32>
            %mul3A_757 = arith.constant 16 : i32
            %mul3A_758 = arith.muli %scan3A_44, %mul3A_757 : i32
            %add3A_759 = arith.constant 7 : i32
            %add3A_760 = arith.addi %mul3A_758, %add3A_759 : i32
            %get3A_761 = arith.index_cast %add3A_760 : i32 to index
            %get3A_762 = arith.constant 64 : index
            %get3A_763 = tpu.vector_load %arg8[%get3A_761, %get3A_762] {strides = array<i32>} : memref<640x128xf32, #tpu.memory_space<vmem>>, vector<16xf32>,
            tpu.vector_store_idx %arg11[%broadcast_in_dim3A_713, %add3A_756], %get3A_763 {add = true} : memref<65x128xf32, #tpu.memory_space<vmem>>[vector<16xi32>, vector<16xi32>], vector<16xf32>,
            %add3A_764 = arith.constant 80 : i32
            %add3A_765 = vector.broadcast %add3A_764 : i32 to vector<16xi32>
            %add3A_766 = arith.addi %add3A_765, %iota3A : vector<16xi32>
            %mul3A_767 = arith.constant 16 : i32
            %mul3A_768 = arith.muli %scan3A_44, %mul3A_767 : i32
            %add3A_769 = arith.constant 7 : i32
            %add3A_770 = arith.addi %mul3A_768, %add3A_769 : i32
            %get3A_771 = arith.index_cast %add3A_770 : i32 to index
            %get3A_772 = arith.constant 80 : index
            %get3A_773 = tpu.vector_load %arg8[%get3A_771, %get3A_772] {strides = array<i32>} : memref<640x128xf32, #tpu.memory_space<vmem>>, vector<16xf32>,
            tpu.vector_store_idx %arg11[%broadcast_in_dim3A_713, %add3A_766], %get3A_773 {add = true} : memref<65x128xf32, #tpu.memory_space<vmem>>[vector<16xi32>, vector<16xi32>], vector<16xf32>,
            %add3A_774 = arith.constant 96 : i32
            %add3A_775 = vector.broadcast %add3A_774 : i32 to vector<16xi32>
            %add3A_776 = arith.addi %add3A_775, %iota3A : vector<16xi32>
            %mul3A_777 = arith.constant 16 : i32
            %mul3A_778 = arith.muli %scan3A_44, %mul3A_777 : i32
            %add3A_779 = arith.constant 7 : i32
            %add3A_780 = arith.addi %mul3A_778, %add3A_779 : i32
            %get3A_781 = arith.index_cast %add3A_780 : i32 to index
            %get3A_782 = arith.constant 96 : index
            %get3A_783 = tpu.vector_load %arg8[%get3A_781, %get3A_782] {strides = array<i32>} : memref<640x128xf32, #tpu.memory_space<vmem>>, vector<16xf32>,
            tpu.vector_store_idx %arg11[%broadcast_in_dim3A_713, %add3A_776], %get3A_783 {add = true} : memref<65x128xf32, #tpu.memory_space<vmem>>[vector<16xi32>, vector<16xi32>], vector<16xf32>,
            %add3A_784 = arith.constant 112 : i32
            %add3A_785 = vector.broadcast %add3A_784 : i32 to vector<16xi32>
            %add3A_786 = arith.addi %add3A_785, %iota3A : vector<16xi32>
            %mul3A_787 = arith.constant 16 : i32
            %mul3A_788 = arith.muli %scan3A_44, %mul3A_787 : i32
            %add3A_789 = arith.constant 7 : i32
            %add3A_790 = arith.addi %mul3A_788, %add3A_789 : i32
            %get3A_791 = arith.index_cast %add3A_790 : i32 to index
            %get3A_792 = arith.constant 112 : index
            %get3A_793 = tpu.vector_load %arg8[%get3A_791, %get3A_792] {strides = array<i32>} : memref<640x128xf32, #tpu.memory_space<vmem>>, vector<16xf32>,
            tpu.vector_store_idx %arg11[%broadcast_in_dim3A_713, %add3A_786], %get3A_793 {add = true} : memref<65x128xf32, #tpu.memory_space<vmem>>[vector<16xi32>, vector<16xi32>], vector<16xf32>,
            %eq3A_794 = arith.constant 8 : i32
            %eq3A_795 = vector.broadcast %eq3A_794 : i32 to vector<16xi32>
            %eq3A_796 = arith.cmpi eq, %iota3A, %eq3A_795 : vector<16xi32>
            %jit3A_797 = arith.constant 0 : i32
            %broadcast_in_dim3A_798 = vector.broadcast %jit3A_797 : i32 to vector<16xi32>
            %select_n3A_799 = arith.select %eq3A_796, %get3A_47, %broadcast_in_dim3A_798 : vector<16xi1>, vector<16xi32>
            %reduce_sum3A_800 = arith.constant true
            %reduce_sum3A_801 = vector.broadcast %reduce_sum3A_800 : i1 to vector<16xi1>
            %reduce_sum3A_802 = tpu.scan <sum>, %select_n3A_799 masked %reduce_sum3A_801 : vector<16xi32>, vector<16xi1> -> vector<16xi32>
            %reduce_sum3A_803 = vector.extract %reduce_sum3A_802[15] : i32 from vector<16xi32>
            %broadcast_in_dim3A_804 = vector.broadcast %reduce_sum3A_803 : i32 to vector<16xi32>
            %add3A_805 = arith.constant 0 : i32
            %add3A_806 = vector.broadcast %add3A_805 : i32 to vector<16xi32>
            %add3A_807 = arith.addi %add3A_806, %iota3A : vector<16xi32>
            %mul3A_808 = arith.constant 16 : i32
            %mul3A_809 = arith.muli %scan3A_44, %mul3A_808 : i32
            %add3A_810 = arith.constant 8 : i32
            %add3A_811 = arith.addi %mul3A_809, %add3A_810 : i32
            %get3A_812 = arith.index_cast %add3A_811 : i32 to index
            %get3A_813 = arith.constant 0 : index
            %get3A_814 = tpu.vector_load %arg8[%get3A_812, %get3A_813] {strides = array<i32>} : memref<640x128xf32, #tpu.memory_space<vmem>>, vector<16xf32>,
            tpu.vector_store_idx %arg11[%broadcast_in_dim3A_804, %add3A_807], %get3A_814 {add = true} : memref<65x128xf32, #tpu.memory_space<vmem>>[vector<16xi32>, vector<16xi32>], vector<16xf32>,
            %add3A_815 = arith.constant 16 : i32
            %add3A_816 = vector.broadcast %add3A_815 : i32 to vector<16xi32>
            %add3A_817 = arith.addi %add3A_816, %iota3A : vector<16xi32>
            %mul3A_818 = arith.constant 16 : i32
            %mul3A_819 = arith.muli %scan3A_44, %mul3A_818 : i32
            %add3A_820 = arith.constant 8 : i32
            %add3A_821 = arith.addi %mul3A_819, %add3A_820 : i32
            %get3A_822 = arith.index_cast %add3A_821 : i32 to index
            %get3A_823 = arith.constant 16 : index
            %get3A_824 = tpu.vector_load %arg8[%get3A_822, %get3A_823] {strides = array<i32>} : memref<640x128xf32, #tpu.memory_space<vmem>>, vector<16xf32>,
            tpu.vector_store_idx %arg11[%broadcast_in_dim3A_804, %add3A_817], %get3A_824 {add = true} : memref<65x128xf32, #tpu.memory_space<vmem>>[vector<16xi32>, vector<16xi32>], vector<16xf32>,
            %add3A_825 = arith.constant 32 : i32
            %add3A_826 = vector.broadcast %add3A_825 : i32 to vector<16xi32>
            %add3A_827 = arith.addi %add3A_826, %iota3A : vector<16xi32>
            %mul3A_828 = arith.constant 16 : i32
            %mul3A_829 = arith.muli %scan3A_44, %mul3A_828 : i32
            %add3A_830 = arith.constant 8 : i32
            %add3A_831 = arith.addi %mul3A_829, %add3A_830 : i32
            %get3A_832 = arith.index_cast %add3A_831 : i32 to index
            %get3A_833 = arith.constant 32 : index
            %get3A_834 = tpu.vector_load %arg8[%get3A_832, %get3A_833] {strides = array<i32>} : memref<640x128xf32, #tpu.memory_space<vmem>>, vector<16xf32>,
            tpu.vector_store_idx %arg11[%broadcast_in_dim3A_804, %add3A_827], %get3A_834 {add = true} : memref<65x128xf32, #tpu.memory_space<vmem>>[vector<16xi32>, vector<16xi32>], vector<16xf32>,
            %add3A_835 = arith.constant 48 : i32
            %add3A_836 = vector.broadcast %add3A_835 : i32 to vector<16xi32>
            %add3A_837 = arith.addi %add3A_836, %iota3A : vector<16xi32>
            %mul3A_838 = arith.constant 16 : i32
            %mul3A_839 = arith.muli %scan3A_44, %mul3A_838 : i32
            %add3A_840 = arith.constant 8 : i32
            %add3A_841 = arith.addi %mul3A_839, %add3A_840 : i32
            %get3A_842 = arith.index_cast %add3A_841 : i32 to index
            %get3A_843 = arith.constant 48 : index
            %get3A_844 = tpu.vector_load %arg8[%get3A_842, %get3A_843] {strides = array<i32>} : memref<640x128xf32, #tpu.memory_space<vmem>>, vector<16xf32>,
            tpu.vector_store_idx %arg11[%broadcast_in_dim3A_804, %add3A_837], %get3A_844 {add = true} : memref<65x128xf32, #tpu.memory_space<vmem>>[vector<16xi32>, vector<16xi32>], vector<16xf32>,
            %add3A_845 = arith.constant 64 : i32
            %add3A_846 = vector.broadcast %add3A_845 : i32 to vector<16xi32>
            %add3A_847 = arith.addi %add3A_846, %iota3A : vector<16xi32>
            %mul3A_848 = arith.constant 16 : i32
            %mul3A_849 = arith.muli %scan3A_44, %mul3A_848 : i32
            %add3A_850 = arith.constant 8 : i32
            %add3A_851 = arith.addi %mul3A_849, %add3A_850 : i32
            %get3A_852 = arith.index_cast %add3A_851 : i32 to index
            %get3A_853 = arith.constant 64 : index
            %get3A_854 = tpu.vector_load %arg8[%get3A_852, %get3A_853] {strides = array<i32>} : memref<640x128xf32, #tpu.memory_space<vmem>>, vector<16xf32>,
            tpu.vector_store_idx %arg11[%broadcast_in_dim3A_804, %add3A_847], %get3A_854 {add = true} : memref<65x128xf32, #tpu.memory_space<vmem>>[vector<16xi32>, vector<16xi32>], vector<16xf32>,
            %add3A_855 = arith.constant 80 : i32
            %add3A_856 = vector.broadcast %add3A_855 : i32 to vector<16xi32>
            %add3A_857 = arith.addi %add3A_856, %iota3A : vector<16xi32>
            %mul3A_858 = arith.constant 16 : i32
            %mul3A_859 = arith.muli %scan3A_44, %mul3A_858 : i32
            %add3A_860 = arith.constant 8 : i32
            %add3A_861 = arith.addi %mul3A_859, %add3A_860 : i32
            %get3A_862 = arith.index_cast %add3A_861 : i32 to index
            %get3A_863 = arith.constant 80 : index
            %get3A_864 = tpu.vector_load %arg8[%get3A_862, %get3A_863] {strides = array<i32>} : memref<640x128xf32, #tpu.memory_space<vmem>>, vector<16xf32>,
            tpu.vector_store_idx %arg11[%broadcast_in_dim3A_804, %add3A_857], %get3A_864 {add = true} : memref<65x128xf32, #tpu.memory_space<vmem>>[vector<16xi32>, vector<16xi32>], vector<16xf32>,
            %add3A_865 = arith.constant 96 : i32
            %add3A_866 = vector.broadcast %add3A_865 : i32 to vector<16xi32>
            %add3A_867 = arith.addi %add3A_866, %iota3A : vector<16xi32>
            %mul3A_868 = arith.constant 16 : i32
            %mul3A_869 = arith.muli %scan3A_44, %mul3A_868 : i32
            %add3A_870 = arith.constant 8 : i32
            %add3A_871 = arith.addi %mul3A_869, %add3A_870 : i32
            %get3A_872 = arith.index_cast %add3A_871 : i32 to index
            %get3A_873 = arith.constant 96 : index
            %get3A_874 = tpu.vector_load %arg8[%get3A_872, %get3A_873] {strides = array<i32>} : memref<640x128xf32, #tpu.memory_space<vmem>>, vector<16xf32>,
            tpu.vector_store_idx %arg11[%broadcast_in_dim3A_804, %add3A_867], %get3A_874 {add = true} : memref<65x128xf32, #tpu.memory_space<vmem>>[vector<16xi32>, vector<16xi32>], vector<16xf32>,
            %add3A_875 = arith.constant 112 : i32
            %add3A_876 = vector.broadcast %add3A_875 : i32 to vector<16xi32>
            %add3A_877 = arith.addi %add3A_876, %iota3A : vector<16xi32>
            %mul3A_878 = arith.constant 16 : i32
            %mul3A_879 = arith.muli %scan3A_44, %mul3A_878 : i32
            %add3A_880 = arith.constant 8 : i32
            %add3A_881 = arith.addi %mul3A_879, %add3A_880 : i32
            %get3A_882 = arith.index_cast %add3A_881 : i32 to index
            %get3A_883 = arith.constant 112 : index
            %get3A_884 = tpu.vector_load %arg8[%get3A_882, %get3A_883] {strides = array<i32>} : memref<640x128xf32, #tpu.memory_space<vmem>>, vector<16xf32>,
            tpu.vector_store_idx %arg11[%broadcast_in_dim3A_804, %add3A_877], %get3A_884 {add = true} : memref<65x128xf32, #tpu.memory_space<vmem>>[vector<16xi32>, vector<16xi32>], vector<16xf32>,
            %eq3A_885 = arith.constant 9 : i32
            %eq3A_886 = vector.broadcast %eq3A_885 : i32 to vector<16xi32>
            %eq3A_887 = arith.cmpi eq, %iota3A, %eq3A_886 : vector<16xi32>
            %jit3A_888 = arith.constant 0 : i32
            %broadcast_in_dim3A_889 = vector.broadcast %jit3A_888 : i32 to vector<16xi32>
            %select_n3A_890 = arith.select %eq3A_887, %get3A_47, %broadcast_in_dim3A_889 : vector<16xi1>, vector<16xi32>
            %reduce_sum3A_891 = arith.constant true
            %reduce_sum3A_892 = vector.broadcast %reduce_sum3A_891 : i1 to vector<16xi1>
            %reduce_sum3A_893 = tpu.scan <sum>, %select_n3A_890 masked %reduce_sum3A_892 : vector<16xi32>, vector<16xi1> -> vector<16xi32>
            %reduce_sum3A_894 = vector.extract %reduce_sum3A_893[15] : i32 from vector<16xi32>
            %broadcast_in_dim3A_895 = vector.broadcast %reduce_sum3A_894 : i32 to vector<16xi32>
            %add3A_896 = arith.constant 0 : i32
            %add3A_897 = vector.broadcast %add3A_896 : i32 to vector<16xi32>
            %add3A_898 = arith.addi %add3A_897, %iota3A : vector<16xi32>
            %mul3A_899 = arith.constant 16 : i32
            %mul3A_900 = arith.muli %scan3A_44, %mul3A_899 : i32
            %add3A_901 = arith.constant 9 : i32
            %add3A_902 = arith.addi %mul3A_900, %add3A_901 : i32
            %get3A_903 = arith.index_cast %add3A_902 : i32 to index
            %get3A_904 = arith.constant 0 : index
            %get3A_905 = tpu.vector_load %arg8[%get3A_903, %get3A_904] {strides = array<i32>} : memref<640x128xf32, #tpu.memory_space<vmem>>, vector<16xf32>,
            tpu.vector_store_idx %arg11[%broadcast_in_dim3A_895, %add3A_898], %get3A_905 {add = true} : memref<65x128xf32, #tpu.memory_space<vmem>>[vector<16xi32>, vector<16xi32>], vector<16xf32>,
            %add3A_906 = arith.constant 16 : i32
            %add3A_907 = vector.broadcast %add3A_906 : i32 to vector<16xi32>
            %add3A_908 = arith.addi %add3A_907, %iota3A : vector<16xi32>
            %mul3A_909 = arith.constant 16 : i32
            %mul3A_910 = arith.muli %scan3A_44, %mul3A_909 : i32
            %add3A_911 = arith.constant 9 : i32
            %add3A_912 = arith.addi %mul3A_910, %add3A_911 : i32
            %get3A_913 = arith.index_cast %add3A_912 : i32 to index
            %get3A_914 = arith.constant 16 : index
            %get3A_915 = tpu.vector_load %arg8[%get3A_913, %get3A_914] {strides = array<i32>} : memref<640x128xf32, #tpu.memory_space<vmem>>, vector<16xf32>,
            tpu.vector_store_idx %arg11[%broadcast_in_dim3A_895, %add3A_908], %get3A_915 {add = true} : memref<65x128xf32, #tpu.memory_space<vmem>>[vector<16xi32>, vector<16xi32>], vector<16xf32>,
            %add3A_916 = arith.constant 32 : i32
            %add3A_917 = vector.broadcast %add3A_916 : i32 to vector<16xi32>
            %add3A_918 = arith.addi %add3A_917, %iota3A : vector<16xi32>
            %mul3A_919 = arith.constant 16 : i32
            %mul3A_920 = arith.muli %scan3A_44, %mul3A_919 : i32
            %add3A_921 = arith.constant 9 : i32
            %add3A_922 = arith.addi %mul3A_920, %add3A_921 : i32
            %get3A_923 = arith.index_cast %add3A_922 : i32 to index
            %get3A_924 = arith.constant 32 : index
            %get3A_925 = tpu.vector_load %arg8[%get3A_923, %get3A_924] {strides = array<i32>} : memref<640x128xf32, #tpu.memory_space<vmem>>, vector<16xf32>,
            tpu.vector_store_idx %arg11[%broadcast_in_dim3A_895, %add3A_918], %get3A_925 {add = true} : memref<65x128xf32, #tpu.memory_space<vmem>>[vector<16xi32>, vector<16xi32>], vector<16xf32>,
            %add3A_926 = arith.constant 48 : i32
            %add3A_927 = vector.broadcast %add3A_926 : i32 to vector<16xi32>
            %add3A_928 = arith.addi %add3A_927, %iota3A : vector<16xi32>
            %mul3A_929 = arith.constant 16 : i32
            %mul3A_930 = arith.muli %scan3A_44, %mul3A_929 : i32
            %add3A_931 = arith.constant 9 : i32
            %add3A_932 = arith.addi %mul3A_930, %add3A_931 : i32
            %get3A_933 = arith.index_cast %add3A_932 : i32 to index
            %get3A_934 = arith.constant 48 : index
            %get3A_935 = tpu.vector_load %arg8[%get3A_933, %get3A_934] {strides = array<i32>} : memref<640x128xf32, #tpu.memory_space<vmem>>, vector<16xf32>,
            tpu.vector_store_idx %arg11[%broadcast_in_dim3A_895, %add3A_928], %get3A_935 {add = true} : memref<65x128xf32, #tpu.memory_space<vmem>>[vector<16xi32>, vector<16xi32>], vector<16xf32>,
            %add3A_936 = arith.constant 64 : i32
            %add3A_937 = vector.broadcast %add3A_936 : i32 to vector<16xi32>
            %add3A_938 = arith.addi %add3A_937, %iota3A : vector<16xi32>
            %mul3A_939 = arith.constant 16 : i32
            %mul3A_940 = arith.muli %scan3A_44, %mul3A_939 : i32
            %add3A_941 = arith.constant 9 : i32
            %add3A_942 = arith.addi %mul3A_940, %add3A_941 : i32
            %get3A_943 = arith.index_cast %add3A_942 : i32 to index
            %get3A_944 = arith.constant 64 : index
            %get3A_945 = tpu.vector_load %arg8[%get3A_943, %get3A_944] {strides = array<i32>} : memref<640x128xf32, #tpu.memory_space<vmem>>, vector<16xf32>,
            tpu.vector_store_idx %arg11[%broadcast_in_dim3A_895, %add3A_938], %get3A_945 {add = true} : memref<65x128xf32, #tpu.memory_space<vmem>>[vector<16xi32>, vector<16xi32>], vector<16xf32>,
            %add3A_946 = arith.constant 80 : i32
            %add3A_947 = vector.broadcast %add3A_946 : i32 to vector<16xi32>
            %add3A_948 = arith.addi %add3A_947, %iota3A : vector<16xi32>
            %mul3A_949 = arith.constant 16 : i32
            %mul3A_950 = arith.muli %scan3A_44, %mul3A_949 : i32
            %add3A_951 = arith.constant 9 : i32
            %add3A_952 = arith.addi %mul3A_950, %add3A_951 : i32
            %get3A_953 = arith.index_cast %add3A_952 : i32 to index
            %get3A_954 = arith.constant 80 : index
            %get3A_955 = tpu.vector_load %arg8[%get3A_953, %get3A_954] {strides = array<i32>} : memref<640x128xf32, #tpu.memory_space<vmem>>, vector<16xf32>,
            tpu.vector_store_idx %arg11[%broadcast_in_dim3A_895, %add3A_948], %get3A_955 {add = true} : memref<65x128xf32, #tpu.memory_space<vmem>>[vector<16xi32>, vector<16xi32>], vector<16xf32>,
            %add3A_956 = arith.constant 96 : i32
            %add3A_957 = vector.broadcast %add3A_956 : i32 to vector<16xi32>
            %add3A_958 = arith.addi %add3A_957, %iota3A : vector<16xi32>
            %mul3A_959 = arith.constant 16 : i32
            %mul3A_960 = arith.muli %scan3A_44, %mul3A_959 : i32
            %add3A_961 = arith.constant 9 : i32
            %add3A_962 = arith.addi %mul3A_960, %add3A_961 : i32
            %get3A_963 = arith.index_cast %add3A_962 : i32 to index
            %get3A_964 = arith.constant 96 : index
            %get3A_965 = tpu.vector_load %arg8[%get3A_963, %get3A_964] {strides = array<i32>} : memref<640x128xf32, #tpu.memory_space<vmem>>, vector<16xf32>,
            tpu.vector_store_idx %arg11[%broadcast_in_dim3A_895, %add3A_958], %get3A_965 {add = true} : memref<65x128xf32, #tpu.memory_space<vmem>>[vector<16xi32>, vector<16xi32>], vector<16xf32>,
            %add3A_966 = arith.constant 112 : i32
            %add3A_967 = vector.broadcast %add3A_966 : i32 to vector<16xi32>
            %add3A_968 = arith.addi %add3A_967, %iota3A : vector<16xi32>
            %mul3A_969 = arith.constant 16 : i32
            %mul3A_970 = arith.muli %scan3A_44, %mul3A_969 : i32
            %add3A_971 = arith.constant 9 : i32
            %add3A_972 = arith.addi %mul3A_970, %add3A_971 : i32
            %get3A_973 = arith.index_cast %add3A_972 : i32 to index
            %get3A_974 = arith.constant 112 : index
            %get3A_975 = tpu.vector_load %arg8[%get3A_973, %get3A_974] {strides = array<i32>} : memref<640x128xf32, #tpu.memory_space<vmem>>, vector<16xf32>,
            tpu.vector_store_idx %arg11[%broadcast_in_dim3A_895, %add3A_968], %get3A_975 {add = true} : memref<65x128xf32, #tpu.memory_space<vmem>>[vector<16xi32>, vector<16xi32>], vector<16xf32>,
            %eq3A_976 = arith.constant 10 : i32
            %eq3A_977 = vector.broadcast %eq3A_976 : i32 to vector<16xi32>
            %eq3A_978 = arith.cmpi eq, %iota3A, %eq3A_977 : vector<16xi32>
            %jit3A_979 = arith.constant 0 : i32
            %broadcast_in_dim3A_980 = vector.broadcast %jit3A_979 : i32 to vector<16xi32>
            %select_n3A_981 = arith.select %eq3A_978, %get3A_47, %broadcast_in_dim3A_980 : vector<16xi1>, vector<16xi32>
            %reduce_sum3A_982 = arith.constant true
            %reduce_sum3A_983 = vector.broadcast %reduce_sum3A_982 : i1 to vector<16xi1>
            %reduce_sum3A_984 = tpu.scan <sum>, %select_n3A_981 masked %reduce_sum3A_983 : vector<16xi32>, vector<16xi1> -> vector<16xi32>
            %reduce_sum3A_985 = vector.extract %reduce_sum3A_984[15] : i32 from vector<16xi32>
            %broadcast_in_dim3A_986 = vector.broadcast %reduce_sum3A_985 : i32 to vector<16xi32>
            %add3A_987 = arith.constant 0 : i32
            %add3A_988 = vector.broadcast %add3A_987 : i32 to vector<16xi32>
            %add3A_989 = arith.addi %add3A_988, %iota3A : vector<16xi32>
            %mul3A_990 = arith.constant 16 : i32
            %mul3A_991 = arith.muli %scan3A_44, %mul3A_990 : i32
            %add3A_992 = arith.constant 10 : i32
            %add3A_993 = arith.addi %mul3A_991, %add3A_992 : i32
            %get3A_994 = arith.index_cast %add3A_993 : i32 to index
            %get3A_995 = arith.constant 0 : index
            %get3A_996 = tpu.vector_load %arg8[%get3A_994, %get3A_995] {strides = array<i32>} : memref<640x128xf32, #tpu.memory_space<vmem>>, vector<16xf32>,
            tpu.vector_store_idx %arg11[%broadcast_in_dim3A_986, %add3A_989], %get3A_996 {add = true} : memref<65x128xf32, #tpu.memory_space<vmem>>[vector<16xi32>, vector<16xi32>], vector<16xf32>,
            %add3A_997 = arith.constant 16 : i32
            %add3A_998 = vector.broadcast %add3A_997 : i32 to vector<16xi32>
            %add3A_999 = arith.addi %add3A_998, %iota3A : vector<16xi32>
            %mul3A_1000 = arith.constant 16 : i32
            %mul3A_1001 = arith.muli %scan3A_44, %mul3A_1000 : i32
            %add3A_1002 = arith.constant 10 : i32
            %add3A_1003 = arith.addi %mul3A_1001, %add3A_1002 : i32
            %get3A_1004 = arith.index_cast %add3A_1003 : i32 to index
            %get3A_1005 = arith.constant 16 : index
            %get3A_1006 = tpu.vector_load %arg8[%get3A_1004, %get3A_1005] {strides = array<i32>} : memref<640x128xf32, #tpu.memory_space<vmem>>, vector<16xf32>,
            tpu.vector_store_idx %arg11[%broadcast_in_dim3A_986, %add3A_999], %get3A_1006 {add = true} : memref<65x128xf32, #tpu.memory_space<vmem>>[vector<16xi32>, vector<16xi32>], vector<16xf32>,
            %add3A_1007 = arith.constant 32 : i32
            %add3A_1008 = vector.broadcast %add3A_1007 : i32 to vector<16xi32>
            %add3A_1009 = arith.addi %add3A_1008, %iota3A : vector<16xi32>
            %mul3A_1010 = arith.constant 16 : i32
            %mul3A_1011 = arith.muli %scan3A_44, %mul3A_1010 : i32
            %add3A_1012 = arith.constant 10 : i32
            %add3A_1013 = arith.addi %mul3A_1011, %add3A_1012 : i32
            %get3A_1014 = arith.index_cast %add3A_1013 : i32 to index
            %get3A_1015 = arith.constant 32 : index
            %get3A_1016 = tpu.vector_load %arg8[%get3A_1014, %get3A_1015] {strides = array<i32>} : memref<640x128xf32, #tpu.memory_space<vmem>>, vector<16xf32>,
            tpu.vector_store_idx %arg11[%broadcast_in_dim3A_986, %add3A_1009], %get3A_1016 {add = true} : memref<65x128xf32, #tpu.memory_space<vmem>>[vector<16xi32>, vector<16xi32>], vector<16xf32>,
            %add3A_1017 = arith.constant 48 : i32
            %add3A_1018 = vector.broadcast %add3A_1017 : i32 to vector<16xi32>
            %add3A_1019 = arith.addi %add3A_1018, %iota3A : vector<16xi32>
            %mul3A_1020 = arith.constant 16 : i32
            %mul3A_1021 = arith.muli %scan3A_44, %mul3A_1020 : i32
            %add3A_1022 = arith.constant 10 : i32
            %add3A_1023 = arith.addi %mul3A_1021, %add3A_1022 : i32
            %get3A_1024 = arith.index_cast %add3A_1023 : i32 to index
            %get3A_1025 = arith.constant 48 : index
            %get3A_1026 = tpu.vector_load %arg8[%get3A_1024, %get3A_1025] {strides = array<i32>} : memref<640x128xf32, #tpu.memory_space<vmem>>, vector<16xf32>,
            tpu.vector_store_idx %arg11[%broadcast_in_dim3A_986, %add3A_1019], %get3A_1026 {add = true} : memref<65x128xf32, #tpu.memory_space<vmem>>[vector<16xi32>, vector<16xi32>], vector<16xf32>,
            %add3A_1027 = arith.constant 64 : i32
            %add3A_1028 = vector.broadcast %add3A_1027 : i32 to vector<16xi32>
            %add3A_1029 = arith.addi %add3A_1028, %iota3A : vector<16xi32>
            %mul3A_1030 = arith.constant 16 : i32
            %mul3A_1031 = arith.muli %scan3A_44, %mul3A_1030 : i32
            %add3A_1032 = arith.constant 10 : i32
            %add3A_1033 = arith.addi %mul3A_1031, %add3A_1032 : i32
            %get3A_1034 = arith.index_cast %add3A_1033 : i32 to index
            %get3A_1035 = arith.constant 64 : index
            %get3A_1036 = tpu.vector_load %arg8[%get3A_1034, %get3A_1035] {strides = array<i32>} : memref<640x128xf32, #tpu.memory_space<vmem>>, vector<16xf32>,
            tpu.vector_store_idx %arg11[%broadcast_in_dim3A_986, %add3A_1029], %get3A_1036 {add = true} : memref<65x128xf32, #tpu.memory_space<vmem>>[vector<16xi32>, vector<16xi32>], vector<16xf32>,
            %add3A_1037 = arith.constant 80 : i32
            %add3A_1038 = vector.broadcast %add3A_1037 : i32 to vector<16xi32>
            %add3A_1039 = arith.addi %add3A_1038, %iota3A : vector<16xi32>
            %mul3A_1040 = arith.constant 16 : i32
            %mul3A_1041 = arith.muli %scan3A_44, %mul3A_1040 : i32
            %add3A_1042 = arith.constant 10 : i32
            %add3A_1043 = arith.addi %mul3A_1041, %add3A_1042 : i32
            %get3A_1044 = arith.index_cast %add3A_1043 : i32 to index
            %get3A_1045 = arith.constant 80 : index
            %get3A_1046 = tpu.vector_load %arg8[%get3A_1044, %get3A_1045] {strides = array<i32>} : memref<640x128xf32, #tpu.memory_space<vmem>>, vector<16xf32>,
            tpu.vector_store_idx %arg11[%broadcast_in_dim3A_986, %add3A_1039], %get3A_1046 {add = true} : memref<65x128xf32, #tpu.memory_space<vmem>>[vector<16xi32>, vector<16xi32>], vector<16xf32>,
            %add3A_1047 = arith.constant 96 : i32
            %add3A_1048 = vector.broadcast %add3A_1047 : i32 to vector<16xi32>
            %add3A_1049 = arith.addi %add3A_1048, %iota3A : vector<16xi32>
            %mul3A_1050 = arith.constant 16 : i32
            %mul3A_1051 = arith.muli %scan3A_44, %mul3A_1050 : i32
            %add3A_1052 = arith.constant 10 : i32
            %add3A_1053 = arith.addi %mul3A_1051, %add3A_1052 : i32
            %get3A_1054 = arith.index_cast %add3A_1053 : i32 to index
            %get3A_1055 = arith.constant 96 : index
            %get3A_1056 = tpu.vector_load %arg8[%get3A_1054, %get3A_1055] {strides = array<i32>} : memref<640x128xf32, #tpu.memory_space<vmem>>, vector<16xf32>,
            tpu.vector_store_idx %arg11[%broadcast_in_dim3A_986, %add3A_1049], %get3A_1056 {add = true} : memref<65x128xf32, #tpu.memory_space<vmem>>[vector<16xi32>, vector<16xi32>], vector<16xf32>,
            %add3A_1057 = arith.constant 112 : i32
            %add3A_1058 = vector.broadcast %add3A_1057 : i32 to vector<16xi32>
            %add3A_1059 = arith.addi %add3A_1058, %iota3A : vector<16xi32>
            %mul3A_1060 = arith.constant 16 : i32
            %mul3A_1061 = arith.muli %scan3A_44, %mul3A_1060 : i32
            %add3A_1062 = arith.constant 10 : i32
            %add3A_1063 = arith.addi %mul3A_1061, %add3A_1062 : i32
            %get3A_1064 = arith.index_cast %add3A_1063 : i32 to index
            %get3A_1065 = arith.constant 112 : index
            %get3A_1066 = tpu.vector_load %arg8[%get3A_1064, %get3A_1065] {strides = array<i32>} : memref<640x128xf32, #tpu.memory_space<vmem>>, vector<16xf32>,
            tpu.vector_store_idx %arg11[%broadcast_in_dim3A_986, %add3A_1059], %get3A_1066 {add = true} : memref<65x128xf32, #tpu.memory_space<vmem>>[vector<16xi32>, vector<16xi32>], vector<16xf32>,
            %eq3A_1067 = arith.constant 11 : i32
            %eq3A_1068 = vector.broadcast %eq3A_1067 : i32 to vector<16xi32>
            %eq3A_1069 = arith.cmpi eq, %iota3A, %eq3A_1068 : vector<16xi32>
            %jit3A_1070 = arith.constant 0 : i32
            %broadcast_in_dim3A_1071 = vector.broadcast %jit3A_1070 : i32 to vector<16xi32>
            %select_n3A_1072 = arith.select %eq3A_1069, %get3A_47, %broadcast_in_dim3A_1071 : vector<16xi1>, vector<16xi32>
            %reduce_sum3A_1073 = arith.constant true
            %reduce_sum3A_1074 = vector.broadcast %reduce_sum3A_1073 : i1 to vector<16xi1>
            %reduce_sum3A_1075 = tpu.scan <sum>, %select_n3A_1072 masked %reduce_sum3A_1074 : vector<16xi32>, vector<16xi1> -> vector<16xi32>
            %reduce_sum3A_1076 = vector.extract %reduce_sum3A_1075[15] : i32 from vector<16xi32>
            %broadcast_in_dim3A_1077 = vector.broadcast %reduce_sum3A_1076 : i32 to vector<16xi32>
            %add3A_1078 = arith.constant 0 : i32
            %add3A_1079 = vector.broadcast %add3A_1078 : i32 to vector<16xi32>
            %add3A_1080 = arith.addi %add3A_1079, %iota3A : vector<16xi32>
            %mul3A_1081 = arith.constant 16 : i32
            %mul3A_1082 = arith.muli %scan3A_44, %mul3A_1081 : i32
            %add3A_1083 = arith.constant 11 : i32
            %add3A_1084 = arith.addi %mul3A_1082, %add3A_1083 : i32
            %get3A_1085 = arith.index_cast %add3A_1084 : i32 to index
            %get3A_1086 = arith.constant 0 : index
            %get3A_1087 = tpu.vector_load %arg8[%get3A_1085, %get3A_1086] {strides = array<i32>} : memref<640x128xf32, #tpu.memory_space<vmem>>, vector<16xf32>,
            tpu.vector_store_idx %arg11[%broadcast_in_dim3A_1077, %add3A_1080], %get3A_1087 {add = true} : memref<65x128xf32, #tpu.memory_space<vmem>>[vector<16xi32>, vector<16xi32>], vector<16xf32>,
            %add3A_1088 = arith.constant 16 : i32
            %add3A_1089 = vector.broadcast %add3A_1088 : i32 to vector<16xi32>
            %add3A_1090 = arith.addi %add3A_1089, %iota3A : vector<16xi32>
            %mul3A_1091 = arith.constant 16 : i32
            %mul3A_1092 = arith.muli %scan3A_44, %mul3A_1091 : i32
            %add3A_1093 = arith.constant 11 : i32
            %add3A_1094 = arith.addi %mul3A_1092, %add3A_1093 : i32
            %get3A_1095 = arith.index_cast %add3A_1094 : i32 to index
            %get3A_1096 = arith.constant 16 : index
            %get3A_1097 = tpu.vector_load %arg8[%get3A_1095, %get3A_1096] {strides = array<i32>} : memref<640x128xf32, #tpu.memory_space<vmem>>, vector<16xf32>,
            tpu.vector_store_idx %arg11[%broadcast_in_dim3A_1077, %add3A_1090], %get3A_1097 {add = true} : memref<65x128xf32, #tpu.memory_space<vmem>>[vector<16xi32>, vector<16xi32>], vector<16xf32>,
            %add3A_1098 = arith.constant 32 : i32
            %add3A_1099 = vector.broadcast %add3A_1098 : i32 to vector<16xi32>
            %add3A_1100 = arith.addi %add3A_1099, %iota3A : vector<16xi32>
            %mul3A_1101 = arith.constant 16 : i32
            %mul3A_1102 = arith.muli %scan3A_44, %mul3A_1101 : i32
            %add3A_1103 = arith.constant 11 : i32
            %add3A_1104 = arith.addi %mul3A_1102, %add3A_1103 : i32
            %get3A_1105 = arith.index_cast %add3A_1104 : i32 to index
            %get3A_1106 = arith.constant 32 : index
            %get3A_1107 = tpu.vector_load %arg8[%get3A_1105, %get3A_1106] {strides = array<i32>} : memref<640x128xf32, #tpu.memory_space<vmem>>, vector<16xf32>,
            tpu.vector_store_idx %arg11[%broadcast_in_dim3A_1077, %add3A_1100], %get3A_1107 {add = true} : memref<65x128xf32, #tpu.memory_space<vmem>>[vector<16xi32>, vector<16xi32>], vector<16xf32>,
            %add3A_1108 = arith.constant 48 : i32
            %add3A_1109 = vector.broadcast %add3A_1108 : i32 to vector<16xi32>
            %add3A_1110 = arith.addi %add3A_1109, %iota3A : vector<16xi32>
            %mul3A_1111 = arith.constant 16 : i32
            %mul3A_1112 = arith.muli %scan3A_44, %mul3A_1111 : i32
            %add3A_1113 = arith.constant 11 : i32
            %add3A_1114 = arith.addi %mul3A_1112, %add3A_1113 : i32
            %get3A_1115 = arith.index_cast %add3A_1114 : i32 to index
            %get3A_1116 = arith.constant 48 : index
            %get3A_1117 = tpu.vector_load %arg8[%get3A_1115, %get3A_1116] {strides = array<i32>} : memref<640x128xf32, #tpu.memory_space<vmem>>, vector<16xf32>,
            tpu.vector_store_idx %arg11[%broadcast_in_dim3A_1077, %add3A_1110], %get3A_1117 {add = true} : memref<65x128xf32, #tpu.memory_space<vmem>>[vector<16xi32>, vector<16xi32>], vector<16xf32>,
            %add3A_1118 = arith.constant 64 : i32
            %add3A_1119 = vector.broadcast %add3A_1118 : i32 to vector<16xi32>
            %add3A_1120 = arith.addi %add3A_1119, %iota3A : vector<16xi32>
            %mul3A_1121 = arith.constant 16 : i32
            %mul3A_1122 = arith.muli %scan3A_44, %mul3A_1121 : i32
            %add3A_1123 = arith.constant 11 : i32
            %add3A_1124 = arith.addi %mul3A_1122, %add3A_1123 : i32
            %get3A_1125 = arith.index_cast %add3A_1124 : i32 to index
            %get3A_1126 = arith.constant 64 : index
            %get3A_1127 = tpu.vector_load %arg8[%get3A_1125, %get3A_1126] {strides = array<i32>} : memref<640x128xf32, #tpu.memory_space<vmem>>, vector<16xf32>,
            tpu.vector_store_idx %arg11[%broadcast_in_dim3A_1077, %add3A_1120], %get3A_1127 {add = true} : memref<65x128xf32, #tpu.memory_space<vmem>>[vector<16xi32>, vector<16xi32>], vector<16xf32>,
            %add3A_1128 = arith.constant 80 : i32
            %add3A_1129 = vector.broadcast %add3A_1128 : i32 to vector<16xi32>
            %add3A_1130 = arith.addi %add3A_1129, %iota3A : vector<16xi32>
            %mul3A_1131 = arith.constant 16 : i32
            %mul3A_1132 = arith.muli %scan3A_44, %mul3A_1131 : i32
            %add3A_1133 = arith.constant 11 : i32
            %add3A_1134 = arith.addi %mul3A_1132, %add3A_1133 : i32
            %get3A_1135 = arith.index_cast %add3A_1134 : i32 to index
            %get3A_1136 = arith.constant 80 : index
            %get3A_1137 = tpu.vector_load %arg8[%get3A_1135, %get3A_1136] {strides = array<i32>} : memref<640x128xf32, #tpu.memory_space<vmem>>, vector<16xf32>,
            tpu.vector_store_idx %arg11[%broadcast_in_dim3A_1077, %add3A_1130], %get3A_1137 {add = true} : memref<65x128xf32, #tpu.memory_space<vmem>>[vector<16xi32>, vector<16xi32>], vector<16xf32>,
            %add3A_1138 = arith.constant 96 : i32
            %add3A_1139 = vector.broadcast %add3A_1138 : i32 to vector<16xi32>
            %add3A_1140 = arith.addi %add3A_1139, %iota3A : vector<16xi32>
            %mul3A_1141 = arith.constant 16 : i32
            %mul3A_1142 = arith.muli %scan3A_44, %mul3A_1141 : i32
            %add3A_1143 = arith.constant 11 : i32
            %add3A_1144 = arith.addi %mul3A_1142, %add3A_1143 : i32
            %get3A_1145 = arith.index_cast %add3A_1144 : i32 to index
            %get3A_1146 = arith.constant 96 : index
            %get3A_1147 = tpu.vector_load %arg8[%get3A_1145, %get3A_1146] {strides = array<i32>} : memref<640x128xf32, #tpu.memory_space<vmem>>, vector<16xf32>,
            tpu.vector_store_idx %arg11[%broadcast_in_dim3A_1077, %add3A_1140], %get3A_1147 {add = true} : memref<65x128xf32, #tpu.memory_space<vmem>>[vector<16xi32>, vector<16xi32>], vector<16xf32>,
            %add3A_1148 = arith.constant 112 : i32
            %add3A_1149 = vector.broadcast %add3A_1148 : i32 to vector<16xi32>
            %add3A_1150 = arith.addi %add3A_1149, %iota3A : vector<16xi32>
            %mul3A_1151 = arith.constant 16 : i32
            %mul3A_1152 = arith.muli %scan3A_44, %mul3A_1151 : i32
            %add3A_1153 = arith.constant 11 : i32
            %add3A_1154 = arith.addi %mul3A_1152, %add3A_1153 : i32
            %get3A_1155 = arith.index_cast %add3A_1154 : i32 to index
            %get3A_1156 = arith.constant 112 : index
            %get3A_1157 = tpu.vector_load %arg8[%get3A_1155, %get3A_1156] {strides = array<i32>} : memref<640x128xf32, #tpu.memory_space<vmem>>, vector<16xf32>,
            tpu.vector_store_idx %arg11[%broadcast_in_dim3A_1077, %add3A_1150], %get3A_1157 {add = true} : memref<65x128xf32, #tpu.memory_space<vmem>>[vector<16xi32>, vector<16xi32>], vector<16xf32>,
            %eq3A_1158 = arith.constant 12 : i32
            %eq3A_1159 = vector.broadcast %eq3A_1158 : i32 to vector<16xi32>
            %eq3A_1160 = arith.cmpi eq, %iota3A, %eq3A_1159 : vector<16xi32>
            %jit3A_1161 = arith.constant 0 : i32
            %broadcast_in_dim3A_1162 = vector.broadcast %jit3A_1161 : i32 to vector<16xi32>
            %select_n3A_1163 = arith.select %eq3A_1160, %get3A_47, %broadcast_in_dim3A_1162 : vector<16xi1>, vector<16xi32>
            %reduce_sum3A_1164 = arith.constant true
            %reduce_sum3A_1165 = vector.broadcast %reduce_sum3A_1164 : i1 to vector<16xi1>
            %reduce_sum3A_1166 = tpu.scan <sum>, %select_n3A_1163 masked %reduce_sum3A_1165 : vector<16xi32>, vector<16xi1> -> vector<16xi32>
            %reduce_sum3A_1167 = vector.extract %reduce_sum3A_1166[15] : i32 from vector<16xi32>
            %broadcast_in_dim3A_1168 = vector.broadcast %reduce_sum3A_1167 : i32 to vector<16xi32>
            %add3A_1169 = arith.constant 0 : i32
            %add3A_1170 = vector.broadcast %add3A_1169 : i32 to vector<16xi32>
            %add3A_1171 = arith.addi %add3A_1170, %iota3A : vector<16xi32>
            %mul3A_1172 = arith.constant 16 : i32
            %mul3A_1173 = arith.muli %scan3A_44, %mul3A_1172 : i32
            %add3A_1174 = arith.constant 12 : i32
            %add3A_1175 = arith.addi %mul3A_1173, %add3A_1174 : i32
            %get3A_1176 = arith.index_cast %add3A_1175 : i32 to index
            %get3A_1177 = arith.constant 0 : index
            %get3A_1178 = tpu.vector_load %arg8[%get3A_1176, %get3A_1177] {strides = array<i32>} : memref<640x128xf32, #tpu.memory_space<vmem>>, vector<16xf32>,
            tpu.vector_store_idx %arg11[%broadcast_in_dim3A_1168, %add3A_1171], %get3A_1178 {add = true} : memref<65x128xf32, #tpu.memory_space<vmem>>[vector<16xi32>, vector<16xi32>], vector<16xf32>,
            %add3A_1179 = arith.constant 16 : i32
            %add3A_1180 = vector.broadcast %add3A_1179 : i32 to vector<16xi32>
            %add3A_1181 = arith.addi %add3A_1180, %iota3A : vector<16xi32>
            %mul3A_1182 = arith.constant 16 : i32
            %mul3A_1183 = arith.muli %scan3A_44, %mul3A_1182 : i32
            %add3A_1184 = arith.constant 12 : i32
            %add3A_1185 = arith.addi %mul3A_1183, %add3A_1184 : i32
            %get3A_1186 = arith.index_cast %add3A_1185 : i32 to index
            %get3A_1187 = arith.constant 16 : index
            %get3A_1188 = tpu.vector_load %arg8[%get3A_1186, %get3A_1187] {strides = array<i32>} : memref<640x128xf32, #tpu.memory_space<vmem>>, vector<16xf32>,
            tpu.vector_store_idx %arg11[%broadcast_in_dim3A_1168, %add3A_1181], %get3A_1188 {add = true} : memref<65x128xf32, #tpu.memory_space<vmem>>[vector<16xi32>, vector<16xi32>], vector<16xf32>,
            %add3A_1189 = arith.constant 32 : i32
            %add3A_1190 = vector.broadcast %add3A_1189 : i32 to vector<16xi32>
            %add3A_1191 = arith.addi %add3A_1190, %iota3A : vector<16xi32>
            %mul3A_1192 = arith.constant 16 : i32
            %mul3A_1193 = arith.muli %scan3A_44, %mul3A_1192 : i32
            %add3A_1194 = arith.constant 12 : i32
            %add3A_1195 = arith.addi %mul3A_1193, %add3A_1194 : i32
            %get3A_1196 = arith.index_cast %add3A_1195 : i32 to index
            %get3A_1197 = arith.constant 32 : index
            %get3A_1198 = tpu.vector_load %arg8[%get3A_1196, %get3A_1197] {strides = array<i32>} : memref<640x128xf32, #tpu.memory_space<vmem>>, vector<16xf32>,
            tpu.vector_store_idx %arg11[%broadcast_in_dim3A_1168, %add3A_1191], %get3A_1198 {add = true} : memref<65x128xf32, #tpu.memory_space<vmem>>[vector<16xi32>, vector<16xi32>], vector<16xf32>,
            %add3A_1199 = arith.constant 48 : i32
            %add3A_1200 = vector.broadcast %add3A_1199 : i32 to vector<16xi32>
            %add3A_1201 = arith.addi %add3A_1200, %iota3A : vector<16xi32>
            %mul3A_1202 = arith.constant 16 : i32
            %mul3A_1203 = arith.muli %scan3A_44, %mul3A_1202 : i32
            %add3A_1204 = arith.constant 12 : i32
            %add3A_1205 = arith.addi %mul3A_1203, %add3A_1204 : i32
            %get3A_1206 = arith.index_cast %add3A_1205 : i32 to index
            %get3A_1207 = arith.constant 48 : index
            %get3A_1208 = tpu.vector_load %arg8[%get3A_1206, %get3A_1207] {strides = array<i32>} : memref<640x128xf32, #tpu.memory_space<vmem>>, vector<16xf32>,
            tpu.vector_store_idx %arg11[%broadcast_in_dim3A_1168, %add3A_1201], %get3A_1208 {add = true} : memref<65x128xf32, #tpu.memory_space<vmem>>[vector<16xi32>, vector<16xi32>], vector<16xf32>,
            %add3A_1209 = arith.constant 64 : i32
            %add3A_1210 = vector.broadcast %add3A_1209 : i32 to vector<16xi32>
            %add3A_1211 = arith.addi %add3A_1210, %iota3A : vector<16xi32>
            %mul3A_1212 = arith.constant 16 : i32
            %mul3A_1213 = arith.muli %scan3A_44, %mul3A_1212 : i32
            %add3A_1214 = arith.constant 12 : i32
            %add3A_1215 = arith.addi %mul3A_1213, %add3A_1214 : i32
            %get3A_1216 = arith.index_cast %add3A_1215 : i32 to index
            %get3A_1217 = arith.constant 64 : index
            %get3A_1218 = tpu.vector_load %arg8[%get3A_1216, %get3A_1217] {strides = array<i32>} : memref<640x128xf32, #tpu.memory_space<vmem>>, vector<16xf32>,
            tpu.vector_store_idx %arg11[%broadcast_in_dim3A_1168, %add3A_1211], %get3A_1218 {add = true} : memref<65x128xf32, #tpu.memory_space<vmem>>[vector<16xi32>, vector<16xi32>], vector<16xf32>,
            %add3A_1219 = arith.constant 80 : i32
            %add3A_1220 = vector.broadcast %add3A_1219 : i32 to vector<16xi32>
            %add3A_1221 = arith.addi %add3A_1220, %iota3A : vector<16xi32>
            %mul3A_1222 = arith.constant 16 : i32
            %mul3A_1223 = arith.muli %scan3A_44, %mul3A_1222 : i32
            %add3A_1224 = arith.constant 12 : i32
            %add3A_1225 = arith.addi %mul3A_1223, %add3A_1224 : i32
            %get3A_1226 = arith.index_cast %add3A_1225 : i32 to index
            %get3A_1227 = arith.constant 80 : index
            %get3A_1228 = tpu.vector_load %arg8[%get3A_1226, %get3A_1227] {strides = array<i32>} : memref<640x128xf32, #tpu.memory_space<vmem>>, vector<16xf32>,
            tpu.vector_store_idx %arg11[%broadcast_in_dim3A_1168, %add3A_1221], %get3A_1228 {add = true} : memref<65x128xf32, #tpu.memory_space<vmem>>[vector<16xi32>, vector<16xi32>], vector<16xf32>,
            %add3A_1229 = arith.constant 96 : i32
            %add3A_1230 = vector.broadcast %add3A_1229 : i32 to vector<16xi32>
            %add3A_1231 = arith.addi %add3A_1230, %iota3A : vector<16xi32>
            %mul3A_1232 = arith.constant 16 : i32
            %mul3A_1233 = arith.muli %scan3A_44, %mul3A_1232 : i32
            %add3A_1234 = arith.constant 12 : i32
            %add3A_1235 = arith.addi %mul3A_1233, %add3A_1234 : i32
            %get3A_1236 = arith.index_cast %add3A_1235 : i32 to index
            %get3A_1237 = arith.constant 96 : index
            %get3A_1238 = tpu.vector_load %arg8[%get3A_1236, %get3A_1237] {strides = array<i32>} : memref<640x128xf32, #tpu.memory_space<vmem>>, vector<16xf32>,
            tpu.vector_store_idx %arg11[%broadcast_in_dim3A_1168, %add3A_1231], %get3A_1238 {add = true} : memref<65x128xf32, #tpu.memory_space<vmem>>[vector<16xi32>, vector<16xi32>], vector<16xf32>,
            %add3A_1239 = arith.constant 112 : i32
            %add3A_1240 = vector.broadcast %add3A_1239 : i32 to vector<16xi32>
            %add3A_1241 = arith.addi %add3A_1240, %iota3A : vector<16xi32>
            %mul3A_1242 = arith.constant 16 : i32
            %mul3A_1243 = arith.muli %scan3A_44, %mul3A_1242 : i32
            %add3A_1244 = arith.constant 12 : i32
            %add3A_1245 = arith.addi %mul3A_1243, %add3A_1244 : i32
            %get3A_1246 = arith.index_cast %add3A_1245 : i32 to index
            %get3A_1247 = arith.constant 112 : index
            %get3A_1248 = tpu.vector_load %arg8[%get3A_1246, %get3A_1247] {strides = array<i32>} : memref<640x128xf32, #tpu.memory_space<vmem>>, vector<16xf32>,
            tpu.vector_store_idx %arg11[%broadcast_in_dim3A_1168, %add3A_1241], %get3A_1248 {add = true} : memref<65x128xf32, #tpu.memory_space<vmem>>[vector<16xi32>, vector<16xi32>], vector<16xf32>,
            %eq3A_1249 = arith.constant 13 : i32
            %eq3A_1250 = vector.broadcast %eq3A_1249 : i32 to vector<16xi32>
            %eq3A_1251 = arith.cmpi eq, %iota3A, %eq3A_1250 : vector<16xi32>
            %jit3A_1252 = arith.constant 0 : i32
            %broadcast_in_dim3A_1253 = vector.broadcast %jit3A_1252 : i32 to vector<16xi32>
            %select_n3A_1254 = arith.select %eq3A_1251, %get3A_47, %broadcast_in_dim3A_1253 : vector<16xi1>, vector<16xi32>
            %reduce_sum3A_1255 = arith.constant true
            %reduce_sum3A_1256 = vector.broadcast %reduce_sum3A_1255 : i1 to vector<16xi1>
            %reduce_sum3A_1257 = tpu.scan <sum>, %select_n3A_1254 masked %reduce_sum3A_1256 : vector<16xi32>, vector<16xi1> -> vector<16xi32>
            %reduce_sum3A_1258 = vector.extract %reduce_sum3A_1257[15] : i32 from vector<16xi32>
            %broadcast_in_dim3A_1259 = vector.broadcast %reduce_sum3A_1258 : i32 to vector<16xi32>
            %add3A_1260 = arith.constant 0 : i32
            %add3A_1261 = vector.broadcast %add3A_1260 : i32 to vector<16xi32>
            %add3A_1262 = arith.addi %add3A_1261, %iota3A : vector<16xi32>
            %mul3A_1263 = arith.constant 16 : i32
            %mul3A_1264 = arith.muli %scan3A_44, %mul3A_1263 : i32
            %add3A_1265 = arith.constant 13 : i32
            %add3A_1266 = arith.addi %mul3A_1264, %add3A_1265 : i32
            %get3A_1267 = arith.index_cast %add3A_1266 : i32 to index
            %get3A_1268 = arith.constant 0 : index
            %get3A_1269 = tpu.vector_load %arg8[%get3A_1267, %get3A_1268] {strides = array<i32>} : memref<640x128xf32, #tpu.memory_space<vmem>>, vector<16xf32>,
            tpu.vector_store_idx %arg11[%broadcast_in_dim3A_1259, %add3A_1262], %get3A_1269 {add = true} : memref<65x128xf32, #tpu.memory_space<vmem>>[vector<16xi32>, vector<16xi32>], vector<16xf32>,
            %add3A_1270 = arith.constant 16 : i32
            %add3A_1271 = vector.broadcast %add3A_1270 : i32 to vector<16xi32>
            %add3A_1272 = arith.addi %add3A_1271, %iota3A : vector<16xi32>
            %mul3A_1273 = arith.constant 16 : i32
            %mul3A_1274 = arith.muli %scan3A_44, %mul3A_1273 : i32
            %add3A_1275 = arith.constant 13 : i32
            %add3A_1276 = arith.addi %mul3A_1274, %add3A_1275 : i32
            %get3A_1277 = arith.index_cast %add3A_1276 : i32 to index
            %get3A_1278 = arith.constant 16 : index
            %get3A_1279 = tpu.vector_load %arg8[%get3A_1277, %get3A_1278] {strides = array<i32>} : memref<640x128xf32, #tpu.memory_space<vmem>>, vector<16xf32>,
            tpu.vector_store_idx %arg11[%broadcast_in_dim3A_1259, %add3A_1272], %get3A_1279 {add = true} : memref<65x128xf32, #tpu.memory_space<vmem>>[vector<16xi32>, vector<16xi32>], vector<16xf32>,
            %add3A_1280 = arith.constant 32 : i32
            %add3A_1281 = vector.broadcast %add3A_1280 : i32 to vector<16xi32>
            %add3A_1282 = arith.addi %add3A_1281, %iota3A : vector<16xi32>
            %mul3A_1283 = arith.constant 16 : i32
            %mul3A_1284 = arith.muli %scan3A_44, %mul3A_1283 : i32
            %add3A_1285 = arith.constant 13 : i32
            %add3A_1286 = arith.addi %mul3A_1284, %add3A_1285 : i32
            %get3A_1287 = arith.index_cast %add3A_1286 : i32 to index
            %get3A_1288 = arith.constant 32 : index
            %get3A_1289 = tpu.vector_load %arg8[%get3A_1287, %get3A_1288] {strides = array<i32>} : memref<640x128xf32, #tpu.memory_space<vmem>>, vector<16xf32>,
            tpu.vector_store_idx %arg11[%broadcast_in_dim3A_1259, %add3A_1282], %get3A_1289 {add = true} : memref<65x128xf32, #tpu.memory_space<vmem>>[vector<16xi32>, vector<16xi32>], vector<16xf32>,
            %add3A_1290 = arith.constant 48 : i32
            %add3A_1291 = vector.broadcast %add3A_1290 : i32 to vector<16xi32>
            %add3A_1292 = arith.addi %add3A_1291, %iota3A : vector<16xi32>
            %mul3A_1293 = arith.constant 16 : i32
            %mul3A_1294 = arith.muli %scan3A_44, %mul3A_1293 : i32
            %add3A_1295 = arith.constant 13 : i32
            %add3A_1296 = arith.addi %mul3A_1294, %add3A_1295 : i32
            %get3A_1297 = arith.index_cast %add3A_1296 : i32 to index
            %get3A_1298 = arith.constant 48 : index
            %get3A_1299 = tpu.vector_load %arg8[%get3A_1297, %get3A_1298] {strides = array<i32>} : memref<640x128xf32, #tpu.memory_space<vmem>>, vector<16xf32>,
            tpu.vector_store_idx %arg11[%broadcast_in_dim3A_1259, %add3A_1292], %get3A_1299 {add = true} : memref<65x128xf32, #tpu.memory_space<vmem>>[vector<16xi32>, vector<16xi32>], vector<16xf32>,
            %add3A_1300 = arith.constant 64 : i32
            %add3A_1301 = vector.broadcast %add3A_1300 : i32 to vector<16xi32>
            %add3A_1302 = arith.addi %add3A_1301, %iota3A : vector<16xi32>
            %mul3A_1303 = arith.constant 16 : i32
            %mul3A_1304 = arith.muli %scan3A_44, %mul3A_1303 : i32
            %add3A_1305 = arith.constant 13 : i32
            %add3A_1306 = arith.addi %mul3A_1304, %add3A_1305 : i32
            %get3A_1307 = arith.index_cast %add3A_1306 : i32 to index
            %get3A_1308 = arith.constant 64 : index
            %get3A_1309 = tpu.vector_load %arg8[%get3A_1307, %get3A_1308] {strides = array<i32>} : memref<640x128xf32, #tpu.memory_space<vmem>>, vector<16xf32>,
            tpu.vector_store_idx %arg11[%broadcast_in_dim3A_1259, %add3A_1302], %get3A_1309 {add = true} : memref<65x128xf32, #tpu.memory_space<vmem>>[vector<16xi32>, vector<16xi32>], vector<16xf32>,
            %add3A_1310 = arith.constant 80 : i32
            %add3A_1311 = vector.broadcast %add3A_1310 : i32 to vector<16xi32>
            %add3A_1312 = arith.addi %add3A_1311, %iota3A : vector<16xi32>
            %mul3A_1313 = arith.constant 16 : i32
            %mul3A_1314 = arith.muli %scan3A_44, %mul3A_1313 : i32
            %add3A_1315 = arith.constant 13 : i32
            %add3A_1316 = arith.addi %mul3A_1314, %add3A_1315 : i32
            %get3A_1317 = arith.index_cast %add3A_1316 : i32 to index
            %get3A_1318 = arith.constant 80 : index
            %get3A_1319 = tpu.vector_load %arg8[%get3A_1317, %get3A_1318] {strides = array<i32>} : memref<640x128xf32, #tpu.memory_space<vmem>>, vector<16xf32>,
            tpu.vector_store_idx %arg11[%broadcast_in_dim3A_1259, %add3A_1312], %get3A_1319 {add = true} : memref<65x128xf32, #tpu.memory_space<vmem>>[vector<16xi32>, vector<16xi32>], vector<16xf32>,
            %add3A_1320 = arith.constant 96 : i32
            %add3A_1321 = vector.broadcast %add3A_1320 : i32 to vector<16xi32>
            %add3A_1322 = arith.addi %add3A_1321, %iota3A : vector<16xi32>
            %mul3A_1323 = arith.constant 16 : i32
            %mul3A_1324 = arith.muli %scan3A_44, %mul3A_1323 : i32
            %add3A_1325 = arith.constant 13 : i32
            %add3A_1326 = arith.addi %mul3A_1324, %add3A_1325 : i32
            %get3A_1327 = arith.index_cast %add3A_1326 : i32 to index
            %get3A_1328 = arith.constant 96 : index
            %get3A_1329 = tpu.vector_load %arg8[%get3A_1327, %get3A_1328] {strides = array<i32>} : memref<640x128xf32, #tpu.memory_space<vmem>>, vector<16xf32>,
            tpu.vector_store_idx %arg11[%broadcast_in_dim3A_1259, %add3A_1322], %get3A_1329 {add = true} : memref<65x128xf32, #tpu.memory_space<vmem>>[vector<16xi32>, vector<16xi32>], vector<16xf32>,
            %add3A_1330 = arith.constant 112 : i32
            %add3A_1331 = vector.broadcast %add3A_1330 : i32 to vector<16xi32>
            %add3A_1332 = arith.addi %add3A_1331, %iota3A : vector<16xi32>
            %mul3A_1333 = arith.constant 16 : i32
            %mul3A_1334 = arith.muli %scan3A_44, %mul3A_1333 : i32
            %add3A_1335 = arith.constant 13 : i32
            %add3A_1336 = arith.addi %mul3A_1334, %add3A_1335 : i32
            %get3A_1337 = arith.index_cast %add3A_1336 : i32 to index
            %get3A_1338 = arith.constant 112 : index
            %get3A_1339 = tpu.vector_load %arg8[%get3A_1337, %get3A_1338] {strides = array<i32>} : memref<640x128xf32, #tpu.memory_space<vmem>>, vector<16xf32>,
            tpu.vector_store_idx %arg11[%broadcast_in_dim3A_1259, %add3A_1332], %get3A_1339 {add = true} : memref<65x128xf32, #tpu.memory_space<vmem>>[vector<16xi32>, vector<16xi32>], vector<16xf32>,
            %eq3A_1340 = arith.constant 14 : i32
            %eq3A_1341 = vector.broadcast %eq3A_1340 : i32 to vector<16xi32>
            %eq3A_1342 = arith.cmpi eq, %iota3A, %eq3A_1341 : vector<16xi32>
            %jit3A_1343 = arith.constant 0 : i32
            %broadcast_in_dim3A_1344 = vector.broadcast %jit3A_1343 : i32 to vector<16xi32>
            %select_n3A_1345 = arith.select %eq3A_1342, %get3A_47, %broadcast_in_dim3A_1344 : vector<16xi1>, vector<16xi32>
            %reduce_sum3A_1346 = arith.constant true
            %reduce_sum3A_1347 = vector.broadcast %reduce_sum3A_1346 : i1 to vector<16xi1>
            %reduce_sum3A_1348 = tpu.scan <sum>, %select_n3A_1345 masked %reduce_sum3A_1347 : vector<16xi32>, vector<16xi1> -> vector<16xi32>
            %reduce_sum3A_1349 = vector.extract %reduce_sum3A_1348[15] : i32 from vector<16xi32>
            %broadcast_in_dim3A_1350 = vector.broadcast %reduce_sum3A_1349 : i32 to vector<16xi32>
            %add3A_1351 = arith.constant 0 : i32
            %add3A_1352 = vector.broadcast %add3A_1351 : i32 to vector<16xi32>
            %add3A_1353 = arith.addi %add3A_1352, %iota3A : vector<16xi32>
            %mul3A_1354 = arith.constant 16 : i32
            %mul3A_1355 = arith.muli %scan3A_44, %mul3A_1354 : i32
            %add3A_1356 = arith.constant 14 : i32
            %add3A_1357 = arith.addi %mul3A_1355, %add3A_1356 : i32
            %get3A_1358 = arith.index_cast %add3A_1357 : i32 to index
            %get3A_1359 = arith.constant 0 : index
            %get3A_1360 = tpu.vector_load %arg8[%get3A_1358, %get3A_1359] {strides = array<i32>} : memref<640x128xf32, #tpu.memory_space<vmem>>, vector<16xf32>,
            tpu.vector_store_idx %arg11[%broadcast_in_dim3A_1350, %add3A_1353], %get3A_1360 {add = true} : memref<65x128xf32, #tpu.memory_space<vmem>>[vector<16xi32>, vector<16xi32>], vector<16xf32>,
            %add3A_1361 = arith.constant 16 : i32
            %add3A_1362 = vector.broadcast %add3A_1361 : i32 to vector<16xi32>
            %add3A_1363 = arith.addi %add3A_1362, %iota3A : vector<16xi32>
            %mul3A_1364 = arith.constant 16 : i32
            %mul3A_1365 = arith.muli %scan3A_44, %mul3A_1364 : i32
            %add3A_1366 = arith.constant 14 : i32
            %add3A_1367 = arith.addi %mul3A_1365, %add3A_1366 : i32
            %get3A_1368 = arith.index_cast %add3A_1367 : i32 to index
            %get3A_1369 = arith.constant 16 : index
            %get3A_1370 = tpu.vector_load %arg8[%get3A_1368, %get3A_1369] {strides = array<i32>} : memref<640x128xf32, #tpu.memory_space<vmem>>, vector<16xf32>,
            tpu.vector_store_idx %arg11[%broadcast_in_dim3A_1350, %add3A_1363], %get3A_1370 {add = true} : memref<65x128xf32, #tpu.memory_space<vmem>>[vector<16xi32>, vector<16xi32>], vector<16xf32>,
            %add3A_1371 = arith.constant 32 : i32
            %add3A_1372 = vector.broadcast %add3A_1371 : i32 to vector<16xi32>
            %add3A_1373 = arith.addi %add3A_1372, %iota3A : vector<16xi32>
            %mul3A_1374 = arith.constant 16 : i32
            %mul3A_1375 = arith.muli %scan3A_44, %mul3A_1374 : i32
            %add3A_1376 = arith.constant 14 : i32
            %add3A_1377 = arith.addi %mul3A_1375, %add3A_1376 : i32
            %get3A_1378 = arith.index_cast %add3A_1377 : i32 to index
            %get3A_1379 = arith.constant 32 : index
            %get3A_1380 = tpu.vector_load %arg8[%get3A_1378, %get3A_1379] {strides = array<i32>} : memref<640x128xf32, #tpu.memory_space<vmem>>, vector<16xf32>,
            tpu.vector_store_idx %arg11[%broadcast_in_dim3A_1350, %add3A_1373], %get3A_1380 {add = true} : memref<65x128xf32, #tpu.memory_space<vmem>>[vector<16xi32>, vector<16xi32>], vector<16xf32>,
            %add3A_1381 = arith.constant 48 : i32
            %add3A_1382 = vector.broadcast %add3A_1381 : i32 to vector<16xi32>
            %add3A_1383 = arith.addi %add3A_1382, %iota3A : vector<16xi32>
            %mul3A_1384 = arith.constant 16 : i32
            %mul3A_1385 = arith.muli %scan3A_44, %mul3A_1384 : i32
            %add3A_1386 = arith.constant 14 : i32
            %add3A_1387 = arith.addi %mul3A_1385, %add3A_1386 : i32
            %get3A_1388 = arith.index_cast %add3A_1387 : i32 to index
            %get3A_1389 = arith.constant 48 : index
            %get3A_1390 = tpu.vector_load %arg8[%get3A_1388, %get3A_1389] {strides = array<i32>} : memref<640x128xf32, #tpu.memory_space<vmem>>, vector<16xf32>,
            tpu.vector_store_idx %arg11[%broadcast_in_dim3A_1350, %add3A_1383], %get3A_1390 {add = true} : memref<65x128xf32, #tpu.memory_space<vmem>>[vector<16xi32>, vector<16xi32>], vector<16xf32>,
            %add3A_1391 = arith.constant 64 : i32
            %add3A_1392 = vector.broadcast %add3A_1391 : i32 to vector<16xi32>
            %add3A_1393 = arith.addi %add3A_1392, %iota3A : vector<16xi32>
            %mul3A_1394 = arith.constant 16 : i32
            %mul3A_1395 = arith.muli %scan3A_44, %mul3A_1394 : i32
            %add3A_1396 = arith.constant 14 : i32
            %add3A_1397 = arith.addi %mul3A_1395, %add3A_1396 : i32
            %get3A_1398 = arith.index_cast %add3A_1397 : i32 to index
            %get3A_1399 = arith.constant 64 : index
            %get3A_1400 = tpu.vector_load %arg8[%get3A_1398, %get3A_1399] {strides = array<i32>} : memref<640x128xf32, #tpu.memory_space<vmem>>, vector<16xf32>,
            tpu.vector_store_idx %arg11[%broadcast_in_dim3A_1350, %add3A_1393], %get3A_1400 {add = true} : memref<65x128xf32, #tpu.memory_space<vmem>>[vector<16xi32>, vector<16xi32>], vector<16xf32>,
            %add3A_1401 = arith.constant 80 : i32
            %add3A_1402 = vector.broadcast %add3A_1401 : i32 to vector<16xi32>
            %add3A_1403 = arith.addi %add3A_1402, %iota3A : vector<16xi32>
            %mul3A_1404 = arith.constant 16 : i32
            %mul3A_1405 = arith.muli %scan3A_44, %mul3A_1404 : i32
            %add3A_1406 = arith.constant 14 : i32
            %add3A_1407 = arith.addi %mul3A_1405, %add3A_1406 : i32
            %get3A_1408 = arith.index_cast %add3A_1407 : i32 to index
            %get3A_1409 = arith.constant 80 : index
            %get3A_1410 = tpu.vector_load %arg8[%get3A_1408, %get3A_1409] {strides = array<i32>} : memref<640x128xf32, #tpu.memory_space<vmem>>, vector<16xf32>,
            tpu.vector_store_idx %arg11[%broadcast_in_dim3A_1350, %add3A_1403], %get3A_1410 {add = true} : memref<65x128xf32, #tpu.memory_space<vmem>>[vector<16xi32>, vector<16xi32>], vector<16xf32>,
            %add3A_1411 = arith.constant 96 : i32
            %add3A_1412 = vector.broadcast %add3A_1411 : i32 to vector<16xi32>
            %add3A_1413 = arith.addi %add3A_1412, %iota3A : vector<16xi32>
            %mul3A_1414 = arith.constant 16 : i32
            %mul3A_1415 = arith.muli %scan3A_44, %mul3A_1414 : i32
            %add3A_1416 = arith.constant 14 : i32
            %add3A_1417 = arith.addi %mul3A_1415, %add3A_1416 : i32
            %get3A_1418 = arith.index_cast %add3A_1417 : i32 to index
            %get3A_1419 = arith.constant 96 : index
            %get3A_1420 = tpu.vector_load %arg8[%get3A_1418, %get3A_1419] {strides = array<i32>} : memref<640x128xf32, #tpu.memory_space<vmem>>, vector<16xf32>,
            tpu.vector_store_idx %arg11[%broadcast_in_dim3A_1350, %add3A_1413], %get3A_1420 {add = true} : memref<65x128xf32, #tpu.memory_space<vmem>>[vector<16xi32>, vector<16xi32>], vector<16xf32>,
            %add3A_1421 = arith.constant 112 : i32
            %add3A_1422 = vector.broadcast %add3A_1421 : i32 to vector<16xi32>
            %add3A_1423 = arith.addi %add3A_1422, %iota3A : vector<16xi32>
            %mul3A_1424 = arith.constant 16 : i32
            %mul3A_1425 = arith.muli %scan3A_44, %mul3A_1424 : i32
            %add3A_1426 = arith.constant 14 : i32
            %add3A_1427 = arith.addi %mul3A_1425, %add3A_1426 : i32
            %get3A_1428 = arith.index_cast %add3A_1427 : i32 to index
            %get3A_1429 = arith.constant 112 : index
            %get3A_1430 = tpu.vector_load %arg8[%get3A_1428, %get3A_1429] {strides = array<i32>} : memref<640x128xf32, #tpu.memory_space<vmem>>, vector<16xf32>,
            tpu.vector_store_idx %arg11[%broadcast_in_dim3A_1350, %add3A_1423], %get3A_1430 {add = true} : memref<65x128xf32, #tpu.memory_space<vmem>>[vector<16xi32>, vector<16xi32>], vector<16xf32>,
            %eq3A_1431 = arith.constant 15 : i32
            %eq3A_1432 = vector.broadcast %eq3A_1431 : i32 to vector<16xi32>
            %eq3A_1433 = arith.cmpi eq, %iota3A, %eq3A_1432 : vector<16xi32>
            %jit3A_1434 = arith.constant 0 : i32
            %broadcast_in_dim3A_1435 = vector.broadcast %jit3A_1434 : i32 to vector<16xi32>
            %select_n3A_1436 = arith.select %eq3A_1433, %get3A_47, %broadcast_in_dim3A_1435 : vector<16xi1>, vector<16xi32>
            %reduce_sum3A_1437 = arith.constant true
            %reduce_sum3A_1438 = vector.broadcast %reduce_sum3A_1437 : i1 to vector<16xi1>
            %reduce_sum3A_1439 = tpu.scan <sum>, %select_n3A_1436 masked %reduce_sum3A_1438 : vector<16xi32>, vector<16xi1> -> vector<16xi32>
            %reduce_sum3A_1440 = vector.extract %reduce_sum3A_1439[15] : i32 from vector<16xi32>
            %broadcast_in_dim3A_1441 = vector.broadcast %reduce_sum3A_1440 : i32 to vector<16xi32>
            %add3A_1442 = arith.constant 0 : i32
            %add3A_1443 = vector.broadcast %add3A_1442 : i32 to vector<16xi32>
            %add3A_1444 = arith.addi %add3A_1443, %iota3A : vector<16xi32>
            %mul3A_1445 = arith.constant 16 : i32
            %mul3A_1446 = arith.muli %scan3A_44, %mul3A_1445 : i32
            %add3A_1447 = arith.constant 15 : i32
            %add3A_1448 = arith.addi %mul3A_1446, %add3A_1447 : i32
            %get3A_1449 = arith.index_cast %add3A_1448 : i32 to index
            %get3A_1450 = arith.constant 0 : index
            %get3A_1451 = tpu.vector_load %arg8[%get3A_1449, %get3A_1450] {strides = array<i32>} : memref<640x128xf32, #tpu.memory_space<vmem>>, vector<16xf32>,
            tpu.vector_store_idx %arg11[%broadcast_in_dim3A_1441, %add3A_1444], %get3A_1451 {add = true} : memref<65x128xf32, #tpu.memory_space<vmem>>[vector<16xi32>, vector<16xi32>], vector<16xf32>,
            %add3A_1452 = arith.constant 16 : i32
            %add3A_1453 = vector.broadcast %add3A_1452 : i32 to vector<16xi32>
            %add3A_1454 = arith.addi %add3A_1453, %iota3A : vector<16xi32>
            %mul3A_1455 = arith.constant 16 : i32
            %mul3A_1456 = arith.muli %scan3A_44, %mul3A_1455 : i32
            %add3A_1457 = arith.constant 15 : i32
            %add3A_1458 = arith.addi %mul3A_1456, %add3A_1457 : i32
            %get3A_1459 = arith.index_cast %add3A_1458 : i32 to index
            %get3A_1460 = arith.constant 16 : index
            %get3A_1461 = tpu.vector_load %arg8[%get3A_1459, %get3A_1460] {strides = array<i32>} : memref<640x128xf32, #tpu.memory_space<vmem>>, vector<16xf32>,
            tpu.vector_store_idx %arg11[%broadcast_in_dim3A_1441, %add3A_1454], %get3A_1461 {add = true} : memref<65x128xf32, #tpu.memory_space<vmem>>[vector<16xi32>, vector<16xi32>], vector<16xf32>,
            %add3A_1462 = arith.constant 32 : i32
            %add3A_1463 = vector.broadcast %add3A_1462 : i32 to vector<16xi32>
            %add3A_1464 = arith.addi %add3A_1463, %iota3A : vector<16xi32>
            %mul3A_1465 = arith.constant 16 : i32
            %mul3A_1466 = arith.muli %scan3A_44, %mul3A_1465 : i32
            %add3A_1467 = arith.constant 15 : i32
            %add3A_1468 = arith.addi %mul3A_1466, %add3A_1467 : i32
            %get3A_1469 = arith.index_cast %add3A_1468 : i32 to index
            %get3A_1470 = arith.constant 32 : index
            %get3A_1471 = tpu.vector_load %arg8[%get3A_1469, %get3A_1470] {strides = array<i32>} : memref<640x128xf32, #tpu.memory_space<vmem>>, vector<16xf32>,
            tpu.vector_store_idx %arg11[%broadcast_in_dim3A_1441, %add3A_1464], %get3A_1471 {add = true} : memref<65x128xf32, #tpu.memory_space<vmem>>[vector<16xi32>, vector<16xi32>], vector<16xf32>,
            %add3A_1472 = arith.constant 48 : i32
            %add3A_1473 = vector.broadcast %add3A_1472 : i32 to vector<16xi32>
            %add3A_1474 = arith.addi %add3A_1473, %iota3A : vector<16xi32>
            %mul3A_1475 = arith.constant 16 : i32
            %mul3A_1476 = arith.muli %scan3A_44, %mul3A_1475 : i32
            %add3A_1477 = arith.constant 15 : i32
            %add3A_1478 = arith.addi %mul3A_1476, %add3A_1477 : i32
            %get3A_1479 = arith.index_cast %add3A_1478 : i32 to index
            %get3A_1480 = arith.constant 48 : index
            %get3A_1481 = tpu.vector_load %arg8[%get3A_1479, %get3A_1480] {strides = array<i32>} : memref<640x128xf32, #tpu.memory_space<vmem>>, vector<16xf32>,
            tpu.vector_store_idx %arg11[%broadcast_in_dim3A_1441, %add3A_1474], %get3A_1481 {add = true} : memref<65x128xf32, #tpu.memory_space<vmem>>[vector<16xi32>, vector<16xi32>], vector<16xf32>,
            %add3A_1482 = arith.constant 64 : i32
            %add3A_1483 = vector.broadcast %add3A_1482 : i32 to vector<16xi32>
            %add3A_1484 = arith.addi %add3A_1483, %iota3A : vector<16xi32>
            %mul3A_1485 = arith.constant 16 : i32
            %mul3A_1486 = arith.muli %scan3A_44, %mul3A_1485 : i32
            %add3A_1487 = arith.constant 15 : i32
            %add3A_1488 = arith.addi %mul3A_1486, %add3A_1487 : i32
            %get3A_1489 = arith.index_cast %add3A_1488 : i32 to index
            %get3A_1490 = arith.constant 64 : index
            %get3A_1491 = tpu.vector_load %arg8[%get3A_1489, %get3A_1490] {strides = array<i32>} : memref<640x128xf32, #tpu.memory_space<vmem>>, vector<16xf32>,
            tpu.vector_store_idx %arg11[%broadcast_in_dim3A_1441, %add3A_1484], %get3A_1491 {add = true} : memref<65x128xf32, #tpu.memory_space<vmem>>[vector<16xi32>, vector<16xi32>], vector<16xf32>,
            %add3A_1492 = arith.constant 80 : i32
            %add3A_1493 = vector.broadcast %add3A_1492 : i32 to vector<16xi32>
            %add3A_1494 = arith.addi %add3A_1493, %iota3A : vector<16xi32>
            %mul3A_1495 = arith.constant 16 : i32
            %mul3A_1496 = arith.muli %scan3A_44, %mul3A_1495 : i32
            %add3A_1497 = arith.constant 15 : i32
            %add3A_1498 = arith.addi %mul3A_1496, %add3A_1497 : i32
            %get3A_1499 = arith.index_cast %add3A_1498 : i32 to index
            %get3A_1500 = arith.constant 80 : index
            %get3A_1501 = tpu.vector_load %arg8[%get3A_1499, %get3A_1500] {strides = array<i32>} : memref<640x128xf32, #tpu.memory_space<vmem>>, vector<16xf32>,
            tpu.vector_store_idx %arg11[%broadcast_in_dim3A_1441, %add3A_1494], %get3A_1501 {add = true} : memref<65x128xf32, #tpu.memory_space<vmem>>[vector<16xi32>, vector<16xi32>], vector<16xf32>,
            %add3A_1502 = arith.constant 96 : i32
            %add3A_1503 = vector.broadcast %add3A_1502 : i32 to vector<16xi32>
            %add3A_1504 = arith.addi %add3A_1503, %iota3A : vector<16xi32>
            %mul3A_1505 = arith.constant 16 : i32
            %mul3A_1506 = arith.muli %scan3A_44, %mul3A_1505 : i32
            %add3A_1507 = arith.constant 15 : i32
            %add3A_1508 = arith.addi %mul3A_1506, %add3A_1507 : i32
            %get3A_1509 = arith.index_cast %add3A_1508 : i32 to index
            %get3A_1510 = arith.constant 96 : index
            %get3A_1511 = tpu.vector_load %arg8[%get3A_1509, %get3A_1510] {strides = array<i32>} : memref<640x128xf32, #tpu.memory_space<vmem>>, vector<16xf32>,
            tpu.vector_store_idx %arg11[%broadcast_in_dim3A_1441, %add3A_1504], %get3A_1511 {add = true} : memref<65x128xf32, #tpu.memory_space<vmem>>[vector<16xi32>, vector<16xi32>], vector<16xf32>,
            %add3A_1512 = arith.constant 112 : i32
            %add3A_1513 = vector.broadcast %add3A_1512 : i32 to vector<16xi32>
            %add3A_1514 = arith.addi %add3A_1513, %iota3A : vector<16xi32>
            %mul3A_1515 = arith.constant 16 : i32
            %mul3A_1516 = arith.muli %scan3A_44, %mul3A_1515 : i32
            %add3A_1517 = arith.constant 15 : i32
            %add3A_1518 = arith.addi %mul3A_1516, %add3A_1517 : i32
            %get3A_1519 = arith.index_cast %add3A_1518 : i32 to index
            %get3A_1520 = arith.constant 112 : index
            %get3A_1521 = tpu.vector_load %arg8[%get3A_1519, %get3A_1520] {strides = array<i32>} : memref<640x128xf32, #tpu.memory_space<vmem>>, vector<16xf32>,
            tpu.vector_store_idx %arg11[%broadcast_in_dim3A_1441, %add3A_1514], %get3A_1521 {add = true} : memref<65x128xf32, #tpu.memory_space<vmem>>[vector<16xi32>, vector<16xi32>], vector<16xf32>,
          } else {
          }
        }
        %scan3A_43 = arith.constant 40 : i32
      } else {
      }
    }
    %scan3A_12 = arith.constant 3 : i32
    %scan3A_13 = arith.constant 0 : i32
    %scan3A_14 = arith.constant 0 : i32
    %scan3A_15 = arith.constant 5 : i32
    %scan3A_16 = arith.addi %scan3A_14, %scan3A_15 : i32
    %scan3A_17 = arith.constant 1 : i32
    scf.for %scan3A_19 = %scan3A_14 to %scan3A_16 step %scan3A_17  : i32 {
      %mul3A_20 = arith.constant 32 : i32
      %mul3A_21 = arith.muli %scan3A_19, %mul3A_20 : i32
      %add3A_22 = arith.addi %add3A, %mul3A_21 : i32
      %lt3A = arith.constant 157 : i32
      %lt3A_23 = arith.cmpi slt, %add3A_22, %lt3A : i32
      %convert_element_type3A = arith.extui %lt3A_23 : i1 to i32
      %cond3A = arith.constant 0 : i32
      %cond3A_24 = arith.cmpi ne, %convert_element_type3A, %cond3A : i32
      scf.if %cond3A_24 {
        %mul3A_25 = arith.constant 640 : i32
        %mul3A_26 = arith.muli %add3A_22, %mul3A_25 : i32
        %mul3A_27 = arith.constant 8 : i32
        %mul3A_28 = arith.muli %mul3A_26, %mul3A_27 : i32
        "tpu.region"() ({
          %run_scoped3A = tpu.sem_alloc : memref<!tpu.dma_semaphore, #tpu.memory_space<semaphore_mem>>
          %dma_start3A = tpu.memref_slice %arg5[%mul3A_28] : memref<803840xi32, #tpu.memory_space<hbm>> -> memref<5120xi32, #tpu.memory_space<hbm>>
          %dma_start3A_44 = tpu.memref_slice %arg5[%mul3A_28] : memref<803840xi32, #tpu.memory_space<hbm>> -> memref<5120xi32, #tpu.memory_space<hbm>>
          tpu.enqueue_dma source(%dma_start3A_44 : memref<5120xi32, #tpu.memory_space<hbm>>) target(%arg10 : memref<5120xi32, #tpu.memory_space<vmem>>) target_semaphore(%run_scoped3A : memref<!tpu.dma_semaphore, #tpu.memory_space<semaphore_mem>>)
          %dma_wait3A = tpu.memref_slice %arg5[%mul3A_28] : memref<803840xi32, #tpu.memory_space<hbm>> -> memref<5120xi32, #tpu.memory_space<hbm>>
          %dma_wait3A_45 = tpu.memref_slice %arg5[%mul3A_28] : memref<803840xi32, #tpu.memory_space<hbm>> -> memref<5120xi32, #tpu.memory_space<hbm>>
          tpu.wait_dma2 semaphore(%run_scoped3A : memref<!tpu.dma_semaphore, #tpu.memory_space<semaphore_mem>>) src(%dma_wait3A_45 : memref<5120xi32, #tpu.memory_space<hbm>>) dst(%arg10 : memref<5120xi32, #tpu.memory_space<vmem>>)
          tpu.yield
        }) : () -> ()
        %lt3A_29 = arith.constant 156 : i32
        %lt3A_30 = arith.cmpi slt, %add3A_22, %lt3A_29 : i32
        %convert_element_type3A_31 = arith.extui %lt3A_30 : i1 to i32
        %cond3A_32 = arith.constant 0 : i32
        %cond3A_33 = arith.cmpi ne, %convert_element_type3A_31, %cond3A_32 : i32
        scf.if %cond3A_33 {
          %mul3A_44 = arith.constant 640 : i32
          %mul3A_45 = arith.muli %add3A_22, %mul3A_44 : i32
          "tpu.region"() ({
            %run_scoped3A = tpu.sem_alloc : memref<!tpu.dma_semaphore, #tpu.memory_space<semaphore_mem>>
            %dma_start3A = arith.constant 0 : i32
            %dma_start3A_46 = tpu.memref_slice %arg4[%mul3A_45, %dma_start3A] : memref<100000x128xf32, #tpu.memory_space<hbm>> -> memref<640x128xf32, #tpu.memory_space<hbm>>
            %dma_start3A_47 = arith.constant 0 : i32
            %dma_start3A_48 = tpu.memref_slice %arg4[%mul3A_45, %dma_start3A_47] : memref<100000x128xf32, #tpu.memory_space<hbm>> -> memref<640x128xf32, #tpu.memory_space<hbm>>
            tpu.enqueue_dma source(%dma_start3A_48 : memref<640x128xf32, #tpu.memory_space<hbm>>) target(%arg8 : memref<640x128xf32, #tpu.memory_space<vmem>>) target_semaphore(%run_scoped3A : memref<!tpu.dma_semaphore, #tpu.memory_space<semaphore_mem>>)
            %dma_wait3A = arith.constant 0 : i32
            %dma_wait3A_49 = tpu.memref_slice %arg4[%mul3A_45, %dma_wait3A] : memref<100000x128xf32, #tpu.memory_space<hbm>> -> memref<640x128xf32, #tpu.memory_space<hbm>>
            %dma_wait3A_50 = arith.constant 0 : i32
            %dma_wait3A_51 = tpu.memref_slice %arg4[%mul3A_45, %dma_wait3A_50] : memref<100000x128xf32, #tpu.memory_space<hbm>> -> memref<640x128xf32, #tpu.memory_space<hbm>>
            tpu.wait_dma2 semaphore(%run_scoped3A : memref<!tpu.dma_semaphore, #tpu.memory_space<semaphore_mem>>) src(%dma_wait3A_51 : memref<640x128xf32, #tpu.memory_space<hbm>>) dst(%arg8 : memref<640x128xf32, #tpu.memory_space<vmem>>)
            tpu.yield
          }) : () -> ()
        } else {
        }
        %eq3A = arith.constant 156 : i32
        %eq3A_34 = arith.cmpi eq, %add3A_22, %eq3A : i32
        %convert_element_type3A_35 = arith.extui %eq3A_34 : i1 to i32
        %cond3A_36 = arith.constant 0 : i32
        %cond3A_37 = arith.cmpi ne, %convert_element_type3A_35, %cond3A_36 : i32
        scf.if %cond3A_37 {
          %mul3A_44 = arith.constant 640 : i32
          %mul3A_45 = arith.muli %add3A_22, %mul3A_44 : i32
          "tpu.region"() ({
            %run_scoped3A = tpu.sem_alloc : memref<!tpu.dma_semaphore, #tpu.memory_space<semaphore_mem>>
            %dma_start3A = arith.constant 0 : i32
            %dma_start3A_46 = arith.constant 0 : i32
            %dma_start3A_47 = tpu.memref_slice %arg8[%dma_start3A, %dma_start3A_46] : memref<640x128xf32, #tpu.memory_space<vmem>> -> memref<160x128xf32, #tpu.memory_space<vmem>>
            %dma_start3A_48 = arith.constant 0 : i32
            %dma_start3A_49 = tpu.memref_slice %arg4[%mul3A_45, %dma_start3A_48] : memref<100000x128xf32, #tpu.memory_space<hbm>> -> memref<160x128xf32, #tpu.memory_space<hbm>>
            %dma_start3A_50 = arith.constant 0 : i32
            %dma_start3A_51 = arith.constant 0 : i32
            %dma_start3A_52 = tpu.memref_slice %arg8[%dma_start3A_50, %dma_start3A_51] : memref<640x128xf32, #tpu.memory_space<vmem>> -> memref<160x128xf32, #tpu.memory_space<vmem>>
            %dma_start3A_53 = arith.constant 0 : i32
            %dma_start3A_54 = tpu.memref_slice %arg4[%mul3A_45, %dma_start3A_53] : memref<100000x128xf32, #tpu.memory_space<hbm>> -> memref<160x128xf32, #tpu.memory_space<hbm>>
            tpu.enqueue_dma source(%dma_start3A_54 : memref<160x128xf32, #tpu.memory_space<hbm>>) target(%dma_start3A_52 : memref<160x128xf32, #tpu.memory_space<vmem>>) target_semaphore(%run_scoped3A : memref<!tpu.dma_semaphore, #tpu.memory_space<semaphore_mem>>)
            %dma_wait3A = arith.constant 0 : i32
            %dma_wait3A_55 = arith.constant 0 : i32
            %dma_wait3A_56 = tpu.memref_slice %arg8[%dma_wait3A, %dma_wait3A_55] : memref<640x128xf32, #tpu.memory_space<vmem>> -> memref<160x128xf32, #tpu.memory_space<vmem>>
            %dma_wait3A_57 = arith.constant 0 : i32
            %dma_wait3A_58 = tpu.memref_slice %arg4[%mul3A_45, %dma_wait3A_57] : memref<100000x128xf32, #tpu.memory_space<hbm>> -> memref<160x128xf32, #tpu.memory_space<hbm>>
            %dma_wait3A_59 = arith.constant 0 : i32
            %dma_wait3A_60 = arith.constant 0 : i32
            %dma_wait3A_61 = tpu.memref_slice %arg8[%dma_wait3A_59, %dma_wait3A_60] : memref<640x128xf32, #tpu.memory_space<vmem>> -> memref<160x128xf32, #tpu.memory_space<vmem>>
            %dma_wait3A_62 = arith.constant 0 : i32
            %dma_wait3A_63 = tpu.memref_slice %arg4[%mul3A_45, %dma_wait3A_62] : memref<100000x128xf32, #tpu.memory_space<hbm>> -> memref<160x128xf32, #tpu.memory_space<hbm>>
            tpu.wait_dma2 semaphore(%run_scoped3A : memref<!tpu.dma_semaphore, #tpu.memory_space<semaphore_mem>>) src(%dma_wait3A_63 : memref<160x128xf32, #tpu.memory_space<hbm>>) dst(%dma_wait3A_61 : memref<160x128xf32, #tpu.memory_space<vmem>>)
            tpu.yield
          }) : () -> ()
        } else {
        }
        %scan3A_38 = arith.constant 0 : i32
        %scan3A_39 = arith.constant 0 : i32
        %scan3A_40 = arith.constant 320 : i32
        %scan3A_41 = arith.addi %scan3A_39, %scan3A_40 : i32
        %scan3A_42 = arith.constant 1 : i32
        scf.for %scan3A_44 = %scan3A_39 to %scan3A_41 step %scan3A_42  : i32 {
          %mul3A_45 = arith.constant 16 : i32
          %mul3A_46 = arith.muli %scan3A_44, %mul3A_45 : i32
          %get3A = arith.index_cast %mul3A_46 : i32 to index
          %get3A_47 = tpu.vector_load %arg10[%get3A] {strides = array<i32>} : memref<5120xi32, #tpu.memory_space<vmem>>, vector<16xi32>,
          %reduce_min3A = arith.constant true
          %reduce_min3A_48 = vector.broadcast %reduce_min3A : i1 to vector<16xi1>
          %reduce_min3A_49 = arith.constant -2147483648 : i32
          %reduce_min3A_50 = vector.broadcast %reduce_min3A_49 : i32 to vector<16xi32>
          %reduce_min3A_51 = arith.xori %get3A_47, %reduce_min3A_50 : vector<16xi32>
          %reduce_min3A_52 = tpu.scan <min>, %reduce_min3A_51 masked %reduce_min3A_48 : vector<16xi32>, vector<16xi1> -> vector<16xi32>
          %reduce_min3A_53 = arith.xori %reduce_min3A_52, %reduce_min3A_50 : vector<16xi32>
          %reduce_min3A_54 = vector.extract %reduce_min3A_53[15] : i32 from vector<16xi32>
          %reduce_max3A = arith.constant true
          %reduce_max3A_55 = vector.broadcast %reduce_max3A : i1 to vector<16xi1>
          %reduce_max3A_56 = arith.constant -2147483648 : i32
          %reduce_max3A_57 = vector.broadcast %reduce_max3A_56 : i32 to vector<16xi32>
          %reduce_max3A_58 = arith.xori %get3A_47, %reduce_max3A_57 : vector<16xi32>
          %reduce_max3A_59 = tpu.scan <max>, %reduce_max3A_58 masked %reduce_max3A_55 : vector<16xi32>, vector<16xi1> -> vector<16xi32>
          %reduce_max3A_60 = arith.xori %reduce_max3A_59, %reduce_max3A_57 : vector<16xi32>
          %reduce_max3A_61 = vector.extract %reduce_max3A_60[15] : i32 from vector<16xi32>
          %eq3A_62 = arith.cmpi eq, %reduce_min3A_54, %reduce_max3A_61 : i32
          %convert_element_type3A_63 = arith.extui %eq3A_62 : i1 to i32
          %cond3A_64 = arith.constant 0 : i32
          %cond3A_65 = arith.cmpi ne, %convert_element_type3A_63, %cond3A_64 : i32
          scf.if %cond3A_65 {
            %mul3A_69 = arith.constant 2 : i32
            %mul3A_70 = arith.muli %scan3A_44, %mul3A_69 : i32
            %add3A_71 = arith.constant 0 : i32
            %add3A_72 = arith.addi %mul3A_70, %add3A_71 : i32
            %get3A_73 = arith.index_cast %add3A_72 : i32 to index
            %get3A_74 = arith.constant 0 : index
            %get3A_75 = tpu.vector_load %arg8[%get3A_73, %get3A_74] {strides = array<i32>} : memref<640x128xf32, #tpu.memory_space<vmem>>, vector<16xf32>,
            %mul3A_76 = arith.constant 2 : i32
            %mul3A_77 = arith.muli %scan3A_44, %mul3A_76 : i32
            %add3A_78 = arith.constant 0 : i32
            %add3A_79 = arith.addi %mul3A_77, %add3A_78 : i32
            %get3A_80 = arith.index_cast %add3A_79 : i32 to index
            %get3A_81 = arith.constant 16 : index
            %get3A_82 = tpu.vector_load %arg8[%get3A_80, %get3A_81] {strides = array<i32>} : memref<640x128xf32, #tpu.memory_space<vmem>>, vector<16xf32>,
            %mul3A_83 = arith.constant 2 : i32
            %mul3A_84 = arith.muli %scan3A_44, %mul3A_83 : i32
            %add3A_85 = arith.constant 0 : i32
            %add3A_86 = arith.addi %mul3A_84, %add3A_85 : i32
            %get3A_87 = arith.index_cast %add3A_86 : i32 to index
            %get3A_88 = arith.constant 32 : index
            %get3A_89 = tpu.vector_load %arg8[%get3A_87, %get3A_88] {strides = array<i32>} : memref<640x128xf32, #tpu.memory_space<vmem>>, vector<16xf32>,
            %mul3A_90 = arith.constant 2 : i32
            %mul3A_91 = arith.muli %scan3A_44, %mul3A_90 : i32
            %add3A_92 = arith.constant 0 : i32
            %add3A_93 = arith.addi %mul3A_91, %add3A_92 : i32
            %get3A_94 = arith.index_cast %add3A_93 : i32 to index
            %get3A_95 = arith.constant 48 : index
            %get3A_96 = tpu.vector_load %arg8[%get3A_94, %get3A_95] {strides = array<i32>} : memref<640x128xf32, #tpu.memory_space<vmem>>, vector<16xf32>,
            %mul3A_97 = arith.constant 2 : i32
            %mul3A_98 = arith.muli %scan3A_44, %mul3A_97 : i32
            %add3A_99 = arith.constant 0 : i32
            %add3A_100 = arith.addi %mul3A_98, %add3A_99 : i32
            %get3A_101 = arith.index_cast %add3A_100 : i32 to index
            %get3A_102 = arith.constant 64 : index
            %get3A_103 = tpu.vector_load %arg8[%get3A_101, %get3A_102] {strides = array<i32>} : memref<640x128xf32, #tpu.memory_space<vmem>>, vector<16xf32>,
            %mul3A_104 = arith.constant 2 : i32
            %mul3A_105 = arith.muli %scan3A_44, %mul3A_104 : i32
            %add3A_106 = arith.constant 0 : i32
            %add3A_107 = arith.addi %mul3A_105, %add3A_106 : i32
            %get3A_108 = arith.index_cast %add3A_107 : i32 to index
            %get3A_109 = arith.constant 80 : index
            %get3A_110 = tpu.vector_load %arg8[%get3A_108, %get3A_109] {strides = array<i32>} : memref<640x128xf32, #tpu.memory_space<vmem>>, vector<16xf32>,
            %mul3A_111 = arith.constant 2 : i32
            %mul3A_112 = arith.muli %scan3A_44, %mul3A_111 : i32
            %add3A_113 = arith.constant 0 : i32
            %add3A_114 = arith.addi %mul3A_112, %add3A_113 : i32
            %get3A_115 = arith.index_cast %add3A_114 : i32 to index
            %get3A_116 = arith.constant 96 : index
            %get3A_117 = tpu.vector_load %arg8[%get3A_115, %get3A_116] {strides = array<i32>} : memref<640x128xf32, #tpu.memory_space<vmem>>, vector<16xf32>,
            %mul3A_118 = arith.constant 2 : i32
            %mul3A_119 = arith.muli %scan3A_44, %mul3A_118 : i32
            %add3A_120 = arith.constant 0 : i32
            %add3A_121 = arith.addi %mul3A_119, %add3A_120 : i32
            %get3A_122 = arith.index_cast %add3A_121 : i32 to index
            %get3A_123 = arith.constant 112 : index
            %get3A_124 = tpu.vector_load %arg8[%get3A_122, %get3A_123] {strides = array<i32>} : memref<640x128xf32, #tpu.memory_space<vmem>>, vector<16xf32>,
            %mul3A_125 = arith.constant 2 : i32
            %mul3A_126 = arith.muli %scan3A_44, %mul3A_125 : i32
            %add3A_127 = arith.constant 1 : i32
            %add3A_128 = arith.addi %mul3A_126, %add3A_127 : i32
            %get3A_129 = arith.index_cast %add3A_128 : i32 to index
            %get3A_130 = arith.constant 0 : index
            %get3A_131 = tpu.vector_load %arg8[%get3A_129, %get3A_130] {strides = array<i32>} : memref<640x128xf32, #tpu.memory_space<vmem>>, vector<16xf32>,
            %mul3A_132 = arith.constant 2 : i32
            %mul3A_133 = arith.muli %scan3A_44, %mul3A_132 : i32
            %add3A_134 = arith.constant 1 : i32
            %add3A_135 = arith.addi %mul3A_133, %add3A_134 : i32
            %get3A_136 = arith.index_cast %add3A_135 : i32 to index
            %get3A_137 = arith.constant 16 : index
            %get3A_138 = tpu.vector_load %arg8[%get3A_136, %get3A_137] {strides = array<i32>} : memref<640x128xf32, #tpu.memory_space<vmem>>, vector<16xf32>,
            %mul3A_139 = arith.constant 2 : i32
            %mul3A_140 = arith.muli %scan3A_44, %mul3A_139 : i32
            %add3A_141 = arith.constant 1 : i32
            %add3A_142 = arith.addi %mul3A_140, %add3A_141 : i32
            %get3A_143 = arith.index_cast %add3A_142 : i32 to index
            %get3A_144 = arith.constant 32 : index
            %get3A_145 = tpu.vector_load %arg8[%get3A_143, %get3A_144] {strides = array<i32>} : memref<640x128xf32, #tpu.memory_space<vmem>>, vector<16xf32>,
            %mul3A_146 = arith.constant 2 : i32
            %mul3A_147 = arith.muli %scan3A_44, %mul3A_146 : i32
            %add3A_148 = arith.constant 1 : i32
            %add3A_149 = arith.addi %mul3A_147, %add3A_148 : i32
            %get3A_150 = arith.index_cast %add3A_149 : i32 to index
            %get3A_151 = arith.constant 48 : index
            %get3A_152 = tpu.vector_load %arg8[%get3A_150, %get3A_151] {strides = array<i32>} : memref<640x128xf32, #tpu.memory_space<vmem>>, vector<16xf32>,
            %mul3A_153 = arith.constant 2 : i32
            %mul3A_154 = arith.muli %scan3A_44, %mul3A_153 : i32
            %add3A_155 = arith.constant 1 : i32
            %add3A_156 = arith.addi %mul3A_154, %add3A_155 : i32
            %get3A_157 = arith.index_cast %add3A_156 : i32 to index
            %get3A_158 = arith.constant 64 : index
            %get3A_159 = tpu.vector_load %arg8[%get3A_157, %get3A_158] {strides = array<i32>} : memref<640x128xf32, #tpu.memory_space<vmem>>, vector<16xf32>,
            %mul3A_160 = arith.constant 2 : i32
            %mul3A_161 = arith.muli %scan3A_44, %mul3A_160 : i32
            %add3A_162 = arith.constant 1 : i32
            %add3A_163 = arith.addi %mul3A_161, %add3A_162 : i32
            %get3A_164 = arith.index_cast %add3A_163 : i32 to index
            %get3A_165 = arith.constant 80 : index
            %get3A_166 = tpu.vector_load %arg8[%get3A_164, %get3A_165] {strides = array<i32>} : memref<640x128xf32, #tpu.memory_space<vmem>>, vector<16xf32>,
            %mul3A_167 = arith.constant 2 : i32
            %mul3A_168 = arith.muli %scan3A_44, %mul3A_167 : i32
            %add3A_169 = arith.constant 1 : i32
            %add3A_170 = arith.addi %mul3A_168, %add3A_169 : i32
            %get3A_171 = arith.index_cast %add3A_170 : i32 to index
            %get3A_172 = arith.constant 96 : index
            %get3A_173 = tpu.vector_load %arg8[%get3A_171, %get3A_172] {strides = array<i32>} : memref<640x128xf32, #tpu.memory_space<vmem>>, vector<16xf32>,
            %mul3A_174 = arith.constant 2 : i32
            %mul3A_175 = arith.muli %scan3A_44, %mul3A_174 : i32
            %add3A_176 = arith.constant 1 : i32
            %add3A_177 = arith.addi %mul3A_175, %add3A_176 : i32
            %get3A_178 = arith.index_cast %add3A_177 : i32 to index
            %get3A_179 = arith.constant 112 : index
            %get3A_180 = tpu.vector_load %arg8[%get3A_178, %get3A_179] {strides = array<i32>} : memref<640x128xf32, #tpu.memory_space<vmem>>, vector<16xf32>,
            %add3A_181 = arith.addf %get3A_75, %get3A_82 : vector<16xf32>
            %add3A_182 = arith.addf %get3A_89, %get3A_96 : vector<16xf32>
            %add3A_183 = arith.addf %get3A_103, %get3A_110 : vector<16xf32>
            %add3A_184 = arith.addf %get3A_117, %get3A_124 : vector<16xf32>
            %add3A_185 = arith.addf %get3A_131, %get3A_138 : vector<16xf32>
            %add3A_186 = arith.addf %get3A_145, %get3A_152 : vector<16xf32>
            %add3A_187 = arith.addf %get3A_159, %get3A_166 : vector<16xf32>
            %add3A_188 = arith.addf %get3A_173, %get3A_180 : vector<16xf32>
            %add3A_189 = arith.addf %add3A_181, %add3A_182 : vector<16xf32>
            %add3A_190 = arith.addf %add3A_183, %add3A_184 : vector<16xf32>
            %add3A_191 = arith.addf %add3A_185, %add3A_186 : vector<16xf32>
            %add3A_192 = arith.addf %add3A_187, %add3A_188 : vector<16xf32>
            %add3A_193 = arith.addf %add3A_189, %add3A_190 : vector<16xf32>
            %add3A_194 = arith.addf %add3A_191, %add3A_192 : vector<16xf32>
            %add3A_195 = arith.addf %add3A_193, %add3A_194 : vector<16xf32>
            %broadcast_in_dim3A_196 = vector.broadcast %reduce_min3A_54 : i32 to vector<16xi32>
            tpu.vector_store_idx %arg12[%broadcast_in_dim3A_196, %iota3A], %add3A_195 {add = true} : memref<65x16xf32, #tpu.memory_space<vmem>>[vector<16xi32>, vector<16xi32>], vector<16xf32>,
          } else {
          }
          %ne3A = arith.cmpi ne, %reduce_min3A_54, %reduce_max3A_61 : i32
          %convert_element_type3A_66 = arith.extui %ne3A : i1 to i32
          %cond3A_67 = arith.constant 0 : i32
          %cond3A_68 = arith.cmpi ne, %convert_element_type3A_66, %cond3A_67 : i32
          scf.if %cond3A_68 {
            %eq3A_69 = arith.constant 0 : i32
            %eq3A_70 = vector.broadcast %eq3A_69 : i32 to vector<16xi32>
            %eq3A_71 = arith.cmpi eq, %iota3A, %eq3A_70 : vector<16xi32>
            %jit3A = arith.constant 0 : i32
            %broadcast_in_dim3A_72 = vector.broadcast %jit3A : i32 to vector<16xi32>
            %select_n3A = arith.select %eq3A_71, %get3A_47, %broadcast_in_dim3A_72 : vector<16xi1>, vector<16xi32>
            %reduce_sum3A = arith.constant true
            %reduce_sum3A_73 = vector.broadcast %reduce_sum3A : i1 to vector<16xi1>
            %reduce_sum3A_74 = tpu.scan <sum>, %select_n3A masked %reduce_sum3A_73 : vector<16xi32>, vector<16xi1> -> vector<16xi32>
            %reduce_sum3A_75 = vector.extract %reduce_sum3A_74[15] : i32 from vector<16xi32>
            %broadcast_in_dim3A_76 = vector.broadcast %reduce_sum3A_75 : i32 to vector<16xi32>
            %mul3A_77 = arith.constant 2 : i32
            %mul3A_78 = arith.muli %scan3A_44, %mul3A_77 : i32
            %add3A_79 = arith.constant 0 : i32
            %add3A_80 = arith.addi %mul3A_78, %add3A_79 : i32
            %get3A_81 = arith.index_cast %add3A_80 : i32 to index
            %get3A_82 = arith.constant 0 : index
            %get3A_83 = tpu.vector_load %arg8[%get3A_81, %get3A_82] {strides = array<i32>} : memref<640x128xf32, #tpu.memory_space<vmem>>, vector<16xf32>,
            tpu.vector_store_idx %arg12[%broadcast_in_dim3A_76, %iota3A], %get3A_83 {add = true} : memref<65x16xf32, #tpu.memory_space<vmem>>[vector<16xi32>, vector<16xi32>], vector<16xf32>,
            %eq3A_84 = arith.constant 1 : i32
            %eq3A_85 = vector.broadcast %eq3A_84 : i32 to vector<16xi32>
            %eq3A_86 = arith.cmpi eq, %iota3A, %eq3A_85 : vector<16xi32>
            %jit3A_87 = arith.constant 0 : i32
            %broadcast_in_dim3A_88 = vector.broadcast %jit3A_87 : i32 to vector<16xi32>
            %select_n3A_89 = arith.select %eq3A_86, %get3A_47, %broadcast_in_dim3A_88 : vector<16xi1>, vector<16xi32>
            %reduce_sum3A_90 = arith.constant true
            %reduce_sum3A_91 = vector.broadcast %reduce_sum3A_90 : i1 to vector<16xi1>
            %reduce_sum3A_92 = tpu.scan <sum>, %select_n3A_89 masked %reduce_sum3A_91 : vector<16xi32>, vector<16xi1> -> vector<16xi32>
            %reduce_sum3A_93 = vector.extract %reduce_sum3A_92[15] : i32 from vector<16xi32>
            %broadcast_in_dim3A_94 = vector.broadcast %reduce_sum3A_93 : i32 to vector<16xi32>
            %mul3A_95 = arith.constant 2 : i32
            %mul3A_96 = arith.muli %scan3A_44, %mul3A_95 : i32
            %add3A_97 = arith.constant 0 : i32
            %add3A_98 = arith.addi %mul3A_96, %add3A_97 : i32
            %get3A_99 = arith.index_cast %add3A_98 : i32 to index
            %get3A_100 = arith.constant 16 : index
            %get3A_101 = tpu.vector_load %arg8[%get3A_99, %get3A_100] {strides = array<i32>} : memref<640x128xf32, #tpu.memory_space<vmem>>, vector<16xf32>,
            tpu.vector_store_idx %arg12[%broadcast_in_dim3A_94, %iota3A], %get3A_101 {add = true} : memref<65x16xf32, #tpu.memory_space<vmem>>[vector<16xi32>, vector<16xi32>], vector<16xf32>,
            %eq3A_102 = arith.constant 2 : i32
            %eq3A_103 = vector.broadcast %eq3A_102 : i32 to vector<16xi32>
            %eq3A_104 = arith.cmpi eq, %iota3A, %eq3A_103 : vector<16xi32>
            %jit3A_105 = arith.constant 0 : i32
            %broadcast_in_dim3A_106 = vector.broadcast %jit3A_105 : i32 to vector<16xi32>
            %select_n3A_107 = arith.select %eq3A_104, %get3A_47, %broadcast_in_dim3A_106 : vector<16xi1>, vector<16xi32>
            %reduce_sum3A_108 = arith.constant true
            %reduce_sum3A_109 = vector.broadcast %reduce_sum3A_108 : i1 to vector<16xi1>
            %reduce_sum3A_110 = tpu.scan <sum>, %select_n3A_107 masked %reduce_sum3A_109 : vector<16xi32>, vector<16xi1> -> vector<16xi32>
            %reduce_sum3A_111 = vector.extract %reduce_sum3A_110[15] : i32 from vector<16xi32>
            %broadcast_in_dim3A_112 = vector.broadcast %reduce_sum3A_111 : i32 to vector<16xi32>
            %mul3A_113 = arith.constant 2 : i32
            %mul3A_114 = arith.muli %scan3A_44, %mul3A_113 : i32
            %add3A_115 = arith.constant 0 : i32
            %add3A_116 = arith.addi %mul3A_114, %add3A_115 : i32
            %get3A_117 = arith.index_cast %add3A_116 : i32 to index
            %get3A_118 = arith.constant 32 : index
            %get3A_119 = tpu.vector_load %arg8[%get3A_117, %get3A_118] {strides = array<i32>} : memref<640x128xf32, #tpu.memory_space<vmem>>, vector<16xf32>,
            tpu.vector_store_idx %arg12[%broadcast_in_dim3A_112, %iota3A], %get3A_119 {add = true} : memref<65x16xf32, #tpu.memory_space<vmem>>[vector<16xi32>, vector<16xi32>], vector<16xf32>,
            %eq3A_120 = arith.constant 3 : i32
            %eq3A_121 = vector.broadcast %eq3A_120 : i32 to vector<16xi32>
            %eq3A_122 = arith.cmpi eq, %iota3A, %eq3A_121 : vector<16xi32>
            %jit3A_123 = arith.constant 0 : i32
            %broadcast_in_dim3A_124 = vector.broadcast %jit3A_123 : i32 to vector<16xi32>
            %select_n3A_125 = arith.select %eq3A_122, %get3A_47, %broadcast_in_dim3A_124 : vector<16xi1>, vector<16xi32>
            %reduce_sum3A_126 = arith.constant true
            %reduce_sum3A_127 = vector.broadcast %reduce_sum3A_126 : i1 to vector<16xi1>
            %reduce_sum3A_128 = tpu.scan <sum>, %select_n3A_125 masked %reduce_sum3A_127 : vector<16xi32>, vector<16xi1> -> vector<16xi32>
            %reduce_sum3A_129 = vector.extract %reduce_sum3A_128[15] : i32 from vector<16xi32>
            %broadcast_in_dim3A_130 = vector.broadcast %reduce_sum3A_129 : i32 to vector<16xi32>
            %mul3A_131 = arith.constant 2 : i32
            %mul3A_132 = arith.muli %scan3A_44, %mul3A_131 : i32
            %add3A_133 = arith.constant 0 : i32
            %add3A_134 = arith.addi %mul3A_132, %add3A_133 : i32
            %get3A_135 = arith.index_cast %add3A_134 : i32 to index
            %get3A_136 = arith.constant 48 : index
            %get3A_137 = tpu.vector_load %arg8[%get3A_135, %get3A_136] {strides = array<i32>} : memref<640x128xf32, #tpu.memory_space<vmem>>, vector<16xf32>,
            tpu.vector_store_idx %arg12[%broadcast_in_dim3A_130, %iota3A], %get3A_137 {add = true} : memref<65x16xf32, #tpu.memory_space<vmem>>[vector<16xi32>, vector<16xi32>], vector<16xf32>,
            %eq3A_138 = arith.constant 4 : i32
            %eq3A_139 = vector.broadcast %eq3A_138 : i32 to vector<16xi32>
            %eq3A_140 = arith.cmpi eq, %iota3A, %eq3A_139 : vector<16xi32>
            %jit3A_141 = arith.constant 0 : i32
            %broadcast_in_dim3A_142 = vector.broadcast %jit3A_141 : i32 to vector<16xi32>
            %select_n3A_143 = arith.select %eq3A_140, %get3A_47, %broadcast_in_dim3A_142 : vector<16xi1>, vector<16xi32>
            %reduce_sum3A_144 = arith.constant true
            %reduce_sum3A_145 = vector.broadcast %reduce_sum3A_144 : i1 to vector<16xi1>
            %reduce_sum3A_146 = tpu.scan <sum>, %select_n3A_143 masked %reduce_sum3A_145 : vector<16xi32>, vector<16xi1> -> vector<16xi32>
            %reduce_sum3A_147 = vector.extract %reduce_sum3A_146[15] : i32 from vector<16xi32>
            %broadcast_in_dim3A_148 = vector.broadcast %reduce_sum3A_147 : i32 to vector<16xi32>
            %mul3A_149 = arith.constant 2 : i32
            %mul3A_150 = arith.muli %scan3A_44, %mul3A_149 : i32
            %add3A_151 = arith.constant 0 : i32
            %add3A_152 = arith.addi %mul3A_150, %add3A_151 : i32
            %get3A_153 = arith.index_cast %add3A_152 : i32 to index
            %get3A_154 = arith.constant 64 : index
            %get3A_155 = tpu.vector_load %arg8[%get3A_153, %get3A_154] {strides = array<i32>} : memref<640x128xf32, #tpu.memory_space<vmem>>, vector<16xf32>,
            tpu.vector_store_idx %arg12[%broadcast_in_dim3A_148, %iota3A], %get3A_155 {add = true} : memref<65x16xf32, #tpu.memory_space<vmem>>[vector<16xi32>, vector<16xi32>], vector<16xf32>,
            %eq3A_156 = arith.constant 5 : i32
            %eq3A_157 = vector.broadcast %eq3A_156 : i32 to vector<16xi32>
            %eq3A_158 = arith.cmpi eq, %iota3A, %eq3A_157 : vector<16xi32>
            %jit3A_159 = arith.constant 0 : i32
            %broadcast_in_dim3A_160 = vector.broadcast %jit3A_159 : i32 to vector<16xi32>
            %select_n3A_161 = arith.select %eq3A_158, %get3A_47, %broadcast_in_dim3A_160 : vector<16xi1>, vector<16xi32>
            %reduce_sum3A_162 = arith.constant true
            %reduce_sum3A_163 = vector.broadcast %reduce_sum3A_162 : i1 to vector<16xi1>
            %reduce_sum3A_164 = tpu.scan <sum>, %select_n3A_161 masked %reduce_sum3A_163 : vector<16xi32>, vector<16xi1> -> vector<16xi32>
            %reduce_sum3A_165 = vector.extract %reduce_sum3A_164[15] : i32 from vector<16xi32>
            %broadcast_in_dim3A_166 = vector.broadcast %reduce_sum3A_165 : i32 to vector<16xi32>
            %mul3A_167 = arith.constant 2 : i32
            %mul3A_168 = arith.muli %scan3A_44, %mul3A_167 : i32
            %add3A_169 = arith.constant 0 : i32
            %add3A_170 = arith.addi %mul3A_168, %add3A_169 : i32
            %get3A_171 = arith.index_cast %add3A_170 : i32 to index
            %get3A_172 = arith.constant 80 : index
            %get3A_173 = tpu.vector_load %arg8[%get3A_171, %get3A_172] {strides = array<i32>} : memref<640x128xf32, #tpu.memory_space<vmem>>, vector<16xf32>,
            tpu.vector_store_idx %arg12[%broadcast_in_dim3A_166, %iota3A], %get3A_173 {add = true} : memref<65x16xf32, #tpu.memory_space<vmem>>[vector<16xi32>, vector<16xi32>], vector<16xf32>,
            %eq3A_174 = arith.constant 6 : i32
            %eq3A_175 = vector.broadcast %eq3A_174 : i32 to vector<16xi32>
            %eq3A_176 = arith.cmpi eq, %iota3A, %eq3A_175 : vector<16xi32>
            %jit3A_177 = arith.constant 0 : i32
            %broadcast_in_dim3A_178 = vector.broadcast %jit3A_177 : i32 to vector<16xi32>
            %select_n3A_179 = arith.select %eq3A_176, %get3A_47, %broadcast_in_dim3A_178 : vector<16xi1>, vector<16xi32>
            %reduce_sum3A_180 = arith.constant true
            %reduce_sum3A_181 = vector.broadcast %reduce_sum3A_180 : i1 to vector<16xi1>
            %reduce_sum3A_182 = tpu.scan <sum>, %select_n3A_179 masked %reduce_sum3A_181 : vector<16xi32>, vector<16xi1> -> vector<16xi32>
            %reduce_sum3A_183 = vector.extract %reduce_sum3A_182[15] : i32 from vector<16xi32>
            %broadcast_in_dim3A_184 = vector.broadcast %reduce_sum3A_183 : i32 to vector<16xi32>
            %mul3A_185 = arith.constant 2 : i32
            %mul3A_186 = arith.muli %scan3A_44, %mul3A_185 : i32
            %add3A_187 = arith.constant 0 : i32
            %add3A_188 = arith.addi %mul3A_186, %add3A_187 : i32
            %get3A_189 = arith.index_cast %add3A_188 : i32 to index
            %get3A_190 = arith.constant 96 : index
            %get3A_191 = tpu.vector_load %arg8[%get3A_189, %get3A_190] {strides = array<i32>} : memref<640x128xf32, #tpu.memory_space<vmem>>, vector<16xf32>,
            tpu.vector_store_idx %arg12[%broadcast_in_dim3A_184, %iota3A], %get3A_191 {add = true} : memref<65x16xf32, #tpu.memory_space<vmem>>[vector<16xi32>, vector<16xi32>], vector<16xf32>,
            %eq3A_192 = arith.constant 7 : i32
            %eq3A_193 = vector.broadcast %eq3A_192 : i32 to vector<16xi32>
            %eq3A_194 = arith.cmpi eq, %iota3A, %eq3A_193 : vector<16xi32>
            %jit3A_195 = arith.constant 0 : i32
            %broadcast_in_dim3A_196 = vector.broadcast %jit3A_195 : i32 to vector<16xi32>
            %select_n3A_197 = arith.select %eq3A_194, %get3A_47, %broadcast_in_dim3A_196 : vector<16xi1>, vector<16xi32>
            %reduce_sum3A_198 = arith.constant true
            %reduce_sum3A_199 = vector.broadcast %reduce_sum3A_198 : i1 to vector<16xi1>
            %reduce_sum3A_200 = tpu.scan <sum>, %select_n3A_197 masked %reduce_sum3A_199 : vector<16xi32>, vector<16xi1> -> vector<16xi32>
            %reduce_sum3A_201 = vector.extract %reduce_sum3A_200[15] : i32 from vector<16xi32>
            %broadcast_in_dim3A_202 = vector.broadcast %reduce_sum3A_201 : i32 to vector<16xi32>
            %mul3A_203 = arith.constant 2 : i32
            %mul3A_204 = arith.muli %scan3A_44, %mul3A_203 : i32
            %add3A_205 = arith.constant 0 : i32
            %add3A_206 = arith.addi %mul3A_204, %add3A_205 : i32
            %get3A_207 = arith.index_cast %add3A_206 : i32 to index
            %get3A_208 = arith.constant 112 : index
            %get3A_209 = tpu.vector_load %arg8[%get3A_207, %get3A_208] {strides = array<i32>} : memref<640x128xf32, #tpu.memory_space<vmem>>, vector<16xf32>,
            tpu.vector_store_idx %arg12[%broadcast_in_dim3A_202, %iota3A], %get3A_209 {add = true} : memref<65x16xf32, #tpu.memory_space<vmem>>[vector<16xi32>, vector<16xi32>], vector<16xf32>,
            %eq3A_210 = arith.constant 8 : i32
            %eq3A_211 = vector.broadcast %eq3A_210 : i32 to vector<16xi32>
            %eq3A_212 = arith.cmpi eq, %iota3A, %eq3A_211 : vector<16xi32>
            %jit3A_213 = arith.constant 0 : i32
            %broadcast_in_dim3A_214 = vector.broadcast %jit3A_213 : i32 to vector<16xi32>
            %select_n3A_215 = arith.select %eq3A_212, %get3A_47, %broadcast_in_dim3A_214 : vector<16xi1>, vector<16xi32>
            %reduce_sum3A_216 = arith.constant true
            %reduce_sum3A_217 = vector.broadcast %reduce_sum3A_216 : i1 to vector<16xi1>
            %reduce_sum3A_218 = tpu.scan <sum>, %select_n3A_215 masked %reduce_sum3A_217 : vector<16xi32>, vector<16xi1> -> vector<16xi32>
            %reduce_sum3A_219 = vector.extract %reduce_sum3A_218[15] : i32 from vector<16xi32>
            %broadcast_in_dim3A_220 = vector.broadcast %reduce_sum3A_219 : i32 to vector<16xi32>
            %mul3A_221 = arith.constant 2 : i32
            %mul3A_222 = arith.muli %scan3A_44, %mul3A_221 : i32
            %add3A_223 = arith.constant 1 : i32
            %add3A_224 = arith.addi %mul3A_222, %add3A_223 : i32
            %get3A_225 = arith.index_cast %add3A_224 : i32 to index
            %get3A_226 = arith.constant 0 : index
            %get3A_227 = tpu.vector_load %arg8[%get3A_225, %get3A_226] {strides = array<i32>} : memref<640x128xf32, #tpu.memory_space<vmem>>, vector<16xf32>,
            tpu.vector_store_idx %arg12[%broadcast_in_dim3A_220, %iota3A], %get3A_227 {add = true} : memref<65x16xf32, #tpu.memory_space<vmem>>[vector<16xi32>, vector<16xi32>], vector<16xf32>,
            %eq3A_228 = arith.constant 9 : i32
            %eq3A_229 = vector.broadcast %eq3A_228 : i32 to vector<16xi32>
            %eq3A_230 = arith.cmpi eq, %iota3A, %eq3A_229 : vector<16xi32>
            %jit3A_231 = arith.constant 0 : i32
            %broadcast_in_dim3A_232 = vector.broadcast %jit3A_231 : i32 to vector<16xi32>
            %select_n3A_233 = arith.select %eq3A_230, %get3A_47, %broadcast_in_dim3A_232 : vector<16xi1>, vector<16xi32>
            %reduce_sum3A_234 = arith.constant true
            %reduce_sum3A_235 = vector.broadcast %reduce_sum3A_234 : i1 to vector<16xi1>
            %reduce_sum3A_236 = tpu.scan <sum>, %select_n3A_233 masked %reduce_sum3A_235 : vector<16xi32>, vector<16xi1> -> vector<16xi32>
            %reduce_sum3A_237 = vector.extract %reduce_sum3A_236[15] : i32 from vector<16xi32>
            %broadcast_in_dim3A_238 = vector.broadcast %reduce_sum3A_237 : i32 to vector<16xi32>
            %mul3A_239 = arith.constant 2 : i32
            %mul3A_240 = arith.muli %scan3A_44, %mul3A_239 : i32
            %add3A_241 = arith.constant 1 : i32
            %add3A_242 = arith.addi %mul3A_240, %add3A_241 : i32
            %get3A_243 = arith.index_cast %add3A_242 : i32 to index
            %get3A_244 = arith.constant 16 : index
            %get3A_245 = tpu.vector_load %arg8[%get3A_243, %get3A_244] {strides = array<i32>} : memref<640x128xf32, #tpu.memory_space<vmem>>, vector<16xf32>,
            tpu.vector_store_idx %arg12[%broadcast_in_dim3A_238, %iota3A], %get3A_245 {add = true} : memref<65x16xf32, #tpu.memory_space<vmem>>[vector<16xi32>, vector<16xi32>], vector<16xf32>,
            %eq3A_246 = arith.constant 10 : i32
            %eq3A_247 = vector.broadcast %eq3A_246 : i32 to vector<16xi32>
            %eq3A_248 = arith.cmpi eq, %iota3A, %eq3A_247 : vector<16xi32>
            %jit3A_249 = arith.constant 0 : i32
            %broadcast_in_dim3A_250 = vector.broadcast %jit3A_249 : i32 to vector<16xi32>
            %select_n3A_251 = arith.select %eq3A_248, %get3A_47, %broadcast_in_dim3A_250 : vector<16xi1>, vector<16xi32>
            %reduce_sum3A_252 = arith.constant true
            %reduce_sum3A_253 = vector.broadcast %reduce_sum3A_252 : i1 to vector<16xi1>
            %reduce_sum3A_254 = tpu.scan <sum>, %select_n3A_251 masked %reduce_sum3A_253 : vector<16xi32>, vector<16xi1> -> vector<16xi32>
            %reduce_sum3A_255 = vector.extract %reduce_sum3A_254[15] : i32 from vector<16xi32>
            %broadcast_in_dim3A_256 = vector.broadcast %reduce_sum3A_255 : i32 to vector<16xi32>
            %mul3A_257 = arith.constant 2 : i32
            %mul3A_258 = arith.muli %scan3A_44, %mul3A_257 : i32
            %add3A_259 = arith.constant 1 : i32
            %add3A_260 = arith.addi %mul3A_258, %add3A_259 : i32
            %get3A_261 = arith.index_cast %add3A_260 : i32 to index
            %get3A_262 = arith.constant 32 : index
            %get3A_263 = tpu.vector_load %arg8[%get3A_261, %get3A_262] {strides = array<i32>} : memref<640x128xf32, #tpu.memory_space<vmem>>, vector<16xf32>,
            tpu.vector_store_idx %arg12[%broadcast_in_dim3A_256, %iota3A], %get3A_263 {add = true} : memref<65x16xf32, #tpu.memory_space<vmem>>[vector<16xi32>, vector<16xi32>], vector<16xf32>,
            %eq3A_264 = arith.constant 11 : i32
            %eq3A_265 = vector.broadcast %eq3A_264 : i32 to vector<16xi32>
            %eq3A_266 = arith.cmpi eq, %iota3A, %eq3A_265 : vector<16xi32>
            %jit3A_267 = arith.constant 0 : i32
            %broadcast_in_dim3A_268 = vector.broadcast %jit3A_267 : i32 to vector<16xi32>
            %select_n3A_269 = arith.select %eq3A_266, %get3A_47, %broadcast_in_dim3A_268 : vector<16xi1>, vector<16xi32>
            %reduce_sum3A_270 = arith.constant true
            %reduce_sum3A_271 = vector.broadcast %reduce_sum3A_270 : i1 to vector<16xi1>
            %reduce_sum3A_272 = tpu.scan <sum>, %select_n3A_269 masked %reduce_sum3A_271 : vector<16xi32>, vector<16xi1> -> vector<16xi32>
            %reduce_sum3A_273 = vector.extract %reduce_sum3A_272[15] : i32 from vector<16xi32>
            %broadcast_in_dim3A_274 = vector.broadcast %reduce_sum3A_273 : i32 to vector<16xi32>
            %mul3A_275 = arith.constant 2 : i32
            %mul3A_276 = arith.muli %scan3A_44, %mul3A_275 : i32
            %add3A_277 = arith.constant 1 : i32
            %add3A_278 = arith.addi %mul3A_276, %add3A_277 : i32
            %get3A_279 = arith.index_cast %add3A_278 : i32 to index
            %get3A_280 = arith.constant 48 : index
            %get3A_281 = tpu.vector_load %arg8[%get3A_279, %get3A_280] {strides = array<i32>} : memref<640x128xf32, #tpu.memory_space<vmem>>, vector<16xf32>,
            tpu.vector_store_idx %arg12[%broadcast_in_dim3A_274, %iota3A], %get3A_281 {add = true} : memref<65x16xf32, #tpu.memory_space<vmem>>[vector<16xi32>, vector<16xi32>], vector<16xf32>,
            %eq3A_282 = arith.constant 12 : i32
            %eq3A_283 = vector.broadcast %eq3A_282 : i32 to vector<16xi32>
            %eq3A_284 = arith.cmpi eq, %iota3A, %eq3A_283 : vector<16xi32>
            %jit3A_285 = arith.constant 0 : i32
            %broadcast_in_dim3A_286 = vector.broadcast %jit3A_285 : i32 to vector<16xi32>
            %select_n3A_287 = arith.select %eq3A_284, %get3A_47, %broadcast_in_dim3A_286 : vector<16xi1>, vector<16xi32>
            %reduce_sum3A_288 = arith.constant true
            %reduce_sum3A_289 = vector.broadcast %reduce_sum3A_288 : i1 to vector<16xi1>
            %reduce_sum3A_290 = tpu.scan <sum>, %select_n3A_287 masked %reduce_sum3A_289 : vector<16xi32>, vector<16xi1> -> vector<16xi32>
            %reduce_sum3A_291 = vector.extract %reduce_sum3A_290[15] : i32 from vector<16xi32>
            %broadcast_in_dim3A_292 = vector.broadcast %reduce_sum3A_291 : i32 to vector<16xi32>
            %mul3A_293 = arith.constant 2 : i32
            %mul3A_294 = arith.muli %scan3A_44, %mul3A_293 : i32
            %add3A_295 = arith.constant 1 : i32
            %add3A_296 = arith.addi %mul3A_294, %add3A_295 : i32
            %get3A_297 = arith.index_cast %add3A_296 : i32 to index
            %get3A_298 = arith.constant 64 : index
            %get3A_299 = tpu.vector_load %arg8[%get3A_297, %get3A_298] {strides = array<i32>} : memref<640x128xf32, #tpu.memory_space<vmem>>, vector<16xf32>,
            tpu.vector_store_idx %arg12[%broadcast_in_dim3A_292, %iota3A], %get3A_299 {add = true} : memref<65x16xf32, #tpu.memory_space<vmem>>[vector<16xi32>, vector<16xi32>], vector<16xf32>,
            %eq3A_300 = arith.constant 13 : i32
            %eq3A_301 = vector.broadcast %eq3A_300 : i32 to vector<16xi32>
            %eq3A_302 = arith.cmpi eq, %iota3A, %eq3A_301 : vector<16xi32>
            %jit3A_303 = arith.constant 0 : i32
            %broadcast_in_dim3A_304 = vector.broadcast %jit3A_303 : i32 to vector<16xi32>
            %select_n3A_305 = arith.select %eq3A_302, %get3A_47, %broadcast_in_dim3A_304 : vector<16xi1>, vector<16xi32>
            %reduce_sum3A_306 = arith.constant true
            %reduce_sum3A_307 = vector.broadcast %reduce_sum3A_306 : i1 to vector<16xi1>
            %reduce_sum3A_308 = tpu.scan <sum>, %select_n3A_305 masked %reduce_sum3A_307 : vector<16xi32>, vector<16xi1> -> vector<16xi32>
            %reduce_sum3A_309 = vector.extract %reduce_sum3A_308[15] : i32 from vector<16xi32>
            %broadcast_in_dim3A_310 = vector.broadcast %reduce_sum3A_309 : i32 to vector<16xi32>
            %mul3A_311 = arith.constant 2 : i32
            %mul3A_312 = arith.muli %scan3A_44, %mul3A_311 : i32
            %add3A_313 = arith.constant 1 : i32
            %add3A_314 = arith.addi %mul3A_312, %add3A_313 : i32
            %get3A_315 = arith.index_cast %add3A_314 : i32 to index
            %get3A_316 = arith.constant 80 : index
            %get3A_317 = tpu.vector_load %arg8[%get3A_315, %get3A_316] {strides = array<i32>} : memref<640x128xf32, #tpu.memory_space<vmem>>, vector<16xf32>,
            tpu.vector_store_idx %arg12[%broadcast_in_dim3A_310, %iota3A], %get3A_317 {add = true} : memref<65x16xf32, #tpu.memory_space<vmem>>[vector<16xi32>, vector<16xi32>], vector<16xf32>,
            %eq3A_318 = arith.constant 14 : i32
            %eq3A_319 = vector.broadcast %eq3A_318 : i32 to vector<16xi32>
            %eq3A_320 = arith.cmpi eq, %iota3A, %eq3A_319 : vector<16xi32>
            %jit3A_321 = arith.constant 0 : i32
            %broadcast_in_dim3A_322 = vector.broadcast %jit3A_321 : i32 to vector<16xi32>
            %select_n3A_323 = arith.select %eq3A_320, %get3A_47, %broadcast_in_dim3A_322 : vector<16xi1>, vector<16xi32>
            %reduce_sum3A_324 = arith.constant true
            %reduce_sum3A_325 = vector.broadcast %reduce_sum3A_324 : i1 to vector<16xi1>
            %reduce_sum3A_326 = tpu.scan <sum>, %select_n3A_323 masked %reduce_sum3A_325 : vector<16xi32>, vector<16xi1> -> vector<16xi32>
            %reduce_sum3A_327 = vector.extract %reduce_sum3A_326[15] : i32 from vector<16xi32>
            %broadcast_in_dim3A_328 = vector.broadcast %reduce_sum3A_327 : i32 to vector<16xi32>
            %mul3A_329 = arith.constant 2 : i32
            %mul3A_330 = arith.muli %scan3A_44, %mul3A_329 : i32
            %add3A_331 = arith.constant 1 : i32
            %add3A_332 = arith.addi %mul3A_330, %add3A_331 : i32
            %get3A_333 = arith.index_cast %add3A_332 : i32 to index
            %get3A_334 = arith.constant 96 : index
            %get3A_335 = tpu.vector_load %arg8[%get3A_333, %get3A_334] {strides = array<i32>} : memref<640x128xf32, #tpu.memory_space<vmem>>, vector<16xf32>,
            tpu.vector_store_idx %arg12[%broadcast_in_dim3A_328, %iota3A], %get3A_335 {add = true} : memref<65x16xf32, #tpu.memory_space<vmem>>[vector<16xi32>, vector<16xi32>], vector<16xf32>,
            %eq3A_336 = arith.constant 15 : i32
            %eq3A_337 = vector.broadcast %eq3A_336 : i32 to vector<16xi32>
            %eq3A_338 = arith.cmpi eq, %iota3A, %eq3A_337 : vector<16xi32>
            %jit3A_339 = arith.constant 0 : i32
            %broadcast_in_dim3A_340 = vector.broadcast %jit3A_339 : i32 to vector<16xi32>
            %select_n3A_341 = arith.select %eq3A_338, %get3A_47, %broadcast_in_dim3A_340 : vector<16xi1>, vector<16xi32>
            %reduce_sum3A_342 = arith.constant true
            %reduce_sum3A_343 = vector.broadcast %reduce_sum3A_342 : i1 to vector<16xi1>
            %reduce_sum3A_344 = tpu.scan <sum>, %select_n3A_341 masked %reduce_sum3A_343 : vector<16xi32>, vector<16xi1> -> vector<16xi32>
            %reduce_sum3A_345 = vector.extract %reduce_sum3A_344[15] : i32 from vector<16xi32>
            %broadcast_in_dim3A_346 = vector.broadcast %reduce_sum3A_345 : i32 to vector<16xi32>
            %mul3A_347 = arith.constant 2 : i32
            %mul3A_348 = arith.muli %scan3A_44, %mul3A_347 : i32
            %add3A_349 = arith.constant 1 : i32
            %add3A_350 = arith.addi %mul3A_348, %add3A_349 : i32
            %get3A_351 = arith.index_cast %add3A_350 : i32 to index
            %get3A_352 = arith.constant 112 : index
            %get3A_353 = tpu.vector_load %arg8[%get3A_351, %get3A_352] {strides = array<i32>} : memref<640x128xf32, #tpu.memory_space<vmem>>, vector<16xf32>,
            tpu.vector_store_idx %arg12[%broadcast_in_dim3A_346, %iota3A], %get3A_353 {add = true} : memref<65x16xf32, #tpu.memory_space<vmem>>[vector<16xi32>, vector<16xi32>], vector<16xf32>,
          } else {
          }
        }
        %scan3A_43 = arith.constant 320 : i32
      } else {
      }
    }
    %scan3A_18 = arith.constant 5 : i32
    "tpu.region"() ({
      %run_scoped3A = tpu.sem_alloc : memref<!tpu.dma_semaphore, #tpu.memory_space<semaphore_mem>>
      %dma_start3A = arith.constant 0 : i32
      %dma_start3A_19 = arith.constant 0 : i32
      %dma_start3A_20 = tpu.memref_slice %arg11[%dma_start3A, %dma_start3A_19] : memref<65x128xf32, #tpu.memory_space<vmem>> -> memref<64x128xf32, #tpu.memory_space<vmem>>
      %dma_start3A_21 = arith.constant 0 : i32
      %dma_start3A_22 = arith.constant 0 : i32
      %dma_start3A_23 = tpu.memref_slice %arg6[%add3A, %dma_start3A_21, %dma_start3A_22] : memref<32x64x128xf32, #tpu.memory_space<hbm>> -> memref<1x64x128xf32, #tpu.memory_space<hbm>>
      %dma_start3A_24 = tpu.memref_squeeze %dma_start3A_23 : memref<1x64x128xf32, #tpu.memory_space<hbm>> -> memref<64x128xf32, #tpu.memory_space<hbm>>
      %dma_start3A_25 = arith.constant 0 : i32
      %dma_start3A_26 = arith.constant 0 : i32
      %dma_start3A_27 = tpu.memref_slice %arg6[%add3A, %dma_start3A_25, %dma_start3A_26] : memref<32x64x128xf32, #tpu.memory_space<hbm>> -> memref<1x64x128xf32, #tpu.memory_space<hbm>>
      %dma_start3A_28 = tpu.memref_squeeze %dma_start3A_27 : memref<1x64x128xf32, #tpu.memory_space<hbm>> -> memref<64x128xf32, #tpu.memory_space<hbm>>
      %dma_start3A_29 = arith.constant 0 : i32
      %dma_start3A_30 = arith.constant 0 : i32
      %dma_start3A_31 = tpu.memref_slice %arg11[%dma_start3A_29, %dma_start3A_30] : memref<65x128xf32, #tpu.memory_space<vmem>> -> memref<64x128xf32, #tpu.memory_space<vmem>>
      tpu.enqueue_dma source(%dma_start3A_31 : memref<64x128xf32, #tpu.memory_space<vmem>>) target(%dma_start3A_28 : memref<64x128xf32, #tpu.memory_space<hbm>>) target_semaphore(%run_scoped3A : memref<!tpu.dma_semaphore, #tpu.memory_space<semaphore_mem>>)
      %dma_wait3A = arith.constant 0 : i32
      %dma_wait3A_32 = arith.constant 0 : i32
      %dma_wait3A_33 = tpu.memref_slice %arg11[%dma_wait3A, %dma_wait3A_32] : memref<65x128xf32, #tpu.memory_space<vmem>> -> memref<64x128xf32, #tpu.memory_space<vmem>>
      %dma_wait3A_34 = arith.constant 0 : i32
      %dma_wait3A_35 = arith.constant 0 : i32
      %dma_wait3A_36 = tpu.memref_slice %arg6[%add3A, %dma_wait3A_34, %dma_wait3A_35] : memref<32x64x128xf32, #tpu.memory_space<hbm>> -> memref<1x64x128xf32, #tpu.memory_space<hbm>>
      %dma_wait3A_37 = tpu.memref_squeeze %dma_wait3A_36 : memref<1x64x128xf32, #tpu.memory_space<hbm>> -> memref<64x128xf32, #tpu.memory_space<hbm>>
      %dma_wait3A_38 = arith.constant 0 : i32
      %dma_wait3A_39 = arith.constant 0 : i32
      %dma_wait3A_40 = tpu.memref_slice %arg6[%add3A, %dma_wait3A_38, %dma_wait3A_39] : memref<32x64x128xf32, #tpu.memory_space<hbm>> -> memref<1x64x128xf32, #tpu.memory_space<hbm>>
      %dma_wait3A_41 = tpu.memref_squeeze %dma_wait3A_40 : memref<1x64x128xf32, #tpu.memory_space<hbm>> -> memref<64x128xf32, #tpu.memory_space<hbm>>
      %dma_wait3A_42 = arith.constant 0 : i32
      %dma_wait3A_43 = arith.constant 0 : i32
      %dma_wait3A_44 = tpu.memref_slice %arg11[%dma_wait3A_42, %dma_wait3A_43] : memref<65x128xf32, #tpu.memory_space<vmem>> -> memref<64x128xf32, #tpu.memory_space<vmem>>
      tpu.wait_dma2 semaphore(%run_scoped3A : memref<!tpu.dma_semaphore, #tpu.memory_space<semaphore_mem>>) src(%dma_wait3A_44 : memref<64x128xf32, #tpu.memory_space<vmem>>) dst(%dma_wait3A_41 : memref<64x128xf32, #tpu.memory_space<hbm>>)
      tpu.yield
    }) : () -> ()
    "tpu.region"() ({
      %run_scoped3A = tpu.sem_alloc : memref<!tpu.dma_semaphore, #tpu.memory_space<semaphore_mem>>
      %dma_start3A = arith.constant 0 : i32
      %dma_start3A_19 = arith.constant 0 : i32
      %dma_start3A_20 = tpu.memref_slice %arg12[%dma_start3A, %dma_start3A_19] : memref<65x16xf32, #tpu.memory_space<vmem>> -> memref<64x16xf32, #tpu.memory_space<vmem>>
      %dma_start3A_21 = arith.constant 0 : i32
      %dma_start3A_22 = arith.constant 0 : i32
      %dma_start3A_23 = tpu.memref_slice %arg7[%add3A, %dma_start3A_21, %dma_start3A_22] : memref<32x64x16xf32, #tpu.memory_space<hbm>> -> memref<1x64x16xf32, #tpu.memory_space<hbm>>
      %dma_start3A_24 = tpu.memref_squeeze %dma_start3A_23 : memref<1x64x16xf32, #tpu.memory_space<hbm>> -> memref<64x16xf32, #tpu.memory_space<hbm>>
      %dma_start3A_25 = arith.constant 0 : i32
      %dma_start3A_26 = arith.constant 0 : i32
      %dma_start3A_27 = tpu.memref_slice %arg7[%add3A, %dma_start3A_25, %dma_start3A_26] : memref<32x64x16xf32, #tpu.memory_space<hbm>> -> memref<1x64x16xf32, #tpu.memory_space<hbm>>
      %dma_start3A_28 = tpu.memref_squeeze %dma_start3A_27 : memref<1x64x16xf32, #tpu.memory_space<hbm>> -> memref<64x16xf32, #tpu.memory_space<hbm>>
      %dma_start3A_29 = arith.constant 0 : i32
      %dma_start3A_30 = arith.constant 0 : i32
      %dma_start3A_31 = tpu.memref_slice %arg12[%dma_start3A_29, %dma_start3A_30] : memref<65x16xf32, #tpu.memory_space<vmem>> -> memref<64x16xf32, #tpu.memory_space<vmem>>
      tpu.enqueue_dma source(%dma_start3A_31 : memref<64x16xf32, #tpu.memory_space<vmem>>) target(%dma_start3A_28 : memref<64x16xf32, #tpu.memory_space<hbm>>) target_semaphore(%run_scoped3A : memref<!tpu.dma_semaphore, #tpu.memory_space<semaphore_mem>>)
      %dma_wait3A = arith.constant 0 : i32
      %dma_wait3A_32 = arith.constant 0 : i32
      %dma_wait3A_33 = tpu.memref_slice %arg12[%dma_wait3A, %dma_wait3A_32] : memref<65x16xf32, #tpu.memory_space<vmem>> -> memref<64x16xf32, #tpu.memory_space<vmem>>
      %dma_wait3A_34 = arith.constant 0 : i32
      %dma_wait3A_35 = arith.constant 0 : i32
      %dma_wait3A_36 = tpu.memref_slice %arg7[%add3A, %dma_wait3A_34, %dma_wait3A_35] : memref<32x64x16xf32, #tpu.memory_space<hbm>> -> memref<1x64x16xf32, #tpu.memory_space<hbm>>
      %dma_wait3A_37 = tpu.memref_squeeze %dma_wait3A_36 : memref<1x64x16xf32, #tpu.memory_space<hbm>> -> memref<64x16xf32, #tpu.memory_space<hbm>>
      %dma_wait3A_38 = arith.constant 0 : i32
      %dma_wait3A_39 = arith.constant 0 : i32
      %dma_wait3A_40 = tpu.memref_slice %arg7[%add3A, %dma_wait3A_38, %dma_wait3A_39] : memref<32x64x16xf32, #tpu.memory_space<hbm>> -> memref<1x64x16xf32, #tpu.memory_space<hbm>>
      %dma_wait3A_41 = tpu.memref_squeeze %dma_wait3A_40 : memref<1x64x16xf32, #tpu.memory_space<hbm>> -> memref<64x16xf32, #tpu.memory_space<hbm>>
      %dma_wait3A_42 = arith.constant 0 : i32
      %dma_wait3A_43 = arith.constant 0 : i32
      %dma_wait3A_44 = tpu.memref_slice %arg12[%dma_wait3A_42, %dma_wait3A_43] : memref<65x16xf32, #tpu.memory_space<vmem>> -> memref<64x16xf32, #tpu.memory_space<vmem>>
      tpu.wait_dma2 semaphore(%run_scoped3A : memref<!tpu.dma_semaphore, #tpu.memory_space<semaphore_mem>>) src(%dma_wait3A_44 : memref<64x16xf32, #tpu.memory_space<vmem>>) dst(%dma_wait3A_41 : memref<64x16xf32, #tpu.memory_space<hbm>>)
      tpu.yield
    }) : () -> ()
    return
  }
}

module attributes {stable_mosaic.version = 14 : i64} {
  func.func @_finish_body(%arg0: memref<64x128xf32, #tpu.memory_space<vmem>>, %arg1: memref<32x64x128xf32, #tpu.memory_space<vmem>>, %arg2: memref<32x64x16xf32, #tpu.memory_space<vmem>>, %arg3: memref<272x128xf32, #tpu.memory_space<vmem>>, %arg4: memref<1x128xf32, #tpu.memory_space<vmem>>, %arg5: memref<64x128xf32, #tpu.memory_space<vmem>>) attributes {dimension_semantics = [], scalar_prefetch = 0 : i64, scratch_operands = 0 : i64, tpu.core_type = #tpu.core_type<tc>} {
    %get3A = arith.constant 0 : index
    %get3A_0 = arith.constant 0 : index
    %get3A_1 = arith.constant 0 : index
    %get3A_2 = vector.load %arg1[%get3A, %get3A_0, %get3A_1] : memref<32x64x128xf32, #tpu.memory_space<vmem>>, vector<32x64x128xf32>
    %reduce_sum3A = arith.constant dense<0.000000e+00> : vector<64x128xf32>
    %reduce_sum3A_3 = vector.multi_reduction <add>, %get3A_2, %reduce_sum3A [0] : vector<32x64x128xf32> to vector<64x128xf32>
    %get3A_4 = arith.constant 0 : index
    %get3A_5 = arith.constant 0 : index
    %get3A_6 = arith.constant 0 : index
    %get3A_7 = vector.load %arg2[%get3A_4, %get3A_5, %get3A_6] : memref<32x64x16xf32, #tpu.memory_space<vmem>>, vector<32x64x16xf32>
    %reduce_sum3A_8 = arith.constant dense<0.000000e+00> : vector<64x16xf32>
    %reduce_sum3A_9 = vector.multi_reduction <add>, %get3A_7, %reduce_sum3A_8 [0] : vector<32x64x16xf32> to vector<64x16xf32>
    %get3A_10 = arith.constant 0 : index
    %get3A_11 = arith.constant 0 : index
    %get3A_12 = vector.load %arg0[%get3A_10, %get3A_11] : memref<64x128xf32, #tpu.memory_space<vmem>>, vector<64x128xf32>
    %get3A_13 = arith.constant 0 : index
    %get3A_14 = arith.constant 0 : index
    %get3A_15 = vector.load %arg3[%get3A_13, %get3A_14] : memref<272x128xf32, #tpu.memory_space<vmem>>, vector<128x128xf32>
    %dot_general3A = arith.constant dense<0.000000e+00> : vector<64x128xf32>
    %dot_general3A_16 = tpu.matmul %get3A_12, %get3A_15, %dot_general3A {dimension_numbers = #tpu.dot_dimension_numbers<[1], [0], [0], [1], [0, 0, 1, 1], [], []>, transpose_lhs_hint = false} : vector<64x128xf32>, vector<128x128xf32>, vector<64x128xf32> -> vector<64x128xf32>
    %get3A_17 = arith.constant 128 : index
    %get3A_18 = arith.constant 0 : index
    %get3A_19 = vector.load %arg3[%get3A_17, %get3A_18] : memref<272x128xf32, #tpu.memory_space<vmem>>, vector<128x128xf32>
    %dot_general3A_20 = arith.constant dense<0.000000e+00> : vector<64x128xf32>
    %dot_general3A_21 = tpu.matmul %reduce_sum3A_3, %get3A_19, %dot_general3A_20 {dimension_numbers = #tpu.dot_dimension_numbers<[1], [0], [0], [1], [0, 0, 1, 1], [], []>, transpose_lhs_hint = false} : vector<64x128xf32>, vector<128x128xf32>, vector<64x128xf32> -> vector<64x128xf32>
    %add3A = arith.addf %dot_general3A_16, %dot_general3A_21 : vector<64x128xf32>
    %get3A_22 = arith.constant 256 : index
    %get3A_23 = arith.constant 0 : index
    %get3A_24 = vector.load %arg3[%get3A_22, %get3A_23] : memref<272x128xf32, #tpu.memory_space<vmem>>, vector<16x128xf32>
    %dot_general3A_25 = arith.constant dense<0.000000e+00> : vector<64x128xf32>
    %dot_general3A_26 = tpu.matmul %reduce_sum3A_9, %get3A_24, %dot_general3A_25 {dimension_numbers = #tpu.dot_dimension_numbers<[1], [0], [0], [1], [0, 0, 1, 1], [], []>, transpose_lhs_hint = false} : vector<64x16xf32>, vector<16x128xf32>, vector<64x128xf32> -> vector<64x128xf32>
    %add3A_27 = arith.addf %add3A, %dot_general3A_26 : vector<64x128xf32>
    %get3A_28 = arith.constant 0 : index
    %get3A_29 = arith.constant 0 : index
    %get3A_30 = vector.load %arg4[%get3A_28, %get3A_29] : memref<1x128xf32, #tpu.memory_space<vmem>>, vector<1x128xf32>
    %add3A_31 = vector.broadcast %get3A_30 : vector<1x128xf32> to vector<64x128xf32>
    %add3A_32 = arith.addf %add3A_27, %add3A_31 : vector<64x128xf32>
    %swap3A = arith.constant 0 : index
    %swap3A_33 = arith.constant 0 : index
    %swap3A_34 = vector.load %arg5[%swap3A, %swap3A_33] : memref<64x128xf32, #tpu.memory_space<vmem>>, vector<64x128xf32>
    tpu.vector_store %arg5[%swap3A, %swap3A_33], %add3A_32 {strides = array<i32>} : memref<64x128xf32, #tpu.memory_space<vmem>>, vector<64x128xf32>,
    return
  }
}

</mosaic_0001>

<sc_bundles>
// kernel: kernel.4.cloned.1.call-start
scs
__scs_entry_jumppad:
0x0: {  	(pc) =	sbr.rel $0x88, $3  }
0x1: {  	(tag) =	ssettag $0x0;
	lr =	simm.s32 $0x1  }
0x2: {  	[smem:$0x3F9A] =	sst lr;
	_ =	strace $0xD0000000  }
0x3: {  	_ = 	snop  }
0x4: {  	_ = 	snop  }
0x5: {  	_ = 	snop  }
0x6: {  	_ = 	snop  }
0x7: {  	_ = 	snop  }
__scs_overlays_trampoline_lowered:
0x8: {  	[smem:$0x3FA9] =	sst s0  }
0x9: {  	[smem:$0x3FAA] =	sst s1  }
0xa: {  	[smem:$0x3FAB] =	sst s2  }
0xb: {  	[smem:$0x3FAC] =	sst s3  }
0xc: {  	[smem:$0x3FAD] =	sst s4  }
0xd: {  	[smem:$0x3FAE] =	sst s5  }
0xe: {  	[smem:$0x3FAF] =	sst s6  }
0xf: {  	[smem:$0x3FB0] =	sst s7  }
0x10: {  	[smem:$0x3FB1] =	sst s8  }
0x11: {  	[smem:$0x3FB2] =	sst s9;
	s0 =	simm.s32 @!p0 $0x0  }
0x12: {  	s1 =	sld [smem:$0x3F98];
	s0 =	simm.s32 @p0 $0x1  }
0x13: {  	[smem:$0x3FB3] =	sst s0;
	s0 =	simm.s32 @!p1 $0x0  }
0x14: {  	s2 =	sld [smem:$0x3F97];
	s0 =	simm.s32 @p1 $0x1  }
0x15: {  	[smem:$0x3FB4] =	sst s0;
	s0 =	simm.s32 @!p2 $0x0  }
0x16: {  	s3 =	sld [smem:$0x3FDB];
	s0 =	simm.s32 @p2 $0x1  }
0x17: {  	s4 =	simm.s32 $0x1BF5;
	[smem:$0x3FB6] =	sst s0  }
0x18: {  	s0 =	sld [smem:$0x3F99];
	_ =	swait.ge [sflag:s4], $0x0  }
0x19: {  	s7 =	sld [smem:$0x3F9A]  }
0x1a: {  	s8 =	sadd.s32 $0xFFFFE003, lr  }
0x1b: {  	s9 =	sadd.s32 $0xFFFFFEF7, lr;
	s5 =	simm.s32 $0xFFFFFFFF;
	p2 =	slt.u32 s8, $0xFFFFF086  }
0x1c: {  	p1 =	slt.u32 s9, $0xF7A;
	s5 =	simm.s32 @!p2 $0x0  }
0x1d: {  	s5 =	simm.s32 @p1 $0x1;
	p0 =	seq.s32 s7, s2  }
0x1e: {  	s7 =	smul.u32 @!p0 $0xF7A, s2;
	p2 =	seq.s32 @!p0 s5, $0x0  }
0x1f: {  	s9 =	smul.u32 $0xF7A, s1;
	s8 =	simm.s32 @!p0 $0x1BF5;
	p2 =	por !p2, p0  }
0x20: {  	[sflag:s8] =	ssyncset.s32 @!p0 $0xFFFFF086;
	s6 =	sadd.s32 @!p0 s3, s7;
	s7 =	simm.s32 @!p0 $0x108  }
0x21: {  	s3 =	sadd.s32 s3, s9;
	s6 =	sadd.s32 @!p0 $0x88, s6;
	s7 =	simm.s32 @p2 $0x1082  }
0x22: {  	[simem:s7], [sflag:s8] =	dma.local @!p0 [hbm:s6], $0xF7A  }
0x23: {  	s9 =	sor.u32 $0xD0000000, s2;
	s6 =	simm.s32 $0x108;
	_ =	swait.ge @!p0 [sflag:s8], $0x0  }
0x24: {  	s3 =	sadd.s32 $0x88, s3;
	s6 =	simm.s32 @!p1 $0x1082;
	[sflag:s4] =	ssyncset.s32 $0xFFFFF086  }
0x25: {  	[simem:s6], [sflag:s4] =	dma.local [hbm:s3], $0xF7A  }
0x26: {  	[smem:$0x3F9A] =	sst s1;
	(tag) =	ssettag s2;
	_ =	strace s9  }
0x27: {  	s1 =	sld [smem:$0x3FAA]  }
0x28: {  	s2 =	sld [smem:$0x3FAB]  }
0x29: {  	s4 =	sld [smem:$0x3FAD]  }
0x2a: {  	p0 =	seq.s32 s5, $0x0;
	s5 =	sld [smem:$0x3FAE]  }
0x2b: {  	s6 =	sld [smem:$0x3FAF]  }
0x2c: {  	s7 =	sld [smem:$0x3FB0]  }
0x2d: {  	s3 =	simm.s32 $0x108;
	s8 =	sld [smem:$0x3FB1]  }
0x2e: {  	s3 =	simm.s32 @!p0 $0x1082;
	s9 =	sld [smem:$0x3FB2]  }
0x2f: {  	lr =	sadd.s32 s0, s3;
	s0 =	sld [smem:$0x3FA9]  }
0x30: {  	s3 =	sld [smem:$0x3FAC]  }
0x31: {  	[smem:$0x3FB5] =	sst s10  }
0x32: {  	s10 =	sld [smem:$0x3FB3];
	_ =	sdelay $0x3  }
0x33: {  	p0 =	seq.s32 s10, $0x1;
	s10 =	sld [smem:$0x3FB5];
	_ =	sdelay $0x3  }
0x34: {  	[smem:$0x3FB5] =	sst s10  }
0x35: {  	s10 =	sld [smem:$0x3FB4];
	_ =	sdelay $0x3  }
0x36: {  	p1 =	seq.s32 s10, $0x1;
	s10 =	sld [smem:$0x3FB5];
	_ =	sdelay $0x3  }
0x37: {  	[smem:$0x3FB5] =	sst s10  }
0x38: {  	s10 =	sld [smem:$0x3FB6]  }
0x39: {  	_ = 	snop;
	(pc) =	sbr.ind lr, $3  }
0x3a: {  	_ = 	snop  }
0x3b: {  	_ = 	snop  }
0x3c: {  	p2 =	seq.s32 s10, $0x1;
	s10 =	sld [smem:$0x3FB5]  }
0x3d: {  	_ =	shalt  }
0x3e: {  	_ =	shalt  }
0x3f: {  	_ =	shalt  }
0x40: {  	_ =	shalt  }
0x41: {  	_ =	shalt  }
0x42: {  	_ =	shalt  }
0x43: {  	_ =	shalt  }
0x44: {  	_ =	shalt  }
0x45: {  	_ =	shalt  }
0x46: {  	_ =	shalt  }
0x47: {  	_ =	shalt  }
0x48: {  	_ =	shalt  }
0x49: {  	_ =	shalt  }
0x4a: {  	_ =	shalt  }
0x4b: {  	_ =	shalt  }
0x4c: {  	_ =	shalt  }
0x4d: {  	_ =	shalt  }
0x4e: {  	_ =	shalt  }
0x4f: {  	_ =	shalt  }
0x50: {  	_ =	shalt  }
0x51: {  	_ =	shalt  }
0x52: {  	_ =	shalt  }
0x53: {  	_ =	shalt  }
0x54: {  	_ =	shalt  }
0x55: {  	_ =	shalt  }
0x56: {  	_ =	shalt  }
0x57: {  	_ =	shalt  }
0x58: {  	_ =	shalt  }
0x59: {  	_ =	shalt  }
0x5a: {  	_ =	shalt  }
0x5b: {  	_ =	shalt  }
0x5c: {  	_ =	shalt  }
0x5d: {  	_ =	shalt  }
0x5e: {  	_ =	shalt  }
0x5f: {  	_ =	shalt  }
0x60: {  	_ =	shalt  }
0x61: {  	_ =	shalt  }
0x62: {  	_ =	shalt  }
0x63: {  	_ =	shalt  }
0x64: {  	_ =	shalt  }
0x65: {  	_ =	shalt  }
0x66: {  	_ =	shalt  }
0x67: {  	_ =	shalt  }
0x68: {  	_ =	shalt  }
0x69: {  	_ =	shalt  }
0x6a: {  	_ =	shalt  }
0x6b: {  	_ =	shalt  }
0x6c: {  	_ =	shalt  }
0x6d: {  	_ =	shalt  }
0x6e: {  	_ =	shalt  }
0x6f: {  	_ =	shalt  }
0x70: {  	_ =	shalt  }
0x71: {  	_ =	shalt  }
0x72: {  	_ =	shalt  }
0x73: {  	_ =	shalt  }
0x74: {  	_ =	shalt  }
0x75: {  	_ =	shalt  }
0x76: {  	_ =	shalt  }
0x77: {  	_ =	shalt  }
0x78: {  	_ =	shalt  }
0x79: {  	_ =	shalt  }
0x7a: {  	_ =	shalt  }
0x7b: {  	_ =	shalt  }
0x7c: {  	_ =	shalt  }
0x7d: {  	_ =	shalt  }
0x7e: {  	_ =	shalt  }
0x7f: {  	_ =	shalt  }
0x80: {  	_ =	shalt  }
0x81: {  	_ =	shalt  }
0x82: {  	_ =	shalt  }
0x83: {  	_ =	shalt  }
0x84: {  	_ =	shalt  }
0x85: {  	_ =	shalt  }
0x86: {  	_ =	shalt  }
0x87: {  	_ =	shalt  }
.Lfunc_end0:
.L_simem_size_0:
called_computation_lowered:
.L_overlay_start_0:
0x88: {  	s2 =	sld [smem:$0x3FD9]  }
0x89: {  	s3 =	sld [smem:$0x3FFE];
	_ =	sdelay $0x1  }
0x8a: {  	s1 =	srdreg.scid  }
0x8b: {  	s0 =	sand.u32 $0x1, s1  }
0x8c: {  	s17 =	sshll.u32 s0, $0xA;
	s2 =	sadd.s32 s3, s2  }
0x8d: {  	s2 =	sadd.s32 s2, s17  }
0x8e: {  	[smem:$0x3FC1] =	sst s2  }
0x8f: {  	_ = 	snop  }
0x90: {  	s2 =	sld [smem:$0x3FC8];
	(tm) =	ssettm $0x1  }
0x91: {  	s18 =	sld [smem:$0x3FFB];
	_ =	sdelay $0x3  }
0x92: {  	_ =	strace s18  }
0x93: {  	s3 =	sld [smem:$0x3FFC];
	_ =	sdelay $0x3  }
0x94: {  	_ =	strace s3  }
0x95: {  	s3 =	sld [smem:$0x3FFD];
	_ =	sdelay $0x3  }
0x96: {  	_ =	strace s3  }
0x97: {  	_ =	strace $0x8FFFFFFF  }
0x98: {  	s19 =	sld [smem:$0x3FDB];
	_ =	sdelay $0x1  }
0x99: {  	s4 =	simm.s32 $_scs_section_size  }
0x9a: {  	s5 =	simm.s32 $_size__tile_overlayer_lowered;
	s6 =	simm.s32 $_tile_overlayer_lowered  }
0x9b: {  	s22 =	simm.s32 $0x1BFF;
	s21 =	sshll.u32 s6, $0x1;
	s3 =	sadd.s32 s4, s19  }
0x9c: {  	s7 =	simm.s32 $0x0;
	s20 =	sshll.u32 s5, $0x1;
	s5 =	sadd.s32 s21, s3  }
0x9d: {  	[timem:s7], [sflag:s22] =	dma.local [hbm:s5], s20  }
0x9e: {  	_ =	swait.ge [sflag:s22], s20  }
0x9f: {  	s4 =	ssub.s32 $0x0, s20;
	[sflag:s22] =	ssyncset.done $0x0  }
0xa0: {  	[sflag:s22] =	ssyncadd.s32 s4;
	_ =	sdelay $0x1  }
0xa1: {  	s23 =	simm.s32 $0x1B8B  }
0xa2: {  	_ =	swait.ge [sflag:s23], $0x1  }
0xa3: {  	[sflag:s23] =	ssyncset.done $0x0  }
0xa4: {  	s25 =	simm.s32 $0x1B8E;
	s24 =	sld [smem:$0x3FFE];
	[sflag:s23] =	ssyncadd.s32 $0xFFFFFFFF  }
0xa5: {  	s26 =	simm.s32 $execute0_lowered;
	[smem:$0x3FD2] =	sst s25  }
0xa6: {  	s5 =	sshll.u32 s26, $0x1;
	_ =	strace $0x80000046;
	[dreg:$0x1] =	wrdreg $0xFFFFFFFF  }
0xa7: {  	s28 =	simm.s32 $_size_execute0_lowered;
	s3 =	sadd.s32 s3, s5;
	[dreg:$0x0] =	wrdreg $0x0  }
0xa8: {  	s5 =	sshll.u32 s28, $0x1;
	[dreg:$0x2] =	wrdreg s3  }
0xa9: {  	[dreg:$0x3] =	wrdreg s5  }
0xaa: {  	[dreg:$0x4] =	wrdreg $0xC0  }
0xab: {  	_ =	task [dreg:s7], $0x5FFFF  }
0xac: {  	[dreg:$0x1] =	wrdreg $0xFFFFFFFF  }
0xad: {  	[dreg:$0x0] =	wrdreg $0x60  }
0xae: {  	[dreg:$0x2] =	wrdreg s2  }
0xaf: {  	[dreg:$0x3] =	wrdreg s24  }
0xb0: {  	[dreg:$0x4] =	wrdreg $0x9  }
0xb1: {  	_ =	task.clear_ibuf [dreg:s7], $0x5FFFF;
	_ =	strace $0x90000046  }
0xb2: {  	s29 =	simm.s32 $0x9;
	_ =	strace $0x80000048  }
0xb3: {  	_ =	swait.ge [sflag:s29], $0x1  }
0xb4: {  	[sflag:s29] =	ssyncadd.s32 $0xFFFFFFFF  }
0xb5: {  	_ =	strace $0x90000048  }
0xb6: {  	_ =	sfence  }
0xb7: {  	s30 =	sld [smem:$0x0];
	_ =	sdelay $0x2  }
0xb8: {  	s31 =	sshll.u32 s1, $0xD;
	s1 =	sshrl.u32 s1, $0x2  }
0xb9: {  	s3 =	sand.u32 $0x4000, s31;
	s1 =	sadd.s32 s1, s30  }
0xba: {  	s0 =	sor.u32 s3, s0;
	s1 =	sshll.u32 s1, $0x11  }
0xbb: {  	s0 =	sor.u32 s1, s0  }
0xbc: {  	s0 =	sadd.s32 $0x8F2B, s0  }
0xbd: {  	[sflag:s0] =	ssyncadd.remote.s32 $0x1  }
0xbe: {  	_ =	sfence.sel $0xFFFF  }
0xbf: {  	[dreg:$0x0] =	wrdreg $0xFFFFFFFF;
	(pc) =	sbr.abs _section_cstart, $3  }
0xc0: {  	[dreg:$0x1] =	wrdreg $0xFFFFFFFF  }
0xc1: {  	_ =	task.clear_ibuf [dreg:s7], $0x2FFFF;
	_ =	strace $0x9FFFFFFF  }
0xc2: {  	(tm) =	ssettm $0x7FFFFFFF  }
0xc3: {  	_ =	shalt  }
tec
execute0_lowered:
.L_overlay_start_1:
0x0: {  	(tag) =	ssettag $0x1  }
0x1: {  	s1 =	rddreg [dreg:$0x0]  }
0x2: {  	s9 =	rddreg [dreg:$0x1]  }
0x3: {  	s3 =	srdreg.scid;
	v0 =	vlaneseq.u32;
	s0 =	rddreg [dreg:$0x2]  }
0x4: {  	s2 =	simm.s32 $0x0;
	v1 =	vimm.f32 $0.0e+00;
	v9 =	vimm.s32 $0x7;
	vm1 =	vcmask $0x3B00;
	s13 =	simm.s32 $0x14000;
	s14 =	simm.s32 $0x1  }
0x5: {  	vm0 =	vmmov $0x1;
	vm2 =	vcmask $0x70C;
	vm3 =	vcmask $0xB10;
	s15 =	simm.s32 $0x15680;
	s16 =	simm.s32 $0x14280;
	s17 =	simm.s32 $0x17A80  }
0x6: {  	vm4 =	vcmask $0xF14;
	vm5 =	vcmask $0x1318;
	vm6 =	vcmask $0x171C;
	s18 =	simm.s32 $0x0;
	s7 =	sand.u32 $0x1, s3;
	[smem:$0x7FF] =	sst s2  }
0x7: {  	vm7 =	vcmask $0x1B20;
	vm8 =	vcmask $0x1F24;
	vm9 =	vcmask $0x2328;
	s3 =	stileid.u32;
	s4 =	sadd.s32 $0x1A000, s9;
	s6 =	sadd.s32 $0xC36600, s9  }
.Ltmp0:
0x8: {  	vm10 =	vcmask $0x272C;
	vm11 =	vcmask $0x2B30;
	vm12 =	vcmask $0x2F34;
	s5 =	sshll.u32 s7, $0x4;
	s10 =	ssub.s32 $0x2, s7;
	(pc) =	sbr.rel .LBB2_1-.Ltmp0, $4  }
0x9: {  	vm13 =	vcmask $0x3338;
	vm14 =	vcmask $0x373C;
	vm15 =	vmmov $0x7fff;
	_ =	strace $0x80000047;
	s5 =	sor.u32 s3, s5;
	s31 =	sshrl.u32 s10, $0x1  }
0xa: {  	v2 =	vor.u32 $0x10, v0;
	v3 =	vor.u32 $0x20, v0;
	v4 =	vor.u32 $0x30, v0;
	s7 =	sadd.s32 $0x1600, s9;
	s8 =	sshll.u32 s5, $0xA;
	s12 =	ssub.s32 s10, s31  }
0xb: {  	v5 =	vor.u32 $0x40, v0;
	v6 =	vor.u32 $0x50, v0;
	v7 =	vor.u32 $0x60, v0;
	s11 =	sadd.s32 s8, s9;
	s8 =	sadd.s32 $0xC3000, s1;
	s9 =	sadd.s32 $0xDBC600, s9  }
0xc: {  	v8 =	vor.u32 $0x70, v0;
	v9 =	vsel vm1, $0x0, v9;
	vm1 =	vcmask $0x308;
	s12 =	smax.u32 s12, $0x1;
	s10 =	sadd.s32 $0x1BA00, s11;
	s11 =	sadd.s32 $0x23A00, s11  }
.LBB2_19:
0xd: {  	[hbm4b:s10+s2] =	stream.linear.scatter [tilespmem:s15], [sflag:$0x1], $0x2000, $0x38;
	[tilespmem:$0x19E80] =	vst v63  }
0xe: {  	s18 =	sadd.s32 $0x1, s18;
	_ =	swait.ge [sflag:s14], $0x2000  }
0xf: {  	p0 =	sne.s32 s18, s12;
	[sflag:s14] =	ssyncset.done $0x0  }
.Ltmp1:
0x10: {  	[sflag:s14] =	ssyncadd.s32 $0xFFFFE000;
	(pc) =	sbr.rel @!p0 .LBB2_20-.Ltmp1, $4  }
0x11: {  	[hbm4b:s11+s2] =	stream.linear.scatter [tilespmem:s17], [sflag:$0x1], $0x2000, $0x38;
	[tilespmem:$0x19E80] =	vst v63  }
0x12: {  	_ =	swait.ge [sflag:s14], $0x2000  }
0x13: {  	[sflag:s14] =	ssyncset.done $0x0  }
0x14: {  	[sflag:s14] =	ssyncadd.s32 $0xFFFFE000  }
.LBB2_1:
0x15: {  	s19 =	simm.s32 $0x0;
	s20 =	simm.s32 $0x200  }
.LBB2_2:
0x16: {  	p0 =	sne.s32 s20, $0x8000;
	[tilespmem:s19+$0x17A80] =	vst v1  }
0x17: {  	[tilespmem:s19+$0x15680] =	vst v1  }
0x18: {  	[tilespmem:s19+$0x15690] =	vst v1  }
0x19: {  	[tilespmem:s19+$0x156A0] =	vst v1  }
.Ltmp2:
0x1a: {  	[tilespmem:s19+$0x156B0] =	vst v1;
	(pc) =	sbr.rel @p0 .LBB2_2-.Ltmp2, $4  }
0x1b: {  	[tilespmem:s19+$0x156C0] =	vst v1  }
0x1c: {  	[tilespmem:s19+$0x156D0] =	vst v1  }
0x1d: {  	[tilespmem:s19+$0x156E0] =	vst v1  }
0x1e: {  	[tilespmem:s19+$0x156F0] =	vst v1;
	s19 =	sshra.s32 s20, $0x2;
	s20 =	sadd.s32 $0x200, s20  }
0x1f: {  	[tilespmem:s19+$0x17A80] =	vst v1  }
0x20: {  	[tilespmem:s19+$0x15680] =	vst v1  }
0x21: {  	[tilespmem:s19+$0x15690] =	vst v1  }
0x22: {  	[tilespmem:s19+$0x156A0] =	vst v1  }
.Ltmp3:
0x23: {  	[tilespmem:s19+$0x156B0] =	vst v1;
	(pc) =	sbr.rel .LBB2_4-.Ltmp3, $4  }
0x24: {  	[tilespmem:s19+$0x156C0] =	vst v1  }
0x25: {  	[tilespmem:s19+$0x156D0] =	vst v1  }
0x26: {  	[tilespmem:s19+$0x156E0] =	vst v1  }
0x27: {  	[tilespmem:s19+$0x156F0] =	vst v1;
	s19 =	simm.s32 $0x0  }
.LBB2_10:
0x28: {  	s19 =	sadd.s32 $0x1, s19  }
0x29: {  	p0 =	sne.s32 s19, $0x3  }
.Ltmp4:
0x2a: {  	_ = 	snop;
	(pc) =	sbr.rel @!p0 .LBB2_11-.Ltmp4, $1  }
0x2b: {  	_ =	sdelay $0x3  }
.LBB2_4:
0x2c: {  	s20 =	sshll.u32 s19, $0x5  }
0x2d: {  	s20 =	sor.u32 s5, s20  }
0x2e: {  	p0 =	sgt.u32 s20, $0x4E  }
.Ltmp5:
0x2f: {  	_ = 	snop;
	(pc) =	sbr.rel @p0 .LBB2_10-.Ltmp5, $1  }
0x30: {  	_ =	sdelay $0x3  }
0x31: {  	s21 =	smul.u32 $0x50, s20;
	_ =	sdelay $0x1  }
0x32: {  	s21 =	sadd.s32 s4, s21  }
0x33: {  	[tilespmem:s13], [sflag:$0x1] =	stream.linear.gather [hbm4b:s21+s2], $0x280, $0x38;
	[tilespmem:$0x19E80] =	vst v63  }
0x34: {  	_ =	swait.ge [sflag:s14], $0x280  }
0x35: {  	p0 =	seq.s32 s20, $0x4E;
	[sflag:s14] =	ssyncset.done $0x0  }
0x36: {  	s21 =	simm.s32 @p0 $0x0;
	[sflag:s14] =	ssyncadd.s32 $0xFFFFFD80  }
0x37: {  	[tilespmem:s21], [sflag:$0x1] =	stream.linear.gather @p0 [hbm4b:s8+s21], $0x2800, $0x38;
	[tilespmem:$0x19E80] =	vst v63  }
0x38: {  	s21 =	simm.s32 @p0 $0x1  }
0x39: {  	s20 =	smul.u32 @!p0 $0x2800, s20;
	_ =	swait.ge @p0 [sflag:s21], $0x2800  }
0x3a: {  	[sflag:s21] =	ssyncset.done @p0 $0x0  }
0x3b: {  	s20 =	sadd.s32 @!p0 s1, s20;
	[sflag:s21] =	ssyncadd.s32 @p0 $0xFFFFD800;
	s21 =	simm.s32 @!p0 $0x0  }
0x3c: {  	[tilespmem:s21], [sflag:$0x1] =	stream.linear.gather @!p0 [hbm4b:s20+s21], $0x14000, $0x38;
	[tilespmem:$0x19E80] =	vst v63  }
.Ltmp6:
0x3d: {  	_ = 	snop;
	(pc) =	sbr.rel .LBB2_6-.Ltmp6, $4  }
0x3e: {  	s20 =	simm.s32 @!p0 $0x1  }
0x3f: {  	_ =	swait.ge @!p0 [sflag:s20], $0x14000  }
0x40: {  	[sflag:s20] =	ssyncset.done @!p0 $0x0  }
0x41: {  	[sflag:s20] =	ssyncadd.s32 @!p0 $0xFFFEC000;
	s20 =	simm.s32 $0x0  }
.LBB2_8:
0x42: {  	v11 =	vnsel vm0, $0x0, v10  }
0x43: {  	(xrf0) =	vadd.scan.msk.s32 $0xffff, v11;
	_ =	sdelay $0x5  }
0x44: {  	v11, _, _ =	vpop (xrf0)  }
0x45: {  	v11 =	vshll.u32 v11, v9  }
0x46: {  	v11 =	vbroadcast v11, $0xF;
	_ =	sdelay $0x1  }
0x47: {  	v12 =	vld [tilespmem:s21+$0x0];
	v13 =	vor.u32 v0, v11;
	_ =	sdelay $0x4  }
0x48: {  	[tilespmem:v13+s15+$0x0] =	vst.idx.add.f32.msk $0xffff, v12  }
0x49: {  	v56 =	vor.u32 v2, v11;
	v12 =	vld [tilespmem:s21+$0x10];
	_ =	sdelay $0x4  }
0x4a: {  	[tilespmem:v56+s15+$0x0] =	vst.idx.add.f32.msk $0xffff, v12  }
0x4b: {  	v57 =	vor.u32 v3, v11;
	v12 =	vld [tilespmem:s21+$0x20];
	_ =	sdelay $0x4  }
0x4c: {  	[tilespmem:v57+s15+$0x0] =	vst.idx.add.f32.msk $0xffff, v12  }
0x4d: {  	v58 =	vor.u32 v4, v11;
	v12 =	vld [tilespmem:s21+$0x30];
	_ =	sdelay $0x4  }
0x4e: {  	[tilespmem:v58+s15+$0x0] =	vst.idx.add.f32.msk $0xffff, v12  }
0x4f: {  	v59 =	vor.u32 v5, v11;
	v12 =	vld [tilespmem:s21+$0x40];
	_ =	sdelay $0x4  }
0x50: {  	[tilespmem:v59+s15+$0x0] =	vst.idx.add.f32.msk $0xffff, v12  }
0x51: {  	v60 =	vor.u32 v6, v11;
	v12 =	vld [tilespmem:s21+$0x50];
	_ =	sdelay $0x4  }
0x52: {  	[tilespmem:v60+s15+$0x0] =	vst.idx.add.f32.msk $0xffff, v12  }
0x53: {  	v61 =	vor.u32 v7, v11;
	v12 =	vld [tilespmem:s21+$0x60]  }
0x54: {  	v14 =	vsel vm1, $0x0, v10  }
0x55: {  	(xrf0) =	vadd.scan.msk.s32 $0xffff, v14;
	_ =	sdelay $0x2  }
0x56: {  	[tilespmem:v61+s15+$0x0] =	vst.idx.add.f32.msk $0xffff, v12  }
0x57: {  	v11 =	vor.u32 v8, v11;
	v12 =	vld [tilespmem:s21+$0x70];
	_ =	sdelay $0x1  }
0x58: {  	v62, _, _ =	vpop (xrf0)  }
0x59: {  	v13 =	vshll.u32 v62, v9  }
0x5a: {  	v13 =	vbroadcast v13, $0xF  }
0x5b: {  	[tilespmem:v11+s15+$0x0] =	vst.idx.add.f32.msk $0xffff, v12  }
0x5c: {  	v63 =	vor.u32 v0, v13;
	v11 =	vld [tilespmem:s21+$0x80];
	_ =	sdelay $0x4  }
0x5d: {  	[tilespmem:v63+s15+$0x0] =	vst.idx.add.f32.msk $0xffff, v11  }
0x5e: {  	v16 =	vor.u32 v2, v13;
	v11 =	vld [tilespmem:s21+$0x90];
	_ =	sdelay $0x4  }
0x5f: {  	[tilespmem:v16+s15+$0x0] =	vst.idx.add.f32.msk $0xffff, v11  }
0x60: {  	v17 =	vor.u32 v3, v13;
	v11 =	vld [tilespmem:s21+$0xA0];
	_ =	sdelay $0x4  }
0x61: {  	[tilespmem:v17+s15+$0x0] =	vst.idx.add.f32.msk $0xffff, v11  }
0x62: {  	v18 =	vor.u32 v4, v13;
	v11 =	vld [tilespmem:s21+$0xB0];
	_ =	sdelay $0x4  }
0x63: {  	[tilespmem:v18+s15+$0x0] =	vst.idx.add.f32.msk $0xffff, v11  }
0x64: {  	v19 =	vor.u32 v5, v13;
	v11 =	vld [tilespmem:s21+$0xC0];
	_ =	sdelay $0x4  }
0x65: {  	[tilespmem:v19+s15+$0x0] =	vst.idx.add.f32.msk $0xffff, v11  }
0x66: {  	v20 =	vor.u32 v6, v13;
	v11 =	vld [tilespmem:s21+$0xD0];
	_ =	sdelay $0x4  }
0x67: {  	[tilespmem:v20+s15+$0x0] =	vst.idx.add.f32.msk $0xffff, v11  }
0x68: {  	v21 =	vor.u32 v7, v13;
	v11 =	vld [tilespmem:s21+$0xE0]  }
0x69: {  	v22 =	vsel vm2, $0x0, v10  }
0x6a: {  	(xrf0) =	vadd.scan.msk.s32 $0xffff, v22;
	_ =	sdelay $0x2  }
0x6b: {  	[tilespmem:v21+s15+$0x0] =	vst.idx.add.f32.msk $0xffff, v11  }
0x6c: {  	v23 =	vor.u32 v8, v13;
	v11 =	vld [tilespmem:s21+$0xF0];
	_ =	sdelay $0x1  }
0x6d: {  	v24, _, _ =	vpop (xrf0)  }
0x6e: {  	v13 =	vshll.u32 v24, v9  }
0x6f: {  	v13 =	vbroadcast v13, $0xF  }
0x70: {  	[tilespmem:v23+s15+$0x0] =	vst.idx.add.f32.msk $0xffff, v11  }
0x71: {  	v25 =	vor.u32 v0, v13;
	v11 =	vld [tilespmem:s21+$0x100];
	_ =	sdelay $0x4  }
0x72: {  	[tilespmem:v25+s15+$0x0] =	vst.idx.add.f32.msk $0xffff, v11  }
0x73: {  	v26 =	vor.u32 v2, v13;
	v11 =	vld [tilespmem:s21+$0x110];
	_ =	sdelay $0x4  }
0x74: {  	[tilespmem:v26+s15+$0x0] =	vst.idx.add.f32.msk $0xffff, v11  }
0x75: {  	v27 =	vor.u32 v3, v13;
	v11 =	vld [tilespmem:s21+$0x120];
	_ =	sdelay $0x4  }
0x76: {  	[tilespmem:v27+s15+$0x0] =	vst.idx.add.f32.msk $0xffff, v11  }
0x77: {  	v28 =	vor.u32 v4, v13;
	v11 =	vld [tilespmem:s21+$0x130];
	_ =	sdelay $0x4  }
0x78: {  	[tilespmem:v28+s15+$0x0] =	vst.idx.add.f32.msk $0xffff, v11  }
0x79: {  	v29 =	vor.u32 v5, v13;
	v11 =	vld [tilespmem:s21+$0x140];
	_ =	sdelay $0x4  }
0x7a: {  	[tilespmem:v29+s15+$0x0] =	vst.idx.add.f32.msk $0xffff, v11  }
0x7b: {  	v30 =	vor.u32 v6, v13;
	v11 =	vld [tilespmem:s21+$0x150];
	_ =	sdelay $0x4  }
0x7c: {  	[tilespmem:v30+s15+$0x0] =	vst.idx.add.f32.msk $0xffff, v11  }
0x7d: {  	v31 =	vor.u32 v7, v13;
	v11 =	vld [tilespmem:s21+$0x160]  }
0x7e: {  	v32 =	vsel vm3, $0x0, v10  }
0x7f: {  	(xrf0) =	vadd.scan.msk.s32 $0xffff, v32;
	_ =	sdelay $0x2  }
0x80: {  	[tilespmem:v31+s15+$0x0] =	vst.idx.add.f32.msk $0xffff, v11  }
0x81: {  	v33 =	vor.u32 v8, v13;
	v11 =	vld [tilespmem:s21+$0x170];
	_ =	sdelay $0x1  }
0x82: {  	v34, _, _ =	vpop (xrf0)  }
0x83: {  	v13 =	vshll.u32 v34, v9  }
0x84: {  	v13 =	vbroadcast v13, $0xF  }
0x85: {  	[tilespmem:v33+s15+$0x0] =	vst.idx.add.f32.msk $0xffff, v11  }
0x86: {  	v35 =	vor.u32 v0, v13;
	v11 =	vld [tilespmem:s21+$0x180];
	_ =	sdelay $0x4  }
0x87: {  	[tilespmem:v35+s15+$0x0] =	vst.idx.add.f32.msk $0xffff, v11  }
0x88: {  	v36 =	vor.u32 v2, v13;
	v11 =	vld [tilespmem:s21+$0x190];
	_ =	sdelay $0x4  }
0x89: {  	[tilespmem:v36+s15+$0x0] =	vst.idx.add.f32.msk $0xffff, v11  }
0x8a: {  	v37 =	vor.u32 v3, v13;
	v11 =	vld [tilespmem:s21+$0x1A0];
	_ =	sdelay $0x4  }
0x8b: {  	[tilespmem:v37+s15+$0x0] =	vst.idx.add.f32.msk $0xffff, v11  }
0x8c: {  	v38 =	vor.u32 v4, v13;
	v11 =	vld [tilespmem:s21+$0x1B0];
	_ =	sdelay $0x4  }
0x8d: {  	[tilespmem:v38+s15+$0x0] =	vst.idx.add.f32.msk $0xffff, v11  }
0x8e: {  	v39 =	vor.u32 v5, v13;
	v11 =	vld [tilespmem:s21+$0x1C0];
	_ =	sdelay $0x4  }
0x8f: {  	[tilespmem:v39+s15+$0x0] =	vst.idx.add.f32.msk $0xffff, v11  }
0x90: {  	v40 =	vor.u32 v6, v13;
	v11 =	vld [tilespmem:s21+$0x1D0];
	_ =	sdelay $0x4  }
0x91: {  	[tilespmem:v40+s15+$0x0] =	vst.idx.add.f32.msk $0xffff, v11  }
0x92: {  	v41 =	vor.u32 v7, v13;
	v11 =	vld [tilespmem:s21+$0x1E0]  }
0x93: {  	v42 =	vsel vm4, $0x0, v10  }
0x94: {  	(xrf0) =	vadd.scan.msk.s32 $0xffff, v42;
	_ =	sdelay $0x2  }
0x95: {  	[tilespmem:v41+s15+$0x0] =	vst.idx.add.f32.msk $0xffff, v11  }
0x96: {  	v43 =	vor.u32 v8, v13;
	v11 =	vld [tilespmem:s21+$0x1F0];
	_ =	sdelay $0x1  }
0x97: {  	v44, _, _ =	vpop (xrf0)  }
0x98: {  	v13 =	vshll.u32 v44, v9  }
0x99: {  	v13 =	vbroadcast v13, $0xF  }
0x9a: {  	[tilespmem:v43+s15+$0x0] =	vst.idx.add.f32.msk $0xffff, v11  }
0x9b: {  	v45 =	vor.u32 v0, v13;
	v11 =	vld [tilespmem:s21+$0x200];
	_ =	sdelay $0x4  }
0x9c: {  	[tilespmem:v45+s15+$0x0] =	vst.idx.add.f32.msk $0xffff, v11  }
0x9d: {  	v46 =	vor.u32 v2, v13;
	v11 =	vld [tilespmem:s21+$0x210];
	_ =	sdelay $0x4  }
0x9e: {  	[tilespmem:v46+s15+$0x0] =	vst.idx.add.f32.msk $0xffff, v11  }
0x9f: {  	v47 =	vor.u32 v3, v13;
	v11 =	vld [tilespmem:s21+$0x220];
	_ =	sdelay $0x4  }
0xa0: {  	[tilespmem:v47+s15+$0x0] =	vst.idx.add.f32.msk $0xffff, v11  }
0xa1: {  	v48 =	vor.u32 v4, v13;
	v11 =	vld [tilespmem:s21+$0x230];
	_ =	sdelay $0x4  }
0xa2: {  	[tilespmem:v48+s15+$0x0] =	vst.idx.add.f32.msk $0xffff, v11  }
0xa3: {  	v49 =	vor.u32 v5, v13;
	v11 =	vld [tilespmem:s21+$0x240];
	_ =	sdelay $0x4  }
0xa4: {  	[tilespmem:v49+s15+$0x0] =	vst.idx.add.f32.msk $0xffff, v11  }
0xa5: {  	v50 =	vor.u32 v6, v13;
	v11 =	vld [tilespmem:s21+$0x250];
	_ =	sdelay $0x4  }
0xa6: {  	[tilespmem:v50+s15+$0x0] =	vst.idx.add.f32.msk $0xffff, v11  }
0xa7: {  	v51 =	vor.u32 v7, v13;
	v11 =	vld [tilespmem:s21+$0x260]  }
0xa8: {  	v52 =	vsel vm5, $0x0, v10  }
0xa9: {  	(xrf0) =	vadd.scan.msk.s32 $0xffff, v52;
	_ =	sdelay $0x2  }
0xaa: {  	[tilespmem:v51+s15+$0x0] =	vst.idx.add.f32.msk $0xffff, v11  }
0xab: {  	v53 =	vor.u32 v8, v13;
	v11 =	vld [tilespmem:s21+$0x270];
	_ =	sdelay $0x1  }
0xac: {  	v54, _, _ =	vpop (xrf0)  }
0xad: {  	v13 =	vshll.u32 v54, v9  }
0xae: {  	v13 =	vbroadcast v13, $0xF  }
0xaf: {  	[tilespmem:v53+s15+$0x0] =	vst.idx.add.f32.msk $0xffff, v11  }
0xb0: {  	v55 =	vor.u32 v0, v13;
	v11 =	vld [tilespmem:s21+$0x280];
	_ =	sdelay $0x4  }
0xb1: {  	[tilespmem:v55+s15+$0x0] =	vst.idx.add.f32.msk $0xffff, v11  }
0xb2: {  	v56 =	vor.u32 v2, v13;
	v11 =	vld [tilespmem:s21+$0x290];
	_ =	sdelay $0x4  }
0xb3: {  	[tilespmem:v56+s15+$0x0] =	vst.idx.add.f32.msk $0xffff, v11  }
0xb4: {  	v57 =	vor.u32 v3, v13;
	v11 =	vld [tilespmem:s21+$0x2A0];
	_ =	sdelay $0x4  }
0xb5: {  	[tilespmem:v57+s15+$0x0] =	vst.idx.add.f32.msk $0xffff, v11  }
0xb6: {  	v58 =	vor.u32 v4, v13;
	v11 =	vld [tilespmem:s21+$0x2B0];
	_ =	sdelay $0x4  }
0xb7: {  	[tilespmem:v58+s15+$0x0] =	vst.idx.add.f32.msk $0xffff, v11  }
0xb8: {  	v59 =	vor.u32 v5, v13;
	v11 =	vld [tilespmem:s21+$0x2C0];
	_ =	sdelay $0x4  }
0xb9: {  	[tilespmem:v59+s15+$0x0] =	vst.idx.add.f32.msk $0xffff, v11  }
0xba: {  	v60 =	vor.u32 v6, v13;
	v11 =	vld [tilespmem:s21+$0x2D0];
	_ =	sdelay $0x4  }
0xbb: {  	[tilespmem:v60+s15+$0x0] =	vst.idx.add.f32.msk $0xffff, v11  }
0xbc: {  	v61 =	vor.u32 v7, v13;
	v11 =	vld [tilespmem:s21+$0x2E0]  }
0xbd: {  	v62 =	vsel vm6, $0x0, v10  }
0xbe: {  	(xrf0) =	vadd.scan.msk.s32 $0xffff, v62;
	_ =	sdelay $0x2  }
0xbf: {  	[tilespmem:v61+s15+$0x0] =	vst.idx.add.f32.msk $0xffff, v11  }
0xc0: {  	v63 =	vor.u32 v8, v13;
	v11 =	vld [tilespmem:s21+$0x2F0];
	_ =	sdelay $0x1  }
0xc1: {  	v16, _, _ =	vpop (xrf0)  }
0xc2: {  	v13 =	vshll.u32 v16, v9  }
0xc3: {  	v13 =	vbroadcast v13, $0xF  }
0xc4: {  	[tilespmem:v63+s15+$0x0] =	vst.idx.add.f32.msk $0xffff, v11  }
0xc5: {  	v17 =	vor.u32 v0, v13;
	v11 =	vld [tilespmem:s21+$0x300];
	_ =	sdelay $0x4  }
0xc6: {  	[tilespmem:v17+s15+$0x0] =	vst.idx.add.f32.msk $0xffff, v11  }
0xc7: {  	v18 =	vor.u32 v2, v13;
	v11 =	vld [tilespmem:s21+$0x310];
	_ =	sdelay $0x4  }
0xc8: {  	[tilespmem:v18+s15+$0x0] =	vst.idx.add.f32.msk $0xffff, v11  }
0xc9: {  	v19 =	vor.u32 v3, v13;
	v11 =	vld [tilespmem:s21+$0x320];
	_ =	sdelay $0x4  }
0xca: {  	[tilespmem:v19+s15+$0x0] =	vst.idx.add.f32.msk $0xffff, v11  }
0xcb: {  	v20 =	vor.u32 v4, v13;
	v11 =	vld [tilespmem:s21+$0x330];
	_ =	sdelay $0x4  }
0xcc: {  	[tilespmem:v20+s15+$0x0] =	vst.idx.add.f32.msk $0xffff, v11  }
0xcd: {  	v21 =	vor.u32 v5, v13;
	v11 =	vld [tilespmem:s21+$0x340];
	_ =	sdelay $0x4  }
0xce: {  	[tilespmem:v21+s15+$0x0] =	vst.idx.add.f32.msk $0xffff, v11  }
0xcf: {  	v22 =	vor.u32 v6, v13;
	v11 =	vld [tilespmem:s21+$0x350];
	_ =	sdelay $0x4  }
0xd0: {  	[tilespmem:v22+s15+$0x0] =	vst.idx.add.f32.msk $0xffff, v11  }
0xd1: {  	v23 =	vor.u32 v7, v13;
	v11 =	vld [tilespmem:s21+$0x360]  }
0xd2: {  	v24 =	vsel vm7, $0x0, v10  }
0xd3: {  	(xrf0) =	vadd.scan.msk.s32 $0xffff, v24;
	_ =	sdelay $0x2  }
0xd4: {  	[tilespmem:v23+s15+$0x0] =	vst.idx.add.f32.msk $0xffff, v11  }
0xd5: {  	v25 =	vor.u32 v8, v13;
	v11 =	vld [tilespmem:s21+$0x370];
	_ =	sdelay $0x1  }
0xd6: {  	v26, _, _ =	vpop (xrf0)  }
0xd7: {  	v13 =	vshll.u32 v26, v9  }
0xd8: {  	v13 =	vbroadcast v13, $0xF  }
0xd9: {  	[tilespmem:v25+s15+$0x0] =	vst.idx.add.f32.msk $0xffff, v11  }
0xda: {  	v27 =	vor.u32 v0, v13;
	v11 =	vld [tilespmem:s21+$0x380];
	_ =	sdelay $0x4  }
0xdb: {  	[tilespmem:v27+s15+$0x0] =	vst.idx.add.f32.msk $0xffff, v11  }
0xdc: {  	v28 =	vor.u32 v2, v13;
	v11 =	vld [tilespmem:s21+$0x390];
	_ =	sdelay $0x4  }
0xdd: {  	[tilespmem:v28+s15+$0x0] =	vst.idx.add.f32.msk $0xffff, v11  }
0xde: {  	v29 =	vor.u32 v3, v13;
	v11 =	vld [tilespmem:s21+$0x3A0];
	_ =	sdelay $0x4  }
0xdf: {  	[tilespmem:v29+s15+$0x0] =	vst.idx.add.f32.msk $0xffff, v11  }
0xe0: {  	v30 =	vor.u32 v4, v13;
	v11 =	vld [tilespmem:s21+$0x3B0];
	_ =	sdelay $0x4  }
0xe1: {  	[tilespmem:v30+s15+$0x0] =	vst.idx.add.f32.msk $0xffff, v11  }
0xe2: {  	v31 =	vor.u32 v5, v13;
	v11 =	vld [tilespmem:s21+$0x3C0];
	_ =	sdelay $0x4  }
0xe3: {  	[tilespmem:v31+s15+$0x0] =	vst.idx.add.f32.msk $0xffff, v11  }
0xe4: {  	v32 =	vor.u32 v6, v13;
	v11 =	vld [tilespmem:s21+$0x3D0];
	_ =	sdelay $0x4  }
0xe5: {  	[tilespmem:v32+s15+$0x0] =	vst.idx.add.f32.msk $0xffff, v11  }
0xe6: {  	v33 =	vor.u32 v7, v13;
	v11 =	vld [tilespmem:s21+$0x3E0]  }
0xe7: {  	v34 =	vsel vm8, $0x0, v10  }
0xe8: {  	(xrf0) =	vadd.scan.msk.s32 $0xffff, v34;
	_ =	sdelay $0x2  }
0xe9: {  	[tilespmem:v33+s15+$0x0] =	vst.idx.add.f32.msk $0xffff, v11  }
0xea: {  	v35 =	vor.u32 v8, v13;
	v11 =	vld [tilespmem:s21+$0x3F0];
	_ =	sdelay $0x1  }
0xeb: {  	v36, _, _ =	vpop (xrf0)  }
0xec: {  	v13 =	vshll.u32 v36, v9  }
0xed: {  	v13 =	vbroadcast v13, $0xF  }
0xee: {  	[tilespmem:v35+s15+$0x0] =	vst.idx.add.f32.msk $0xffff, v11  }
0xef: {  	v37 =	vor.u32 v0, v13;
	v11 =	vld [tilespmem:s21+$0x400];
	_ =	sdelay $0x4  }
0xf0: {  	[tilespmem:v37+s15+$0x0] =	vst.idx.add.f32.msk $0xffff, v11  }
0xf1: {  	v38 =	vor.u32 v2, v13;
	v11 =	vld [tilespmem:s21+$0x410];
	_ =	sdelay $0x4  }
0xf2: {  	[tilespmem:v38+s15+$0x0] =	vst.idx.add.f32.msk $0xffff, v11  }
0xf3: {  	v39 =	vor.u32 v3, v13;
	v11 =	vld [tilespmem:s21+$0x420];
	_ =	sdelay $0x4  }
0xf4: {  	[tilespmem:v39+s15+$0x0] =	vst.idx.add.f32.msk $0xffff, v11  }
0xf5: {  	v40 =	vor.u32 v4, v13;
	v11 =	vld [tilespmem:s21+$0x430];
	_ =	sdelay $0x4  }
0xf6: {  	[tilespmem:v40+s15+$0x0] =	vst.idx.add.f32.msk $0xffff, v11  }
0xf7: {  	v41 =	vor.u32 v5, v13;
	v11 =	vld [tilespmem:s21+$0x440];
	_ =	sdelay $0x4  }
0xf8: {  	[tilespmem:v41+s15+$0x0] =	vst.idx.add.f32.msk $0xffff, v11  }
0xf9: {  	v42 =	vor.u32 v6, v13;
	v11 =	vld [tilespmem:s21+$0x450];
	_ =	sdelay $0x4  }
0xfa: {  	[tilespmem:v42+s15+$0x0] =	vst.idx.add.f32.msk $0xffff, v11  }
0xfb: {  	v43 =	vor.u32 v7, v13;
	v11 =	vld [tilespmem:s21+$0x460]  }
0xfc: {  	v44 =	vsel vm9, $0x0, v10  }
0xfd: {  	(xrf0) =	vadd.scan.msk.s32 $0xffff, v44;
	_ =	sdelay $0x2  }
0xfe: {  	[tilespmem:v43+s15+$0x0] =	vst.idx.add.f32.msk $0xffff, v11  }
0xff: {  	v45 =	vor.u32 v8, v13;
	v11 =	vld [tilespmem:s21+$0x470];
	_ =	sdelay $0x1  }
0x100: {  	v46, _, _ =	vpop (xrf0)  }
0x101: {  	v13 =	vshll.u32 v46, v9  }
0x102: {  	v13 =	vbroadcast v13, $0xF  }
0x103: {  	[tilespmem:v45+s15+$0x0] =	vst.idx.add.f32.msk $0xffff, v11  }
0x104: {  	v47 =	vor.u32 v0, v13;
	v11 =	vld [tilespmem:s21+$0x480];
	_ =	sdelay $0x4  }
0x105: {  	[tilespmem:v47+s15+$0x0] =	vst.idx.add.f32.msk $0xffff, v11  }
0x106: {  	v48 =	vor.u32 v2, v13;
	v11 =	vld [tilespmem:s21+$0x490];
	_ =	sdelay $0x4  }
0x107: {  	[tilespmem:v48+s15+$0x0] =	vst.idx.add.f32.msk $0xffff, v11  }
0x108: {  	v49 =	vor.u32 v3, v13;
	v11 =	vld [tilespmem:s21+$0x4A0];
	_ =	sdelay $0x4  }
0x109: {  	[tilespmem:v49+s15+$0x0] =	vst.idx.add.f32.msk $0xffff, v11  }
0x10a: {  	v50 =	vor.u32 v4, v13;
	v11 =	vld [tilespmem:s21+$0x4B0];
	_ =	sdelay $0x4  }
0x10b: {  	[tilespmem:v50+s15+$0x0] =	vst.idx.add.f32.msk $0xffff, v11  }
0x10c: {  	v51 =	vor.u32 v5, v13;
	v11 =	vld [tilespmem:s21+$0x4C0];
	_ =	sdelay $0x4  }
0x10d: {  	[tilespmem:v51+s15+$0x0] =	vst.idx.add.f32.msk $0xffff, v11  }
0x10e: {  	v52 =	vor.u32 v6, v13;
	v11 =	vld [tilespmem:s21+$0x4D0];
	_ =	sdelay $0x4  }
0x10f: {  	[tilespmem:v52+s15+$0x0] =	vst.idx.add.f32.msk $0xffff, v11  }
0x110: {  	v53 =	vor.u32 v7, v13;
	v11 =	vld [tilespmem:s21+$0x4E0]  }
0x111: {  	v54 =	vsel vm10, $0x0, v10  }
0x112: {  	(xrf0) =	vadd.scan.msk.s32 $0xffff, v54;
	_ =	sdelay $0x2  }
0x113: {  	[tilespmem:v53+s15+$0x0] =	vst.idx.add.f32.msk $0xffff, v11  }
0x114: {  	v55 =	vor.u32 v8, v13;
	v11 =	vld [tilespmem:s21+$0x4F0];
	_ =	sdelay $0x1  }
0x115: {  	v56, _, _ =	vpop (xrf0)  }
0x116: {  	v13 =	vshll.u32 v56, v9  }
0x117: {  	v13 =	vbroadcast v13, $0xF  }
0x118: {  	[tilespmem:v55+s15+$0x0] =	vst.idx.add.f32.msk $0xffff, v11  }
0x119: {  	v57 =	vor.u32 v0, v13;
	v11 =	vld [tilespmem:s21+$0x500];
	_ =	sdelay $0x4  }
0x11a: {  	[tilespmem:v57+s15+$0x0] =	vst.idx.add.f32.msk $0xffff, v11  }
0x11b: {  	v58 =	vor.u32 v2, v13;
	v11 =	vld [tilespmem:s21+$0x510];
	_ =	sdelay $0x4  }
0x11c: {  	[tilespmem:v58+s15+$0x0] =	vst.idx.add.f32.msk $0xffff, v11  }
0x11d: {  	v59 =	vor.u32 v3, v13;
	v11 =	vld [tilespmem:s21+$0x520];
	_ =	sdelay $0x4  }
0x11e: {  	[tilespmem:v59+s15+$0x0] =	vst.idx.add.f32.msk $0xffff, v11  }
0x11f: {  	v60 =	vor.u32 v4, v13;
	v11 =	vld [tilespmem:s21+$0x530];
	_ =	sdelay $0x4  }
0x120: {  	[tilespmem:v60+s15+$0x0] =	vst.idx.add.f32.msk $0xffff, v11  }
0x121: {  	v61 =	vor.u32 v5, v13;
	v11 =	vld [tilespmem:s21+$0x540];
	_ =	sdelay $0x4  }
0x122: {  	[tilespmem:v61+s15+$0x0] =	vst.idx.add.f32.msk $0xffff, v11  }
0x123: {  	v62 =	vor.u32 v6, v13;
	v11 =	vld [tilespmem:s21+$0x550];
	_ =	sdelay $0x4  }
0x124: {  	[tilespmem:v62+s15+$0x0] =	vst.idx.add.f32.msk $0xffff, v11  }
0x125: {  	v63 =	vor.u32 v7, v13;
	v11 =	vld [tilespmem:s21+$0x560]  }
0x126: {  	v16 =	vsel vm11, $0x0, v10  }
0x127: {  	(xrf0) =	vadd.scan.msk.s32 $0xffff, v16;
	_ =	sdelay $0x2  }
0x128: {  	[tilespmem:v63+s15+$0x0] =	vst.idx.add.f32.msk $0xffff, v11  }
0x129: {  	v17 =	vor.u32 v8, v13;
	v11 =	vld [tilespmem:s21+$0x570];
	_ =	sdelay $0x1  }
0x12a: {  	v18, _, _ =	vpop (xrf0)  }
0x12b: {  	v13 =	vshll.u32 v18, v9  }
0x12c: {  	v13 =	vbroadcast v13, $0xF  }
0x12d: {  	[tilespmem:v17+s15+$0x0] =	vst.idx.add.f32.msk $0xffff, v11  }
0x12e: {  	v19 =	vor.u32 v0, v13;
	v11 =	vld [tilespmem:s21+$0x580];
	_ =	sdelay $0x4  }
0x12f: {  	[tilespmem:v19+s15+$0x0] =	vst.idx.add.f32.msk $0xffff, v11  }
0x130: {  	v20 =	vor.u32 v2, v13;
	v11 =	vld [tilespmem:s21+$0x590];
	_ =	sdelay $0x4  }
0x131: {  	[tilespmem:v20+s15+$0x0] =	vst.idx.add.f32.msk $0xffff, v11  }
0x132: {  	v21 =	vor.u32 v3, v13;
	v11 =	vld [tilespmem:s21+$0x5A0];
	_ =	sdelay $0x4  }
0x133: {  	[tilespmem:v21+s15+$0x0] =	vst.idx.add.f32.msk $0xffff, v11  }
0x134: {  	v22 =	vor.u32 v4, v13;
	v11 =	vld [tilespmem:s21+$0x5B0];
	_ =	sdelay $0x4  }
0x135: {  	[tilespmem:v22+s15+$0x0] =	vst.idx.add.f32.msk $0xffff, v11  }
0x136: {  	v23 =	vor.u32 v5, v13;
	v11 =	vld [tilespmem:s21+$0x5C0];
	_ =	sdelay $0x4  }
0x137: {  	[tilespmem:v23+s15+$0x0] =	vst.idx.add.f32.msk $0xffff, v11  }
0x138: {  	v24 =	vor.u32 v6, v13;
	v11 =	vld [tilespmem:s21+$0x5D0];
	_ =	sdelay $0x4  }
0x139: {  	[tilespmem:v24+s15+$0x0] =	vst.idx.add.f32.msk $0xffff, v11  }
0x13a: {  	v25 =	vor.u32 v7, v13;
	v11 =	vld [tilespmem:s21+$0x5E0]  }
0x13b: {  	v26 =	vsel vm12, $0x0, v10  }
0x13c: {  	(xrf0) =	vadd.scan.msk.s32 $0xffff, v26;
	_ =	sdelay $0x2  }
0x13d: {  	[tilespmem:v25+s15+$0x0] =	vst.idx.add.f32.msk $0xffff, v11  }
0x13e: {  	v27 =	vor.u32 v8, v13;
	v11 =	vld [tilespmem:s21+$0x5F0];
	_ =	sdelay $0x1  }
0x13f: {  	v28, _, _ =	vpop (xrf0)  }
0x140: {  	v13 =	vshll.u32 v28, v9  }
0x141: {  	v13 =	vbroadcast v13, $0xF  }
0x142: {  	[tilespmem:v27+s15+$0x0] =	vst.idx.add.f32.msk $0xffff, v11  }
0x143: {  	v29 =	vor.u32 v0, v13;
	v11 =	vld [tilespmem:s21+$0x600];
	_ =	sdelay $0x4  }
0x144: {  	[tilespmem:v29+s15+$0x0] =	vst.idx.add.f32.msk $0xffff, v11  }
0x145: {  	v30 =	vor.u32 v2, v13;
	v11 =	vld [tilespmem:s21+$0x610];
	_ =	sdelay $0x4  }
0x146: {  	[tilespmem:v30+s15+$0x0] =	vst.idx.add.f32.msk $0xffff, v11  }
0x147: {  	v31 =	vor.u32 v3, v13;
	v11 =	vld [tilespmem:s21+$0x620];
	_ =	sdelay $0x4  }
0x148: {  	[tilespmem:v31+s15+$0x0] =	vst.idx.add.f32.msk $0xffff, v11  }
0x149: {  	v32 =	vor.u32 v4, v13;
	v11 =	vld [tilespmem:s21+$0x630];
	_ =	sdelay $0x4  }
0x14a: {  	[tilespmem:v32+s15+$0x0] =	vst.idx.add.f32.msk $0xffff, v11  }
0x14b: {  	v33 =	vor.u32 v5, v13;
	v11 =	vld [tilespmem:s21+$0x640];
	_ =	sdelay $0x4  }
0x14c: {  	[tilespmem:v33+s15+$0x0] =	vst.idx.add.f32.msk $0xffff, v11  }
0x14d: {  	v34 =	vor.u32 v6, v13;
	v11 =	vld [tilespmem:s21+$0x650];
	_ =	sdelay $0x4  }
0x14e: {  	[tilespmem:v34+s15+$0x0] =	vst.idx.add.f32.msk $0xffff, v11  }
0x14f: {  	v35 =	vor.u32 v7, v13;
	v11 =	vld [tilespmem:s21+$0x660]  }
0x150: {  	v36 =	vsel vm13, $0x0, v10  }
0x151: {  	(xrf0) =	vadd.scan.msk.s32 $0xffff, v36;
	_ =	sdelay $0x2  }
0x152: {  	[tilespmem:v35+s15+$0x0] =	vst.idx.add.f32.msk $0xffff, v11  }
0x153: {  	v37 =	vor.u32 v8, v13;
	v11 =	vld [tilespmem:s21+$0x670];
	_ =	sdelay $0x1  }
0x154: {  	v38, _, _ =	vpop (xrf0)  }
0x155: {  	v13 =	vshll.u32 v38, v9  }
0x156: {  	v13 =	vbroadcast v13, $0xF  }
0x157: {  	[tilespmem:v37+s15+$0x0] =	vst.idx.add.f32.msk $0xffff, v11  }
0x158: {  	v39 =	vor.u32 v0, v13;
	v11 =	vld [tilespmem:s21+$0x680];
	_ =	sdelay $0x4  }
0x159: {  	[tilespmem:v39+s15+$0x0] =	vst.idx.add.f32.msk $0xffff, v11  }
0x15a: {  	v40 =	vor.u32 v2, v13;
	v11 =	vld [tilespmem:s21+$0x690];
	_ =	sdelay $0x4  }
0x15b: {  	[tilespmem:v40+s15+$0x0] =	vst.idx.add.f32.msk $0xffff, v11  }
0x15c: {  	v41 =	vor.u32 v3, v13;
	v11 =	vld [tilespmem:s21+$0x6A0];
	_ =	sdelay $0x4  }
0x15d: {  	[tilespmem:v41+s15+$0x0] =	vst.idx.add.f32.msk $0xffff, v11  }
0x15e: {  	v42 =	vor.u32 v4, v13;
	v11 =	vld [tilespmem:s21+$0x6B0];
	_ =	sdelay $0x4  }
0x15f: {  	[tilespmem:v42+s15+$0x0] =	vst.idx.add.f32.msk $0xffff, v11  }
0x160: {  	v43 =	vor.u32 v5, v13;
	v11 =	vld [tilespmem:s21+$0x6C0];
	_ =	sdelay $0x4  }
0x161: {  	[tilespmem:v43+s15+$0x0] =	vst.idx.add.f32.msk $0xffff, v11  }
0x162: {  	v44 =	vor.u32 v6, v13;
	v11 =	vld [tilespmem:s21+$0x6D0];
	_ =	sdelay $0x4  }
0x163: {  	[tilespmem:v44+s15+$0x0] =	vst.idx.add.f32.msk $0xffff, v11  }
0x164: {  	v45 =	vor.u32 v7, v13;
	v11 =	vld [tilespmem:s21+$0x6E0]  }
0x165: {  	v46 =	vsel vm14, $0x0, v10  }
0x166: {  	(xrf0) =	vadd.scan.msk.s32 $0xffff, v46;
	_ =	sdelay $0x2  }
0x167: {  	[tilespmem:v45+s15+$0x0] =	vst.idx.add.f32.msk $0xffff, v11  }
0x168: {  	v47 =	vor.u32 v8, v13;
	v11 =	vld [tilespmem:s21+$0x6F0];
	_ =	sdelay $0x1  }
0x169: {  	v48, _, _ =	vpop (xrf0)  }
0x16a: {  	v13 =	vshll.u32 v48, v9  }
0x16b: {  	v13 =	vbroadcast v13, $0xF  }
0x16c: {  	[tilespmem:v47+s15+$0x0] =	vst.idx.add.f32.msk $0xffff, v11  }
0x16d: {  	v49 =	vor.u32 v0, v13;
	v11 =	vld [tilespmem:s21+$0x700];
	_ =	sdelay $0x4  }
0x16e: {  	[tilespmem:v49+s15+$0x0] =	vst.idx.add.f32.msk $0xffff, v11  }
0x16f: {  	v50 =	vor.u32 v2, v13;
	v11 =	vld [tilespmem:s21+$0x710];
	_ =	sdelay $0x4  }
0x170: {  	[tilespmem:v50+s15+$0x0] =	vst.idx.add.f32.msk $0xffff, v11  }
0x171: {  	v51 =	vor.u32 v3, v13;
	v11 =	vld [tilespmem:s21+$0x720];
	_ =	sdelay $0x4  }
0x172: {  	[tilespmem:v51+s15+$0x0] =	vst.idx.add.f32.msk $0xffff, v11  }
0x173: {  	v52 =	vor.u32 v4, v13;
	v11 =	vld [tilespmem:s21+$0x730];
	_ =	sdelay $0x4  }
0x174: {  	[tilespmem:v52+s15+$0x0] =	vst.idx.add.f32.msk $0xffff, v11  }
0x175: {  	v53 =	vor.u32 v5, v13;
	v11 =	vld [tilespmem:s21+$0x740];
	_ =	sdelay $0x4  }
0x176: {  	[tilespmem:v53+s15+$0x0] =	vst.idx.add.f32.msk $0xffff, v11  }
0x177: {  	v54 =	vor.u32 v6, v13;
	v11 =	vld [tilespmem:s21+$0x750];
	_ =	sdelay $0x4  }
0x178: {  	[tilespmem:v54+s15+$0x0] =	vst.idx.add.f32.msk $0xffff, v11  }
0x179: {  	v55 =	vor.u32 v7, v13;
	v11 =	vld [tilespmem:s21+$0x760]  }
0x17a: {  	v10 =	vsel vm15, $0x0, v10  }
0x17b: {  	(xrf0) =	vadd.scan.msk.s32 $0xffff, v10;
	_ =	sdelay $0x2  }
0x17c: {  	[tilespmem:v55+s15+$0x0] =	vst.idx.add.f32.msk $0xffff, v11  }
0x17d: {  	v56 =	vor.u32 v8, v13;
	v11 =	vld [tilespmem:s21+$0x770];
	_ =	sdelay $0x1  }
0x17e: {  	v10, _, _ =	vpop (xrf0)  }
0x17f: {  	v10 =	vshll.u32 v10, v9  }
0x180: {  	v10 =	vbroadcast v10, $0xF  }
0x181: {  	[tilespmem:v56+s15+$0x0] =	vst.idx.add.f32.msk $0xffff, v11  }
0x182: {  	v57 =	vor.u32 v0, v10;
	v11 =	vld [tilespmem:s21+$0x780];
	_ =	sdelay $0x4  }
0x183: {  	[tilespmem:v57+s15+$0x0] =	vst.idx.add.f32.msk $0xffff, v11  }
0x184: {  	v58 =	vor.u32 v2, v10;
	v11 =	vld [tilespmem:s21+$0x790];
	_ =	sdelay $0x4  }
0x185: {  	[tilespmem:v58+s15+$0x0] =	vst.idx.add.f32.msk $0xffff, v11  }
0x186: {  	v59 =	vor.u32 v3, v10;
	v11 =	vld [tilespmem:s21+$0x7A0];
	_ =	sdelay $0x4  }
0x187: {  	[tilespmem:v59+s15+$0x0] =	vst.idx.add.f32.msk $0xffff, v11  }
0x188: {  	v60 =	vor.u32 v4, v10;
	v11 =	vld [tilespmem:s21+$0x7B0];
	_ =	sdelay $0x4  }
0x189: {  	[tilespmem:v60+s15+$0x0] =	vst.idx.add.f32.msk $0xffff, v11  }
0x18a: {  	v61 =	vor.u32 v5, v10;
	v11 =	vld [tilespmem:s21+$0x7C0];
	_ =	sdelay $0x4  }
0x18b: {  	[tilespmem:v61+s15+$0x0] =	vst.idx.add.f32.msk $0xffff, v11  }
0x18c: {  	v62 =	vor.u32 v6, v10;
	v11 =	vld [tilespmem:s21+$0x7D0];
	_ =	sdelay $0x4  }
0x18d: {  	[tilespmem:v62+s15+$0x0] =	vst.idx.add.f32.msk $0xffff, v11  }
0x18e: {  	v63 =	vor.u32 v7, v10;
	v11 =	vld [tilespmem:s21+$0x7E0];
	_ =	sdelay $0x4  }
0x18f: {  	[tilespmem:v63+s15+$0x0] =	vst.idx.add.f32.msk $0xffff, v11  }
0x190: {  	v11 =	vld [tilespmem:s21+$0x7F0]  }
.LBB2_9:
0x191: {  	s20 =	sadd.s32 $0x1, s20  }
0x192: {  	v10 =	vor.u32 v8, v10;
	p0 =	sne.s32 s20, $0x28  }
.Ltmp7:
0x193: {  	_ = 	snop;
	(pc) =	sbr.rel @!p0 .LBB2_10-.Ltmp7, $2  }
0x194: {  	_ =	sdelay $0x2  }
0x195: {  	[tilespmem:v10+s15+$0x0] =	vst.idx.add.f32.msk $0xffff, v11  }
.LBB2_6:
0x196: {  	s21 =	sshll.u32 s20, $0x4  }
0x197: {  	s21 =	sand.u32 $0x3FFFFFF0, s21  }
0x198: {  	v10 =	vld [tilespmem:s21+$0x14000];
	_ =	sdelay $0x4  }
0x199: {  	v11 =	vxor.u32 $0x80000000, v10  }
0x19a: {  	(xrf0) =	vmin.scan.msk.u32 $0xffff, v11  }
0x19b: {  	(xrf0) =	vmax.scan.msk.u32 $0xffff, v11;
	_ =	sdelay $0x4  }
0x19c: {  	v11, _, _ =	vpop (xrf0)  }
0x19d: {  	(v2sf) =	vpush v11, $0xF;
	v11, _, _ =	vpop (xrf0)  }
0x19e: {  	(v2sf) =	vpush v11, $0xF;
	_ =	sdelay $0xd  }
0x19f: {  	s22 =	spop (v2sf)  }
0x1a0: {  	s30 =	spop (v2sf)  }
0x1a1: {  	p0 =	sne.s32 s22, s30  }
.Ltmp8:
0x1a2: {  	_ = 	snop;
	(pc) =	sbr.rel @p0 .LBB2_8-.Ltmp8, $3  }
0x1a3: {  	_ =	sdelay $0x1  }
0x1a4: {  	s31 =	sshll.u32 s20, $0xB  }
0x1a5: {  	s21 =	sand.u32 $0x3FFFF800, s31  }
0x1a6: {  	v10 =	vld [tilespmem:s21+$0x0]  }
0x1a7: {  	v11 =	vld [tilespmem:s21+$0x80]  }
0x1a8: {  	v12 =	vld [tilespmem:s21+$0x100]  }
0x1a9: {  	v13 =	vld [tilespmem:s21+$0x180]  }
0x1aa: {  	v14 =	vld [tilespmem:s21+$0x200]  }
0x1ab: {  	v15 =	vld [tilespmem:s21+$0x280]  }
0x1ac: {  	v16 =	vld [tilespmem:s21+$0x300]  }
0x1ad: {  	v17 =	vld [tilespmem:s21+$0x380]  }
0x1ae: {  	v18 =	vld [tilespmem:s21+$0x400]  }
0x1af: {  	v19 =	vld [tilespmem:s21+$0x480]  }
0x1b0: {  	v20 =	vld [tilespmem:s21+$0x500]  }
0x1b1: {  	v21 =	vld [tilespmem:s21+$0x580]  }
0x1b2: {  	v22 =	vld [tilespmem:s21+$0x600]  }
0x1b3: {  	v23 =	vld [tilespmem:s21+$0x680]  }
0x1b4: {  	v24 =	vld [tilespmem:s21+$0x700]  }
0x1b5: {  	v25 =	vld [tilespmem:s21+$0x780];
	_ =	sdelay $0x1  }
0x1b6: {  	v10 =	vadd.f32 v11, v10;
	v11 =	vadd.f32 v13, v12  }
0x1b7: {  	v53 =	vadd.f32 v15, v14;
	v54 =	vadd.f32 v17, v16  }
0x1b8: {  	v55 =	vadd.f32 v19, v18;
	v56 =	vadd.f32 v21, v20  }
0x1b9: {  	v57 =	vadd.f32 v23, v22;
	v58 =	vadd.f32 v25, v24  }
0x1ba: {  	v10 =	vadd.f32 v11, v10;
	v11 =	vadd.f32 v54, v53  }
0x1bb: {  	s22 =	sshll.u32 s22, $0x7;
	v59 =	vadd.f32 v56, v55;
	v60 =	vadd.f32 v58, v57  }
0x1bc: {  	v61 =	vor.u32 s22, v0  }
0x1bd: {  	v10 =	vadd.f32 v11, v10;
	v11 =	vadd.f32 v60, v59;
	_ =	sdelay $0x1  }
0x1be: {  	v10 =	vadd.f32 v11, v10;
	_ =	sdelay $0x1  }
0x1bf: {  	[tilespmem:v61+s15+$0x0] =	vst.idx.add.f32.msk $0xffff, v10  }
0x1c0: {  	v10 =	vld [tilespmem:s21+$0x10]  }
0x1c1: {  	v11 =	vld [tilespmem:s21+$0x90]  }
0x1c2: {  	v62 =	vld [tilespmem:s21+$0x110]  }
0x1c3: {  	v63 =	vld [tilespmem:s21+$0x190]  }
0x1c4: {  	v14 =	vld [tilespmem:s21+$0x210]  }
0x1c5: {  	v28 =	vld [tilespmem:s21+$0x290]  }
0x1c6: {  	v29 =	vld [tilespmem:s21+$0x310]  }
0x1c7: {  	v30 =	vld [tilespmem:s21+$0x390]  }
0x1c8: {  	v31 =	vld [tilespmem:s21+$0x410]  }
0x1c9: {  	v32 =	vld [tilespmem:s21+$0x490]  }
0x1ca: {  	v33 =	vld [tilespmem:s21+$0x510]  }
0x1cb: {  	v34 =	vld [tilespmem:s21+$0x590]  }
0x1cc: {  	v35 =	vld [tilespmem:s21+$0x610]  }
0x1cd: {  	v36 =	vld [tilespmem:s21+$0x690]  }
0x1ce: {  	v37 =	vld [tilespmem:s21+$0x710]  }
0x1cf: {  	v38 =	vld [tilespmem:s21+$0x790];
	_ =	sdelay $0x1  }
0x1d0: {  	v10 =	vadd.f32 v11, v10;
	v11 =	vadd.f32 v63, v62  }
0x1d1: {  	v39 =	vadd.f32 v28, v14;
	v40 =	vadd.f32 v30, v29  }
0x1d2: {  	v41 =	vadd.f32 v32, v31;
	v42 =	vadd.f32 v34, v33  }
0x1d3: {  	v43 =	vadd.f32 v36, v35;
	v44 =	vadd.f32 v38, v37  }
0x1d4: {  	v10 =	vadd.f32 v11, v10;
	v11 =	vadd.f32 v40, v39  }
0x1d5: {  	v45 =	vadd.f32 v42, v41;
	v46 =	vadd.f32 v44, v43  }
0x1d6: {  	v47 =	vor.u32 s22, v2  }
0x1d7: {  	v10 =	vadd.f32 v11, v10;
	v11 =	vadd.f32 v46, v45;
	_ =	sdelay $0x1  }
0x1d8: {  	v10 =	vadd.f32 v11, v10;
	_ =	sdelay $0x1  }
0x1d9: {  	[tilespmem:v47+s15+$0x0] =	vst.idx.add.f32.msk $0xffff, v10  }
0x1da: {  	v10 =	vld [tilespmem:s21+$0x20]  }
0x1db: {  	v11 =	vld [tilespmem:s21+$0xA0]  }
0x1dc: {  	v48 =	vld [tilespmem:s21+$0x120]  }
0x1dd: {  	v49 =	vld [tilespmem:s21+$0x1A0]  }
0x1de: {  	v14 =	vld [tilespmem:s21+$0x220]  }
0x1df: {  	v50 =	vld [tilespmem:s21+$0x2A0]  }
0x1e0: {  	v51 =	vld [tilespmem:s21+$0x320]  }
0x1e1: {  	v52 =	vld [tilespmem:s21+$0x3A0]  }
0x1e2: {  	v53 =	vld [tilespmem:s21+$0x420]  }
0x1e3: {  	v54 =	vld [tilespmem:s21+$0x4A0]  }
0x1e4: {  	v55 =	vld [tilespmem:s21+$0x520]  }
0x1e5: {  	v56 =	vld [tilespmem:s21+$0x5A0]  }
0x1e6: {  	v57 =	vld [tilespmem:s21+$0x620]  }
0x1e7: {  	v58 =	vld [tilespmem:s21+$0x6A0]  }
0x1e8: {  	v59 =	vld [tilespmem:s21+$0x720]  }
0x1e9: {  	v60 =	vld [tilespmem:s21+$0x7A0];
	_ =	sdelay $0x1  }
0x1ea: {  	v10 =	vadd.f32 v11, v10;
	v11 =	vadd.f32 v49, v48  }
0x1eb: {  	v61 =	vadd.f32 v50, v14;
	v62 =	vadd.f32 v52, v51  }
0x1ec: {  	v63 =	vadd.f32 v54, v53;
	v21 =	vadd.f32 v56, v55  }
0x1ed: {  	v23 =	vadd.f32 v58, v57;
	v25 =	vadd.f32 v60, v59  }
0x1ee: {  	v10 =	vadd.f32 v11, v10;
	v11 =	vadd.f32 v62, v61  }
0x1ef: {  	v26 =	vadd.f32 v21, v63;
	v27 =	vadd.f32 v25, v23  }
0x1f0: {  	v28 =	vor.u32 s22, v3  }
0x1f1: {  	v10 =	vadd.f32 v11, v10;
	v11 =	vadd.f32 v27, v26;
	_ =	sdelay $0x1  }
0x1f2: {  	v10 =	vadd.f32 v11, v10;
	_ =	sdelay $0x1  }
0x1f3: {  	[tilespmem:v28+s15+$0x0] =	vst.idx.add.f32.msk $0xffff, v10  }
0x1f4: {  	v10 =	vld [tilespmem:s21+$0x30]  }
0x1f5: {  	v11 =	vld [tilespmem:s21+$0xB0]  }
0x1f6: {  	v29 =	vld [tilespmem:s21+$0x130]  }
0x1f7: {  	v30 =	vld [tilespmem:s21+$0x1B0]  }
0x1f8: {  	v14 =	vld [tilespmem:s21+$0x230]  }
0x1f9: {  	v31 =	vld [tilespmem:s21+$0x2B0]  }
0x1fa: {  	v32 =	vld [tilespmem:s21+$0x330]  }
0x1fb: {  	v33 =	vld [tilespmem:s21+$0x3B0]  }
0x1fc: {  	v34 =	vld [tilespmem:s21+$0x430]  }
0x1fd: {  	v35 =	vld [tilespmem:s21+$0x4B0]  }
0x1fe: {  	v36 =	vld [tilespmem:s21+$0x530]  }
0x1ff: {  	v37 =	vld [tilespmem:s21+$0x5B0]  }
0x200: {  	v38 =	vld [tilespmem:s21+$0x630]  }
0x201: {  	v39 =	vld [tilespmem:s21+$0x6B0]  }
0x202: {  	v40 =	vld [tilespmem:s21+$0x730]  }
0x203: {  	v41 =	vld [tilespmem:s21+$0x7B0];
	_ =	sdelay $0x1  }
0x204: {  	v10 =	vadd.f32 v11, v10;
	v11 =	vadd.f32 v30, v29  }
0x205: {  	v42 =	vadd.f32 v31, v14;
	v43 =	vadd.f32 v33, v32  }
0x206: {  	v44 =	vadd.f32 v35, v34;
	v45 =	vadd.f32 v37, v36  }
0x207: {  	v46 =	vadd.f32 v39, v38;
	v47 =	vadd.f32 v41, v40  }
0x208: {  	v10 =	vadd.f32 v11, v10;
	v11 =	vadd.f32 v43, v42  }
0x209: {  	v48 =	vadd.f32 v45, v44;
	v49 =	vadd.f32 v47, v46  }
0x20a: {  	v50 =	vor.u32 s22, v4  }
0x20b: {  	v10 =	vadd.f32 v11, v10;
	v11 =	vadd.f32 v49, v48;
	_ =	sdelay $0x1  }
0x20c: {  	v10 =	vadd.f32 v11, v10;
	_ =	sdelay $0x1  }
0x20d: {  	[tilespmem:v50+s15+$0x0] =	vst.idx.add.f32.msk $0xffff, v10  }
0x20e: {  	v10 =	vld [tilespmem:s21+$0x40]  }
0x20f: {  	v11 =	vld [tilespmem:s21+$0xC0]  }
0x210: {  	v51 =	vld [tilespmem:s21+$0x140]  }
0x211: {  	v52 =	vld [tilespmem:s21+$0x1C0]  }
0x212: {  	v14 =	vld [tilespmem:s21+$0x240]  }
0x213: {  	v53 =	vld [tilespmem:s21+$0x2C0]  }
0x214: {  	v54 =	vld [tilespmem:s21+$0x340]  }
0x215: {  	v55 =	vld [tilespmem:s21+$0x3C0]  }
0x216: {  	v56 =	vld [tilespmem:s21+$0x440]  }
0x217: {  	v57 =	vld [tilespmem:s21+$0x4C0]  }
0x218: {  	v58 =	vld [tilespmem:s21+$0x540]  }
0x219: {  	v59 =	vld [tilespmem:s21+$0x5C0]  }
0x21a: {  	v60 =	vld [tilespmem:s21+$0x640]  }
0x21b: {  	v61 =	vld [tilespmem:s21+$0x6C0]  }
0x21c: {  	v62 =	vld [tilespmem:s21+$0x740]  }
0x21d: {  	v63 =	vld [tilespmem:s21+$0x7C0];
	_ =	sdelay $0x1  }
0x21e: {  	v10 =	vadd.f32 v11, v10;
	v11 =	vadd.f32 v52, v51  }
0x21f: {  	v26 =	vadd.f32 v53, v14;
	v27 =	vadd.f32 v55, v54  }
0x220: {  	v28 =	vadd.f32 v57, v56;
	v29 =	vadd.f32 v59, v58  }
0x221: {  	v30 =	vadd.f32 v61, v60;
	v31 =	vadd.f32 v63, v62  }
0x222: {  	v10 =	vadd.f32 v11, v10;
	v11 =	vadd.f32 v27, v26  }
0x223: {  	v32 =	vadd.f32 v29, v28;
	v33 =	vadd.f32 v31, v30  }
0x224: {  	v34 =	vor.u32 s22, v5  }
0x225: {  	v10 =	vadd.f32 v11, v10;
	v11 =	vadd.f32 v33, v32;
	_ =	sdelay $0x1  }
0x226: {  	v10 =	vadd.f32 v11, v10;
	_ =	sdelay $0x1  }
0x227: {  	[tilespmem:v34+s15+$0x0] =	vst.idx.add.f32.msk $0xffff, v10  }
0x228: {  	v10 =	vld [tilespmem:s21+$0x50]  }
0x229: {  	v11 =	vld [tilespmem:s21+$0xD0]  }
0x22a: {  	v35 =	vld [tilespmem:s21+$0x150]  }
0x22b: {  	v36 =	vld [tilespmem:s21+$0x1D0]  }
0x22c: {  	v14 =	vld [tilespmem:s21+$0x250]  }
0x22d: {  	v37 =	vld [tilespmem:s21+$0x2D0]  }
0x22e: {  	v38 =	vld [tilespmem:s21+$0x350]  }
0x22f: {  	v39 =	vld [tilespmem:s21+$0x3D0]  }
0x230: {  	v40 =	vld [tilespmem:s21+$0x450]  }
0x231: {  	v41 =	vld [tilespmem:s21+$0x4D0]  }
0x232: {  	v42 =	vld [tilespmem:s21+$0x550]  }
0x233: {  	v43 =	vld [tilespmem:s21+$0x5D0]  }
0x234: {  	v44 =	vld [tilespmem:s21+$0x650]  }
0x235: {  	v45 =	vld [tilespmem:s21+$0x6D0]  }
0x236: {  	v46 =	vld [tilespmem:s21+$0x750]  }
0x237: {  	v47 =	vld [tilespmem:s21+$0x7D0];
	_ =	sdelay $0x1  }
0x238: {  	v10 =	vadd.f32 v11, v10;
	v11 =	vadd.f32 v36, v35  }
0x239: {  	v48 =	vadd.f32 v37, v14;
	v49 =	vadd.f32 v39, v38  }
0x23a: {  	v50 =	vadd.f32 v41, v40;
	v51 =	vadd.f32 v43, v42  }
0x23b: {  	v52 =	vadd.f32 v45, v44;
	v53 =	vadd.f32 v47, v46  }
0x23c: {  	v10 =	vadd.f32 v11, v10;
	v11 =	vadd.f32 v49, v48  }
0x23d: {  	v54 =	vadd.f32 v51, v50;
	v55 =	vadd.f32 v53, v52  }
0x23e: {  	v56 =	vor.u32 s22, v6  }
0x23f: {  	v10 =	vadd.f32 v11, v10;
	v11 =	vadd.f32 v55, v54;
	_ =	sdelay $0x1  }
0x240: {  	v10 =	vadd.f32 v11, v10;
	_ =	sdelay $0x1  }
0x241: {  	[tilespmem:v56+s15+$0x0] =	vst.idx.add.f32.msk $0xffff, v10  }
0x242: {  	v10 =	vld [tilespmem:s21+$0x60]  }
0x243: {  	v11 =	vld [tilespmem:s21+$0xE0]  }
0x244: {  	v57 =	vld [tilespmem:s21+$0x160]  }
0x245: {  	v58 =	vld [tilespmem:s21+$0x1E0]  }
0x246: {  	v14 =	vld [tilespmem:s21+$0x260]  }
0x247: {  	v59 =	vld [tilespmem:s21+$0x2E0]  }
0x248: {  	v60 =	vld [tilespmem:s21+$0x360]  }
0x249: {  	v61 =	vld [tilespmem:s21+$0x3E0]  }
0x24a: {  	v62 =	vld [tilespmem:s21+$0x460]  }
0x24b: {  	v63 =	vld [tilespmem:s21+$0x4E0]  }
0x24c: {  	v28 =	vld [tilespmem:s21+$0x560]  }
0x24d: {  	v29 =	vld [tilespmem:s21+$0x5E0]  }
0x24e: {  	v30 =	vld [tilespmem:s21+$0x660]  }
0x24f: {  	v31 =	vld [tilespmem:s21+$0x6E0]  }
0x250: {  	v32 =	vld [tilespmem:s21+$0x760]  }
0x251: {  	v33 =	vld [tilespmem:s21+$0x7E0];
	_ =	sdelay $0x1  }
0x252: {  	v10 =	vadd.f32 v11, v10;
	v11 =	vadd.f32 v58, v57  }
0x253: {  	v34 =	vadd.f32 v59, v14;
	v35 =	vadd.f32 v61, v60  }
0x254: {  	v36 =	vadd.f32 v63, v62;
	v37 =	vadd.f32 v29, v28  }
0x255: {  	v38 =	vadd.f32 v31, v30;
	v39 =	vadd.f32 v33, v32  }
0x256: {  	v10 =	vadd.f32 v11, v10;
	v11 =	vadd.f32 v35, v34  }
0x257: {  	v40 =	vadd.f32 v37, v36;
	v41 =	vadd.f32 v39, v38  }
0x258: {  	v42 =	vor.u32 s22, v7  }
0x259: {  	v10 =	vadd.f32 v11, v10;
	v11 =	vadd.f32 v41, v40;
	_ =	sdelay $0x1  }
0x25a: {  	v10 =	vadd.f32 v11, v10;
	_ =	sdelay $0x1  }
0x25b: {  	[tilespmem:v42+s15+$0x0] =	vst.idx.add.f32.msk $0xffff, v10  }
0x25c: {  	v10 =	vld [tilespmem:s21+$0x70]  }
0x25d: {  	v11 =	vld [tilespmem:s21+$0xF0]  }
0x25e: {  	v43 =	vld [tilespmem:s21+$0x170]  }
0x25f: {  	v44 =	vld [tilespmem:s21+$0x1F0]  }
0x260: {  	v14 =	vld [tilespmem:s21+$0x270]  }
0x261: {  	v45 =	vld [tilespmem:s21+$0x2F0]  }
0x262: {  	v46 =	vld [tilespmem:s21+$0x370]  }
0x263: {  	v47 =	vld [tilespmem:s21+$0x3F0]  }
0x264: {  	v48 =	vld [tilespmem:s21+$0x470]  }
0x265: {  	v49 =	vld [tilespmem:s21+$0x4F0]  }
0x266: {  	v50 =	vld [tilespmem:s21+$0x570]  }
0x267: {  	v51 =	vld [tilespmem:s21+$0x5F0]  }
0x268: {  	v52 =	vld [tilespmem:s21+$0x670]  }
0x269: {  	v53 =	vld [tilespmem:s21+$0x6F0]  }
0x26a: {  	v54 =	vld [tilespmem:s21+$0x770]  }
0x26b: {  	v55 =	vld [tilespmem:s21+$0x7F0];
	_ =	sdelay $0x1  }
0x26c: {  	v10 =	vadd.f32 v11, v10;
	v11 =	vadd.f32 v44, v43  }
0x26d: {  	v56 =	vadd.f32 v45, v14;
	v57 =	vadd.f32 v47, v46  }
0x26e: {  	v58 =	vadd.f32 v49, v48;
	v59 =	vadd.f32 v51, v50  }
0x26f: {  	v60 =	vadd.f32 v53, v52;
	v61 =	vadd.f32 v55, v54  }
0x270: {  	v10 =	vadd.f32 v11, v10;
	v11 =	vadd.f32 v57, v56  }
.Ltmp9:
0x271: {  	v62 =	vadd.f32 v59, v58;
	v63 =	vadd.f32 v61, v60;
	(pc) =	sbr.rel .LBB2_9-.Ltmp9, $3  }
0x272: {  	_ = 	snop  }
0x273: {  	v11 =	vadd.f32 v11, v10;
	v12 =	vadd.f32 v63, v62;
	_ =	sdelay $0x1  }
0x274: {  	v10 =	vmov s22;
	v11 =	vadd.f32 v12, v11  }
.LBB2_11:
.Ltmp10:
0x275: {  	(pc) =	sbr.rel .LBB2_12-.Ltmp10, $2  }
0x276: {  	_ =	sdelay $0x2  }
0x277: {  	s19 =	simm.s32 $0x0  }
.LBB2_18:
0x278: {  	s19 =	sadd.s32 $0x1, s19  }
0x279: {  	p0 =	sne.s32 s19, $0x5  }
.Ltmp11:
0x27a: {  	_ = 	snop;
	(pc) =	sbr.rel @!p0 .LBB2_19-.Ltmp11, $1  }
0x27b: {  	_ =	sdelay $0x3  }
.LBB2_12:
0x27c: {  	s20 =	sshll.u32 s19, $0x5  }
0x27d: {  	s20 =	sor.u32 s5, s20  }
0x27e: {  	p0 =	sgt.u32 s20, $0x9C  }
.Ltmp12:
0x27f: {  	_ = 	snop;
	(pc) =	sbr.rel @p0 .LBB2_18-.Ltmp12, $1  }
0x280: {  	_ =	sdelay $0x3  }
0x281: {  	s21 =	smul.u32 $0x280, s20;
	_ =	sdelay $0x1  }
0x282: {  	s21 =	sadd.s32 s7, s21  }
0x283: {  	[tilespmem:s16], [sflag:$0x1] =	stream.linear.gather [hbm4b:s21+s2], $0x1400, $0x38;
	[tilespmem:$0x19E80] =	vst v63  }
0x284: {  	_ =	swait.ge [sflag:s14], $0x1400  }
0x285: {  	p0 =	seq.s32 s20, $0x9C;
	[sflag:s14] =	ssyncset.done $0x0  }
0x286: {  	s21 =	simm.s32 @p0 $0x0;
	[sflag:s14] =	ssyncadd.s32 $0xFFFFEC00  }
0x287: {  	[tilespmem:s21], [sflag:$0x1] =	stream.linear.gather @p0 [hbm4b:s9+s21], $0x5000, $0x38;
	[tilespmem:$0x19E80] =	vst v63  }
0x288: {  	s21 =	simm.s32 @p0 $0x1  }
0x289: {  	s20 =	smul.u32 @!p0 $0x2800, s20;
	_ =	swait.ge @p0 [sflag:s21], $0x5000  }
0x28a: {  	[sflag:s21] =	ssyncset.done @p0 $0x0  }
0x28b: {  	s20 =	sadd.s32 @!p0 s6, s20;
	[sflag:s21] =	ssyncadd.s32 @p0 $0xFFFFB000;
	s21 =	simm.s32 @!p0 $0x0  }
0x28c: {  	[tilespmem:s21], [sflag:$0x1] =	stream.linear.gather @!p0 [hbm4b:s20+s21], $0x14000, $0x38;
	[tilespmem:$0x19E80] =	vst v63  }
.Ltmp13:
0x28d: {  	_ = 	snop;
	(pc) =	sbr.rel .LBB2_14-.Ltmp13, $4  }
0x28e: {  	s20 =	simm.s32 @!p0 $0x1  }
0x28f: {  	_ =	swait.ge @!p0 [sflag:s20], $0x14000  }
0x290: {  	[sflag:s20] =	ssyncset.done @!p0 $0x0  }
0x291: {  	s21 =	simm.s32 $0x80;
	[sflag:s20] =	ssyncadd.s32 @!p0 $0xFFFEC000;
	s20 =	simm.s32 $0x0  }
.LBB2_16:
0x292: {  	v11 =	vnsel vm0, $0x0, v10  }
0x293: {  	(xrf0) =	vadd.scan.msk.s32 $0xffff, v11;
	_ =	sdelay $0x4  }
0x294: {  	v11 =	vsel vm1, $0x0, v10  }
0x295: {  	v12, _, _ =	vpop (xrf0);
	(xrf0) =	vadd.scan.msk.s32 $0xffff, v11  }
0x296: {  	v11 =	vshll.u32 v12, v9  }
0x297: {  	v11 =	vbroadcast v11, $0xF;
	_ =	sdelay $0x1  }
0x298: {  	v59 =	vld [tilespmem:s21+$0xFFFFFF80];
	v11 =	vor.u32 v0, v11  }
0x299: {  	v13 =	vsel vm2, $0x0, v10  }
0x29a: {  	v14, _, _ =	vpop (xrf0);
	(xrf0) =	vadd.scan.msk.s32 $0xffff, v13  }
0x29b: {  	v60 =	vshll.u32 v14, v9  }
0x29c: {  	v13 =	vbroadcast v60, $0xF  }
0x29d: {  	[tilespmem:v11+s17+$0x0] =	vst.idx.add.f32.msk $0xffff, v59  }
0x29e: {  	v11 =	vld [tilespmem:s21+$0xFFFFFF90];
	v61 =	vor.u32 v0, v13  }
0x29f: {  	v62 =	vsel vm3, $0x0, v10  }
0x2a0: {  	v63, _, _ =	vpop (xrf0);
	(xrf0) =	vadd.scan.msk.s32 $0xffff, v62  }
0x2a1: {  	v16 =	vshll.u32 v63, v9  }
0x2a2: {  	v13 =	vbroadcast v16, $0xF  }
0x2a3: {  	[tilespmem:v61+s17+$0x0] =	vst.idx.add.f32.msk $0xffff, v11  }
0x2a4: {  	v11 =	vld [tilespmem:s21+$0xFFFFFFA0];
	v17 =	vor.u32 v0, v13  }
0x2a5: {  	v18 =	vsel vm4, $0x0, v10  }
0x2a6: {  	v19, _, _ =	vpop (xrf0);
	(xrf0) =	vadd.scan.msk.s32 $0xffff, v18  }
0x2a7: {  	v20 =	vshll.u32 v19, v9  }
0x2a8: {  	v13 =	vbroadcast v20, $0xF  }
0x2a9: {  	[tilespmem:v17+s17+$0x0] =	vst.idx.add.f32.msk $0xffff, v11  }
0x2aa: {  	v11 =	vld [tilespmem:s21+$0xFFFFFFB0];
	v21 =	vor.u32 v0, v13  }
0x2ab: {  	v22 =	vsel vm5, $0x0, v10  }
0x2ac: {  	v23, _, _ =	vpop (xrf0);
	(xrf0) =	vadd.scan.msk.s32 $0xffff, v22  }
0x2ad: {  	v24 =	vshll.u32 v23, v9  }
0x2ae: {  	v13 =	vbroadcast v24, $0xF  }
0x2af: {  	[tilespmem:v21+s17+$0x0] =	vst.idx.add.f32.msk $0xffff, v11  }
0x2b0: {  	v11 =	vld [tilespmem:s21+$0xFFFFFFC0];
	v25 =	vor.u32 v0, v13  }
0x2b1: {  	v26 =	vsel vm6, $0x0, v10  }
0x2b2: {  	v27, _, _ =	vpop (xrf0);
	(xrf0) =	vadd.scan.msk.s32 $0xffff, v26  }
0x2b3: {  	v28 =	vshll.u32 v27, v9  }
0x2b4: {  	v13 =	vbroadcast v28, $0xF  }
0x2b5: {  	[tilespmem:v25+s17+$0x0] =	vst.idx.add.f32.msk $0xffff, v11  }
0x2b6: {  	v11 =	vld [tilespmem:s21+$0xFFFFFFD0];
	v29 =	vor.u32 v0, v13  }
0x2b7: {  	v30 =	vsel vm7, $0x0, v10  }
0x2b8: {  	v31, _, _ =	vpop (xrf0);
	(xrf0) =	vadd.scan.msk.s32 $0xffff, v30  }
0x2b9: {  	v32 =	vshll.u32 v31, v9  }
0x2ba: {  	v13 =	vbroadcast v32, $0xF  }
0x2bb: {  	[tilespmem:v29+s17+$0x0] =	vst.idx.add.f32.msk $0xffff, v11  }
0x2bc: {  	v11 =	vld [tilespmem:s21+$0xFFFFFFE0];
	v33 =	vor.u32 v0, v13  }
0x2bd: {  	v34 =	vsel vm8, $0x0, v10  }
0x2be: {  	v35, _, _ =	vpop (xrf0);
	(xrf0) =	vadd.scan.msk.s32 $0xffff, v34  }
0x2bf: {  	v36 =	vshll.u32 v35, v9  }
0x2c0: {  	v13 =	vbroadcast v36, $0xF  }
0x2c1: {  	[tilespmem:v33+s17+$0x0] =	vst.idx.add.f32.msk $0xffff, v11  }
0x2c2: {  	v11 =	vld [tilespmem:s21+$0xFFFFFFF0];
	v37 =	vor.u32 v0, v13  }
0x2c3: {  	v38 =	vsel vm9, $0x0, v10  }
0x2c4: {  	v39, _, _ =	vpop (xrf0);
	(xrf0) =	vadd.scan.msk.s32 $0xffff, v38  }
0x2c5: {  	v40 =	vshll.u32 v39, v9  }
0x2c6: {  	v13 =	vbroadcast v40, $0xF  }
0x2c7: {  	[tilespmem:v37+s17+$0x0] =	vst.idx.add.f32.msk $0xffff, v11  }
0x2c8: {  	v11 =	vld [tilespmem:s21+$0x0];
	v41 =	vor.u32 v0, v13  }
0x2c9: {  	v42 =	vsel vm10, $0x0, v10  }
0x2ca: {  	v43, _, _ =	vpop (xrf0);
	(xrf0) =	vadd.scan.msk.s32 $0xffff, v42  }
0x2cb: {  	v44 =	vshll.u32 v43, v9  }
0x2cc: {  	v13 =	vbroadcast v44, $0xF  }
0x2cd: {  	[tilespmem:v41+s17+$0x0] =	vst.idx.add.f32.msk $0xffff, v11  }
0x2ce: {  	v11 =	vld [tilespmem:s21+$0x10];
	v45 =	vor.u32 v0, v13  }
0x2cf: {  	v46 =	vsel vm11, $0x0, v10  }
0x2d0: {  	v47, _, _ =	vpop (xrf0);
	(xrf0) =	vadd.scan.msk.s32 $0xffff, v46  }
0x2d1: {  	v48 =	vshll.u32 v47, v9  }
0x2d2: {  	v13 =	vbroadcast v48, $0xF  }
0x2d3: {  	[tilespmem:v45+s17+$0x0] =	vst.idx.add.f32.msk $0xffff, v11  }
0x2d4: {  	v11 =	vld [tilespmem:s21+$0x20];
	v49 =	vor.u32 v0, v13  }
0x2d5: {  	v50 =	vsel vm12, $0x0, v10  }
0x2d6: {  	v51, _, _ =	vpop (xrf0);
	(xrf0) =	vadd.scan.msk.s32 $0xffff, v50  }
0x2d7: {  	v52 =	vshll.u32 v51, v9  }
0x2d8: {  	v13 =	vbroadcast v52, $0xF  }
0x2d9: {  	[tilespmem:v49+s17+$0x0] =	vst.idx.add.f32.msk $0xffff, v11  }
0x2da: {  	v11 =	vld [tilespmem:s21+$0x30];
	v53 =	vor.u32 v0, v13  }
0x2db: {  	v54 =	vsel vm13, $0x0, v10  }
0x2dc: {  	v55, _, _ =	vpop (xrf0);
	(xrf0) =	vadd.scan.msk.s32 $0xffff, v54  }
0x2dd: {  	v56 =	vshll.u32 v55, v9  }
0x2de: {  	v13 =	vbroadcast v56, $0xF  }
0x2df: {  	[tilespmem:v53+s17+$0x0] =	vst.idx.add.f32.msk $0xffff, v11  }
0x2e0: {  	v11 =	vld [tilespmem:s21+$0x40];
	v57 =	vor.u32 v0, v13  }
0x2e1: {  	v58 =	vsel vm14, $0x0, v10  }
0x2e2: {  	v59, _, _ =	vpop (xrf0);
	(xrf0) =	vadd.scan.msk.s32 $0xffff, v58  }
0x2e3: {  	v60 =	vshll.u32 v59, v9  }
0x2e4: {  	v13 =	vbroadcast v60, $0xF  }
0x2e5: {  	[tilespmem:v57+s17+$0x0] =	vst.idx.add.f32.msk $0xffff, v11  }
0x2e6: {  	v11 =	vld [tilespmem:s21+$0x50];
	v61 =	vor.u32 v0, v13;
	_ =	sdelay $0x1  }
0x2e7: {  	v62, _, _ =	vpop (xrf0)  }
0x2e8: {  	v10 =	vsel vm15, $0x0, v10;
	v13 =	vshll.u32 v62, v9  }
0x2e9: {  	(xrf0) =	vadd.scan.msk.s32 $0xffff, v10;
	v10 =	vbroadcast v13, $0xF  }
0x2ea: {  	[tilespmem:v61+s17+$0x0] =	vst.idx.add.f32.msk $0xffff, v11  }
0x2eb: {  	v11 =	vld [tilespmem:s21+$0x60];
	v10 =	vor.u32 v0, v10;
	_ =	sdelay $0x3  }
0x2ec: {  	v63, _, _ =	vpop (xrf0)  }
0x2ed: {  	[tilespmem:v10+s17+$0x0] =	vst.idx.add.f32.msk $0xffff, v11;
	v11 =	vshll.u32 v63, v9  }
0x2ee: {  	v10 =	vld [tilespmem:s21+$0x70];
	v11 =	vbroadcast v11, $0xF  }
.LBB2_17:
0x2ef: {  	s20 =	sadd.s32 $0x40, s20  }
0x2f0: {  	v11 =	vor.u32 v0, v11;
	p0 =	sne.s32 s20, $0x5000  }
.Ltmp14:
0x2f1: {  	_ = 	snop;
	(pc) =	sbr.rel @!p0 .LBB2_18-.Ltmp14, $2  }
0x2f2: {  	_ =	sdelay $0x2  }
0x2f3: {  	s21 =	sadd.s32 $0x100, s21;
	[tilespmem:v11+s17+$0x0] =	vst.idx.add.f32.msk $0xffff, v10  }
.LBB2_14:
0x2f4: {  	s22 =	sshra.s32 s20, $0x2  }
0x2f5: {  	v10 =	vld [tilespmem:s22+$0x14280];
	_ =	sdelay $0x4  }
0x2f6: {  	v11 =	vxor.u32 $0x80000000, v10  }
0x2f7: {  	(xrf0) =	vmin.scan.msk.u32 $0xffff, v11  }
0x2f8: {  	(xrf0) =	vmax.scan.msk.u32 $0xffff, v11;
	_ =	sdelay $0x4  }
0x2f9: {  	v11, _, _ =	vpop (xrf0)  }
0x2fa: {  	(v2sf) =	vpush v11, $0xF;
	v11, _, _ =	vpop (xrf0)  }
0x2fb: {  	(v2sf) =	vpush v11, $0xF;
	_ =	sdelay $0xd  }
0x2fc: {  	s22 =	spop (v2sf)  }
0x2fd: {  	s23 =	spop (v2sf)  }
0x2fe: {  	p0 =	sne.s32 s22, s23  }
.Ltmp15:
0x2ff: {  	_ = 	snop;
	(pc) =	sbr.rel @p0 .LBB2_16-.Ltmp15, $1  }
0x300: {  	_ =	sdelay $0x3  }
0x301: {  	v10 =	vld [tilespmem:s21+$0xFFFFFF80]  }
0x302: {  	v11 =	vld [tilespmem:s21+$0xFFFFFF90]  }
0x303: {  	v12 =	vld [tilespmem:s21+$0xFFFFFFA0]  }
0x304: {  	v13 =	vld [tilespmem:s21+$0xFFFFFFB0]  }
0x305: {  	v14 =	vld [tilespmem:s21+$0xFFFFFFC0]  }
0x306: {  	v15 =	vld [tilespmem:s21+$0xFFFFFFD0]  }
0x307: {  	v16 =	vld [tilespmem:s21+$0xFFFFFFE0]  }
0x308: {  	v17 =	vld [tilespmem:s21+$0xFFFFFFF0]  }
0x309: {  	v18 =	vld [tilespmem:s21+$0x0]  }
0x30a: {  	v19 =	vld [tilespmem:s21+$0x10]  }
0x30b: {  	v20 =	vld [tilespmem:s21+$0x20]  }
0x30c: {  	v21 =	vld [tilespmem:s21+$0x30]  }
0x30d: {  	v22 =	vld [tilespmem:s21+$0x40]  }
0x30e: {  	v23 =	vld [tilespmem:s21+$0x50]  }
0x30f: {  	v24 =	vld [tilespmem:s21+$0x60]  }
0x310: {  	v25 =	vld [tilespmem:s21+$0x70];
	_ =	sdelay $0x1  }
0x311: {  	v10 =	vadd.f32 v11, v10;
	v11 =	vadd.f32 v13, v12  }
0x312: {  	v56 =	vadd.f32 v15, v14;
	v57 =	vadd.f32 v17, v16  }
0x313: {  	v58 =	vadd.f32 v19, v18;
	v59 =	vadd.f32 v21, v20  }
0x314: {  	v60 =	vadd.f32 v23, v22;
	v61 =	vadd.f32 v25, v24  }
0x315: {  	v10 =	vadd.f32 v11, v10;
	v11 =	vadd.f32 v57, v56  }
.Ltmp16:
0x316: {  	v62 =	vadd.f32 v59, v58;
	v63 =	vadd.f32 v61, v60;
	(pc) =	sbr.rel .LBB2_17-.Ltmp16, $4  }
0x317: {  	_ = 	snop  }
0x318: {  	v10 =	vadd.f32 v11, v10;
	v11 =	vadd.f32 v63, v62  }
0x319: {  	s22 =	sshll.u32 s22, $0x7  }
0x31a: {  	v10 =	vadd.f32 v11, v10;
	v11 =	vmov s22  }
.LBB2_20:
0x31b: {  	_ =	sfence.sel $0x180000  }
0x31c: {  	[bflag:$0x0] =	sbarrier.arrive $0xFFFF  }
0x31d: {  	p0 =	sne.s32 s3, $0x0;
	_ =	strace $0x90000047  }
0x31e: {  	s0 =	sadd.s32 @!p0 $0x100000, s0;
	[bflag:$0x2] =	sbarrier.arrive $0xFFFF  }
0x31f: {  	[sflag:s0] =	ssyncadd.tile.s32 @!p0 $0x1;
	_ =	shalt  }
.Lfunc_end2:
_tile_overlayer_lowered:
.L_overlay_start_2:
0x320: {  	(tag) =	ssettag $0x2  }
0x321: {  	s0 =	rddreg [dreg:$0x0];
	s2 =	stileid.u32  }
0x322: {  	s1 =	rddreg [dreg:$0x1];
	p0 =	sne.s32 s2, $0x0  }
0x323: {  	s3 =	rddreg [dreg:$0x2];
	[bflag:$0x3] =	sbarrier.arrive $0xFFFF;
	s2 =	simm.s32 @!p0 $0x1C01  }
0x324: {  	[timem:s3], [sflag:s2] =	dma.local @!p0 [hbm:s0], s1  }
0x325: {  	s0 =	simm.s32 @!p0 $0x1  }
0x326: {  	_ =	swait.ge @!p0 [sflag:s0], s1  }
0x327: {  	s1 =	ssub.s32 @!p0 $0x0, s1;
	[sflag:s0] =	ssyncset.done @!p0 $0x0  }
0x328: {  	[sflag:s0] =	ssyncadd.s32 @!p0 s1  }
0x329: {  	[bflag:$0x3] =	sbarrier.arrive $0xFFFF  }
0x32a: {  	_ =	shalt  }

</sc_bundles>
